<compile_context>
chip_gen: v7x
topology: tpu7x:2x2x1
jax: 0.10.2.dev20260603
libtpu: 0.0.44.dev20260713+nightly
codegen_flags: <defaults>
</compile_context>

<pallas_src>
import functools

import jax
import jax.numpy as jnp
from jax import lax
from jax.experimental import pallas as pl
from jax.experimental.pallas import tpu as pltpu
from jax.experimental.pallas import tpu_sc as plsc

E = 8
TOP_K = 2
T = 2048
D = 1024
FF = 512
NEG = -1.0e30

BT = 256
NA = T * TOP_K
PN = NA + E * BT
NB = PN // BT
NW = 32
APW = NA // NW
TPW = T // NW
DP = D // 2
MHI = -65536
RND = 32768


def _silu(v):
    return v / (1.0 + jnp.exp(-v))


def _pack_rows(v):
    b = jax.lax.bitcast_convert_type(v, jnp.int32)
    hi = (b[:, :DP] + RND) & MHI
    lo = jax.lax.shift_right_logical(b[:, DP:] + RND, 16)
    return hi | lo


def _unpack_rows(p):
    hi = jax.lax.bitcast_convert_type(p & MHI, jnp.float32)
    lo = jax.lax.bitcast_convert_type(jax.lax.shift_left(p, 16), jnp.float32)
    return jnp.concatenate([hi, lo], axis=1)



def _subcnt(idx_col):
    eq = idx_col == jax.lax.broadcasted_iota(jnp.int32, (idx_col.shape[0], 16), 1)
    return jnp.sum(jnp.where(eq, 1, 0), axis=0, keepdims=True)


def _gate_body(x_ref, gw_ref, bias_ref, wgs_ref, wus_ref, wds_ref,
               i1_ref, i2_ref, w1_ref, w2_ref, cnt_ref, xb_ref, sh_ref):
    logits = jax.lax.dot_general(x_ref[...], gw_ref[...], (((1,), (1,)), ((), ())),
                                 preferred_element_type=jnp.float32)
    logits = logits + bias_ref[...]
    iota = jax.lax.broadcasted_iota(jnp.int32, logits.shape, 1)
    m1 = jnp.max(logits, axis=1, keepdims=True)
    i1 = jnp.min(jnp.where(logits == m1, iota, E), axis=1, keepdims=True)
    masked = jnp.where(iota == i1, NEG, logits)
    m2 = jnp.max(masked, axis=1, keepdims=True)
    i2 = jnp.min(jnp.where(masked == m2, iota, E), axis=1, keepdims=True)
    e2 = jnp.exp(m2 - m1)
    w1 = 1.0 / (1.0 + e2)
    i1_ref[...] = i1
    i2_ref[...] = i2
    w1_ref[...] = w1
    w2_ref[...] = 1.0 - w1
    h = jnp.concatenate([
        _subcnt(i1[k * APW:(k + 1) * APW, :]) if s == 0
        else _subcnt(i2[k * APW:(k + 1) * APW, :])
        for k in range(4) for s in range(2)
    ], axis=0)
    cnt_ref[...] = h.reshape(4, 2, 16)
    xb_ref[...] = _pack_rows(x_ref[...])
    x = x_ref[...]
    gs = jax.lax.dot_general(x, wgs_ref[...], (((1,), (1,)), ((), ())),
                             preferred_element_type=jnp.float32)
    us = jax.lax.dot_general(x, wus_ref[...], (((1,), (1,)), ((), ())),
                             preferred_element_type=jnp.float32)
    hs = _silu(gs) * us
    sh = jax.lax.dot_general(hs, wds_ref[...], (((1,), (1,)), ((), ())),
                             preferred_element_type=jnp.float32)
    sh_ref[...] = _pack_rows(sh)


def _gate(x, gate_weight, bias2, Wg_s, Wu_s, Wd_s):
    BTG = 512
    return pl.pallas_call(
        _gate_body,
        grid=(T // BTG,),
        in_specs=[
            pl.BlockSpec((BTG, D), lambda i: (i, 0)),
            pl.BlockSpec((E, D), lambda i: (0, 0)),
            pl.BlockSpec((1, E), lambda i: (0, 0)),
            pl.BlockSpec(Wg_s.shape, lambda i: (0, 0)),
            pl.BlockSpec(Wu_s.shape, lambda i: (0, 0)),
            pl.BlockSpec(Wd_s.shape, lambda i: (0, 0)),
        ],
        out_specs=[
            pl.BlockSpec((BTG, 1), lambda i: (i, 0)),
            pl.BlockSpec((BTG, 1), lambda i: (i, 0)),
            pl.BlockSpec((BTG, 1), lambda i: (i, 0)),
            pl.BlockSpec((BTG, 1), lambda i: (i, 0)),
            pl.BlockSpec((4, 2, 16), lambda i: (i, 0, 0)),
            pl.BlockSpec((BTG, DP), lambda i: (i, 0)),
            pl.BlockSpec((BTG, DP), lambda i: (i, 0)),
        ],
        out_shape=[
            jax.ShapeDtypeStruct((T, 1), jnp.int32),
            jax.ShapeDtypeStruct((T, 1), jnp.int32),
            jax.ShapeDtypeStruct((T, 1), jnp.float32),
            jax.ShapeDtypeStruct((T, 1), jnp.float32),
            jax.ShapeDtypeStruct((T // APW, 2, 16), jnp.int32),
            jax.ShapeDtypeStruct((T, DP), jnp.int32),
            jax.ShapeDtypeStruct((T, DP), jnp.int32),
        ],
    )(x, gate_weight, bias2, Wg_s, Wu_s, Wd_s)



_SC_MESH = plsc.VectorSubcoreMesh(core_axis_name="c", subcore_axis_name="s",
                                  num_cores=2, num_subcores=16)


def _wid():
    return lax.axis_index("s") * 2 + lax.axis_index("c")



def _sc_route_body(ev_hbm, cnt_hbm, x_hbm, pos_hbm, be_hbm, xs_hbm,
                   ev_v, cnt_all_v, idx0_v, idx1_v, xrows0_v, xrows1_v, be_v,
                   sem0, sem1):
    wid = _wid()
    iota16 = lax.iota(jnp.int32, 16)
    tok0 = (wid % 16) * APW
    half = APW // 2
    cx0 = pltpu.async_copy(x_hbm.at[pl.ds(tok0, half)], xrows0_v, sem0)
    cx1 = pltpu.async_copy(x_hbm.at[pl.ds(tok0 + half, half)], xrows1_v, sem1)
    pltpu.sync_copy(cnt_hbm, cnt_all_v)
    pltpu.sync_copy(ev_hbm.at[pl.ds(wid * APW, APW)], ev_v)

    tot = jnp.zeros((16,), jnp.int32)
    base_mine = jnp.zeros((16,), jnp.int32)
    for w in range(NW):
        row = cnt_all_v[pl.ds((w % 16) * 32 + (w // 16) * 16, 16)]
        tot = tot + row
        base_mine = base_mine + jnp.where(w < wid, row, 0)
    padded = (tot + (BT - 1)) & (-BT)
    ends = plsc.cumsum(padded)
    off = ends - padded
    base_vec = off + base_mine

    for c in range(APW // 16):
        ch = ev_v[pl.ds(c * 16, 16)]
        poschunk = jnp.zeros((16,), jnp.int32)
        for e in range(E):
            m = ch == e
            mi = jnp.where(m, 1, 0)
            pc = plsc.cumsum(mi)
            base_e = jnp.sum(jnp.where(iota16 == e, base_vec, 0))
            poschunk = jnp.where(m, base_e + pc - 1, poschunk)
            base_vec = base_vec + jnp.where(iota16 == e, jnp.sum(mi), 0)
        if c < (APW // 32):
            idx0_v[pl.ds(c * 16, 16)] = poschunk
        else:
            idx1_v[pl.ds(c * 16 - APW // 2, 16)] = poschunk
    pltpu.sync_copy(idx0_v, pos_hbm.at[pl.ds(wid * APW, APW // 2)])
    pltpu.sync_copy(idx1_v, pos_hbm.at[pl.ds(wid * APW + APW // 2, APW // 2)])

    cx0.wait()
    cs0 = pltpu.async_copy(xrows0_v, xs_hbm.at[idx0_v], sem0)
    cx1.wait()
    cs1 = pltpu.async_copy(xrows1_v, xs_hbm.at[idx1_v], sem1)
    cs0.wait()
    cs1.wait()

    @pl.when(wid == 0)
    def _():
        bev0 = jnp.zeros((16,), jnp.int32)
        bev1 = jnp.zeros((16,), jnp.int32)
        for e in range(E):
            end_e = jnp.sum(jnp.where(iota16 == e, ends, 0))
            bev0 = bev0 + jnp.where(iota16 * BT >= end_e, 1, 0)
            bev1 = bev1 + jnp.where((iota16 + 16) * BT >= end_e, 1, 0)
        be_v[pl.ds(0, 16)] = bev0
        be_v[pl.ds(16, 16)] = bev1
        pltpu.sync_copy(be_v, be_hbm)


_sc_route = functools.partial(
    pl.kernel,
    out_type=[
        jax.ShapeDtypeStruct((NA,), jnp.int32),
        jax.ShapeDtypeStruct((32,), jnp.int32),
        jax.ShapeDtypeStruct((PN, DP), jnp.int32),
    ],
    mesh=_SC_MESH,
    compiler_params=pltpu.CompilerParams(needs_layout_passes=False),
    scratch_types=[
        pltpu.VMEM((APW,), jnp.int32),
        pltpu.VMEM((NW * 16,), jnp.int32),
        pltpu.VMEM((APW // 2,), jnp.int32),
        pltpu.VMEM((APW // 2,), jnp.int32),
        pltpu.VMEM((APW // 2, DP), jnp.int32),
        pltpu.VMEM((APW // 2, DP), jnp.int32),
        pltpu.VMEM((32,), jnp.int32),
        pltpu.SemaphoreType.DMA,
        pltpu.SemaphoreType.DMA,
    ],
)(_sc_route_body)



def _group_mlp_body(be_ref, x_ref, wg_ref, wu_ref, wd_ref, y_ref):
    e = be_ref[pl.program_id(0)]

    @pl.when(e < E)
    def _():
        x = _unpack_rows(x_ref[...])
        g = jax.lax.dot_general(x, wg_ref[0], (((1,), (1,)), ((), ())),
                                preferred_element_type=jnp.float32)
        u = jax.lax.dot_general(x, wu_ref[0], (((1,), (1,)), ((), ())),
                                preferred_element_type=jnp.float32)
        h = _silu(g) * u
        y = jax.lax.dot_general(h, wd_ref[0], (((1,), (1,)), ((), ())),
                                preferred_element_type=jnp.float32)
        y_ref[...] = _pack_rows(y)


def _group_mlp(be, xs, Wg, Wu, Wd):
    def wmap(i, s):
        return (jnp.minimum(s[i], E - 1), 0, 0)

    grid_spec = pltpu.PrefetchScalarGridSpec(
        num_scalar_prefetch=1,
        grid=(NB,),
        in_specs=[
            pl.BlockSpec((BT, DP), lambda i, s: (i, 0)),
            pl.BlockSpec((1, FF, D), wmap),
            pl.BlockSpec((1, FF, D), wmap),
            pl.BlockSpec((1, D, FF), wmap),
        ],
        out_specs=pl.BlockSpec((BT, DP), lambda i, s: (i, 0)),
    )
    return pl.pallas_call(
        _group_mlp_body,
        grid_spec=grid_spec,
        out_shape=jax.ShapeDtypeStruct((PN, DP), jnp.int32),
    )(be, xs, Wg, Wu, Wd)



def _sc_gather_body(pos_hbm, ys_hbm, yg0_hbm, yg1_hbm,
                    idx0_v, idx1_v, rows0_v, rows1_v, sem0, sem1):
    wid = _wid()
    pltpu.sync_copy(pos_hbm.at[pl.ds(wid * TPW, TPW)], idx0_v)
    g0 = pltpu.async_copy(ys_hbm.at[idx0_v], rows0_v, sem0)
    pltpu.sync_copy(pos_hbm.at[pl.ds(T + wid * TPW, TPW)], idx1_v)
    g1 = pltpu.async_copy(ys_hbm.at[idx1_v], rows1_v, sem1)
    g0.wait()
    w0 = pltpu.async_copy(rows0_v, yg0_hbm.at[pl.ds(wid * TPW, TPW)], sem0)
    g1.wait()
    w1 = pltpu.async_copy(rows1_v, yg1_hbm.at[pl.ds(wid * TPW, TPW)], sem1)
    w0.wait()
    w1.wait()


_sc_gather = functools.partial(
    pl.kernel,
    out_type=[
        jax.ShapeDtypeStruct((T, DP), jnp.int32),
        jax.ShapeDtypeStruct((T, DP), jnp.int32),
    ],
    mesh=_SC_MESH,
    compiler_params=pltpu.CompilerParams(needs_layout_passes=False),
    scratch_types=[
        pltpu.VMEM((TPW,), jnp.int32),
        pltpu.VMEM((TPW,), jnp.int32),
        pltpu.VMEM((TPW, DP), jnp.int32),
        pltpu.VMEM((TPW, DP), jnp.int32),
        pltpu.SemaphoreType.DMA,
        pltpu.SemaphoreType.DMA,
    ],
)(_sc_gather_body)



def _combine_body(sh_ref, y0_ref, y1_ref, w1_ref, w2_ref, out_ref):
    out_ref[...] = (_unpack_rows(sh_ref[...])
                    + w1_ref[...] * _unpack_rows(y0_ref[...])
                    + w2_ref[...] * _unpack_rows(y1_ref[...]))


def _combine(shared, yg0, yg1, w1, w2):
    BTC = 1024
    return pl.pallas_call(
        _combine_body,
        grid=(T // BTC,),
        in_specs=[
            pl.BlockSpec((BTC, DP), lambda i: (i, 0)),
            pl.BlockSpec((BTC, DP), lambda i: (i, 0)),
            pl.BlockSpec((BTC, DP), lambda i: (i, 0)),
            pl.BlockSpec((BTC, 1), lambda i: (i, 0)),
            pl.BlockSpec((BTC, 1), lambda i: (i, 0)),
        ],
        out_specs=pl.BlockSpec((BTC, D), lambda i: (i, 0)),
        out_shape=jax.ShapeDtypeStruct((T, D), jnp.float32),
    )(shared, yg0, yg1, w1, w2)



def kernel(hidden_states, gate_weight, e_score_correction_bias, Wg, Wu, Wd,
           Wg_s, Wu_s, Wd_s):
    orig_shape = hidden_states.shape
    x = hidden_states.reshape(-1, orig_shape[-1])
    bias2 = e_score_correction_bias.reshape(1, E)

    i1, i2, w1, w2, cnt3, xb, shp = _gate(x, gate_weight, bias2, Wg_s, Wu_s, Wd_s)
    ev = jnp.concatenate([i1, i2], axis=0).reshape(NA)
    cnt = cnt3.reshape(NW * 16)
    pos, be, xs = _sc_route(ev, cnt, xb)
    ys = _group_mlp(be, xs, Wg, Wu, Wd)
    yg0, yg1 = _sc_gather(pos, ys)
    out = _combine(shp, yg0, yg1, w1, w2)
    return out.reshape(orig_shape)

# --- scband reference (transcript-rebuilt; emitter-appended) ---
"""Pipeline reference for scband-hf-mistral4-mo-e-17085379904041 (READ-ONLY COPY).

The authoritative reference and input builder live on the scoring server;
editing this copy changes nothing except your own understanding.
"""

import jax, jax.numpy as jnp
import numpy as np

E = 8
TOP_K = 2
D = 1024
FF = 512
N_SHARED = 1

def setup_inputs(seed: int = 0) -> dict:
    key = jax.random.key(seed)
    ks = jax.random.split(key, 9)
    hidden_states = jax.random.normal(ks[0], (1, 2048, D), dtype=jnp.float32)
    gate_weight = jax.random.normal(ks[1], (E, D), dtype=jnp.float32) * 0.02
    e_score_correction_bias = jnp.zeros((E,), dtype=jnp.float32)
    Wg = jax.random.normal(ks[2], (E, FF, D), dtype=jnp.float32) * 0.02
    Wu = jax.random.normal(ks[3], (E, FF, D), dtype=jnp.float32) * 0.02
    Wd = jax.random.normal(ks[4], (E, D, FF), dtype=jnp.float32) * 0.02
    Wg_s = jax.random.normal(ks[5], (FF * N_SHARED, D), dtype=jnp.float32) * 0.02
    Wu_s = jax.random.normal(ks[6], (FF * N_SHARED, D), dtype=jnp.float32) * 0.02
    Wd_s = jax.random.normal(ks[7], (D, FF * N_SHARED), dtype=jnp.float32) * 0.02
    return {
        'hidden_states': hidden_states,
        'gate_weight': gate_weight,
        'e_score_correction_bias': e_score_correction_bias,
        'Wg': Wg, 'Wu': Wu, 'Wd': Wd,
        'Wg_s': Wg_s, 'Wu_s': Wu_s, 'Wd_s': Wd_s,
    }


def reference(hidden_states, gate_weight, e_score_correction_bias, Wg, Wu, Wd, Wg_s, Wu_s, Wd_s):
    orig_shape = hidden_states.shape
    x = hidden_states.reshape(-1, orig_shape[-1])  # [T, D]
    # Gate: logits = x @ W_gate.T + bias; top-k; softmax over top-k logits
    logits = x @ gate_weight.T + e_score_correction_bias  # [T, E]
    topk_logits, topk_idx = jax.lax.top_k(logits, TOP_K)  # [T, K]
    topk_weight = jax.nn.softmax(topk_logits, axis=-1)    # [T, K]
    # Dense computation of every expert on every token (faithful math; the
    # per-token loop in the original is equivalent to combining with the
    # top-k routing weights below).
    g = jnp.einsum('td,efd->etf', x, Wg)  # [E, T, FF]
    u = jnp.einsum('td,efd->etf', x, Wu)  # [E, T, FF]
    h = jax.nn.silu(g) * u                 # [E, T, FF]
    expert_out = jnp.einsum('etf,edf->etd', h, Wd)  # [E, T, D]
    # Combine weights: [T, E] with topk routing weights scattered in
    combine = jnp.sum(jax.nn.one_hot(topk_idx, E, dtype=x.dtype) * topk_weight[..., None], axis=1)  # [T, E]
    output = jnp.einsum('te,etd->td', combine, expert_out)  # [T, D]
    # Shared experts MLP
    shared = (jax.nn.silu(x @ Wg_s.T) * (x @ Wu_s.T)) @ Wd_s.T  # [T, D]
    output = output + shared
    return output.reshape(orig_shape)

if __name__ == "__main__":
    import jax
    _d = setup_inputs()
    print(jax.jit(kernel)(*tuple(_d.values())))

</pallas_src>

<mosaic_0001>
#map = affine_map<(d0, d1) -> (0)>
#map1 = affine_map<(d0, d1) -> (0, 0)>
module attributes {stable_mosaic.version = 14 : i64} {
  func.func @_sc_route_body(%arg0: i32, %arg1: i32, %arg2: memref<4096xi32, #tpu.memory_space<hbm>>, %arg3: memref<512xi32, #tpu.memory_space<hbm>>, %arg4: memref<2048x512xi32, #tpu.memory_space<hbm>>, %arg5: memref<4096xi32, #tpu.memory_space<hbm>>, %arg6: memref<32xi32, #tpu.memory_space<hbm>>, %arg7: memref<6144x512xi32, #tpu.memory_space<hbm>>, %arg8: memref<128xi32, #tpu.memory_space<vmem>>, %arg9: memref<512xi32, #tpu.memory_space<vmem>>, %arg10: memref<64xi32, #tpu.memory_space<vmem>>, %arg11: memref<64xi32, #tpu.memory_space<vmem>>, %arg12: memref<64x512xi32, #tpu.memory_space<vmem>>, %arg13: memref<64x512xi32, #tpu.memory_space<vmem>>, %arg14: memref<32xi32, #tpu.memory_space<vmem>>, %arg15: memref<!tpu.dma_semaphore, #tpu.memory_space<semaphore_mem>>, %arg16: memref<!tpu.dma_semaphore, #tpu.memory_space<semaphore_mem>>) attributes {dimension_semantics = [#tpu.dimension_semantics<core_parallel>, #tpu.dimension_semantics<subcore_parallel>], iteration_bounds = array<i64: 2, 16>, scalar_prefetch = 0 : i64, scratch_operands = 9 : i64, tpu.core_type = #tpu.core_type<sc_vector_subcore>, window_params = [{transform_indices = #map}, {transform_indices = #map}, {transform_indices = #map1}, {transform_indices = #map}, {transform_indices = #map}, {transform_indices = #map1}]} {
    %mul3A = arith.constant 2 : i32
    %mul3A_0 = arith.muli %arg1, %mul3A : i32
    %add3A = arith.addi %mul3A_0, %arg0 : i32
    %iota3A = tpu.iota {dimensions = array<i32: 0>} : vector<16xi32>
    %jit3A = arith.constant 16 : i32
    %eq3A = arith.constant 0 : i32
    %eq3A_1 = arith.cmpi eq, %jit3A, %eq3A : i32
    %jit3A_2 = arith.constant 1 : i32
    %select_n3A = arith.select %eq3A_1, %jit3A_2, %jit3A : i32
    %rem3A = arith.remsi %add3A, %select_n3A : i32
    %ne3A = arith.constant 0 : i32
    %ne3A_3 = arith.cmpi ne, %rem3A, %ne3A : i32
    %lt3A = arith.constant 0 : i32
    %lt3A_4 = arith.cmpi slt, %rem3A, %lt3A : i32
    %lt3A_5 = arith.constant 0 : i32
    %lt3A_6 = arith.cmpi slt, %select_n3A, %lt3A_5 : i32
    %ne3A_7 = arith.xori %lt3A_4, %lt3A_6 : i1
    %and3A = arith.andi %ne3A_7, %ne3A_3 : i1
    %add3A_8 = arith.addi %rem3A, %select_n3A : i32
    %select_n3A_9 = arith.select %and3A, %add3A_8, %rem3A : i32
    %mul3A_10 = arith.constant 128 : i32
    %mul3A_11 = arith.muli %select_n3A_9, %mul3A_10 : i32
    %dma_start3A = arith.constant 0 : i32
    %dma_start3A_12 = tpu.memref_slice %arg4[%mul3A_11, %dma_start3A] : memref<2048x512xi32, #tpu.memory_space<hbm>> -> memref<64x512xi32, #tpu.memory_space<hbm>>
    %dma_start3A_13 = arith.constant 0 : i32
    %dma_start3A_14 = tpu.memref_slice %arg4[%mul3A_11, %dma_start3A_13] : memref<2048x512xi32, #tpu.memory_space<hbm>> -> memref<64x512xi32, #tpu.memory_space<hbm>>
    tpu.enqueue_dma source(%dma_start3A_14 : memref<64x512xi32, #tpu.memory_space<hbm>>) target(%arg12 : memref<64x512xi32, #tpu.memory_space<vmem>>) target_semaphore(%arg15 : memref<!tpu.dma_semaphore, #tpu.memory_space<semaphore_mem>>)
    %add3A_15 = arith.constant 64 : i32
    %add3A_16 = arith.addi %mul3A_11, %add3A_15 : i32
    %dma_start3A_17 = arith.constant 0 : i32
    %dma_start3A_18 = tpu.memref_slice %arg4[%add3A_16, %dma_start3A_17] : memref<2048x512xi32, #tpu.memory_space<hbm>> -> memref<64x512xi32, #tpu.memory_space<hbm>>
    %dma_start3A_19 = arith.constant 0 : i32
    %dma_start3A_20 = tpu.memref_slice %arg4[%add3A_16, %dma_start3A_19] : memref<2048x512xi32, #tpu.memory_space<hbm>> -> memref<64x512xi32, #tpu.memory_space<hbm>>
    tpu.enqueue_dma source(%dma_start3A_20 : memref<64x512xi32, #tpu.memory_space<hbm>>) target(%arg13 : memref<64x512xi32, #tpu.memory_space<vmem>>) target_semaphore(%arg16 : memref<!tpu.dma_semaphore, #tpu.memory_space<semaphore_mem>>)
    "tpu.region"() ({
      %run_scoped3A = tpu.sem_alloc : memref<!tpu.dma_semaphore, #tpu.memory_space<semaphore_mem>>
      tpu.enqueue_dma source(%arg3 : memref<512xi32, #tpu.memory_space<hbm>>) target(%arg9 : memref<512xi32, #tpu.memory_space<vmem>>) target_semaphore(%run_scoped3A : memref<!tpu.dma_semaphore, #tpu.memory_space<semaphore_mem>>)
      tpu.wait_dma2 semaphore(%run_scoped3A : memref<!tpu.dma_semaphore, #tpu.memory_space<semaphore_mem>>) src(%arg3 : memref<512xi32, #tpu.memory_space<hbm>>) dst(%arg9 : memref<512xi32, #tpu.memory_space<vmem>>)
      tpu.yield
    }) : () -> ()
    %mul3A_21 = arith.constant 128 : i32
    %mul3A_22 = arith.muli %add3A, %mul3A_21 : i32
    "tpu.region"() ({
      %run_scoped3A = tpu.sem_alloc : memref<!tpu.dma_semaphore, #tpu.memory_space<semaphore_mem>>
      %dma_start3A_2891 = tpu.memref_slice %arg2[%mul3A_22] : memref<4096xi32, #tpu.memory_space<hbm>> -> memref<128xi32, #tpu.memory_space<hbm>>
      %dma_start3A_2892 = tpu.memref_slice %arg2[%mul3A_22] : memref<4096xi32, #tpu.memory_space<hbm>> -> memref<128xi32, #tpu.memory_space<hbm>>
      tpu.enqueue_dma source(%dma_start3A_2892 : memref<128xi32, #tpu.memory_space<hbm>>) target(%arg8 : memref<128xi32, #tpu.memory_space<vmem>>) target_semaphore(%run_scoped3A : memref<!tpu.dma_semaphore, #tpu.memory_space<semaphore_mem>>)
      %dma_wait3A_2893 = tpu.memref_slice %arg2[%mul3A_22] : memref<4096xi32, #tpu.memory_space<hbm>> -> memref<128xi32, #tpu.memory_space<hbm>>
      %dma_wait3A_2894 = tpu.memref_slice %arg2[%mul3A_22] : memref<4096xi32, #tpu.memory_space<hbm>> -> memref<128xi32, #tpu.memory_space<hbm>>
      tpu.wait_dma2 semaphore(%run_scoped3A : memref<!tpu.dma_semaphore, #tpu.memory_space<semaphore_mem>>) src(%dma_wait3A_2894 : memref<128xi32, #tpu.memory_space<hbm>>) dst(%arg8 : memref<128xi32, #tpu.memory_space<vmem>>)
      tpu.yield
    }) : () -> ()
    %broadcast_in_dim3A = arith.constant 0 : i32
    %broadcast_in_dim3A_23 = vector.broadcast %broadcast_in_dim3A : i32 to vector<16xi32>
    %broadcast_in_dim3A_24 = arith.constant 0 : i32
    %broadcast_in_dim3A_25 = vector.broadcast %broadcast_in_dim3A_24 : i32 to vector<16xi32>
    %get3A = arith.constant 0 : index
    %get3A_26 = tpu.vector_load %arg9[%get3A] {strides = array<i32>} : memref<512xi32, #tpu.memory_space<vmem>>, vector<16xi32>,
    %add3A_27 = arith.addi %broadcast_in_dim3A_23, %get3A_26 : vector<16xi32>
    %gt3A = arith.constant 0 : i32
    %gt3A_28 = arith.cmpi sgt, %add3A, %gt3A : i32
    %jit3A_29 = arith.constant 0 : i32
    %broadcast_in_dim3A_30 = vector.broadcast %jit3A_29 : i32 to vector<16xi32>
    %select_n3A_31 = arith.select %gt3A_28, %get3A_26, %broadcast_in_dim3A_30 : vector<16xi32>
    %add3A_32 = arith.addi %broadcast_in_dim3A_25, %select_n3A_31 : vector<16xi32>
    %get3A_33 = arith.constant 32 : index
    %get3A_34 = tpu.vector_load %arg9[%get3A_33] {strides = array<i32>} : memref<512xi32, #tpu.memory_space<vmem>>, vector<16xi32>,
    %add3A_35 = arith.addi %add3A_27, %get3A_34 : vector<16xi32>
    %gt3A_36 = arith.constant 1 : i32
    %gt3A_37 = arith.cmpi sgt, %add3A, %gt3A_36 : i32
    %jit3A_38 = arith.constant 0 : i32
    %broadcast_in_dim3A_39 = vector.broadcast %jit3A_38 : i32 to vector<16xi32>
    %select_n3A_40 = arith.select %gt3A_37, %get3A_34, %broadcast_in_dim3A_39 : vector<16xi32>
    %add3A_41 = arith.addi %add3A_32, %select_n3A_40 : vector<16xi32>
    %get3A_42 = arith.constant 64 : index
    %get3A_43 = tpu.vector_load %arg9[%get3A_42] {strides = array<i32>} : memref<512xi32, #tpu.memory_space<vmem>>, vector<16xi32>,
    %add3A_44 = arith.addi %add3A_35, %get3A_43 : vector<16xi32>
    %gt3A_45 = arith.constant 2 : i32
    %gt3A_46 = arith.cmpi sgt, %add3A, %gt3A_45 : i32
    %jit3A_47 = arith.constant 0 : i32
    %broadcast_in_dim3A_48 = vector.broadcast %jit3A_47 : i32 to vector<16xi32>
    %select_n3A_49 = arith.select %gt3A_46, %get3A_43, %broadcast_in_dim3A_48 : vector<16xi32>
    %add3A_50 = arith.addi %add3A_41, %select_n3A_49 : vector<16xi32>
    %get3A_51 = arith.constant 96 : index
    %get3A_52 = tpu.vector_load %arg9[%get3A_51] {strides = array<i32>} : memref<512xi32, #tpu.memory_space<vmem>>, vector<16xi32>,
    %add3A_53 = arith.addi %add3A_44, %get3A_52 : vector<16xi32>
    %gt3A_54 = arith.constant 3 : i32
    %gt3A_55 = arith.cmpi sgt, %add3A, %gt3A_54 : i32
    %jit3A_56 = arith.constant 0 : i32
    %broadcast_in_dim3A_57 = vector.broadcast %jit3A_56 : i32 to vector<16xi32>
    %select_n3A_58 = arith.select %gt3A_55, %get3A_52, %broadcast_in_dim3A_57 : vector<16xi32>
    %add3A_59 = arith.addi %add3A_50, %select_n3A_58 : vector<16xi32>
    %get3A_60 = arith.constant 128 : index
    %get3A_61 = tpu.vector_load %arg9[%get3A_60] {strides = array<i32>} : memref<512xi32, #tpu.memory_space<vmem>>, vector<16xi32>,
    %add3A_62 = arith.addi %add3A_53, %get3A_61 : vector<16xi32>
    %gt3A_63 = arith.constant 4 : i32
    %gt3A_64 = arith.cmpi sgt, %add3A, %gt3A_63 : i32
    %jit3A_65 = arith.constant 0 : i32
    %broadcast_in_dim3A_66 = vector.broadcast %jit3A_65 : i32 to vector<16xi32>
    %select_n3A_67 = arith.select %gt3A_64, %get3A_61, %broadcast_in_dim3A_66 : vector<16xi32>
    %add3A_68 = arith.addi %add3A_59, %select_n3A_67 : vector<16xi32>
    %get3A_69 = arith.constant 160 : index
    %get3A_70 = tpu.vector_load %arg9[%get3A_69] {strides = array<i32>} : memref<512xi32, #tpu.memory_space<vmem>>, vector<16xi32>,
    %add3A_71 = arith.addi %add3A_62, %get3A_70 : vector<16xi32>
    %gt3A_72 = arith.constant 5 : i32
    %gt3A_73 = arith.cmpi sgt, %add3A, %gt3A_72 : i32
    %jit3A_74 = arith.constant 0 : i32
    %broadcast_in_dim3A_75 = vector.broadcast %jit3A_74 : i32 to vector<16xi32>
    %select_n3A_76 = arith.select %gt3A_73, %get3A_70, %broadcast_in_dim3A_75 : vector<16xi32>
    %add3A_77 = arith.addi %add3A_68, %select_n3A_76 : vector<16xi32>
    %get3A_78 = arith.constant 192 : index
    %get3A_79 = tpu.vector_load %arg9[%get3A_78] {strides = array<i32>} : memref<512xi32, #tpu.memory_space<vmem>>, vector<16xi32>,
    %add3A_80 = arith.addi %add3A_71, %get3A_79 : vector<16xi32>
    %gt3A_81 = arith.constant 6 : i32
    %gt3A_82 = arith.cmpi sgt, %add3A, %gt3A_81 : i32
    %jit3A_83 = arith.constant 0 : i32
    %broadcast_in_dim3A_84 = vector.broadcast %jit3A_83 : i32 to vector<16xi32>
    %select_n3A_85 = arith.select %gt3A_82, %get3A_79, %broadcast_in_dim3A_84 : vector<16xi32>
    %add3A_86 = arith.addi %add3A_77, %select_n3A_85 : vector<16xi32>
    %get3A_87 = arith.constant 224 : index
    %get3A_88 = tpu.vector_load %arg9[%get3A_87] {strides = array<i32>} : memref<512xi32, #tpu.memory_space<vmem>>, vector<16xi32>,
    %add3A_89 = arith.addi %add3A_80, %get3A_88 : vector<16xi32>
    %gt3A_90 = arith.constant 7 : i32
    %gt3A_91 = arith.cmpi sgt, %add3A, %gt3A_90 : i32
    %jit3A_92 = arith.constant 0 : i32
    %broadcast_in_dim3A_93 = vector.broadcast %jit3A_92 : i32 to vector<16xi32>
    %select_n3A_94 = arith.select %gt3A_91, %get3A_88, %broadcast_in_dim3A_93 : vector<16xi32>
    %add3A_95 = arith.addi %add3A_86, %select_n3A_94 : vector<16xi32>
    %get3A_96 = arith.constant 256 : index
    %get3A_97 = tpu.vector_load %arg9[%get3A_96] {strides = array<i32>} : memref<512xi32, #tpu.memory_space<vmem>>, vector<16xi32>,
    %add3A_98 = arith.addi %add3A_89, %get3A_97 : vector<16xi32>
    %gt3A_99 = arith.constant 8 : i32
    %gt3A_100 = arith.cmpi sgt, %add3A, %gt3A_99 : i32
    %jit3A_101 = arith.constant 0 : i32
    %broadcast_in_dim3A_102 = vector.broadcast %jit3A_101 : i32 to vector<16xi32>
    %select_n3A_103 = arith.select %gt3A_100, %get3A_97, %broadcast_in_dim3A_102 : vector<16xi32>
    %add3A_104 = arith.addi %add3A_95, %select_n3A_103 : vector<16xi32>
    %get3A_105 = arith.constant 288 : index
    %get3A_106 = tpu.vector_load %arg9[%get3A_105] {strides = array<i32>} : memref<512xi32, #tpu.memory_space<vmem>>, vector<16xi32>,
    %add3A_107 = arith.addi %add3A_98, %get3A_106 : vector<16xi32>
    %gt3A_108 = arith.constant 9 : i32
    %gt3A_109 = arith.cmpi sgt, %add3A, %gt3A_108 : i32
    %jit3A_110 = arith.constant 0 : i32
    %broadcast_in_dim3A_111 = vector.broadcast %jit3A_110 : i32 to vector<16xi32>
    %select_n3A_112 = arith.select %gt3A_109, %get3A_106, %broadcast_in_dim3A_111 : vector<16xi32>
    %add3A_113 = arith.addi %add3A_104, %select_n3A_112 : vector<16xi32>
    %get3A_114 = arith.constant 320 : index
    %get3A_115 = tpu.vector_load %arg9[%get3A_114] {strides = array<i32>} : memref<512xi32, #tpu.memory_space<vmem>>, vector<16xi32>,
    %add3A_116 = arith.addi %add3A_107, %get3A_115 : vector<16xi32>
    %gt3A_117 = arith.constant 10 : i32
    %gt3A_118 = arith.cmpi sgt, %add3A, %gt3A_117 : i32
    %jit3A_119 = arith.constant 0 : i32
    %broadcast_in_dim3A_120 = vector.broadcast %jit3A_119 : i32 to vector<16xi32>
    %select_n3A_121 = arith.select %gt3A_118, %get3A_115, %broadcast_in_dim3A_120 : vector<16xi32>
    %add3A_122 = arith.addi %add3A_113, %select_n3A_121 : vector<16xi32>
    %get3A_123 = arith.constant 352 : index
    %get3A_124 = tpu.vector_load %arg9[%get3A_123] {strides = array<i32>} : memref<512xi32, #tpu.memory_space<vmem>>, vector<16xi32>,
    %add3A_125 = arith.addi %add3A_116, %get3A_124 : vector<16xi32>
    %gt3A_126 = arith.constant 11 : i32
    %gt3A_127 = arith.cmpi sgt, %add3A, %gt3A_126 : i32
    %jit3A_128 = arith.constant 0 : i32
    %broadcast_in_dim3A_129 = vector.broadcast %jit3A_128 : i32 to vector<16xi32>
    %select_n3A_130 = arith.select %gt3A_127, %get3A_124, %broadcast_in_dim3A_129 : vector<16xi32>
    %add3A_131 = arith.addi %add3A_122, %select_n3A_130 : vector<16xi32>
    %get3A_132 = arith.constant 384 : index
    %get3A_133 = tpu.vector_load %arg9[%get3A_132] {strides = array<i32>} : memref<512xi32, #tpu.memory_space<vmem>>, vector<16xi32>,
    %add3A_134 = arith.addi %add3A_125, %get3A_133 : vector<16xi32>
    %gt3A_135 = arith.constant 12 : i32
    %gt3A_136 = arith.cmpi sgt, %add3A, %gt3A_135 : i32
    %jit3A_137 = arith.constant 0 : i32
    %broadcast_in_dim3A_138 = vector.broadcast %jit3A_137 : i32 to vector<16xi32>
    %select_n3A_139 = arith.select %gt3A_136, %get3A_133, %broadcast_in_dim3A_138 : vector<16xi32>
    %add3A_140 = arith.addi %add3A_131, %select_n3A_139 : vector<16xi32>
    %get3A_141 = arith.constant 416 : index
    %get3A_142 = tpu.vector_load %arg9[%get3A_141] {strides = array<i32>} : memref<512xi32, #tpu.memory_space<vmem>>, vector<16xi32>,
    %add3A_143 = arith.addi %add3A_134, %get3A_142 : vector<16xi32>
    %gt3A_144 = arith.constant 13 : i32
    %gt3A_145 = arith.cmpi sgt, %add3A, %gt3A_144 : i32
    %jit3A_146 = arith.constant 0 : i32
    %broadcast_in_dim3A_147 = vector.broadcast %jit3A_146 : i32 to vector<16xi32>
    %select_n3A_148 = arith.select %gt3A_145, %get3A_142, %broadcast_in_dim3A_147 : vector<16xi32>
    %add3A_149 = arith.addi %add3A_140, %select_n3A_148 : vector<16xi32>
    %get3A_150 = arith.constant 448 : index
    %get3A_151 = tpu.vector_load %arg9[%get3A_150] {strides = array<i32>} : memref<512xi32, #tpu.memory_space<vmem>>, vector<16xi32>,
    %add3A_152 = arith.addi %add3A_143, %get3A_151 : vector<16xi32>
    %gt3A_153 = arith.constant 14 : i32
    %gt3A_154 = arith.cmpi sgt, %add3A, %gt3A_153 : i32
    %jit3A_155 = arith.constant 0 : i32
    %broadcast_in_dim3A_156 = vector.broadcast %jit3A_155 : i32 to vector<16xi32>
    %select_n3A_157 = arith.select %gt3A_154, %get3A_151, %broadcast_in_dim3A_156 : vector<16xi32>
    %add3A_158 = arith.addi %add3A_149, %select_n3A_157 : vector<16xi32>
    %get3A_159 = arith.constant 480 : index
    %get3A_160 = tpu.vector_load %arg9[%get3A_159] {strides = array<i32>} : memref<512xi32, #tpu.memory_space<vmem>>, vector<16xi32>,
    %add3A_161 = arith.addi %add3A_152, %get3A_160 : vector<16xi32>
    %gt3A_162 = arith.constant 15 : i32
    %gt3A_163 = arith.cmpi sgt, %add3A, %gt3A_162 : i32
    %jit3A_164 = arith.constant 0 : i32
    %broadcast_in_dim3A_165 = vector.broadcast %jit3A_164 : i32 to vector<16xi32>
    %select_n3A_166 = arith.select %gt3A_163, %get3A_160, %broadcast_in_dim3A_165 : vector<16xi32>
    %add3A_167 = arith.addi %add3A_158, %select_n3A_166 : vector<16xi32>
    %get3A_168 = arith.constant 16 : index
    %get3A_169 = tpu.vector_load %arg9[%get3A_168] {strides = array<i32>} : memref<512xi32, #tpu.memory_space<vmem>>, vector<16xi32>,
    %add3A_170 = arith.addi %add3A_161, %get3A_169 : vector<16xi32>
    %gt3A_171 = arith.constant 16 : i32
    %gt3A_172 = arith.cmpi sgt, %add3A, %gt3A_171 : i32
    %jit3A_173 = arith.constant 0 : i32
    %broadcast_in_dim3A_174 = vector.broadcast %jit3A_173 : i32 to vector<16xi32>
    %select_n3A_175 = arith.select %gt3A_172, %get3A_169, %broadcast_in_dim3A_174 : vector<16xi32>
    %add3A_176 = arith.addi %add3A_167, %select_n3A_175 : vector<16xi32>
    %get3A_177 = arith.constant 48 : index
    %get3A_178 = tpu.vector_load %arg9[%get3A_177] {strides = array<i32>} : memref<512xi32, #tpu.memory_space<vmem>>, vector<16xi32>,
    %add3A_179 = arith.addi %add3A_170, %get3A_178 : vector<16xi32>
    %gt3A_180 = arith.constant 17 : i32
    %gt3A_181 = arith.cmpi sgt, %add3A, %gt3A_180 : i32
    %jit3A_182 = arith.constant 0 : i32
    %broadcast_in_dim3A_183 = vector.broadcast %jit3A_182 : i32 to vector<16xi32>
    %select_n3A_184 = arith.select %gt3A_181, %get3A_178, %broadcast_in_dim3A_183 : vector<16xi32>
    %add3A_185 = arith.addi %add3A_176, %select_n3A_184 : vector<16xi32>
    %get3A_186 = arith.constant 80 : index
    %get3A_187 = tpu.vector_load %arg9[%get3A_186] {strides = array<i32>} : memref<512xi32, #tpu.memory_space<vmem>>, vector<16xi32>,
    %add3A_188 = arith.addi %add3A_179, %get3A_187 : vector<16xi32>
    %gt3A_189 = arith.constant 18 : i32
    %gt3A_190 = arith.cmpi sgt, %add3A, %gt3A_189 : i32
    %jit3A_191 = arith.constant 0 : i32
    %broadcast_in_dim3A_192 = vector.broadcast %jit3A_191 : i32 to vector<16xi32>
    %select_n3A_193 = arith.select %gt3A_190, %get3A_187, %broadcast_in_dim3A_192 : vector<16xi32>
    %add3A_194 = arith.addi %add3A_185, %select_n3A_193 : vector<16xi32>
    %get3A_195 = arith.constant 112 : index
    %get3A_196 = tpu.vector_load %arg9[%get3A_195] {strides = array<i32>} : memref<512xi32, #tpu.memory_space<vmem>>, vector<16xi32>,
    %add3A_197 = arith.addi %add3A_188, %get3A_196 : vector<16xi32>
    %gt3A_198 = arith.constant 19 : i32
    %gt3A_199 = arith.cmpi sgt, %add3A, %gt3A_198 : i32
    %jit3A_200 = arith.constant 0 : i32
    %broadcast_in_dim3A_201 = vector.broadcast %jit3A_200 : i32 to vector<16xi32>
    %select_n3A_202 = arith.select %gt3A_199, %get3A_196, %broadcast_in_dim3A_201 : vector<16xi32>
    %add3A_203 = arith.addi %add3A_194, %select_n3A_202 : vector<16xi32>
    %get3A_204 = arith.constant 144 : index
    %get3A_205 = tpu.vector_load %arg9[%get3A_204] {strides = array<i32>} : memref<512xi32, #tpu.memory_space<vmem>>, vector<16xi32>,
    %add3A_206 = arith.addi %add3A_197, %get3A_205 : vector<16xi32>
    %gt3A_207 = arith.constant 20 : i32
    %gt3A_208 = arith.cmpi sgt, %add3A, %gt3A_207 : i32
    %jit3A_209 = arith.constant 0 : i32
    %broadcast_in_dim3A_210 = vector.broadcast %jit3A_209 : i32 to vector<16xi32>
    %select_n3A_211 = arith.select %gt3A_208, %get3A_205, %broadcast_in_dim3A_210 : vector<16xi32>
    %add3A_212 = arith.addi %add3A_203, %select_n3A_211 : vector<16xi32>
    %get3A_213 = arith.constant 176 : index
    %get3A_214 = tpu.vector_load %arg9[%get3A_213] {strides = array<i32>} : memref<512xi32, #tpu.memory_space<vmem>>, vector<16xi32>,
    %add3A_215 = arith.addi %add3A_206, %get3A_214 : vector<16xi32>
    %gt3A_216 = arith.constant 21 : i32
    %gt3A_217 = arith.cmpi sgt, %add3A, %gt3A_216 : i32
    %jit3A_218 = arith.constant 0 : i32
    %broadcast_in_dim3A_219 = vector.broadcast %jit3A_218 : i32 to vector<16xi32>
    %select_n3A_220 = arith.select %gt3A_217, %get3A_214, %broadcast_in_dim3A_219 : vector<16xi32>
    %add3A_221 = arith.addi %add3A_212, %select_n3A_220 : vector<16xi32>
    %get3A_222 = arith.constant 208 : index
    %get3A_223 = tpu.vector_load %arg9[%get3A_222] {strides = array<i32>} : memref<512xi32, #tpu.memory_space<vmem>>, vector<16xi32>,
    %add3A_224 = arith.addi %add3A_215, %get3A_223 : vector<16xi32>
    %gt3A_225 = arith.constant 22 : i32
    %gt3A_226 = arith.cmpi sgt, %add3A, %gt3A_225 : i32
    %jit3A_227 = arith.constant 0 : i32
    %broadcast_in_dim3A_228 = vector.broadcast %jit3A_227 : i32 to vector<16xi32>
    %select_n3A_229 = arith.select %gt3A_226, %get3A_223, %broadcast_in_dim3A_228 : vector<16xi32>
    %add3A_230 = arith.addi %add3A_221, %select_n3A_229 : vector<16xi32>
    %get3A_231 = arith.constant 240 : index
    %get3A_232 = tpu.vector_load %arg9[%get3A_231] {strides = array<i32>} : memref<512xi32, #tpu.memory_space<vmem>>, vector<16xi32>,
    %add3A_233 = arith.addi %add3A_224, %get3A_232 : vector<16xi32>
    %gt3A_234 = arith.constant 23 : i32
    %gt3A_235 = arith.cmpi sgt, %add3A, %gt3A_234 : i32
    %jit3A_236 = arith.constant 0 : i32
    %broadcast_in_dim3A_237 = vector.broadcast %jit3A_236 : i32 to vector<16xi32>
    %select_n3A_238 = arith.select %gt3A_235, %get3A_232, %broadcast_in_dim3A_237 : vector<16xi32>
    %add3A_239 = arith.addi %add3A_230, %select_n3A_238 : vector<16xi32>
    %get3A_240 = arith.constant 272 : index
    %get3A_241 = tpu.vector_load %arg9[%get3A_240] {strides = array<i32>} : memref<512xi32, #tpu.memory_space<vmem>>, vector<16xi32>,
    %add3A_242 = arith.addi %add3A_233, %get3A_241 : vector<16xi32>
    %gt3A_243 = arith.constant 24 : i32
    %gt3A_244 = arith.cmpi sgt, %add3A, %gt3A_243 : i32
    %jit3A_245 = arith.constant 0 : i32
    %broadcast_in_dim3A_246 = vector.broadcast %jit3A_245 : i32 to vector<16xi32>
    %select_n3A_247 = arith.select %gt3A_244, %get3A_241, %broadcast_in_dim3A_246 : vector<16xi32>
    %add3A_248 = arith.addi %add3A_239, %select_n3A_247 : vector<16xi32>
    %get3A_249 = arith.constant 304 : index
    %get3A_250 = tpu.vector_load %arg9[%get3A_249] {strides = array<i32>} : memref<512xi32, #tpu.memory_space<vmem>>, vector<16xi32>,
    %add3A_251 = arith.addi %add3A_242, %get3A_250 : vector<16xi32>
    %gt3A_252 = arith.constant 25 : i32
    %gt3A_253 = arith.cmpi sgt, %add3A, %gt3A_252 : i32
    %jit3A_254 = arith.constant 0 : i32
    %broadcast_in_dim3A_255 = vector.broadcast %jit3A_254 : i32 to vector<16xi32>
    %select_n3A_256 = arith.select %gt3A_253, %get3A_250, %broadcast_in_dim3A_255 : vector<16xi32>
    %add3A_257 = arith.addi %add3A_248, %select_n3A_256 : vector<16xi32>
    %get3A_258 = arith.constant 336 : index
    %get3A_259 = tpu.vector_load %arg9[%get3A_258] {strides = array<i32>} : memref<512xi32, #tpu.memory_space<vmem>>, vector<16xi32>,
    %add3A_260 = arith.addi %add3A_251, %get3A_259 : vector<16xi32>
    %gt3A_261 = arith.constant 26 : i32
    %gt3A_262 = arith.cmpi sgt, %add3A, %gt3A_261 : i32
    %jit3A_263 = arith.constant 0 : i32
    %broadcast_in_dim3A_264 = vector.broadcast %jit3A_263 : i32 to vector<16xi32>
    %select_n3A_265 = arith.select %gt3A_262, %get3A_259, %broadcast_in_dim3A_264 : vector<16xi32>
    %add3A_266 = arith.addi %add3A_257, %select_n3A_265 : vector<16xi32>
    %get3A_267 = arith.constant 368 : index
    %get3A_268 = tpu.vector_load %arg9[%get3A_267] {strides = array<i32>} : memref<512xi32, #tpu.memory_space<vmem>>, vector<16xi32>,
    %add3A_269 = arith.addi %add3A_260, %get3A_268 : vector<16xi32>
    %gt3A_270 = arith.constant 27 : i32
    %gt3A_271 = arith.cmpi sgt, %add3A, %gt3A_270 : i32
    %jit3A_272 = arith.constant 0 : i32
    %broadcast_in_dim3A_273 = vector.broadcast %jit3A_272 : i32 to vector<16xi32>
    %select_n3A_274 = arith.select %gt3A_271, %get3A_268, %broadcast_in_dim3A_273 : vector<16xi32>
    %add3A_275 = arith.addi %add3A_266, %select_n3A_274 : vector<16xi32>
    %get3A_276 = arith.constant 400 : index
    %get3A_277 = tpu.vector_load %arg9[%get3A_276] {strides = array<i32>} : memref<512xi32, #tpu.memory_space<vmem>>, vector<16xi32>,
    %add3A_278 = arith.addi %add3A_269, %get3A_277 : vector<16xi32>
    %gt3A_279 = arith.constant 28 : i32
    %gt3A_280 = arith.cmpi sgt, %add3A, %gt3A_279 : i32
    %jit3A_281 = arith.constant 0 : i32
    %broadcast_in_dim3A_282 = vector.broadcast %jit3A_281 : i32 to vector<16xi32>
    %select_n3A_283 = arith.select %gt3A_280, %get3A_277, %broadcast_in_dim3A_282 : vector<16xi32>
    %add3A_284 = arith.addi %add3A_275, %select_n3A_283 : vector<16xi32>
    %get3A_285 = arith.constant 432 : index
    %get3A_286 = tpu.vector_load %arg9[%get3A_285] {strides = array<i32>} : memref<512xi32, #tpu.memory_space<vmem>>, vector<16xi32>,
    %add3A_287 = arith.addi %add3A_278, %get3A_286 : vector<16xi32>
    %gt3A_288 = arith.constant 29 : i32
    %gt3A_289 = arith.cmpi sgt, %add3A, %gt3A_288 : i32
    %jit3A_290 = arith.constant 0 : i32
    %broadcast_in_dim3A_291 = vector.broadcast %jit3A_290 : i32 to vector<16xi32>
    %select_n3A_292 = arith.select %gt3A_289, %get3A_286, %broadcast_in_dim3A_291 : vector<16xi32>
    %add3A_293 = arith.addi %add3A_284, %select_n3A_292 : vector<16xi32>
    %get3A_294 = arith.constant 464 : index
    %get3A_295 = tpu.vector_load %arg9[%get3A_294] {strides = array<i32>} : memref<512xi32, #tpu.memory_space<vmem>>, vector<16xi32>,
    %add3A_296 = arith.addi %add3A_287, %get3A_295 : vector<16xi32>
    %gt3A_297 = arith.constant 30 : i32
    %gt3A_298 = arith.cmpi sgt, %add3A, %gt3A_297 : i32
    %jit3A_299 = arith.constant 0 : i32
    %broadcast_in_dim3A_300 = vector.broadcast %jit3A_299 : i32 to vector<16xi32>
    %select_n3A_301 = arith.select %gt3A_298, %get3A_295, %broadcast_in_dim3A_300 : vector<16xi32>
    %add3A_302 = arith.addi %add3A_293, %select_n3A_301 : vector<16xi32>
    %get3A_303 = arith.constant 496 : index
    %get3A_304 = tpu.vector_load %arg9[%get3A_303] {strides = array<i32>} : memref<512xi32, #tpu.memory_space<vmem>>, vector<16xi32>,
    %add3A_305 = arith.addi %add3A_296, %get3A_304 : vector<16xi32>
    %gt3A_306 = arith.constant 31 : i32
    %gt3A_307 = arith.cmpi sgt, %add3A, %gt3A_306 : i32
    %jit3A_308 = arith.constant 0 : i32
    %broadcast_in_dim3A_309 = vector.broadcast %jit3A_308 : i32 to vector<16xi32>
    %select_n3A_310 = arith.select %gt3A_307, %get3A_304, %broadcast_in_dim3A_309 : vector<16xi32>
    %add3A_311 = arith.addi %add3A_302, %select_n3A_310 : vector<16xi32>
    %add3A_312 = arith.constant 255 : i32
    %add3A_313 = vector.broadcast %add3A_312 : i32 to vector<16xi32>
    %add3A_314 = arith.addi %add3A_305, %add3A_313 : vector<16xi32>
    %and3A_315 = arith.constant -256 : i32
    %and3A_316 = vector.broadcast %and3A_315 : i32 to vector<16xi32>
    %and3A_317 = arith.andi %add3A_314, %and3A_316 : vector<16xi32>
    %broadcast_in_dim3A_318 = arith.constant true
    %broadcast_in_dim3A_319 = vector.broadcast %broadcast_in_dim3A_318 : i1 to vector<16xi1>
    %masked_cumsum3A = tpu.scan <sum>, %and3A_317 masked %broadcast_in_dim3A_319 : vector<16xi32>, vector<16xi1> -> vector<16xi32>
    %sub3A = arith.subi %masked_cumsum3A, %and3A_317 : vector<16xi32>
    %add3A_320 = arith.addi %sub3A, %add3A_311 : vector<16xi32>
    %get3A_321 = arith.constant 0 : index
    %get3A_322 = tpu.vector_load %arg8[%get3A_321] {strides = array<i32>} : memref<128xi32, #tpu.memory_space<vmem>>, vector<16xi32>,
    %broadcast_in_dim3A_323 = arith.constant 0 : i32
    %broadcast_in_dim3A_324 = vector.broadcast %broadcast_in_dim3A_323 : i32 to vector<16xi32>
    %eq3A_325 = arith.constant 0 : i32
    %eq3A_326 = vector.broadcast %eq3A_325 : i32 to vector<16xi32>
    %eq3A_327 = arith.cmpi eq, %get3A_322, %eq3A_326 : vector<16xi32>
    %jit3A_328 = arith.constant 1 : i32
    %jit3A_329 = arith.constant 0 : i32
    %broadcast_in_dim3A_330 = vector.broadcast %jit3A_328 : i32 to vector<16xi32>
    %broadcast_in_dim3A_331 = vector.broadcast %jit3A_329 : i32 to vector<16xi32>
    %select_n3A_332 = arith.select %eq3A_327, %broadcast_in_dim3A_330, %broadcast_in_dim3A_331 : vector<16xi1>, vector<16xi32>
    %broadcast_in_dim3A_333 = arith.constant true
    %broadcast_in_dim3A_334 = vector.broadcast %broadcast_in_dim3A_333 : i1 to vector<16xi1>
    %masked_cumsum3A_335 = tpu.scan <sum>, %select_n3A_332 masked %broadcast_in_dim3A_334 : vector<16xi32>, vector<16xi1> -> vector<16xi32>
    %eq3A_336 = arith.constant 0 : i32
    %eq3A_337 = vector.broadcast %eq3A_336 : i32 to vector<16xi32>
    %eq3A_338 = arith.cmpi eq, %iota3A, %eq3A_337 : vector<16xi32>
    %jit3A_339 = arith.constant 0 : i32
    %broadcast_in_dim3A_340 = vector.broadcast %jit3A_339 : i32 to vector<16xi32>
    %select_n3A_341 = arith.select %eq3A_338, %add3A_320, %broadcast_in_dim3A_340 : vector<16xi1>, vector<16xi32>
    %reduce_sum3A = arith.constant true
    %reduce_sum3A_342 = vector.broadcast %reduce_sum3A : i1 to vector<16xi1>
    %reduce_sum3A_343 = tpu.scan <sum>, %select_n3A_341 masked %reduce_sum3A_342 : vector<16xi32>, vector<16xi1> -> vector<16xi32>
    %reduce_sum3A_344 = vector.extract %reduce_sum3A_343[15] : i32 from vector<16xi32>
    %add3A_345 = vector.broadcast %reduce_sum3A_344 : i32 to vector<16xi32>
    %add3A_346 = arith.addi %add3A_345, %masked_cumsum3A_335 : vector<16xi32>
    %sub3A_347 = arith.constant 1 : i32
    %sub3A_348 = vector.broadcast %sub3A_347 : i32 to vector<16xi32>
    %sub3A_349 = arith.subi %add3A_346, %sub3A_348 : vector<16xi32>
    %select_n3A_350 = arith.select %eq3A_327, %sub3A_349, %broadcast_in_dim3A_324 : vector<16xi1>, vector<16xi32>
    %eq3A_351 = arith.constant 0 : i32
    %eq3A_352 = vector.broadcast %eq3A_351 : i32 to vector<16xi32>
    %eq3A_353 = arith.cmpi eq, %iota3A, %eq3A_352 : vector<16xi32>
    %reduce_sum3A_354 = arith.constant true
    %reduce_sum3A_355 = vector.broadcast %reduce_sum3A_354 : i1 to vector<16xi1>
    %reduce_sum3A_356 = tpu.scan <sum>, %select_n3A_332 masked %reduce_sum3A_355 : vector<16xi32>, vector<16xi1> -> vector<16xi32>
    %reduce_sum3A_357 = vector.extract %reduce_sum3A_356[15] : i32 from vector<16xi32>
    %jit3A_358 = arith.constant 0 : i32
    %broadcast_in_dim3A_359 = vector.broadcast %reduce_sum3A_357 : i32 to vector<16xi32>
    %broadcast_in_dim3A_360 = vector.broadcast %jit3A_358 : i32 to vector<16xi32>
    %select_n3A_361 = arith.select %eq3A_353, %broadcast_in_dim3A_359, %broadcast_in_dim3A_360 : vector<16xi1>, vector<16xi32>
    %add3A_362 = arith.addi %add3A_320, %select_n3A_361 : vector<16xi32>
    %eq3A_363 = arith.constant 1 : i32
    %eq3A_364 = vector.broadcast %eq3A_363 : i32 to vector<16xi32>
    %eq3A_365 = arith.cmpi eq, %get3A_322, %eq3A_364 : vector<16xi32>
    %jit3A_366 = arith.constant 1 : i32
    %jit3A_367 = arith.constant 0 : i32
    %broadcast_in_dim3A_368 = vector.broadcast %jit3A_366 : i32 to vector<16xi32>
    %broadcast_in_dim3A_369 = vector.broadcast %jit3A_367 : i32 to vector<16xi32>
    %select_n3A_370 = arith.select %eq3A_365, %broadcast_in_dim3A_368, %broadcast_in_dim3A_369 : vector<16xi1>, vector<16xi32>
    %broadcast_in_dim3A_371 = arith.constant true
    %broadcast_in_dim3A_372 = vector.broadcast %broadcast_in_dim3A_371 : i1 to vector<16xi1>
    %masked_cumsum3A_373 = tpu.scan <sum>, %select_n3A_370 masked %broadcast_in_dim3A_372 : vector<16xi32>, vector<16xi1> -> vector<16xi32>
    %eq3A_374 = arith.constant 1 : i32
    %eq3A_375 = vector.broadcast %eq3A_374 : i32 to vector<16xi32>
    %eq3A_376 = arith.cmpi eq, %iota3A, %eq3A_375 : vector<16xi32>
    %jit3A_377 = arith.constant 0 : i32
    %broadcast_in_dim3A_378 = vector.broadcast %jit3A_377 : i32 to vector<16xi32>
    %select_n3A_379 = arith.select %eq3A_376, %add3A_362, %broadcast_in_dim3A_378 : vector<16xi1>, vector<16xi32>
    %reduce_sum3A_380 = arith.constant true
    %reduce_sum3A_381 = vector.broadcast %reduce_sum3A_380 : i1 to vector<16xi1>
    %reduce_sum3A_382 = tpu.scan <sum>, %select_n3A_379 masked %reduce_sum3A_381 : vector<16xi32>, vector<16xi1> -> vector<16xi32>
    %reduce_sum3A_383 = vector.extract %reduce_sum3A_382[15] : i32 from vector<16xi32>
    %add3A_384 = vector.broadcast %reduce_sum3A_383 : i32 to vector<16xi32>
    %add3A_385 = arith.addi %add3A_384, %masked_cumsum3A_373 : vector<16xi32>
    %sub3A_386 = arith.constant 1 : i32
    %sub3A_387 = vector.broadcast %sub3A_386 : i32 to vector<16xi32>
    %sub3A_388 = arith.subi %add3A_385, %sub3A_387 : vector<16xi32>
    %select_n3A_389 = arith.select %eq3A_365, %sub3A_388, %select_n3A_350 : vector<16xi1>, vector<16xi32>
    %eq3A_390 = arith.constant 1 : i32
    %eq3A_391 = vector.broadcast %eq3A_390 : i32 to vector<16xi32>
    %eq3A_392 = arith.cmpi eq, %iota3A, %eq3A_391 : vector<16xi32>
    %reduce_sum3A_393 = arith.constant true
    %reduce_sum3A_394 = vector.broadcast %reduce_sum3A_393 : i1 to vector<16xi1>
    %reduce_sum3A_395 = tpu.scan <sum>, %select_n3A_370 masked %reduce_sum3A_394 : vector<16xi32>, vector<16xi1> -> vector<16xi32>
    %reduce_sum3A_396 = vector.extract %reduce_sum3A_395[15] : i32 from vector<16xi32>
    %jit3A_397 = arith.constant 0 : i32
    %broadcast_in_dim3A_398 = vector.broadcast %reduce_sum3A_396 : i32 to vector<16xi32>
    %broadcast_in_dim3A_399 = vector.broadcast %jit3A_397 : i32 to vector<16xi32>
    %select_n3A_400 = arith.select %eq3A_392, %broadcast_in_dim3A_398, %broadcast_in_dim3A_399 : vector<16xi1>, vector<16xi32>
    %add3A_401 = arith.addi %add3A_362, %select_n3A_400 : vector<16xi32>
    %eq3A_402 = arith.constant 2 : i32
    %eq3A_403 = vector.broadcast %eq3A_402 : i32 to vector<16xi32>
    %eq3A_404 = arith.cmpi eq, %get3A_322, %eq3A_403 : vector<16xi32>
    %jit3A_405 = arith.constant 1 : i32
    %jit3A_406 = arith.constant 0 : i32
    %broadcast_in_dim3A_407 = vector.broadcast %jit3A_405 : i32 to vector<16xi32>
    %broadcast_in_dim3A_408 = vector.broadcast %jit3A_406 : i32 to vector<16xi32>
    %select_n3A_409 = arith.select %eq3A_404, %broadcast_in_dim3A_407, %broadcast_in_dim3A_408 : vector<16xi1>, vector<16xi32>
    %broadcast_in_dim3A_410 = arith.constant true
    %broadcast_in_dim3A_411 = vector.broadcast %broadcast_in_dim3A_410 : i1 to vector<16xi1>
    %masked_cumsum3A_412 = tpu.scan <sum>, %select_n3A_409 masked %broadcast_in_dim3A_411 : vector<16xi32>, vector<16xi1> -> vector<16xi32>
    %eq3A_413 = arith.constant 2 : i32
    %eq3A_414 = vector.broadcast %eq3A_413 : i32 to vector<16xi32>
    %eq3A_415 = arith.cmpi eq, %iota3A, %eq3A_414 : vector<16xi32>
    %jit3A_416 = arith.constant 0 : i32
    %broadcast_in_dim3A_417 = vector.broadcast %jit3A_416 : i32 to vector<16xi32>
    %select_n3A_418 = arith.select %eq3A_415, %add3A_401, %broadcast_in_dim3A_417 : vector<16xi1>, vector<16xi32>
    %reduce_sum3A_419 = arith.constant true
    %reduce_sum3A_420 = vector.broadcast %reduce_sum3A_419 : i1 to vector<16xi1>
    %reduce_sum3A_421 = tpu.scan <sum>, %select_n3A_418 masked %reduce_sum3A_420 : vector<16xi32>, vector<16xi1> -> vector<16xi32>
    %reduce_sum3A_422 = vector.extract %reduce_sum3A_421[15] : i32 from vector<16xi32>
    %add3A_423 = vector.broadcast %reduce_sum3A_422 : i32 to vector<16xi32>
    %add3A_424 = arith.addi %add3A_423, %masked_cumsum3A_412 : vector<16xi32>
    %sub3A_425 = arith.constant 1 : i32
    %sub3A_426 = vector.broadcast %sub3A_425 : i32 to vector<16xi32>
    %sub3A_427 = arith.subi %add3A_424, %sub3A_426 : vector<16xi32>
    %select_n3A_428 = arith.select %eq3A_404, %sub3A_427, %select_n3A_389 : vector<16xi1>, vector<16xi32>
    %eq3A_429 = arith.constant 2 : i32
    %eq3A_430 = vector.broadcast %eq3A_429 : i32 to vector<16xi32>
    %eq3A_431 = arith.cmpi eq, %iota3A, %eq3A_430 : vector<16xi32>
    %reduce_sum3A_432 = arith.constant true
    %reduce_sum3A_433 = vector.broadcast %reduce_sum3A_432 : i1 to vector<16xi1>
    %reduce_sum3A_434 = tpu.scan <sum>, %select_n3A_409 masked %reduce_sum3A_433 : vector<16xi32>, vector<16xi1> -> vector<16xi32>
    %reduce_sum3A_435 = vector.extract %reduce_sum3A_434[15] : i32 from vector<16xi32>
    %jit3A_436 = arith.constant 0 : i32
    %broadcast_in_dim3A_437 = vector.broadcast %reduce_sum3A_435 : i32 to vector<16xi32>
    %broadcast_in_dim3A_438 = vector.broadcast %jit3A_436 : i32 to vector<16xi32>
    %select_n3A_439 = arith.select %eq3A_431, %broadcast_in_dim3A_437, %broadcast_in_dim3A_438 : vector<16xi1>, vector<16xi32>
    %add3A_440 = arith.addi %add3A_401, %select_n3A_439 : vector<16xi32>
    %eq3A_441 = arith.constant 3 : i32
    %eq3A_442 = vector.broadcast %eq3A_441 : i32 to vector<16xi32>
    %eq3A_443 = arith.cmpi eq, %get3A_322, %eq3A_442 : vector<16xi32>
    %jit3A_444 = arith.constant 1 : i32
    %jit3A_445 = arith.constant 0 : i32
    %broadcast_in_dim3A_446 = vector.broadcast %jit3A_444 : i32 to vector<16xi32>
    %broadcast_in_dim3A_447 = vector.broadcast %jit3A_445 : i32 to vector<16xi32>
    %select_n3A_448 = arith.select %eq3A_443, %broadcast_in_dim3A_446, %broadcast_in_dim3A_447 : vector<16xi1>, vector<16xi32>
    %broadcast_in_dim3A_449 = arith.constant true
    %broadcast_in_dim3A_450 = vector.broadcast %broadcast_in_dim3A_449 : i1 to vector<16xi1>
    %masked_cumsum3A_451 = tpu.scan <sum>, %select_n3A_448 masked %broadcast_in_dim3A_450 : vector<16xi32>, vector<16xi1> -> vector<16xi32>
    %eq3A_452 = arith.constant 3 : i32
    %eq3A_453 = vector.broadcast %eq3A_452 : i32 to vector<16xi32>
    %eq3A_454 = arith.cmpi eq, %iota3A, %eq3A_453 : vector<16xi32>
    %jit3A_455 = arith.constant 0 : i32
    %broadcast_in_dim3A_456 = vector.broadcast %jit3A_455 : i32 to vector<16xi32>
    %select_n3A_457 = arith.select %eq3A_454, %add3A_440, %broadcast_in_dim3A_456 : vector<16xi1>, vector<16xi32>
    %reduce_sum3A_458 = arith.constant true
    %reduce_sum3A_459 = vector.broadcast %reduce_sum3A_458 : i1 to vector<16xi1>
    %reduce_sum3A_460 = tpu.scan <sum>, %select_n3A_457 masked %reduce_sum3A_459 : vector<16xi32>, vector<16xi1> -> vector<16xi32>
    %reduce_sum3A_461 = vector.extract %reduce_sum3A_460[15] : i32 from vector<16xi32>
    %add3A_462 = vector.broadcast %reduce_sum3A_461 : i32 to vector<16xi32>
    %add3A_463 = arith.addi %add3A_462, %masked_cumsum3A_451 : vector<16xi32>
    %sub3A_464 = arith.constant 1 : i32
    %sub3A_465 = vector.broadcast %sub3A_464 : i32 to vector<16xi32>
    %sub3A_466 = arith.subi %add3A_463, %sub3A_465 : vector<16xi32>
    %select_n3A_467 = arith.select %eq3A_443, %sub3A_466, %select_n3A_428 : vector<16xi1>, vector<16xi32>
    %eq3A_468 = arith.constant 3 : i32
    %eq3A_469 = vector.broadcast %eq3A_468 : i32 to vector<16xi32>
    %eq3A_470 = arith.cmpi eq, %iota3A, %eq3A_469 : vector<16xi32>
    %reduce_sum3A_471 = arith.constant true
    %reduce_sum3A_472 = vector.broadcast %reduce_sum3A_471 : i1 to vector<16xi1>
    %reduce_sum3A_473 = tpu.scan <sum>, %select_n3A_448 masked %reduce_sum3A_472 : vector<16xi32>, vector<16xi1> -> vector<16xi32>
    %reduce_sum3A_474 = vector.extract %reduce_sum3A_473[15] : i32 from vector<16xi32>
    %jit3A_475 = arith.constant 0 : i32
    %broadcast_in_dim3A_476 = vector.broadcast %reduce_sum3A_474 : i32 to vector<16xi32>
    %broadcast_in_dim3A_477 = vector.broadcast %jit3A_475 : i32 to vector<16xi32>
    %select_n3A_478 = arith.select %eq3A_470, %broadcast_in_dim3A_476, %broadcast_in_dim3A_477 : vector<16xi1>, vector<16xi32>
    %add3A_479 = arith.addi %add3A_440, %select_n3A_478 : vector<16xi32>
    %eq3A_480 = arith.constant 4 : i32
    %eq3A_481 = vector.broadcast %eq3A_480 : i32 to vector<16xi32>
    %eq3A_482 = arith.cmpi eq, %get3A_322, %eq3A_481 : vector<16xi32>
    %jit3A_483 = arith.constant 1 : i32
    %jit3A_484 = arith.constant 0 : i32
    %broadcast_in_dim3A_485 = vector.broadcast %jit3A_483 : i32 to vector<16xi32>
    %broadcast_in_dim3A_486 = vector.broadcast %jit3A_484 : i32 to vector<16xi32>
    %select_n3A_487 = arith.select %eq3A_482, %broadcast_in_dim3A_485, %broadcast_in_dim3A_486 : vector<16xi1>, vector<16xi32>
    %broadcast_in_dim3A_488 = arith.constant true
    %broadcast_in_dim3A_489 = vector.broadcast %broadcast_in_dim3A_488 : i1 to vector<16xi1>
    %masked_cumsum3A_490 = tpu.scan <sum>, %select_n3A_487 masked %broadcast_in_dim3A_489 : vector<16xi32>, vector<16xi1> -> vector<16xi32>
    %eq3A_491 = arith.constant 4 : i32
    %eq3A_492 = vector.broadcast %eq3A_491 : i32 to vector<16xi32>
    %eq3A_493 = arith.cmpi eq, %iota3A, %eq3A_492 : vector<16xi32>
    %jit3A_494 = arith.constant 0 : i32
    %broadcast_in_dim3A_495 = vector.broadcast %jit3A_494 : i32 to vector<16xi32>
    %select_n3A_496 = arith.select %eq3A_493, %add3A_479, %broadcast_in_dim3A_495 : vector<16xi1>, vector<16xi32>
    %reduce_sum3A_497 = arith.constant true
    %reduce_sum3A_498 = vector.broadcast %reduce_sum3A_497 : i1 to vector<16xi1>
    %reduce_sum3A_499 = tpu.scan <sum>, %select_n3A_496 masked %reduce_sum3A_498 : vector<16xi32>, vector<16xi1> -> vector<16xi32>
    %reduce_sum3A_500 = vector.extract %reduce_sum3A_499[15] : i32 from vector<16xi32>
    %add3A_501 = vector.broadcast %reduce_sum3A_500 : i32 to vector<16xi32>
    %add3A_502 = arith.addi %add3A_501, %masked_cumsum3A_490 : vector<16xi32>
    %sub3A_503 = arith.constant 1 : i32
    %sub3A_504 = vector.broadcast %sub3A_503 : i32 to vector<16xi32>
    %sub3A_505 = arith.subi %add3A_502, %sub3A_504 : vector<16xi32>
    %select_n3A_506 = arith.select %eq3A_482, %sub3A_505, %select_n3A_467 : vector<16xi1>, vector<16xi32>
    %eq3A_507 = arith.constant 4 : i32
    %eq3A_508 = vector.broadcast %eq3A_507 : i32 to vector<16xi32>
    %eq3A_509 = arith.cmpi eq, %iota3A, %eq3A_508 : vector<16xi32>
    %reduce_sum3A_510 = arith.constant true
    %reduce_sum3A_511 = vector.broadcast %reduce_sum3A_510 : i1 to vector<16xi1>
    %reduce_sum3A_512 = tpu.scan <sum>, %select_n3A_487 masked %reduce_sum3A_511 : vector<16xi32>, vector<16xi1> -> vector<16xi32>
    %reduce_sum3A_513 = vector.extract %reduce_sum3A_512[15] : i32 from vector<16xi32>
    %jit3A_514 = arith.constant 0 : i32
    %broadcast_in_dim3A_515 = vector.broadcast %reduce_sum3A_513 : i32 to vector<16xi32>
    %broadcast_in_dim3A_516 = vector.broadcast %jit3A_514 : i32 to vector<16xi32>
    %select_n3A_517 = arith.select %eq3A_509, %broadcast_in_dim3A_515, %broadcast_in_dim3A_516 : vector<16xi1>, vector<16xi32>
    %add3A_518 = arith.addi %add3A_479, %select_n3A_517 : vector<16xi32>
    %eq3A_519 = arith.constant 5 : i32
    %eq3A_520 = vector.broadcast %eq3A_519 : i32 to vector<16xi32>
    %eq3A_521 = arith.cmpi eq, %get3A_322, %eq3A_520 : vector<16xi32>
    %jit3A_522 = arith.constant 1 : i32
    %jit3A_523 = arith.constant 0 : i32
    %broadcast_in_dim3A_524 = vector.broadcast %jit3A_522 : i32 to vector<16xi32>
    %broadcast_in_dim3A_525 = vector.broadcast %jit3A_523 : i32 to vector<16xi32>
    %select_n3A_526 = arith.select %eq3A_521, %broadcast_in_dim3A_524, %broadcast_in_dim3A_525 : vector<16xi1>, vector<16xi32>
    %broadcast_in_dim3A_527 = arith.constant true
    %broadcast_in_dim3A_528 = vector.broadcast %broadcast_in_dim3A_527 : i1 to vector<16xi1>
    %masked_cumsum3A_529 = tpu.scan <sum>, %select_n3A_526 masked %broadcast_in_dim3A_528 : vector<16xi32>, vector<16xi1> -> vector<16xi32>
    %eq3A_530 = arith.constant 5 : i32
    %eq3A_531 = vector.broadcast %eq3A_530 : i32 to vector<16xi32>
    %eq3A_532 = arith.cmpi eq, %iota3A, %eq3A_531 : vector<16xi32>
    %jit3A_533 = arith.constant 0 : i32
    %broadcast_in_dim3A_534 = vector.broadcast %jit3A_533 : i32 to vector<16xi32>
    %select_n3A_535 = arith.select %eq3A_532, %add3A_518, %broadcast_in_dim3A_534 : vector<16xi1>, vector<16xi32>
    %reduce_sum3A_536 = arith.constant true
    %reduce_sum3A_537 = vector.broadcast %reduce_sum3A_536 : i1 to vector<16xi1>
    %reduce_sum3A_538 = tpu.scan <sum>, %select_n3A_535 masked %reduce_sum3A_537 : vector<16xi32>, vector<16xi1> -> vector<16xi32>
    %reduce_sum3A_539 = vector.extract %reduce_sum3A_538[15] : i32 from vector<16xi32>
    %add3A_540 = vector.broadcast %reduce_sum3A_539 : i32 to vector<16xi32>
    %add3A_541 = arith.addi %add3A_540, %masked_cumsum3A_529 : vector<16xi32>
    %sub3A_542 = arith.constant 1 : i32
    %sub3A_543 = vector.broadcast %sub3A_542 : i32 to vector<16xi32>
    %sub3A_544 = arith.subi %add3A_541, %sub3A_543 : vector<16xi32>
    %select_n3A_545 = arith.select %eq3A_521, %sub3A_544, %select_n3A_506 : vector<16xi1>, vector<16xi32>
    %eq3A_546 = arith.constant 5 : i32
    %eq3A_547 = vector.broadcast %eq3A_546 : i32 to vector<16xi32>
    %eq3A_548 = arith.cmpi eq, %iota3A, %eq3A_547 : vector<16xi32>
    %reduce_sum3A_549 = arith.constant true
    %reduce_sum3A_550 = vector.broadcast %reduce_sum3A_549 : i1 to vector<16xi1>
    %reduce_sum3A_551 = tpu.scan <sum>, %select_n3A_526 masked %reduce_sum3A_550 : vector<16xi32>, vector<16xi1> -> vector<16xi32>
    %reduce_sum3A_552 = vector.extract %reduce_sum3A_551[15] : i32 from vector<16xi32>
    %jit3A_553 = arith.constant 0 : i32
    %broadcast_in_dim3A_554 = vector.broadcast %reduce_sum3A_552 : i32 to vector<16xi32>
    %broadcast_in_dim3A_555 = vector.broadcast %jit3A_553 : i32 to vector<16xi32>
    %select_n3A_556 = arith.select %eq3A_548, %broadcast_in_dim3A_554, %broadcast_in_dim3A_555 : vector<16xi1>, vector<16xi32>
    %add3A_557 = arith.addi %add3A_518, %select_n3A_556 : vector<16xi32>
    %eq3A_558 = arith.constant 6 : i32
    %eq3A_559 = vector.broadcast %eq3A_558 : i32 to vector<16xi32>
    %eq3A_560 = arith.cmpi eq, %get3A_322, %eq3A_559 : vector<16xi32>
    %jit3A_561 = arith.constant 1 : i32
    %jit3A_562 = arith.constant 0 : i32
    %broadcast_in_dim3A_563 = vector.broadcast %jit3A_561 : i32 to vector<16xi32>
    %broadcast_in_dim3A_564 = vector.broadcast %jit3A_562 : i32 to vector<16xi32>
    %select_n3A_565 = arith.select %eq3A_560, %broadcast_in_dim3A_563, %broadcast_in_dim3A_564 : vector<16xi1>, vector<16xi32>
    %broadcast_in_dim3A_566 = arith.constant true
    %broadcast_in_dim3A_567 = vector.broadcast %broadcast_in_dim3A_566 : i1 to vector<16xi1>
    %masked_cumsum3A_568 = tpu.scan <sum>, %select_n3A_565 masked %broadcast_in_dim3A_567 : vector<16xi32>, vector<16xi1> -> vector<16xi32>
    %eq3A_569 = arith.constant 6 : i32
    %eq3A_570 = vector.broadcast %eq3A_569 : i32 to vector<16xi32>
    %eq3A_571 = arith.cmpi eq, %iota3A, %eq3A_570 : vector<16xi32>
    %jit3A_572 = arith.constant 0 : i32
    %broadcast_in_dim3A_573 = vector.broadcast %jit3A_572 : i32 to vector<16xi32>
    %select_n3A_574 = arith.select %eq3A_571, %add3A_557, %broadcast_in_dim3A_573 : vector<16xi1>, vector<16xi32>
    %reduce_sum3A_575 = arith.constant true
    %reduce_sum3A_576 = vector.broadcast %reduce_sum3A_575 : i1 to vector<16xi1>
    %reduce_sum3A_577 = tpu.scan <sum>, %select_n3A_574 masked %reduce_sum3A_576 : vector<16xi32>, vector<16xi1> -> vector<16xi32>
    %reduce_sum3A_578 = vector.extract %reduce_sum3A_577[15] : i32 from vector<16xi32>
    %add3A_579 = vector.broadcast %reduce_sum3A_578 : i32 to vector<16xi32>
    %add3A_580 = arith.addi %add3A_579, %masked_cumsum3A_568 : vector<16xi32>
    %sub3A_581 = arith.constant 1 : i32
    %sub3A_582 = vector.broadcast %sub3A_581 : i32 to vector<16xi32>
    %sub3A_583 = arith.subi %add3A_580, %sub3A_582 : vector<16xi32>
    %select_n3A_584 = arith.select %eq3A_560, %sub3A_583, %select_n3A_545 : vector<16xi1>, vector<16xi32>
    %eq3A_585 = arith.constant 6 : i32
    %eq3A_586 = vector.broadcast %eq3A_585 : i32 to vector<16xi32>
    %eq3A_587 = arith.cmpi eq, %iota3A, %eq3A_586 : vector<16xi32>
    %reduce_sum3A_588 = arith.constant true
    %reduce_sum3A_589 = vector.broadcast %reduce_sum3A_588 : i1 to vector<16xi1>
    %reduce_sum3A_590 = tpu.scan <sum>, %select_n3A_565 masked %reduce_sum3A_589 : vector<16xi32>, vector<16xi1> -> vector<16xi32>
    %reduce_sum3A_591 = vector.extract %reduce_sum3A_590[15] : i32 from vector<16xi32>
    %jit3A_592 = arith.constant 0 : i32
    %broadcast_in_dim3A_593 = vector.broadcast %reduce_sum3A_591 : i32 to vector<16xi32>
    %broadcast_in_dim3A_594 = vector.broadcast %jit3A_592 : i32 to vector<16xi32>
    %select_n3A_595 = arith.select %eq3A_587, %broadcast_in_dim3A_593, %broadcast_in_dim3A_594 : vector<16xi1>, vector<16xi32>
    %add3A_596 = arith.addi %add3A_557, %select_n3A_595 : vector<16xi32>
    %eq3A_597 = arith.constant 7 : i32
    %eq3A_598 = vector.broadcast %eq3A_597 : i32 to vector<16xi32>
    %eq3A_599 = arith.cmpi eq, %get3A_322, %eq3A_598 : vector<16xi32>
    %jit3A_600 = arith.constant 1 : i32
    %jit3A_601 = arith.constant 0 : i32
    %broadcast_in_dim3A_602 = vector.broadcast %jit3A_600 : i32 to vector<16xi32>
    %broadcast_in_dim3A_603 = vector.broadcast %jit3A_601 : i32 to vector<16xi32>
    %select_n3A_604 = arith.select %eq3A_599, %broadcast_in_dim3A_602, %broadcast_in_dim3A_603 : vector<16xi1>, vector<16xi32>
    %broadcast_in_dim3A_605 = arith.constant true
    %broadcast_in_dim3A_606 = vector.broadcast %broadcast_in_dim3A_605 : i1 to vector<16xi1>
    %masked_cumsum3A_607 = tpu.scan <sum>, %select_n3A_604 masked %broadcast_in_dim3A_606 : vector<16xi32>, vector<16xi1> -> vector<16xi32>
    %eq3A_608 = arith.constant 7 : i32
    %eq3A_609 = vector.broadcast %eq3A_608 : i32 to vector<16xi32>
    %eq3A_610 = arith.cmpi eq, %iota3A, %eq3A_609 : vector<16xi32>
    %jit3A_611 = arith.constant 0 : i32
    %broadcast_in_dim3A_612 = vector.broadcast %jit3A_611 : i32 to vector<16xi32>
    %select_n3A_613 = arith.select %eq3A_610, %add3A_596, %broadcast_in_dim3A_612 : vector<16xi1>, vector<16xi32>
    %reduce_sum3A_614 = arith.constant true
    %reduce_sum3A_615 = vector.broadcast %reduce_sum3A_614 : i1 to vector<16xi1>
    %reduce_sum3A_616 = tpu.scan <sum>, %select_n3A_613 masked %reduce_sum3A_615 : vector<16xi32>, vector<16xi1> -> vector<16xi32>
    %reduce_sum3A_617 = vector.extract %reduce_sum3A_616[15] : i32 from vector<16xi32>
    %add3A_618 = vector.broadcast %reduce_sum3A_617 : i32 to vector<16xi32>
    %add3A_619 = arith.addi %add3A_618, %masked_cumsum3A_607 : vector<16xi32>
    %sub3A_620 = arith.constant 1 : i32
    %sub3A_621 = vector.broadcast %sub3A_620 : i32 to vector<16xi32>
    %sub3A_622 = arith.subi %add3A_619, %sub3A_621 : vector<16xi32>
    %select_n3A_623 = arith.select %eq3A_599, %sub3A_622, %select_n3A_584 : vector<16xi1>, vector<16xi32>
    %eq3A_624 = arith.constant 7 : i32
    %eq3A_625 = vector.broadcast %eq3A_624 : i32 to vector<16xi32>
    %eq3A_626 = arith.cmpi eq, %iota3A, %eq3A_625 : vector<16xi32>
    %reduce_sum3A_627 = arith.constant true
    %reduce_sum3A_628 = vector.broadcast %reduce_sum3A_627 : i1 to vector<16xi1>
    %reduce_sum3A_629 = tpu.scan <sum>, %select_n3A_604 masked %reduce_sum3A_628 : vector<16xi32>, vector<16xi1> -> vector<16xi32>
    %reduce_sum3A_630 = vector.extract %reduce_sum3A_629[15] : i32 from vector<16xi32>
    %jit3A_631 = arith.constant 0 : i32
    %broadcast_in_dim3A_632 = vector.broadcast %reduce_sum3A_630 : i32 to vector<16xi32>
    %broadcast_in_dim3A_633 = vector.broadcast %jit3A_631 : i32 to vector<16xi32>
    %select_n3A_634 = arith.select %eq3A_626, %broadcast_in_dim3A_632, %broadcast_in_dim3A_633 : vector<16xi1>, vector<16xi32>
    %add3A_635 = arith.addi %add3A_596, %select_n3A_634 : vector<16xi32>
    %swap3A = arith.constant 0 : index
    %swap3A_636 = tpu.vector_load %arg10[%swap3A] {strides = array<i32>} : memref<64xi32, #tpu.memory_space<vmem>>, vector<16xi32>,
    tpu.vector_store %arg10[%swap3A], %select_n3A_623 {strides = array<i32>} : memref<64xi32, #tpu.memory_space<vmem>>, vector<16xi32>,
    %get3A_637 = arith.constant 16 : index
    %get3A_638 = tpu.vector_load %arg8[%get3A_637] {strides = array<i32>} : memref<128xi32, #tpu.memory_space<vmem>>, vector<16xi32>,
    %broadcast_in_dim3A_639 = arith.constant 0 : i32
    %broadcast_in_dim3A_640 = vector.broadcast %broadcast_in_dim3A_639 : i32 to vector<16xi32>
    %eq3A_641 = arith.constant 0 : i32
    %eq3A_642 = vector.broadcast %eq3A_641 : i32 to vector<16xi32>
    %eq3A_643 = arith.cmpi eq, %get3A_638, %eq3A_642 : vector<16xi32>
    %jit3A_644 = arith.constant 1 : i32
    %jit3A_645 = arith.constant 0 : i32
    %broadcast_in_dim3A_646 = vector.broadcast %jit3A_644 : i32 to vector<16xi32>
    %broadcast_in_dim3A_647 = vector.broadcast %jit3A_645 : i32 to vector<16xi32>
    %select_n3A_648 = arith.select %eq3A_643, %broadcast_in_dim3A_646, %broadcast_in_dim3A_647 : vector<16xi1>, vector<16xi32>
    %broadcast_in_dim3A_649 = arith.constant true
    %broadcast_in_dim3A_650 = vector.broadcast %broadcast_in_dim3A_649 : i1 to vector<16xi1>
    %masked_cumsum3A_651 = tpu.scan <sum>, %select_n3A_648 masked %broadcast_in_dim3A_650 : vector<16xi32>, vector<16xi1> -> vector<16xi32>
    %eq3A_652 = arith.constant 0 : i32
    %eq3A_653 = vector.broadcast %eq3A_652 : i32 to vector<16xi32>
    %eq3A_654 = arith.cmpi eq, %iota3A, %eq3A_653 : vector<16xi32>
    %jit3A_655 = arith.constant 0 : i32
    %broadcast_in_dim3A_656 = vector.broadcast %jit3A_655 : i32 to vector<16xi32>
    %select_n3A_657 = arith.select %eq3A_654, %add3A_635, %broadcast_in_dim3A_656 : vector<16xi1>, vector<16xi32>
    %reduce_sum3A_658 = arith.constant true
    %reduce_sum3A_659 = vector.broadcast %reduce_sum3A_658 : i1 to vector<16xi1>
    %reduce_sum3A_660 = tpu.scan <sum>, %select_n3A_657 masked %reduce_sum3A_659 : vector<16xi32>, vector<16xi1> -> vector<16xi32>
    %reduce_sum3A_661 = vector.extract %reduce_sum3A_660[15] : i32 from vector<16xi32>
    %add3A_662 = vector.broadcast %reduce_sum3A_661 : i32 to vector<16xi32>
    %add3A_663 = arith.addi %add3A_662, %masked_cumsum3A_651 : vector<16xi32>
    %sub3A_664 = arith.constant 1 : i32
    %sub3A_665 = vector.broadcast %sub3A_664 : i32 to vector<16xi32>
    %sub3A_666 = arith.subi %add3A_663, %sub3A_665 : vector<16xi32>
    %select_n3A_667 = arith.select %eq3A_643, %sub3A_666, %broadcast_in_dim3A_640 : vector<16xi1>, vector<16xi32>
    %eq3A_668 = arith.constant 0 : i32
    %eq3A_669 = vector.broadcast %eq3A_668 : i32 to vector<16xi32>
    %eq3A_670 = arith.cmpi eq, %iota3A, %eq3A_669 : vector<16xi32>
    %reduce_sum3A_671 = arith.constant true
    %reduce_sum3A_672 = vector.broadcast %reduce_sum3A_671 : i1 to vector<16xi1>
    %reduce_sum3A_673 = tpu.scan <sum>, %select_n3A_648 masked %reduce_sum3A_672 : vector<16xi32>, vector<16xi1> -> vector<16xi32>
    %reduce_sum3A_674 = vector.extract %reduce_sum3A_673[15] : i32 from vector<16xi32>
    %jit3A_675 = arith.constant 0 : i32
    %broadcast_in_dim3A_676 = vector.broadcast %reduce_sum3A_674 : i32 to vector<16xi32>
    %broadcast_in_dim3A_677 = vector.broadcast %jit3A_675 : i32 to vector<16xi32>
    %select_n3A_678 = arith.select %eq3A_670, %broadcast_in_dim3A_676, %broadcast_in_dim3A_677 : vector<16xi1>, vector<16xi32>
    %add3A_679 = arith.addi %add3A_635, %select_n3A_678 : vector<16xi32>
    %eq3A_680 = arith.constant 1 : i32
    %eq3A_681 = vector.broadcast %eq3A_680 : i32 to vector<16xi32>
    %eq3A_682 = arith.cmpi eq, %get3A_638, %eq3A_681 : vector<16xi32>
    %jit3A_683 = arith.constant 1 : i32
    %jit3A_684 = arith.constant 0 : i32
    %broadcast_in_dim3A_685 = vector.broadcast %jit3A_683 : i32 to vector<16xi32>
    %broadcast_in_dim3A_686 = vector.broadcast %jit3A_684 : i32 to vector<16xi32>
    %select_n3A_687 = arith.select %eq3A_682, %broadcast_in_dim3A_685, %broadcast_in_dim3A_686 : vector<16xi1>, vector<16xi32>
    %broadcast_in_dim3A_688 = arith.constant true
    %broadcast_in_dim3A_689 = vector.broadcast %broadcast_in_dim3A_688 : i1 to vector<16xi1>
    %masked_cumsum3A_690 = tpu.scan <sum>, %select_n3A_687 masked %broadcast_in_dim3A_689 : vector<16xi32>, vector<16xi1> -> vector<16xi32>
    %eq3A_691 = arith.constant 1 : i32
    %eq3A_692 = vector.broadcast %eq3A_691 : i32 to vector<16xi32>
    %eq3A_693 = arith.cmpi eq, %iota3A, %eq3A_692 : vector<16xi32>
    %jit3A_694 = arith.constant 0 : i32
    %broadcast_in_dim3A_695 = vector.broadcast %jit3A_694 : i32 to vector<16xi32>
    %select_n3A_696 = arith.select %eq3A_693, %add3A_679, %broadcast_in_dim3A_695 : vector<16xi1>, vector<16xi32>
    %reduce_sum3A_697 = arith.constant true
    %reduce_sum3A_698 = vector.broadcast %reduce_sum3A_697 : i1 to vector<16xi1>
    %reduce_sum3A_699 = tpu.scan <sum>, %select_n3A_696 masked %reduce_sum3A_698 : vector<16xi32>, vector<16xi1> -> vector<16xi32>
    %reduce_sum3A_700 = vector.extract %reduce_sum3A_699[15] : i32 from vector<16xi32>
    %add3A_701 = vector.broadcast %reduce_sum3A_700 : i32 to vector<16xi32>
    %add3A_702 = arith.addi %add3A_701, %masked_cumsum3A_690 : vector<16xi32>
    %sub3A_703 = arith.constant 1 : i32
    %sub3A_704 = vector.broadcast %sub3A_703 : i32 to vector<16xi32>
    %sub3A_705 = arith.subi %add3A_702, %sub3A_704 : vector<16xi32>
    %select_n3A_706 = arith.select %eq3A_682, %sub3A_705, %select_n3A_667 : vector<16xi1>, vector<16xi32>
    %eq3A_707 = arith.constant 1 : i32
    %eq3A_708 = vector.broadcast %eq3A_707 : i32 to vector<16xi32>
    %eq3A_709 = arith.cmpi eq, %iota3A, %eq3A_708 : vector<16xi32>
    %reduce_sum3A_710 = arith.constant true
    %reduce_sum3A_711 = vector.broadcast %reduce_sum3A_710 : i1 to vector<16xi1>
    %reduce_sum3A_712 = tpu.scan <sum>, %select_n3A_687 masked %reduce_sum3A_711 : vector<16xi32>, vector<16xi1> -> vector<16xi32>
    %reduce_sum3A_713 = vector.extract %reduce_sum3A_712[15] : i32 from vector<16xi32>
    %jit3A_714 = arith.constant 0 : i32
    %broadcast_in_dim3A_715 = vector.broadcast %reduce_sum3A_713 : i32 to vector<16xi32>
    %broadcast_in_dim3A_716 = vector.broadcast %jit3A_714 : i32 to vector<16xi32>
    %select_n3A_717 = arith.select %eq3A_709, %broadcast_in_dim3A_715, %broadcast_in_dim3A_716 : vector<16xi1>, vector<16xi32>
    %add3A_718 = arith.addi %add3A_679, %select_n3A_717 : vector<16xi32>
    %eq3A_719 = arith.constant 2 : i32
    %eq3A_720 = vector.broadcast %eq3A_719 : i32 to vector<16xi32>
    %eq3A_721 = arith.cmpi eq, %get3A_638, %eq3A_720 : vector<16xi32>
    %jit3A_722 = arith.constant 1 : i32
    %jit3A_723 = arith.constant 0 : i32
    %broadcast_in_dim3A_724 = vector.broadcast %jit3A_722 : i32 to vector<16xi32>
    %broadcast_in_dim3A_725 = vector.broadcast %jit3A_723 : i32 to vector<16xi32>
    %select_n3A_726 = arith.select %eq3A_721, %broadcast_in_dim3A_724, %broadcast_in_dim3A_725 : vector<16xi1>, vector<16xi32>
    %broadcast_in_dim3A_727 = arith.constant true
    %broadcast_in_dim3A_728 = vector.broadcast %broadcast_in_dim3A_727 : i1 to vector<16xi1>
    %masked_cumsum3A_729 = tpu.scan <sum>, %select_n3A_726 masked %broadcast_in_dim3A_728 : vector<16xi32>, vector<16xi1> -> vector<16xi32>
    %eq3A_730 = arith.constant 2 : i32
    %eq3A_731 = vector.broadcast %eq3A_730 : i32 to vector<16xi32>
    %eq3A_732 = arith.cmpi eq, %iota3A, %eq3A_731 : vector<16xi32>
    %jit3A_733 = arith.constant 0 : i32
    %broadcast_in_dim3A_734 = vector.broadcast %jit3A_733 : i32 to vector<16xi32>
    %select_n3A_735 = arith.select %eq3A_732, %add3A_718, %broadcast_in_dim3A_734 : vector<16xi1>, vector<16xi32>
    %reduce_sum3A_736 = arith.constant true
    %reduce_sum3A_737 = vector.broadcast %reduce_sum3A_736 : i1 to vector<16xi1>
    %reduce_sum3A_738 = tpu.scan <sum>, %select_n3A_735 masked %reduce_sum3A_737 : vector<16xi32>, vector<16xi1> -> vector<16xi32>
    %reduce_sum3A_739 = vector.extract %reduce_sum3A_738[15] : i32 from vector<16xi32>
    %add3A_740 = vector.broadcast %reduce_sum3A_739 : i32 to vector<16xi32>
    %add3A_741 = arith.addi %add3A_740, %masked_cumsum3A_729 : vector<16xi32>
    %sub3A_742 = arith.constant 1 : i32
    %sub3A_743 = vector.broadcast %sub3A_742 : i32 to vector<16xi32>
    %sub3A_744 = arith.subi %add3A_741, %sub3A_743 : vector<16xi32>
    %select_n3A_745 = arith.select %eq3A_721, %sub3A_744, %select_n3A_706 : vector<16xi1>, vector<16xi32>
    %eq3A_746 = arith.constant 2 : i32
    %eq3A_747 = vector.broadcast %eq3A_746 : i32 to vector<16xi32>
    %eq3A_748 = arith.cmpi eq, %iota3A, %eq3A_747 : vector<16xi32>
    %reduce_sum3A_749 = arith.constant true
    %reduce_sum3A_750 = vector.broadcast %reduce_sum3A_749 : i1 to vector<16xi1>
    %reduce_sum3A_751 = tpu.scan <sum>, %select_n3A_726 masked %reduce_sum3A_750 : vector<16xi32>, vector<16xi1> -> vector<16xi32>
    %reduce_sum3A_752 = vector.extract %reduce_sum3A_751[15] : i32 from vector<16xi32>
    %jit3A_753 = arith.constant 0 : i32
    %broadcast_in_dim3A_754 = vector.broadcast %reduce_sum3A_752 : i32 to vector<16xi32>
    %broadcast_in_dim3A_755 = vector.broadcast %jit3A_753 : i32 to vector<16xi32>
    %select_n3A_756 = arith.select %eq3A_748, %broadcast_in_dim3A_754, %broadcast_in_dim3A_755 : vector<16xi1>, vector<16xi32>
    %add3A_757 = arith.addi %add3A_718, %select_n3A_756 : vector<16xi32>
    %eq3A_758 = arith.constant 3 : i32
    %eq3A_759 = vector.broadcast %eq3A_758 : i32 to vector<16xi32>
    %eq3A_760 = arith.cmpi eq, %get3A_638, %eq3A_759 : vector<16xi32>
    %jit3A_761 = arith.constant 1 : i32
    %jit3A_762 = arith.constant 0 : i32
    %broadcast_in_dim3A_763 = vector.broadcast %jit3A_761 : i32 to vector<16xi32>
    %broadcast_in_dim3A_764 = vector.broadcast %jit3A_762 : i32 to vector<16xi32>
    %select_n3A_765 = arith.select %eq3A_760, %broadcast_in_dim3A_763, %broadcast_in_dim3A_764 : vector<16xi1>, vector<16xi32>
    %broadcast_in_dim3A_766 = arith.constant true
    %broadcast_in_dim3A_767 = vector.broadcast %broadcast_in_dim3A_766 : i1 to vector<16xi1>
    %masked_cumsum3A_768 = tpu.scan <sum>, %select_n3A_765 masked %broadcast_in_dim3A_767 : vector<16xi32>, vector<16xi1> -> vector<16xi32>
    %eq3A_769 = arith.constant 3 : i32
    %eq3A_770 = vector.broadcast %eq3A_769 : i32 to vector<16xi32>
    %eq3A_771 = arith.cmpi eq, %iota3A, %eq3A_770 : vector<16xi32>
    %jit3A_772 = arith.constant 0 : i32
    %broadcast_in_dim3A_773 = vector.broadcast %jit3A_772 : i32 to vector<16xi32>
    %select_n3A_774 = arith.select %eq3A_771, %add3A_757, %broadcast_in_dim3A_773 : vector<16xi1>, vector<16xi32>
    %reduce_sum3A_775 = arith.constant true
    %reduce_sum3A_776 = vector.broadcast %reduce_sum3A_775 : i1 to vector<16xi1>
    %reduce_sum3A_777 = tpu.scan <sum>, %select_n3A_774 masked %reduce_sum3A_776 : vector<16xi32>, vector<16xi1> -> vector<16xi32>
    %reduce_sum3A_778 = vector.extract %reduce_sum3A_777[15] : i32 from vector<16xi32>
    %add3A_779 = vector.broadcast %reduce_sum3A_778 : i32 to vector<16xi32>
    %add3A_780 = arith.addi %add3A_779, %masked_cumsum3A_768 : vector<16xi32>
    %sub3A_781 = arith.constant 1 : i32
    %sub3A_782 = vector.broadcast %sub3A_781 : i32 to vector<16xi32>
    %sub3A_783 = arith.subi %add3A_780, %sub3A_782 : vector<16xi32>
    %select_n3A_784 = arith.select %eq3A_760, %sub3A_783, %select_n3A_745 : vector<16xi1>, vector<16xi32>
    %eq3A_785 = arith.constant 3 : i32
    %eq3A_786 = vector.broadcast %eq3A_785 : i32 to vector<16xi32>
    %eq3A_787 = arith.cmpi eq, %iota3A, %eq3A_786 : vector<16xi32>
    %reduce_sum3A_788 = arith.constant true
    %reduce_sum3A_789 = vector.broadcast %reduce_sum3A_788 : i1 to vector<16xi1>
    %reduce_sum3A_790 = tpu.scan <sum>, %select_n3A_765 masked %reduce_sum3A_789 : vector<16xi32>, vector<16xi1> -> vector<16xi32>
    %reduce_sum3A_791 = vector.extract %reduce_sum3A_790[15] : i32 from vector<16xi32>
    %jit3A_792 = arith.constant 0 : i32
    %broadcast_in_dim3A_793 = vector.broadcast %reduce_sum3A_791 : i32 to vector<16xi32>
    %broadcast_in_dim3A_794 = vector.broadcast %jit3A_792 : i32 to vector<16xi32>
    %select_n3A_795 = arith.select %eq3A_787, %broadcast_in_dim3A_793, %broadcast_in_dim3A_794 : vector<16xi1>, vector<16xi32>
    %add3A_796 = arith.addi %add3A_757, %select_n3A_795 : vector<16xi32>
    %eq3A_797 = arith.constant 4 : i32
    %eq3A_798 = vector.broadcast %eq3A_797 : i32 to vector<16xi32>
    %eq3A_799 = arith.cmpi eq, %get3A_638, %eq3A_798 : vector<16xi32>
    %jit3A_800 = arith.constant 1 : i32
    %jit3A_801 = arith.constant 0 : i32
    %broadcast_in_dim3A_802 = vector.broadcast %jit3A_800 : i32 to vector<16xi32>
    %broadcast_in_dim3A_803 = vector.broadcast %jit3A_801 : i32 to vector<16xi32>
    %select_n3A_804 = arith.select %eq3A_799, %broadcast_in_dim3A_802, %broadcast_in_dim3A_803 : vector<16xi1>, vector<16xi32>
    %broadcast_in_dim3A_805 = arith.constant true
    %broadcast_in_dim3A_806 = vector.broadcast %broadcast_in_dim3A_805 : i1 to vector<16xi1>
    %masked_cumsum3A_807 = tpu.scan <sum>, %select_n3A_804 masked %broadcast_in_dim3A_806 : vector<16xi32>, vector<16xi1> -> vector<16xi32>
    %eq3A_808 = arith.constant 4 : i32
    %eq3A_809 = vector.broadcast %eq3A_808 : i32 to vector<16xi32>
    %eq3A_810 = arith.cmpi eq, %iota3A, %eq3A_809 : vector<16xi32>
    %jit3A_811 = arith.constant 0 : i32
    %broadcast_in_dim3A_812 = vector.broadcast %jit3A_811 : i32 to vector<16xi32>
    %select_n3A_813 = arith.select %eq3A_810, %add3A_796, %broadcast_in_dim3A_812 : vector<16xi1>, vector<16xi32>
    %reduce_sum3A_814 = arith.constant true
    %reduce_sum3A_815 = vector.broadcast %reduce_sum3A_814 : i1 to vector<16xi1>
    %reduce_sum3A_816 = tpu.scan <sum>, %select_n3A_813 masked %reduce_sum3A_815 : vector<16xi32>, vector<16xi1> -> vector<16xi32>
    %reduce_sum3A_817 = vector.extract %reduce_sum3A_816[15] : i32 from vector<16xi32>
    %add3A_818 = vector.broadcast %reduce_sum3A_817 : i32 to vector<16xi32>
    %add3A_819 = arith.addi %add3A_818, %masked_cumsum3A_807 : vector<16xi32>
    %sub3A_820 = arith.constant 1 : i32
    %sub3A_821 = vector.broadcast %sub3A_820 : i32 to vector<16xi32>
    %sub3A_822 = arith.subi %add3A_819, %sub3A_821 : vector<16xi32>
    %select_n3A_823 = arith.select %eq3A_799, %sub3A_822, %select_n3A_784 : vector<16xi1>, vector<16xi32>
    %eq3A_824 = arith.constant 4 : i32
    %eq3A_825 = vector.broadcast %eq3A_824 : i32 to vector<16xi32>
    %eq3A_826 = arith.cmpi eq, %iota3A, %eq3A_825 : vector<16xi32>
    %reduce_sum3A_827 = arith.constant true
    %reduce_sum3A_828 = vector.broadcast %reduce_sum3A_827 : i1 to vector<16xi1>
    %reduce_sum3A_829 = tpu.scan <sum>, %select_n3A_804 masked %reduce_sum3A_828 : vector<16xi32>, vector<16xi1> -> vector<16xi32>
    %reduce_sum3A_830 = vector.extract %reduce_sum3A_829[15] : i32 from vector<16xi32>
    %jit3A_831 = arith.constant 0 : i32
    %broadcast_in_dim3A_832 = vector.broadcast %reduce_sum3A_830 : i32 to vector<16xi32>
    %broadcast_in_dim3A_833 = vector.broadcast %jit3A_831 : i32 to vector<16xi32>
    %select_n3A_834 = arith.select %eq3A_826, %broadcast_in_dim3A_832, %broadcast_in_dim3A_833 : vector<16xi1>, vector<16xi32>
    %add3A_835 = arith.addi %add3A_796, %select_n3A_834 : vector<16xi32>
    %eq3A_836 = arith.constant 5 : i32
    %eq3A_837 = vector.broadcast %eq3A_836 : i32 to vector<16xi32>
    %eq3A_838 = arith.cmpi eq, %get3A_638, %eq3A_837 : vector<16xi32>
    %jit3A_839 = arith.constant 1 : i32
    %jit3A_840 = arith.constant 0 : i32
    %broadcast_in_dim3A_841 = vector.broadcast %jit3A_839 : i32 to vector<16xi32>
    %broadcast_in_dim3A_842 = vector.broadcast %jit3A_840 : i32 to vector<16xi32>
    %select_n3A_843 = arith.select %eq3A_838, %broadcast_in_dim3A_841, %broadcast_in_dim3A_842 : vector<16xi1>, vector<16xi32>
    %broadcast_in_dim3A_844 = arith.constant true
    %broadcast_in_dim3A_845 = vector.broadcast %broadcast_in_dim3A_844 : i1 to vector<16xi1>
    %masked_cumsum3A_846 = tpu.scan <sum>, %select_n3A_843 masked %broadcast_in_dim3A_845 : vector<16xi32>, vector<16xi1> -> vector<16xi32>
    %eq3A_847 = arith.constant 5 : i32
    %eq3A_848 = vector.broadcast %eq3A_847 : i32 to vector<16xi32>
    %eq3A_849 = arith.cmpi eq, %iota3A, %eq3A_848 : vector<16xi32>
    %jit3A_850 = arith.constant 0 : i32
    %broadcast_in_dim3A_851 = vector.broadcast %jit3A_850 : i32 to vector<16xi32>
    %select_n3A_852 = arith.select %eq3A_849, %add3A_835, %broadcast_in_dim3A_851 : vector<16xi1>, vector<16xi32>
    %reduce_sum3A_853 = arith.constant true
    %reduce_sum3A_854 = vector.broadcast %reduce_sum3A_853 : i1 to vector<16xi1>
    %reduce_sum3A_855 = tpu.scan <sum>, %select_n3A_852 masked %reduce_sum3A_854 : vector<16xi32>, vector<16xi1> -> vector<16xi32>
    %reduce_sum3A_856 = vector.extract %reduce_sum3A_855[15] : i32 from vector<16xi32>
    %add3A_857 = vector.broadcast %reduce_sum3A_856 : i32 to vector<16xi32>
    %add3A_858 = arith.addi %add3A_857, %masked_cumsum3A_846 : vector<16xi32>
    %sub3A_859 = arith.constant 1 : i32
    %sub3A_860 = vector.broadcast %sub3A_859 : i32 to vector<16xi32>
    %sub3A_861 = arith.subi %add3A_858, %sub3A_860 : vector<16xi32>
    %select_n3A_862 = arith.select %eq3A_838, %sub3A_861, %select_n3A_823 : vector<16xi1>, vector<16xi32>
    %eq3A_863 = arith.constant 5 : i32
    %eq3A_864 = vector.broadcast %eq3A_863 : i32 to vector<16xi32>
    %eq3A_865 = arith.cmpi eq, %iota3A, %eq3A_864 : vector<16xi32>
    %reduce_sum3A_866 = arith.constant true
    %reduce_sum3A_867 = vector.broadcast %reduce_sum3A_866 : i1 to vector<16xi1>
    %reduce_sum3A_868 = tpu.scan <sum>, %select_n3A_843 masked %reduce_sum3A_867 : vector<16xi32>, vector<16xi1> -> vector<16xi32>
    %reduce_sum3A_869 = vector.extract %reduce_sum3A_868[15] : i32 from vector<16xi32>
    %jit3A_870 = arith.constant 0 : i32
    %broadcast_in_dim3A_871 = vector.broadcast %reduce_sum3A_869 : i32 to vector<16xi32>
    %broadcast_in_dim3A_872 = vector.broadcast %jit3A_870 : i32 to vector<16xi32>
    %select_n3A_873 = arith.select %eq3A_865, %broadcast_in_dim3A_871, %broadcast_in_dim3A_872 : vector<16xi1>, vector<16xi32>
    %add3A_874 = arith.addi %add3A_835, %select_n3A_873 : vector<16xi32>
    %eq3A_875 = arith.constant 6 : i32
    %eq3A_876 = vector.broadcast %eq3A_875 : i32 to vector<16xi32>
    %eq3A_877 = arith.cmpi eq, %get3A_638, %eq3A_876 : vector<16xi32>
    %jit3A_878 = arith.constant 1 : i32
    %jit3A_879 = arith.constant 0 : i32
    %broadcast_in_dim3A_880 = vector.broadcast %jit3A_878 : i32 to vector<16xi32>
    %broadcast_in_dim3A_881 = vector.broadcast %jit3A_879 : i32 to vector<16xi32>
    %select_n3A_882 = arith.select %eq3A_877, %broadcast_in_dim3A_880, %broadcast_in_dim3A_881 : vector<16xi1>, vector<16xi32>
    %broadcast_in_dim3A_883 = arith.constant true
    %broadcast_in_dim3A_884 = vector.broadcast %broadcast_in_dim3A_883 : i1 to vector<16xi1>
    %masked_cumsum3A_885 = tpu.scan <sum>, %select_n3A_882 masked %broadcast_in_dim3A_884 : vector<16xi32>, vector<16xi1> -> vector<16xi32>
    %eq3A_886 = arith.constant 6 : i32
    %eq3A_887 = vector.broadcast %eq3A_886 : i32 to vector<16xi32>
    %eq3A_888 = arith.cmpi eq, %iota3A, %eq3A_887 : vector<16xi32>
    %jit3A_889 = arith.constant 0 : i32
    %broadcast_in_dim3A_890 = vector.broadcast %jit3A_889 : i32 to vector<16xi32>
    %select_n3A_891 = arith.select %eq3A_888, %add3A_874, %broadcast_in_dim3A_890 : vector<16xi1>, vector<16xi32>
    %reduce_sum3A_892 = arith.constant true
    %reduce_sum3A_893 = vector.broadcast %reduce_sum3A_892 : i1 to vector<16xi1>
    %reduce_sum3A_894 = tpu.scan <sum>, %select_n3A_891 masked %reduce_sum3A_893 : vector<16xi32>, vector<16xi1> -> vector<16xi32>
    %reduce_sum3A_895 = vector.extract %reduce_sum3A_894[15] : i32 from vector<16xi32>
    %add3A_896 = vector.broadcast %reduce_sum3A_895 : i32 to vector<16xi32>
    %add3A_897 = arith.addi %add3A_896, %masked_cumsum3A_885 : vector<16xi32>
    %sub3A_898 = arith.constant 1 : i32
    %sub3A_899 = vector.broadcast %sub3A_898 : i32 to vector<16xi32>
    %sub3A_900 = arith.subi %add3A_897, %sub3A_899 : vector<16xi32>
    %select_n3A_901 = arith.select %eq3A_877, %sub3A_900, %select_n3A_862 : vector<16xi1>, vector<16xi32>
    %eq3A_902 = arith.constant 6 : i32
    %eq3A_903 = vector.broadcast %eq3A_902 : i32 to vector<16xi32>
    %eq3A_904 = arith.cmpi eq, %iota3A, %eq3A_903 : vector<16xi32>
    %reduce_sum3A_905 = arith.constant true
    %reduce_sum3A_906 = vector.broadcast %reduce_sum3A_905 : i1 to vector<16xi1>
    %reduce_sum3A_907 = tpu.scan <sum>, %select_n3A_882 masked %reduce_sum3A_906 : vector<16xi32>, vector<16xi1> -> vector<16xi32>
    %reduce_sum3A_908 = vector.extract %reduce_sum3A_907[15] : i32 from vector<16xi32>
    %jit3A_909 = arith.constant 0 : i32
    %broadcast_in_dim3A_910 = vector.broadcast %reduce_sum3A_908 : i32 to vector<16xi32>
    %broadcast_in_dim3A_911 = vector.broadcast %jit3A_909 : i32 to vector<16xi32>
    %select_n3A_912 = arith.select %eq3A_904, %broadcast_in_dim3A_910, %broadcast_in_dim3A_911 : vector<16xi1>, vector<16xi32>
    %add3A_913 = arith.addi %add3A_874, %select_n3A_912 : vector<16xi32>
    %eq3A_914 = arith.constant 7 : i32
    %eq3A_915 = vector.broadcast %eq3A_914 : i32 to vector<16xi32>
    %eq3A_916 = arith.cmpi eq, %get3A_638, %eq3A_915 : vector<16xi32>
    %jit3A_917 = arith.constant 1 : i32
    %jit3A_918 = arith.constant 0 : i32
    %broadcast_in_dim3A_919 = vector.broadcast %jit3A_917 : i32 to vector<16xi32>
    %broadcast_in_dim3A_920 = vector.broadcast %jit3A_918 : i32 to vector<16xi32>
    %select_n3A_921 = arith.select %eq3A_916, %broadcast_in_dim3A_919, %broadcast_in_dim3A_920 : vector<16xi1>, vector<16xi32>
    %broadcast_in_dim3A_922 = arith.constant true
    %broadcast_in_dim3A_923 = vector.broadcast %broadcast_in_dim3A_922 : i1 to vector<16xi1>
    %masked_cumsum3A_924 = tpu.scan <sum>, %select_n3A_921 masked %broadcast_in_dim3A_923 : vector<16xi32>, vector<16xi1> -> vector<16xi32>
    %eq3A_925 = arith.constant 7 : i32
    %eq3A_926 = vector.broadcast %eq3A_925 : i32 to vector<16xi32>
    %eq3A_927 = arith.cmpi eq, %iota3A, %eq3A_926 : vector<16xi32>
    %jit3A_928 = arith.constant 0 : i32
    %broadcast_in_dim3A_929 = vector.broadcast %jit3A_928 : i32 to vector<16xi32>
    %select_n3A_930 = arith.select %eq3A_927, %add3A_913, %broadcast_in_dim3A_929 : vector<16xi1>, vector<16xi32>
    %reduce_sum3A_931 = arith.constant true
    %reduce_sum3A_932 = vector.broadcast %reduce_sum3A_931 : i1 to vector<16xi1>
    %reduce_sum3A_933 = tpu.scan <sum>, %select_n3A_930 masked %reduce_sum3A_932 : vector<16xi32>, vector<16xi1> -> vector<16xi32>
    %reduce_sum3A_934 = vector.extract %reduce_sum3A_933[15] : i32 from vector<16xi32>
    %add3A_935 = vector.broadcast %reduce_sum3A_934 : i32 to vector<16xi32>
    %add3A_936 = arith.addi %add3A_935, %masked_cumsum3A_924 : vector<16xi32>
    %sub3A_937 = arith.constant 1 : i32
    %sub3A_938 = vector.broadcast %sub3A_937 : i32 to vector<16xi32>
    %sub3A_939 = arith.subi %add3A_936, %sub3A_938 : vector<16xi32>
    %select_n3A_940 = arith.select %eq3A_916, %sub3A_939, %select_n3A_901 : vector<16xi1>, vector<16xi32>
    %eq3A_941 = arith.constant 7 : i32
    %eq3A_942 = vector.broadcast %eq3A_941 : i32 to vector<16xi32>
    %eq3A_943 = arith.cmpi eq, %iota3A, %eq3A_942 : vector<16xi32>
    %reduce_sum3A_944 = arith.constant true
    %reduce_sum3A_945 = vector.broadcast %reduce_sum3A_944 : i1 to vector<16xi1>
    %reduce_sum3A_946 = tpu.scan <sum>, %select_n3A_921 masked %reduce_sum3A_945 : vector<16xi32>, vector<16xi1> -> vector<16xi32>
    %reduce_sum3A_947 = vector.extract %reduce_sum3A_946[15] : i32 from vector<16xi32>
    %jit3A_948 = arith.constant 0 : i32
    %broadcast_in_dim3A_949 = vector.broadcast %reduce_sum3A_947 : i32 to vector<16xi32>
    %broadcast_in_dim3A_950 = vector.broadcast %jit3A_948 : i32 to vector<16xi32>
    %select_n3A_951 = arith.select %eq3A_943, %broadcast_in_dim3A_949, %broadcast_in_dim3A_950 : vector<16xi1>, vector<16xi32>
    %add3A_952 = arith.addi %add3A_913, %select_n3A_951 : vector<16xi32>
    %swap3A_953 = arith.constant 16 : index
    %swap3A_954 = tpu.vector_load %arg10[%swap3A_953] {strides = array<i32>} : memref<64xi32, #tpu.memory_space<vmem>>, vector<16xi32>,
    tpu.vector_store %arg10[%swap3A_953], %select_n3A_940 {strides = array<i32>} : memref<64xi32, #tpu.memory_space<vmem>>, vector<16xi32>,
    %get3A_955 = arith.constant 32 : index
    %get3A_956 = tpu.vector_load %arg8[%get3A_955] {strides = array<i32>} : memref<128xi32, #tpu.memory_space<vmem>>, vector<16xi32>,
    %broadcast_in_dim3A_957 = arith.constant 0 : i32
    %broadcast_in_dim3A_958 = vector.broadcast %broadcast_in_dim3A_957 : i32 to vector<16xi32>
    %eq3A_959 = arith.constant 0 : i32
    %eq3A_960 = vector.broadcast %eq3A_959 : i32 to vector<16xi32>
    %eq3A_961 = arith.cmpi eq, %get3A_956, %eq3A_960 : vector<16xi32>
    %jit3A_962 = arith.constant 1 : i32
    %jit3A_963 = arith.constant 0 : i32
    %broadcast_in_dim3A_964 = vector.broadcast %jit3A_962 : i32 to vector<16xi32>
    %broadcast_in_dim3A_965 = vector.broadcast %jit3A_963 : i32 to vector<16xi32>
    %select_n3A_966 = arith.select %eq3A_961, %broadcast_in_dim3A_964, %broadcast_in_dim3A_965 : vector<16xi1>, vector<16xi32>
    %broadcast_in_dim3A_967 = arith.constant true
    %broadcast_in_dim3A_968 = vector.broadcast %broadcast_in_dim3A_967 : i1 to vector<16xi1>
    %masked_cumsum3A_969 = tpu.scan <sum>, %select_n3A_966 masked %broadcast_in_dim3A_968 : vector<16xi32>, vector<16xi1> -> vector<16xi32>
    %eq3A_970 = arith.constant 0 : i32
    %eq3A_971 = vector.broadcast %eq3A_970 : i32 to vector<16xi32>
    %eq3A_972 = arith.cmpi eq, %iota3A, %eq3A_971 : vector<16xi32>
    %jit3A_973 = arith.constant 0 : i32
    %broadcast_in_dim3A_974 = vector.broadcast %jit3A_973 : i32 to vector<16xi32>
    %select_n3A_975 = arith.select %eq3A_972, %add3A_952, %broadcast_in_dim3A_974 : vector<16xi1>, vector<16xi32>
    %reduce_sum3A_976 = arith.constant true
    %reduce_sum3A_977 = vector.broadcast %reduce_sum3A_976 : i1 to vector<16xi1>
    %reduce_sum3A_978 = tpu.scan <sum>, %select_n3A_975 masked %reduce_sum3A_977 : vector<16xi32>, vector<16xi1> -> vector<16xi32>
    %reduce_sum3A_979 = vector.extract %reduce_sum3A_978[15] : i32 from vector<16xi32>
    %add3A_980 = vector.broadcast %reduce_sum3A_979 : i32 to vector<16xi32>
    %add3A_981 = arith.addi %add3A_980, %masked_cumsum3A_969 : vector<16xi32>
    %sub3A_982 = arith.constant 1 : i32
    %sub3A_983 = vector.broadcast %sub3A_982 : i32 to vector<16xi32>
    %sub3A_984 = arith.subi %add3A_981, %sub3A_983 : vector<16xi32>
    %select_n3A_985 = arith.select %eq3A_961, %sub3A_984, %broadcast_in_dim3A_958 : vector<16xi1>, vector<16xi32>
    %eq3A_986 = arith.constant 0 : i32
    %eq3A_987 = vector.broadcast %eq3A_986 : i32 to vector<16xi32>
    %eq3A_988 = arith.cmpi eq, %iota3A, %eq3A_987 : vector<16xi32>
    %reduce_sum3A_989 = arith.constant true
    %reduce_sum3A_990 = vector.broadcast %reduce_sum3A_989 : i1 to vector<16xi1>
    %reduce_sum3A_991 = tpu.scan <sum>, %select_n3A_966 masked %reduce_sum3A_990 : vector<16xi32>, vector<16xi1> -> vector<16xi32>
    %reduce_sum3A_992 = vector.extract %reduce_sum3A_991[15] : i32 from vector<16xi32>
    %jit3A_993 = arith.constant 0 : i32
    %broadcast_in_dim3A_994 = vector.broadcast %reduce_sum3A_992 : i32 to vector<16xi32>
    %broadcast_in_dim3A_995 = vector.broadcast %jit3A_993 : i32 to vector<16xi32>
    %select_n3A_996 = arith.select %eq3A_988, %broadcast_in_dim3A_994, %broadcast_in_dim3A_995 : vector<16xi1>, vector<16xi32>
    %add3A_997 = arith.addi %add3A_952, %select_n3A_996 : vector<16xi32>
    %eq3A_998 = arith.constant 1 : i32
    %eq3A_999 = vector.broadcast %eq3A_998 : i32 to vector<16xi32>
    %eq3A_1000 = arith.cmpi eq, %get3A_956, %eq3A_999 : vector<16xi32>
    %jit3A_1001 = arith.constant 1 : i32
    %jit3A_1002 = arith.constant 0 : i32
    %broadcast_in_dim3A_1003 = vector.broadcast %jit3A_1001 : i32 to vector<16xi32>
    %broadcast_in_dim3A_1004 = vector.broadcast %jit3A_1002 : i32 to vector<16xi32>
    %select_n3A_1005 = arith.select %eq3A_1000, %broadcast_in_dim3A_1003, %broadcast_in_dim3A_1004 : vector<16xi1>, vector<16xi32>
    %broadcast_in_dim3A_1006 = arith.constant true
    %broadcast_in_dim3A_1007 = vector.broadcast %broadcast_in_dim3A_1006 : i1 to vector<16xi1>
    %masked_cumsum3A_1008 = tpu.scan <sum>, %select_n3A_1005 masked %broadcast_in_dim3A_1007 : vector<16xi32>, vector<16xi1> -> vector<16xi32>
    %eq3A_1009 = arith.constant 1 : i32
    %eq3A_1010 = vector.broadcast %eq3A_1009 : i32 to vector<16xi32>
    %eq3A_1011 = arith.cmpi eq, %iota3A, %eq3A_1010 : vector<16xi32>
    %jit3A_1012 = arith.constant 0 : i32
    %broadcast_in_dim3A_1013 = vector.broadcast %jit3A_1012 : i32 to vector<16xi32>
    %select_n3A_1014 = arith.select %eq3A_1011, %add3A_997, %broadcast_in_dim3A_1013 : vector<16xi1>, vector<16xi32>
    %reduce_sum3A_1015 = arith.constant true
    %reduce_sum3A_1016 = vector.broadcast %reduce_sum3A_1015 : i1 to vector<16xi1>
    %reduce_sum3A_1017 = tpu.scan <sum>, %select_n3A_1014 masked %reduce_sum3A_1016 : vector<16xi32>, vector<16xi1> -> vector<16xi32>
    %reduce_sum3A_1018 = vector.extract %reduce_sum3A_1017[15] : i32 from vector<16xi32>
    %add3A_1019 = vector.broadcast %reduce_sum3A_1018 : i32 to vector<16xi32>
    %add3A_1020 = arith.addi %add3A_1019, %masked_cumsum3A_1008 : vector<16xi32>
    %sub3A_1021 = arith.constant 1 : i32
    %sub3A_1022 = vector.broadcast %sub3A_1021 : i32 to vector<16xi32>
    %sub3A_1023 = arith.subi %add3A_1020, %sub3A_1022 : vector<16xi32>
    %select_n3A_1024 = arith.select %eq3A_1000, %sub3A_1023, %select_n3A_985 : vector<16xi1>, vector<16xi32>
    %eq3A_1025 = arith.constant 1 : i32
    %eq3A_1026 = vector.broadcast %eq3A_1025 : i32 to vector<16xi32>
    %eq3A_1027 = arith.cmpi eq, %iota3A, %eq3A_1026 : vector<16xi32>
    %reduce_sum3A_1028 = arith.constant true
    %reduce_sum3A_1029 = vector.broadcast %reduce_sum3A_1028 : i1 to vector<16xi1>
    %reduce_sum3A_1030 = tpu.scan <sum>, %select_n3A_1005 masked %reduce_sum3A_1029 : vector<16xi32>, vector<16xi1> -> vector<16xi32>
    %reduce_sum3A_1031 = vector.extract %reduce_sum3A_1030[15] : i32 from vector<16xi32>
    %jit3A_1032 = arith.constant 0 : i32
    %broadcast_in_dim3A_1033 = vector.broadcast %reduce_sum3A_1031 : i32 to vector<16xi32>
    %broadcast_in_dim3A_1034 = vector.broadcast %jit3A_1032 : i32 to vector<16xi32>
    %select_n3A_1035 = arith.select %eq3A_1027, %broadcast_in_dim3A_1033, %broadcast_in_dim3A_1034 : vector<16xi1>, vector<16xi32>
    %add3A_1036 = arith.addi %add3A_997, %select_n3A_1035 : vector<16xi32>
    %eq3A_1037 = arith.constant 2 : i32
    %eq3A_1038 = vector.broadcast %eq3A_1037 : i32 to vector<16xi32>
    %eq3A_1039 = arith.cmpi eq, %get3A_956, %eq3A_1038 : vector<16xi32>
    %jit3A_1040 = arith.constant 1 : i32
    %jit3A_1041 = arith.constant 0 : i32
    %broadcast_in_dim3A_1042 = vector.broadcast %jit3A_1040 : i32 to vector<16xi32>
    %broadcast_in_dim3A_1043 = vector.broadcast %jit3A_1041 : i32 to vector<16xi32>
    %select_n3A_1044 = arith.select %eq3A_1039, %broadcast_in_dim3A_1042, %broadcast_in_dim3A_1043 : vector<16xi1>, vector<16xi32>
    %broadcast_in_dim3A_1045 = arith.constant true
    %broadcast_in_dim3A_1046 = vector.broadcast %broadcast_in_dim3A_1045 : i1 to vector<16xi1>
    %masked_cumsum3A_1047 = tpu.scan <sum>, %select_n3A_1044 masked %broadcast_in_dim3A_1046 : vector<16xi32>, vector<16xi1> -> vector<16xi32>
    %eq3A_1048 = arith.constant 2 : i32
    %eq3A_1049 = vector.broadcast %eq3A_1048 : i32 to vector<16xi32>
    %eq3A_1050 = arith.cmpi eq, %iota3A, %eq3A_1049 : vector<16xi32>
    %jit3A_1051 = arith.constant 0 : i32
    %broadcast_in_dim3A_1052 = vector.broadcast %jit3A_1051 : i32 to vector<16xi32>
    %select_n3A_1053 = arith.select %eq3A_1050, %add3A_1036, %broadcast_in_dim3A_1052 : vector<16xi1>, vector<16xi32>
    %reduce_sum3A_1054 = arith.constant true
    %reduce_sum3A_1055 = vector.broadcast %reduce_sum3A_1054 : i1 to vector<16xi1>
    %reduce_sum3A_1056 = tpu.scan <sum>, %select_n3A_1053 masked %reduce_sum3A_1055 : vector<16xi32>, vector<16xi1> -> vector<16xi32>
    %reduce_sum3A_1057 = vector.extract %reduce_sum3A_1056[15] : i32 from vector<16xi32>
    %add3A_1058 = vector.broadcast %reduce_sum3A_1057 : i32 to vector<16xi32>
    %add3A_1059 = arith.addi %add3A_1058, %masked_cumsum3A_1047 : vector<16xi32>
    %sub3A_1060 = arith.constant 1 : i32
    %sub3A_1061 = vector.broadcast %sub3A_1060 : i32 to vector<16xi32>
    %sub3A_1062 = arith.subi %add3A_1059, %sub3A_1061 : vector<16xi32>
    %select_n3A_1063 = arith.select %eq3A_1039, %sub3A_1062, %select_n3A_1024 : vector<16xi1>, vector<16xi32>
    %eq3A_1064 = arith.constant 2 : i32
    %eq3A_1065 = vector.broadcast %eq3A_1064 : i32 to vector<16xi32>
    %eq3A_1066 = arith.cmpi eq, %iota3A, %eq3A_1065 : vector<16xi32>
    %reduce_sum3A_1067 = arith.constant true
    %reduce_sum3A_1068 = vector.broadcast %reduce_sum3A_1067 : i1 to vector<16xi1>
    %reduce_sum3A_1069 = tpu.scan <sum>, %select_n3A_1044 masked %reduce_sum3A_1068 : vector<16xi32>, vector<16xi1> -> vector<16xi32>
    %reduce_sum3A_1070 = vector.extract %reduce_sum3A_1069[15] : i32 from vector<16xi32>
    %jit3A_1071 = arith.constant 0 : i32
    %broadcast_in_dim3A_1072 = vector.broadcast %reduce_sum3A_1070 : i32 to vector<16xi32>
    %broadcast_in_dim3A_1073 = vector.broadcast %jit3A_1071 : i32 to vector<16xi32>
    %select_n3A_1074 = arith.select %eq3A_1066, %broadcast_in_dim3A_1072, %broadcast_in_dim3A_1073 : vector<16xi1>, vector<16xi32>
    %add3A_1075 = arith.addi %add3A_1036, %select_n3A_1074 : vector<16xi32>
    %eq3A_1076 = arith.constant 3 : i32
    %eq3A_1077 = vector.broadcast %eq3A_1076 : i32 to vector<16xi32>
    %eq3A_1078 = arith.cmpi eq, %get3A_956, %eq3A_1077 : vector<16xi32>
    %jit3A_1079 = arith.constant 1 : i32
    %jit3A_1080 = arith.constant 0 : i32
    %broadcast_in_dim3A_1081 = vector.broadcast %jit3A_1079 : i32 to vector<16xi32>
    %broadcast_in_dim3A_1082 = vector.broadcast %jit3A_1080 : i32 to vector<16xi32>
    %select_n3A_1083 = arith.select %eq3A_1078, %broadcast_in_dim3A_1081, %broadcast_in_dim3A_1082 : vector<16xi1>, vector<16xi32>
    %broadcast_in_dim3A_1084 = arith.constant true
    %broadcast_in_dim3A_1085 = vector.broadcast %broadcast_in_dim3A_1084 : i1 to vector<16xi1>
    %masked_cumsum3A_1086 = tpu.scan <sum>, %select_n3A_1083 masked %broadcast_in_dim3A_1085 : vector<16xi32>, vector<16xi1> -> vector<16xi32>
    %eq3A_1087 = arith.constant 3 : i32
    %eq3A_1088 = vector.broadcast %eq3A_1087 : i32 to vector<16xi32>
    %eq3A_1089 = arith.cmpi eq, %iota3A, %eq3A_1088 : vector<16xi32>
    %jit3A_1090 = arith.constant 0 : i32
    %broadcast_in_dim3A_1091 = vector.broadcast %jit3A_1090 : i32 to vector<16xi32>
    %select_n3A_1092 = arith.select %eq3A_1089, %add3A_1075, %broadcast_in_dim3A_1091 : vector<16xi1>, vector<16xi32>
    %reduce_sum3A_1093 = arith.constant true
    %reduce_sum3A_1094 = vector.broadcast %reduce_sum3A_1093 : i1 to vector<16xi1>
    %reduce_sum3A_1095 = tpu.scan <sum>, %select_n3A_1092 masked %reduce_sum3A_1094 : vector<16xi32>, vector<16xi1> -> vector<16xi32>
    %reduce_sum3A_1096 = vector.extract %reduce_sum3A_1095[15] : i32 from vector<16xi32>
    %add3A_1097 = vector.broadcast %reduce_sum3A_1096 : i32 to vector<16xi32>
    %add3A_1098 = arith.addi %add3A_1097, %masked_cumsum3A_1086 : vector<16xi32>
    %sub3A_1099 = arith.constant 1 : i32
    %sub3A_1100 = vector.broadcast %sub3A_1099 : i32 to vector<16xi32>
    %sub3A_1101 = arith.subi %add3A_1098, %sub3A_1100 : vector<16xi32>
    %select_n3A_1102 = arith.select %eq3A_1078, %sub3A_1101, %select_n3A_1063 : vector<16xi1>, vector<16xi32>
    %eq3A_1103 = arith.constant 3 : i32
    %eq3A_1104 = vector.broadcast %eq3A_1103 : i32 to vector<16xi32>
    %eq3A_1105 = arith.cmpi eq, %iota3A, %eq3A_1104 : vector<16xi32>
    %reduce_sum3A_1106 = arith.constant true
    %reduce_sum3A_1107 = vector.broadcast %reduce_sum3A_1106 : i1 to vector<16xi1>
    %reduce_sum3A_1108 = tpu.scan <sum>, %select_n3A_1083 masked %reduce_sum3A_1107 : vector<16xi32>, vector<16xi1> -> vector<16xi32>
    %reduce_sum3A_1109 = vector.extract %reduce_sum3A_1108[15] : i32 from vector<16xi32>
    %jit3A_1110 = arith.constant 0 : i32
    %broadcast_in_dim3A_1111 = vector.broadcast %reduce_sum3A_1109 : i32 to vector<16xi32>
    %broadcast_in_dim3A_1112 = vector.broadcast %jit3A_1110 : i32 to vector<16xi32>
    %select_n3A_1113 = arith.select %eq3A_1105, %broadcast_in_dim3A_1111, %broadcast_in_dim3A_1112 : vector<16xi1>, vector<16xi32>
    %add3A_1114 = arith.addi %add3A_1075, %select_n3A_1113 : vector<16xi32>
    %eq3A_1115 = arith.constant 4 : i32
    %eq3A_1116 = vector.broadcast %eq3A_1115 : i32 to vector<16xi32>
    %eq3A_1117 = arith.cmpi eq, %get3A_956, %eq3A_1116 : vector<16xi32>
    %jit3A_1118 = arith.constant 1 : i32
    %jit3A_1119 = arith.constant 0 : i32
    %broadcast_in_dim3A_1120 = vector.broadcast %jit3A_1118 : i32 to vector<16xi32>
    %broadcast_in_dim3A_1121 = vector.broadcast %jit3A_1119 : i32 to vector<16xi32>
    %select_n3A_1122 = arith.select %eq3A_1117, %broadcast_in_dim3A_1120, %broadcast_in_dim3A_1121 : vector<16xi1>, vector<16xi32>
    %broadcast_in_dim3A_1123 = arith.constant true
    %broadcast_in_dim3A_1124 = vector.broadcast %broadcast_in_dim3A_1123 : i1 to vector<16xi1>
    %masked_cumsum3A_1125 = tpu.scan <sum>, %select_n3A_1122 masked %broadcast_in_dim3A_1124 : vector<16xi32>, vector<16xi1> -> vector<16xi32>
    %eq3A_1126 = arith.constant 4 : i32
    %eq3A_1127 = vector.broadcast %eq3A_1126 : i32 to vector<16xi32>
    %eq3A_1128 = arith.cmpi eq, %iota3A, %eq3A_1127 : vector<16xi32>
    %jit3A_1129 = arith.constant 0 : i32
    %broadcast_in_dim3A_1130 = vector.broadcast %jit3A_1129 : i32 to vector<16xi32>
    %select_n3A_1131 = arith.select %eq3A_1128, %add3A_1114, %broadcast_in_dim3A_1130 : vector<16xi1>, vector<16xi32>
    %reduce_sum3A_1132 = arith.constant true
    %reduce_sum3A_1133 = vector.broadcast %reduce_sum3A_1132 : i1 to vector<16xi1>
    %reduce_sum3A_1134 = tpu.scan <sum>, %select_n3A_1131 masked %reduce_sum3A_1133 : vector<16xi32>, vector<16xi1> -> vector<16xi32>
    %reduce_sum3A_1135 = vector.extract %reduce_sum3A_1134[15] : i32 from vector<16xi32>
    %add3A_1136 = vector.broadcast %reduce_sum3A_1135 : i32 to vector<16xi32>
    %add3A_1137 = arith.addi %add3A_1136, %masked_cumsum3A_1125 : vector<16xi32>
    %sub3A_1138 = arith.constant 1 : i32
    %sub3A_1139 = vector.broadcast %sub3A_1138 : i32 to vector<16xi32>
    %sub3A_1140 = arith.subi %add3A_1137, %sub3A_1139 : vector<16xi32>
    %select_n3A_1141 = arith.select %eq3A_1117, %sub3A_1140, %select_n3A_1102 : vector<16xi1>, vector<16xi32>
    %eq3A_1142 = arith.constant 4 : i32
    %eq3A_1143 = vector.broadcast %eq3A_1142 : i32 to vector<16xi32>
    %eq3A_1144 = arith.cmpi eq, %iota3A, %eq3A_1143 : vector<16xi32>
    %reduce_sum3A_1145 = arith.constant true
    %reduce_sum3A_1146 = vector.broadcast %reduce_sum3A_1145 : i1 to vector<16xi1>
    %reduce_sum3A_1147 = tpu.scan <sum>, %select_n3A_1122 masked %reduce_sum3A_1146 : vector<16xi32>, vector<16xi1> -> vector<16xi32>
    %reduce_sum3A_1148 = vector.extract %reduce_sum3A_1147[15] : i32 from vector<16xi32>
    %jit3A_1149 = arith.constant 0 : i32
    %broadcast_in_dim3A_1150 = vector.broadcast %reduce_sum3A_1148 : i32 to vector<16xi32>
    %broadcast_in_dim3A_1151 = vector.broadcast %jit3A_1149 : i32 to vector<16xi32>
    %select_n3A_1152 = arith.select %eq3A_1144, %broadcast_in_dim3A_1150, %broadcast_in_dim3A_1151 : vector<16xi1>, vector<16xi32>
    %add3A_1153 = arith.addi %add3A_1114, %select_n3A_1152 : vector<16xi32>
    %eq3A_1154 = arith.constant 5 : i32
    %eq3A_1155 = vector.broadcast %eq3A_1154 : i32 to vector<16xi32>
    %eq3A_1156 = arith.cmpi eq, %get3A_956, %eq3A_1155 : vector<16xi32>
    %jit3A_1157 = arith.constant 1 : i32
    %jit3A_1158 = arith.constant 0 : i32
    %broadcast_in_dim3A_1159 = vector.broadcast %jit3A_1157 : i32 to vector<16xi32>
    %broadcast_in_dim3A_1160 = vector.broadcast %jit3A_1158 : i32 to vector<16xi32>
    %select_n3A_1161 = arith.select %eq3A_1156, %broadcast_in_dim3A_1159, %broadcast_in_dim3A_1160 : vector<16xi1>, vector<16xi32>
    %broadcast_in_dim3A_1162 = arith.constant true
    %broadcast_in_dim3A_1163 = vector.broadcast %broadcast_in_dim3A_1162 : i1 to vector<16xi1>
    %masked_cumsum3A_1164 = tpu.scan <sum>, %select_n3A_1161 masked %broadcast_in_dim3A_1163 : vector<16xi32>, vector<16xi1> -> vector<16xi32>
    %eq3A_1165 = arith.constant 5 : i32
    %eq3A_1166 = vector.broadcast %eq3A_1165 : i32 to vector<16xi32>
    %eq3A_1167 = arith.cmpi eq, %iota3A, %eq3A_1166 : vector<16xi32>
    %jit3A_1168 = arith.constant 0 : i32
    %broadcast_in_dim3A_1169 = vector.broadcast %jit3A_1168 : i32 to vector<16xi32>
    %select_n3A_1170 = arith.select %eq3A_1167, %add3A_1153, %broadcast_in_dim3A_1169 : vector<16xi1>, vector<16xi32>
    %reduce_sum3A_1171 = arith.constant true
    %reduce_sum3A_1172 = vector.broadcast %reduce_sum3A_1171 : i1 to vector<16xi1>
    %reduce_sum3A_1173 = tpu.scan <sum>, %select_n3A_1170 masked %reduce_sum3A_1172 : vector<16xi32>, vector<16xi1> -> vector<16xi32>
    %reduce_sum3A_1174 = vector.extract %reduce_sum3A_1173[15] : i32 from vector<16xi32>
    %add3A_1175 = vector.broadcast %reduce_sum3A_1174 : i32 to vector<16xi32>
    %add3A_1176 = arith.addi %add3A_1175, %masked_cumsum3A_1164 : vector<16xi32>
    %sub3A_1177 = arith.constant 1 : i32
    %sub3A_1178 = vector.broadcast %sub3A_1177 : i32 to vector<16xi32>
    %sub3A_1179 = arith.subi %add3A_1176, %sub3A_1178 : vector<16xi32>
    %select_n3A_1180 = arith.select %eq3A_1156, %sub3A_1179, %select_n3A_1141 : vector<16xi1>, vector<16xi32>
    %eq3A_1181 = arith.constant 5 : i32
    %eq3A_1182 = vector.broadcast %eq3A_1181 : i32 to vector<16xi32>
    %eq3A_1183 = arith.cmpi eq, %iota3A, %eq3A_1182 : vector<16xi32>
    %reduce_sum3A_1184 = arith.constant true
    %reduce_sum3A_1185 = vector.broadcast %reduce_sum3A_1184 : i1 to vector<16xi1>
    %reduce_sum3A_1186 = tpu.scan <sum>, %select_n3A_1161 masked %reduce_sum3A_1185 : vector<16xi32>, vector<16xi1> -> vector<16xi32>
    %reduce_sum3A_1187 = vector.extract %reduce_sum3A_1186[15] : i32 from vector<16xi32>
    %jit3A_1188 = arith.constant 0 : i32
    %broadcast_in_dim3A_1189 = vector.broadcast %reduce_sum3A_1187 : i32 to vector<16xi32>
    %broadcast_in_dim3A_1190 = vector.broadcast %jit3A_1188 : i32 to vector<16xi32>
    %select_n3A_1191 = arith.select %eq3A_1183, %broadcast_in_dim3A_1189, %broadcast_in_dim3A_1190 : vector<16xi1>, vector<16xi32>
    %add3A_1192 = arith.addi %add3A_1153, %select_n3A_1191 : vector<16xi32>
    %eq3A_1193 = arith.constant 6 : i32
    %eq3A_1194 = vector.broadcast %eq3A_1193 : i32 to vector<16xi32>
    %eq3A_1195 = arith.cmpi eq, %get3A_956, %eq3A_1194 : vector<16xi32>
    %jit3A_1196 = arith.constant 1 : i32
    %jit3A_1197 = arith.constant 0 : i32
    %broadcast_in_dim3A_1198 = vector.broadcast %jit3A_1196 : i32 to vector<16xi32>
    %broadcast_in_dim3A_1199 = vector.broadcast %jit3A_1197 : i32 to vector<16xi32>
    %select_n3A_1200 = arith.select %eq3A_1195, %broadcast_in_dim3A_1198, %broadcast_in_dim3A_1199 : vector<16xi1>, vector<16xi32>
    %broadcast_in_dim3A_1201 = arith.constant true
    %broadcast_in_dim3A_1202 = vector.broadcast %broadcast_in_dim3A_1201 : i1 to vector<16xi1>
    %masked_cumsum3A_1203 = tpu.scan <sum>, %select_n3A_1200 masked %broadcast_in_dim3A_1202 : vector<16xi32>, vector<16xi1> -> vector<16xi32>
    %eq3A_1204 = arith.constant 6 : i32
    %eq3A_1205 = vector.broadcast %eq3A_1204 : i32 to vector<16xi32>
    %eq3A_1206 = arith.cmpi eq, %iota3A, %eq3A_1205 : vector<16xi32>
    %jit3A_1207 = arith.constant 0 : i32
    %broadcast_in_dim3A_1208 = vector.broadcast %jit3A_1207 : i32 to vector<16xi32>
    %select_n3A_1209 = arith.select %eq3A_1206, %add3A_1192, %broadcast_in_dim3A_1208 : vector<16xi1>, vector<16xi32>
    %reduce_sum3A_1210 = arith.constant true
    %reduce_sum3A_1211 = vector.broadcast %reduce_sum3A_1210 : i1 to vector<16xi1>
    %reduce_sum3A_1212 = tpu.scan <sum>, %select_n3A_1209 masked %reduce_sum3A_1211 : vector<16xi32>, vector<16xi1> -> vector<16xi32>
    %reduce_sum3A_1213 = vector.extract %reduce_sum3A_1212[15] : i32 from vector<16xi32>
    %add3A_1214 = vector.broadcast %reduce_sum3A_1213 : i32 to vector<16xi32>
    %add3A_1215 = arith.addi %add3A_1214, %masked_cumsum3A_1203 : vector<16xi32>
    %sub3A_1216 = arith.constant 1 : i32
    %sub3A_1217 = vector.broadcast %sub3A_1216 : i32 to vector<16xi32>
    %sub3A_1218 = arith.subi %add3A_1215, %sub3A_1217 : vector<16xi32>
    %select_n3A_1219 = arith.select %eq3A_1195, %sub3A_1218, %select_n3A_1180 : vector<16xi1>, vector<16xi32>
    %eq3A_1220 = arith.constant 6 : i32
    %eq3A_1221 = vector.broadcast %eq3A_1220 : i32 to vector<16xi32>
    %eq3A_1222 = arith.cmpi eq, %iota3A, %eq3A_1221 : vector<16xi32>
    %reduce_sum3A_1223 = arith.constant true
    %reduce_sum3A_1224 = vector.broadcast %reduce_sum3A_1223 : i1 to vector<16xi1>
    %reduce_sum3A_1225 = tpu.scan <sum>, %select_n3A_1200 masked %reduce_sum3A_1224 : vector<16xi32>, vector<16xi1> -> vector<16xi32>
    %reduce_sum3A_1226 = vector.extract %reduce_sum3A_1225[15] : i32 from vector<16xi32>
    %jit3A_1227 = arith.constant 0 : i32
    %broadcast_in_dim3A_1228 = vector.broadcast %reduce_sum3A_1226 : i32 to vector<16xi32>
    %broadcast_in_dim3A_1229 = vector.broadcast %jit3A_1227 : i32 to vector<16xi32>
    %select_n3A_1230 = arith.select %eq3A_1222, %broadcast_in_dim3A_1228, %broadcast_in_dim3A_1229 : vector<16xi1>, vector<16xi32>
    %add3A_1231 = arith.addi %add3A_1192, %select_n3A_1230 : vector<16xi32>
    %eq3A_1232 = arith.constant 7 : i32
    %eq3A_1233 = vector.broadcast %eq3A_1232 : i32 to vector<16xi32>
    %eq3A_1234 = arith.cmpi eq, %get3A_956, %eq3A_1233 : vector<16xi32>
    %jit3A_1235 = arith.constant 1 : i32
    %jit3A_1236 = arith.constant 0 : i32
    %broadcast_in_dim3A_1237 = vector.broadcast %jit3A_1235 : i32 to vector<16xi32>
    %broadcast_in_dim3A_1238 = vector.broadcast %jit3A_1236 : i32 to vector<16xi32>
    %select_n3A_1239 = arith.select %eq3A_1234, %broadcast_in_dim3A_1237, %broadcast_in_dim3A_1238 : vector<16xi1>, vector<16xi32>
    %broadcast_in_dim3A_1240 = arith.constant true
    %broadcast_in_dim3A_1241 = vector.broadcast %broadcast_in_dim3A_1240 : i1 to vector<16xi1>
    %masked_cumsum3A_1242 = tpu.scan <sum>, %select_n3A_1239 masked %broadcast_in_dim3A_1241 : vector<16xi32>, vector<16xi1> -> vector<16xi32>
    %eq3A_1243 = arith.constant 7 : i32
    %eq3A_1244 = vector.broadcast %eq3A_1243 : i32 to vector<16xi32>
    %eq3A_1245 = arith.cmpi eq, %iota3A, %eq3A_1244 : vector<16xi32>
    %jit3A_1246 = arith.constant 0 : i32
    %broadcast_in_dim3A_1247 = vector.broadcast %jit3A_1246 : i32 to vector<16xi32>
    %select_n3A_1248 = arith.select %eq3A_1245, %add3A_1231, %broadcast_in_dim3A_1247 : vector<16xi1>, vector<16xi32>
    %reduce_sum3A_1249 = arith.constant true
    %reduce_sum3A_1250 = vector.broadcast %reduce_sum3A_1249 : i1 to vector<16xi1>
    %reduce_sum3A_1251 = tpu.scan <sum>, %select_n3A_1248 masked %reduce_sum3A_1250 : vector<16xi32>, vector<16xi1> -> vector<16xi32>
    %reduce_sum3A_1252 = vector.extract %reduce_sum3A_1251[15] : i32 from vector<16xi32>
    %add3A_1253 = vector.broadcast %reduce_sum3A_1252 : i32 to vector<16xi32>
    %add3A_1254 = arith.addi %add3A_1253, %masked_cumsum3A_1242 : vector<16xi32>
    %sub3A_1255 = arith.constant 1 : i32
    %sub3A_1256 = vector.broadcast %sub3A_1255 : i32 to vector<16xi32>
    %sub3A_1257 = arith.subi %add3A_1254, %sub3A_1256 : vector<16xi32>
    %select_n3A_1258 = arith.select %eq3A_1234, %sub3A_1257, %select_n3A_1219 : vector<16xi1>, vector<16xi32>
    %eq3A_1259 = arith.constant 7 : i32
    %eq3A_1260 = vector.broadcast %eq3A_1259 : i32 to vector<16xi32>
    %eq3A_1261 = arith.cmpi eq, %iota3A, %eq3A_1260 : vector<16xi32>
    %reduce_sum3A_1262 = arith.constant true
    %reduce_sum3A_1263 = vector.broadcast %reduce_sum3A_1262 : i1 to vector<16xi1>
    %reduce_sum3A_1264 = tpu.scan <sum>, %select_n3A_1239 masked %reduce_sum3A_1263 : vector<16xi32>, vector<16xi1> -> vector<16xi32>
    %reduce_sum3A_1265 = vector.extract %reduce_sum3A_1264[15] : i32 from vector<16xi32>
    %jit3A_1266 = arith.constant 0 : i32
    %broadcast_in_dim3A_1267 = vector.broadcast %reduce_sum3A_1265 : i32 to vector<16xi32>
    %broadcast_in_dim3A_1268 = vector.broadcast %jit3A_1266 : i32 to vector<16xi32>
    %select_n3A_1269 = arith.select %eq3A_1261, %broadcast_in_dim3A_1267, %broadcast_in_dim3A_1268 : vector<16xi1>, vector<16xi32>
    %add3A_1270 = arith.addi %add3A_1231, %select_n3A_1269 : vector<16xi32>
    %swap3A_1271 = arith.constant 32 : index
    %swap3A_1272 = tpu.vector_load %arg10[%swap3A_1271] {strides = array<i32>} : memref<64xi32, #tpu.memory_space<vmem>>, vector<16xi32>,
    tpu.vector_store %arg10[%swap3A_1271], %select_n3A_1258 {strides = array<i32>} : memref<64xi32, #tpu.memory_space<vmem>>, vector<16xi32>,
    %get3A_1273 = arith.constant 48 : index
    %get3A_1274 = tpu.vector_load %arg8[%get3A_1273] {strides = array<i32>} : memref<128xi32, #tpu.memory_space<vmem>>, vector<16xi32>,
    %broadcast_in_dim3A_1275 = arith.constant 0 : i32
    %broadcast_in_dim3A_1276 = vector.broadcast %broadcast_in_dim3A_1275 : i32 to vector<16xi32>
    %eq3A_1277 = arith.constant 0 : i32
    %eq3A_1278 = vector.broadcast %eq3A_1277 : i32 to vector<16xi32>
    %eq3A_1279 = arith.cmpi eq, %get3A_1274, %eq3A_1278 : vector<16xi32>
    %jit3A_1280 = arith.constant 1 : i32
    %jit3A_1281 = arith.constant 0 : i32
    %broadcast_in_dim3A_1282 = vector.broadcast %jit3A_1280 : i32 to vector<16xi32>
    %broadcast_in_dim3A_1283 = vector.broadcast %jit3A_1281 : i32 to vector<16xi32>
    %select_n3A_1284 = arith.select %eq3A_1279, %broadcast_in_dim3A_1282, %broadcast_in_dim3A_1283 : vector<16xi1>, vector<16xi32>
    %broadcast_in_dim3A_1285 = arith.constant true
    %broadcast_in_dim3A_1286 = vector.broadcast %broadcast_in_dim3A_1285 : i1 to vector<16xi1>
    %masked_cumsum3A_1287 = tpu.scan <sum>, %select_n3A_1284 masked %broadcast_in_dim3A_1286 : vector<16xi32>, vector<16xi1> -> vector<16xi32>
    %eq3A_1288 = arith.constant 0 : i32
    %eq3A_1289 = vector.broadcast %eq3A_1288 : i32 to vector<16xi32>
    %eq3A_1290 = arith.cmpi eq, %iota3A, %eq3A_1289 : vector<16xi32>
    %jit3A_1291 = arith.constant 0 : i32
    %broadcast_in_dim3A_1292 = vector.broadcast %jit3A_1291 : i32 to vector<16xi32>
    %select_n3A_1293 = arith.select %eq3A_1290, %add3A_1270, %broadcast_in_dim3A_1292 : vector<16xi1>, vector<16xi32>
    %reduce_sum3A_1294 = arith.constant true
    %reduce_sum3A_1295 = vector.broadcast %reduce_sum3A_1294 : i1 to vector<16xi1>
    %reduce_sum3A_1296 = tpu.scan <sum>, %select_n3A_1293 masked %reduce_sum3A_1295 : vector<16xi32>, vector<16xi1> -> vector<16xi32>
    %reduce_sum3A_1297 = vector.extract %reduce_sum3A_1296[15] : i32 from vector<16xi32>
    %add3A_1298 = vector.broadcast %reduce_sum3A_1297 : i32 to vector<16xi32>
    %add3A_1299 = arith.addi %add3A_1298, %masked_cumsum3A_1287 : vector<16xi32>
    %sub3A_1300 = arith.constant 1 : i32
    %sub3A_1301 = vector.broadcast %sub3A_1300 : i32 to vector<16xi32>
    %sub3A_1302 = arith.subi %add3A_1299, %sub3A_1301 : vector<16xi32>
    %select_n3A_1303 = arith.select %eq3A_1279, %sub3A_1302, %broadcast_in_dim3A_1276 : vector<16xi1>, vector<16xi32>
    %eq3A_1304 = arith.constant 0 : i32
    %eq3A_1305 = vector.broadcast %eq3A_1304 : i32 to vector<16xi32>
    %eq3A_1306 = arith.cmpi eq, %iota3A, %eq3A_1305 : vector<16xi32>
    %reduce_sum3A_1307 = arith.constant true
    %reduce_sum3A_1308 = vector.broadcast %reduce_sum3A_1307 : i1 to vector<16xi1>
    %reduce_sum3A_1309 = tpu.scan <sum>, %select_n3A_1284 masked %reduce_sum3A_1308 : vector<16xi32>, vector<16xi1> -> vector<16xi32>
    %reduce_sum3A_1310 = vector.extract %reduce_sum3A_1309[15] : i32 from vector<16xi32>
    %jit3A_1311 = arith.constant 0 : i32
    %broadcast_in_dim3A_1312 = vector.broadcast %reduce_sum3A_1310 : i32 to vector<16xi32>
    %broadcast_in_dim3A_1313 = vector.broadcast %jit3A_1311 : i32 to vector<16xi32>
    %select_n3A_1314 = arith.select %eq3A_1306, %broadcast_in_dim3A_1312, %broadcast_in_dim3A_1313 : vector<16xi1>, vector<16xi32>
    %add3A_1315 = arith.addi %add3A_1270, %select_n3A_1314 : vector<16xi32>
    %eq3A_1316 = arith.constant 1 : i32
    %eq3A_1317 = vector.broadcast %eq3A_1316 : i32 to vector<16xi32>
    %eq3A_1318 = arith.cmpi eq, %get3A_1274, %eq3A_1317 : vector<16xi32>
    %jit3A_1319 = arith.constant 1 : i32
    %jit3A_1320 = arith.constant 0 : i32
    %broadcast_in_dim3A_1321 = vector.broadcast %jit3A_1319 : i32 to vector<16xi32>
    %broadcast_in_dim3A_1322 = vector.broadcast %jit3A_1320 : i32 to vector<16xi32>
    %select_n3A_1323 = arith.select %eq3A_1318, %broadcast_in_dim3A_1321, %broadcast_in_dim3A_1322 : vector<16xi1>, vector<16xi32>
    %broadcast_in_dim3A_1324 = arith.constant true
    %broadcast_in_dim3A_1325 = vector.broadcast %broadcast_in_dim3A_1324 : i1 to vector<16xi1>
    %masked_cumsum3A_1326 = tpu.scan <sum>, %select_n3A_1323 masked %broadcast_in_dim3A_1325 : vector<16xi32>, vector<16xi1> -> vector<16xi32>
    %eq3A_1327 = arith.constant 1 : i32
    %eq3A_1328 = vector.broadcast %eq3A_1327 : i32 to vector<16xi32>
    %eq3A_1329 = arith.cmpi eq, %iota3A, %eq3A_1328 : vector<16xi32>
    %jit3A_1330 = arith.constant 0 : i32
    %broadcast_in_dim3A_1331 = vector.broadcast %jit3A_1330 : i32 to vector<16xi32>
    %select_n3A_1332 = arith.select %eq3A_1329, %add3A_1315, %broadcast_in_dim3A_1331 : vector<16xi1>, vector<16xi32>
    %reduce_sum3A_1333 = arith.constant true
    %reduce_sum3A_1334 = vector.broadcast %reduce_sum3A_1333 : i1 to vector<16xi1>
    %reduce_sum3A_1335 = tpu.scan <sum>, %select_n3A_1332 masked %reduce_sum3A_1334 : vector<16xi32>, vector<16xi1> -> vector<16xi32>
    %reduce_sum3A_1336 = vector.extract %reduce_sum3A_1335[15] : i32 from vector<16xi32>
    %add3A_1337 = vector.broadcast %reduce_sum3A_1336 : i32 to vector<16xi32>
    %add3A_1338 = arith.addi %add3A_1337, %masked_cumsum3A_1326 : vector<16xi32>
    %sub3A_1339 = arith.constant 1 : i32
    %sub3A_1340 = vector.broadcast %sub3A_1339 : i32 to vector<16xi32>
    %sub3A_1341 = arith.subi %add3A_1338, %sub3A_1340 : vector<16xi32>
    %select_n3A_1342 = arith.select %eq3A_1318, %sub3A_1341, %select_n3A_1303 : vector<16xi1>, vector<16xi32>
    %eq3A_1343 = arith.constant 1 : i32
    %eq3A_1344 = vector.broadcast %eq3A_1343 : i32 to vector<16xi32>
    %eq3A_1345 = arith.cmpi eq, %iota3A, %eq3A_1344 : vector<16xi32>
    %reduce_sum3A_1346 = arith.constant true
    %reduce_sum3A_1347 = vector.broadcast %reduce_sum3A_1346 : i1 to vector<16xi1>
    %reduce_sum3A_1348 = tpu.scan <sum>, %select_n3A_1323 masked %reduce_sum3A_1347 : vector<16xi32>, vector<16xi1> -> vector<16xi32>
    %reduce_sum3A_1349 = vector.extract %reduce_sum3A_1348[15] : i32 from vector<16xi32>
    %jit3A_1350 = arith.constant 0 : i32
    %broadcast_in_dim3A_1351 = vector.broadcast %reduce_sum3A_1349 : i32 to vector<16xi32>
    %broadcast_in_dim3A_1352 = vector.broadcast %jit3A_1350 : i32 to vector<16xi32>
    %select_n3A_1353 = arith.select %eq3A_1345, %broadcast_in_dim3A_1351, %broadcast_in_dim3A_1352 : vector<16xi1>, vector<16xi32>
    %add3A_1354 = arith.addi %add3A_1315, %select_n3A_1353 : vector<16xi32>
    %eq3A_1355 = arith.constant 2 : i32
    %eq3A_1356 = vector.broadcast %eq3A_1355 : i32 to vector<16xi32>
    %eq3A_1357 = arith.cmpi eq, %get3A_1274, %eq3A_1356 : vector<16xi32>
    %jit3A_1358 = arith.constant 1 : i32
    %jit3A_1359 = arith.constant 0 : i32
    %broadcast_in_dim3A_1360 = vector.broadcast %jit3A_1358 : i32 to vector<16xi32>
    %broadcast_in_dim3A_1361 = vector.broadcast %jit3A_1359 : i32 to vector<16xi32>
    %select_n3A_1362 = arith.select %eq3A_1357, %broadcast_in_dim3A_1360, %broadcast_in_dim3A_1361 : vector<16xi1>, vector<16xi32>
    %broadcast_in_dim3A_1363 = arith.constant true
    %broadcast_in_dim3A_1364 = vector.broadcast %broadcast_in_dim3A_1363 : i1 to vector<16xi1>
    %masked_cumsum3A_1365 = tpu.scan <sum>, %select_n3A_1362 masked %broadcast_in_dim3A_1364 : vector<16xi32>, vector<16xi1> -> vector<16xi32>
    %eq3A_1366 = arith.constant 2 : i32
    %eq3A_1367 = vector.broadcast %eq3A_1366 : i32 to vector<16xi32>
    %eq3A_1368 = arith.cmpi eq, %iota3A, %eq3A_1367 : vector<16xi32>
    %jit3A_1369 = arith.constant 0 : i32
    %broadcast_in_dim3A_1370 = vector.broadcast %jit3A_1369 : i32 to vector<16xi32>
    %select_n3A_1371 = arith.select %eq3A_1368, %add3A_1354, %broadcast_in_dim3A_1370 : vector<16xi1>, vector<16xi32>
    %reduce_sum3A_1372 = arith.constant true
    %reduce_sum3A_1373 = vector.broadcast %reduce_sum3A_1372 : i1 to vector<16xi1>
    %reduce_sum3A_1374 = tpu.scan <sum>, %select_n3A_1371 masked %reduce_sum3A_1373 : vector<16xi32>, vector<16xi1> -> vector<16xi32>
    %reduce_sum3A_1375 = vector.extract %reduce_sum3A_1374[15] : i32 from vector<16xi32>
    %add3A_1376 = vector.broadcast %reduce_sum3A_1375 : i32 to vector<16xi32>
    %add3A_1377 = arith.addi %add3A_1376, %masked_cumsum3A_1365 : vector<16xi32>
    %sub3A_1378 = arith.constant 1 : i32
    %sub3A_1379 = vector.broadcast %sub3A_1378 : i32 to vector<16xi32>
    %sub3A_1380 = arith.subi %add3A_1377, %sub3A_1379 : vector<16xi32>
    %select_n3A_1381 = arith.select %eq3A_1357, %sub3A_1380, %select_n3A_1342 : vector<16xi1>, vector<16xi32>
    %eq3A_1382 = arith.constant 2 : i32
    %eq3A_1383 = vector.broadcast %eq3A_1382 : i32 to vector<16xi32>
    %eq3A_1384 = arith.cmpi eq, %iota3A, %eq3A_1383 : vector<16xi32>
    %reduce_sum3A_1385 = arith.constant true
    %reduce_sum3A_1386 = vector.broadcast %reduce_sum3A_1385 : i1 to vector<16xi1>
    %reduce_sum3A_1387 = tpu.scan <sum>, %select_n3A_1362 masked %reduce_sum3A_1386 : vector<16xi32>, vector<16xi1> -> vector<16xi32>
    %reduce_sum3A_1388 = vector.extract %reduce_sum3A_1387[15] : i32 from vector<16xi32>
    %jit3A_1389 = arith.constant 0 : i32
    %broadcast_in_dim3A_1390 = vector.broadcast %reduce_sum3A_1388 : i32 to vector<16xi32>
    %broadcast_in_dim3A_1391 = vector.broadcast %jit3A_1389 : i32 to vector<16xi32>
    %select_n3A_1392 = arith.select %eq3A_1384, %broadcast_in_dim3A_1390, %broadcast_in_dim3A_1391 : vector<16xi1>, vector<16xi32>
    %add3A_1393 = arith.addi %add3A_1354, %select_n3A_1392 : vector<16xi32>
    %eq3A_1394 = arith.constant 3 : i32
    %eq3A_1395 = vector.broadcast %eq3A_1394 : i32 to vector<16xi32>
    %eq3A_1396 = arith.cmpi eq, %get3A_1274, %eq3A_1395 : vector<16xi32>
    %jit3A_1397 = arith.constant 1 : i32
    %jit3A_1398 = arith.constant 0 : i32
    %broadcast_in_dim3A_1399 = vector.broadcast %jit3A_1397 : i32 to vector<16xi32>
    %broadcast_in_dim3A_1400 = vector.broadcast %jit3A_1398 : i32 to vector<16xi32>
    %select_n3A_1401 = arith.select %eq3A_1396, %broadcast_in_dim3A_1399, %broadcast_in_dim3A_1400 : vector<16xi1>, vector<16xi32>
    %broadcast_in_dim3A_1402 = arith.constant true
    %broadcast_in_dim3A_1403 = vector.broadcast %broadcast_in_dim3A_1402 : i1 to vector<16xi1>
    %masked_cumsum3A_1404 = tpu.scan <sum>, %select_n3A_1401 masked %broadcast_in_dim3A_1403 : vector<16xi32>, vector<16xi1> -> vector<16xi32>
    %eq3A_1405 = arith.constant 3 : i32
    %eq3A_1406 = vector.broadcast %eq3A_1405 : i32 to vector<16xi32>
    %eq3A_1407 = arith.cmpi eq, %iota3A, %eq3A_1406 : vector<16xi32>
    %jit3A_1408 = arith.constant 0 : i32
    %broadcast_in_dim3A_1409 = vector.broadcast %jit3A_1408 : i32 to vector<16xi32>
    %select_n3A_1410 = arith.select %eq3A_1407, %add3A_1393, %broadcast_in_dim3A_1409 : vector<16xi1>, vector<16xi32>
    %reduce_sum3A_1411 = arith.constant true
    %reduce_sum3A_1412 = vector.broadcast %reduce_sum3A_1411 : i1 to vector<16xi1>
    %reduce_sum3A_1413 = tpu.scan <sum>, %select_n3A_1410 masked %reduce_sum3A_1412 : vector<16xi32>, vector<16xi1> -> vector<16xi32>
    %reduce_sum3A_1414 = vector.extract %reduce_sum3A_1413[15] : i32 from vector<16xi32>
    %add3A_1415 = vector.broadcast %reduce_sum3A_1414 : i32 to vector<16xi32>
    %add3A_1416 = arith.addi %add3A_1415, %masked_cumsum3A_1404 : vector<16xi32>
    %sub3A_1417 = arith.constant 1 : i32
    %sub3A_1418 = vector.broadcast %sub3A_1417 : i32 to vector<16xi32>
    %sub3A_1419 = arith.subi %add3A_1416, %sub3A_1418 : vector<16xi32>
    %select_n3A_1420 = arith.select %eq3A_1396, %sub3A_1419, %select_n3A_1381 : vector<16xi1>, vector<16xi32>
    %eq3A_1421 = arith.constant 3 : i32
    %eq3A_1422 = vector.broadcast %eq3A_1421 : i32 to vector<16xi32>
    %eq3A_1423 = arith.cmpi eq, %iota3A, %eq3A_1422 : vector<16xi32>
    %reduce_sum3A_1424 = arith.constant true
    %reduce_sum3A_1425 = vector.broadcast %reduce_sum3A_1424 : i1 to vector<16xi1>
    %reduce_sum3A_1426 = tpu.scan <sum>, %select_n3A_1401 masked %reduce_sum3A_1425 : vector<16xi32>, vector<16xi1> -> vector<16xi32>
    %reduce_sum3A_1427 = vector.extract %reduce_sum3A_1426[15] : i32 from vector<16xi32>
    %jit3A_1428 = arith.constant 0 : i32
    %broadcast_in_dim3A_1429 = vector.broadcast %reduce_sum3A_1427 : i32 to vector<16xi32>
    %broadcast_in_dim3A_1430 = vector.broadcast %jit3A_1428 : i32 to vector<16xi32>
    %select_n3A_1431 = arith.select %eq3A_1423, %broadcast_in_dim3A_1429, %broadcast_in_dim3A_1430 : vector<16xi1>, vector<16xi32>
    %add3A_1432 = arith.addi %add3A_1393, %select_n3A_1431 : vector<16xi32>
    %eq3A_1433 = arith.constant 4 : i32
    %eq3A_1434 = vector.broadcast %eq3A_1433 : i32 to vector<16xi32>
    %eq3A_1435 = arith.cmpi eq, %get3A_1274, %eq3A_1434 : vector<16xi32>
    %jit3A_1436 = arith.constant 1 : i32
    %jit3A_1437 = arith.constant 0 : i32
    %broadcast_in_dim3A_1438 = vector.broadcast %jit3A_1436 : i32 to vector<16xi32>
    %broadcast_in_dim3A_1439 = vector.broadcast %jit3A_1437 : i32 to vector<16xi32>
    %select_n3A_1440 = arith.select %eq3A_1435, %broadcast_in_dim3A_1438, %broadcast_in_dim3A_1439 : vector<16xi1>, vector<16xi32>
    %broadcast_in_dim3A_1441 = arith.constant true
    %broadcast_in_dim3A_1442 = vector.broadcast %broadcast_in_dim3A_1441 : i1 to vector<16xi1>
    %masked_cumsum3A_1443 = tpu.scan <sum>, %select_n3A_1440 masked %broadcast_in_dim3A_1442 : vector<16xi32>, vector<16xi1> -> vector<16xi32>
    %eq3A_1444 = arith.constant 4 : i32
    %eq3A_1445 = vector.broadcast %eq3A_1444 : i32 to vector<16xi32>
    %eq3A_1446 = arith.cmpi eq, %iota3A, %eq3A_1445 : vector<16xi32>
    %jit3A_1447 = arith.constant 0 : i32
    %broadcast_in_dim3A_1448 = vector.broadcast %jit3A_1447 : i32 to vector<16xi32>
    %select_n3A_1449 = arith.select %eq3A_1446, %add3A_1432, %broadcast_in_dim3A_1448 : vector<16xi1>, vector<16xi32>
    %reduce_sum3A_1450 = arith.constant true
    %reduce_sum3A_1451 = vector.broadcast %reduce_sum3A_1450 : i1 to vector<16xi1>
    %reduce_sum3A_1452 = tpu.scan <sum>, %select_n3A_1449 masked %reduce_sum3A_1451 : vector<16xi32>, vector<16xi1> -> vector<16xi32>
    %reduce_sum3A_1453 = vector.extract %reduce_sum3A_1452[15] : i32 from vector<16xi32>
    %add3A_1454 = vector.broadcast %reduce_sum3A_1453 : i32 to vector<16xi32>
    %add3A_1455 = arith.addi %add3A_1454, %masked_cumsum3A_1443 : vector<16xi32>
    %sub3A_1456 = arith.constant 1 : i32
    %sub3A_1457 = vector.broadcast %sub3A_1456 : i32 to vector<16xi32>
    %sub3A_1458 = arith.subi %add3A_1455, %sub3A_1457 : vector<16xi32>
    %select_n3A_1459 = arith.select %eq3A_1435, %sub3A_1458, %select_n3A_1420 : vector<16xi1>, vector<16xi32>
    %eq3A_1460 = arith.constant 4 : i32
    %eq3A_1461 = vector.broadcast %eq3A_1460 : i32 to vector<16xi32>
    %eq3A_1462 = arith.cmpi eq, %iota3A, %eq3A_1461 : vector<16xi32>
    %reduce_sum3A_1463 = arith.constant true
    %reduce_sum3A_1464 = vector.broadcast %reduce_sum3A_1463 : i1 to vector<16xi1>
    %reduce_sum3A_1465 = tpu.scan <sum>, %select_n3A_1440 masked %reduce_sum3A_1464 : vector<16xi32>, vector<16xi1> -> vector<16xi32>
    %reduce_sum3A_1466 = vector.extract %reduce_sum3A_1465[15] : i32 from vector<16xi32>
    %jit3A_1467 = arith.constant 0 : i32
    %broadcast_in_dim3A_1468 = vector.broadcast %reduce_sum3A_1466 : i32 to vector<16xi32>
    %broadcast_in_dim3A_1469 = vector.broadcast %jit3A_1467 : i32 to vector<16xi32>
    %select_n3A_1470 = arith.select %eq3A_1462, %broadcast_in_dim3A_1468, %broadcast_in_dim3A_1469 : vector<16xi1>, vector<16xi32>
    %add3A_1471 = arith.addi %add3A_1432, %select_n3A_1470 : vector<16xi32>
    %eq3A_1472 = arith.constant 5 : i32
    %eq3A_1473 = vector.broadcast %eq3A_1472 : i32 to vector<16xi32>
    %eq3A_1474 = arith.cmpi eq, %get3A_1274, %eq3A_1473 : vector<16xi32>
    %jit3A_1475 = arith.constant 1 : i32
    %jit3A_1476 = arith.constant 0 : i32
    %broadcast_in_dim3A_1477 = vector.broadcast %jit3A_1475 : i32 to vector<16xi32>
    %broadcast_in_dim3A_1478 = vector.broadcast %jit3A_1476 : i32 to vector<16xi32>
    %select_n3A_1479 = arith.select %eq3A_1474, %broadcast_in_dim3A_1477, %broadcast_in_dim3A_1478 : vector<16xi1>, vector<16xi32>
    %broadcast_in_dim3A_1480 = arith.constant true
    %broadcast_in_dim3A_1481 = vector.broadcast %broadcast_in_dim3A_1480 : i1 to vector<16xi1>
    %masked_cumsum3A_1482 = tpu.scan <sum>, %select_n3A_1479 masked %broadcast_in_dim3A_1481 : vector<16xi32>, vector<16xi1> -> vector<16xi32>
    %eq3A_1483 = arith.constant 5 : i32
    %eq3A_1484 = vector.broadcast %eq3A_1483 : i32 to vector<16xi32>
    %eq3A_1485 = arith.cmpi eq, %iota3A, %eq3A_1484 : vector<16xi32>
    %jit3A_1486 = arith.constant 0 : i32
    %broadcast_in_dim3A_1487 = vector.broadcast %jit3A_1486 : i32 to vector<16xi32>
    %select_n3A_1488 = arith.select %eq3A_1485, %add3A_1471, %broadcast_in_dim3A_1487 : vector<16xi1>, vector<16xi32>
    %reduce_sum3A_1489 = arith.constant true
    %reduce_sum3A_1490 = vector.broadcast %reduce_sum3A_1489 : i1 to vector<16xi1>
    %reduce_sum3A_1491 = tpu.scan <sum>, %select_n3A_1488 masked %reduce_sum3A_1490 : vector<16xi32>, vector<16xi1> -> vector<16xi32>
    %reduce_sum3A_1492 = vector.extract %reduce_sum3A_1491[15] : i32 from vector<16xi32>
    %add3A_1493 = vector.broadcast %reduce_sum3A_1492 : i32 to vector<16xi32>
    %add3A_1494 = arith.addi %add3A_1493, %masked_cumsum3A_1482 : vector<16xi32>
    %sub3A_1495 = arith.constant 1 : i32
    %sub3A_1496 = vector.broadcast %sub3A_1495 : i32 to vector<16xi32>
    %sub3A_1497 = arith.subi %add3A_1494, %sub3A_1496 : vector<16xi32>
    %select_n3A_1498 = arith.select %eq3A_1474, %sub3A_1497, %select_n3A_1459 : vector<16xi1>, vector<16xi32>
    %eq3A_1499 = arith.constant 5 : i32
    %eq3A_1500 = vector.broadcast %eq3A_1499 : i32 to vector<16xi32>
    %eq3A_1501 = arith.cmpi eq, %iota3A, %eq3A_1500 : vector<16xi32>
    %reduce_sum3A_1502 = arith.constant true
    %reduce_sum3A_1503 = vector.broadcast %reduce_sum3A_1502 : i1 to vector<16xi1>
    %reduce_sum3A_1504 = tpu.scan <sum>, %select_n3A_1479 masked %reduce_sum3A_1503 : vector<16xi32>, vector<16xi1> -> vector<16xi32>
    %reduce_sum3A_1505 = vector.extract %reduce_sum3A_1504[15] : i32 from vector<16xi32>
    %jit3A_1506 = arith.constant 0 : i32
    %broadcast_in_dim3A_1507 = vector.broadcast %reduce_sum3A_1505 : i32 to vector<16xi32>
    %broadcast_in_dim3A_1508 = vector.broadcast %jit3A_1506 : i32 to vector<16xi32>
    %select_n3A_1509 = arith.select %eq3A_1501, %broadcast_in_dim3A_1507, %broadcast_in_dim3A_1508 : vector<16xi1>, vector<16xi32>
    %add3A_1510 = arith.addi %add3A_1471, %select_n3A_1509 : vector<16xi32>
    %eq3A_1511 = arith.constant 6 : i32
    %eq3A_1512 = vector.broadcast %eq3A_1511 : i32 to vector<16xi32>
    %eq3A_1513 = arith.cmpi eq, %get3A_1274, %eq3A_1512 : vector<16xi32>
    %jit3A_1514 = arith.constant 1 : i32
    %jit3A_1515 = arith.constant 0 : i32
    %broadcast_in_dim3A_1516 = vector.broadcast %jit3A_1514 : i32 to vector<16xi32>
    %broadcast_in_dim3A_1517 = vector.broadcast %jit3A_1515 : i32 to vector<16xi32>
    %select_n3A_1518 = arith.select %eq3A_1513, %broadcast_in_dim3A_1516, %broadcast_in_dim3A_1517 : vector<16xi1>, vector<16xi32>
    %broadcast_in_dim3A_1519 = arith.constant true
    %broadcast_in_dim3A_1520 = vector.broadcast %broadcast_in_dim3A_1519 : i1 to vector<16xi1>
    %masked_cumsum3A_1521 = tpu.scan <sum>, %select_n3A_1518 masked %broadcast_in_dim3A_1520 : vector<16xi32>, vector<16xi1> -> vector<16xi32>
    %eq3A_1522 = arith.constant 6 : i32
    %eq3A_1523 = vector.broadcast %eq3A_1522 : i32 to vector<16xi32>
    %eq3A_1524 = arith.cmpi eq, %iota3A, %eq3A_1523 : vector<16xi32>
    %jit3A_1525 = arith.constant 0 : i32
    %broadcast_in_dim3A_1526 = vector.broadcast %jit3A_1525 : i32 to vector<16xi32>
    %select_n3A_1527 = arith.select %eq3A_1524, %add3A_1510, %broadcast_in_dim3A_1526 : vector<16xi1>, vector<16xi32>
    %reduce_sum3A_1528 = arith.constant true
    %reduce_sum3A_1529 = vector.broadcast %reduce_sum3A_1528 : i1 to vector<16xi1>
    %reduce_sum3A_1530 = tpu.scan <sum>, %select_n3A_1527 masked %reduce_sum3A_1529 : vector<16xi32>, vector<16xi1> -> vector<16xi32>
    %reduce_sum3A_1531 = vector.extract %reduce_sum3A_1530[15] : i32 from vector<16xi32>
    %add3A_1532 = vector.broadcast %reduce_sum3A_1531 : i32 to vector<16xi32>
    %add3A_1533 = arith.addi %add3A_1532, %masked_cumsum3A_1521 : vector<16xi32>
    %sub3A_1534 = arith.constant 1 : i32
    %sub3A_1535 = vector.broadcast %sub3A_1534 : i32 to vector<16xi32>
    %sub3A_1536 = arith.subi %add3A_1533, %sub3A_1535 : vector<16xi32>
    %select_n3A_1537 = arith.select %eq3A_1513, %sub3A_1536, %select_n3A_1498 : vector<16xi1>, vector<16xi32>
    %eq3A_1538 = arith.constant 6 : i32
    %eq3A_1539 = vector.broadcast %eq3A_1538 : i32 to vector<16xi32>
    %eq3A_1540 = arith.cmpi eq, %iota3A, %eq3A_1539 : vector<16xi32>
    %reduce_sum3A_1541 = arith.constant true
    %reduce_sum3A_1542 = vector.broadcast %reduce_sum3A_1541 : i1 to vector<16xi1>
    %reduce_sum3A_1543 = tpu.scan <sum>, %select_n3A_1518 masked %reduce_sum3A_1542 : vector<16xi32>, vector<16xi1> -> vector<16xi32>
    %reduce_sum3A_1544 = vector.extract %reduce_sum3A_1543[15] : i32 from vector<16xi32>
    %jit3A_1545 = arith.constant 0 : i32
    %broadcast_in_dim3A_1546 = vector.broadcast %reduce_sum3A_1544 : i32 to vector<16xi32>
    %broadcast_in_dim3A_1547 = vector.broadcast %jit3A_1545 : i32 to vector<16xi32>
    %select_n3A_1548 = arith.select %eq3A_1540, %broadcast_in_dim3A_1546, %broadcast_in_dim3A_1547 : vector<16xi1>, vector<16xi32>
    %add3A_1549 = arith.addi %add3A_1510, %select_n3A_1548 : vector<16xi32>
    %eq3A_1550 = arith.constant 7 : i32
    %eq3A_1551 = vector.broadcast %eq3A_1550 : i32 to vector<16xi32>
    %eq3A_1552 = arith.cmpi eq, %get3A_1274, %eq3A_1551 : vector<16xi32>
    %jit3A_1553 = arith.constant 1 : i32
    %jit3A_1554 = arith.constant 0 : i32
    %broadcast_in_dim3A_1555 = vector.broadcast %jit3A_1553 : i32 to vector<16xi32>
    %broadcast_in_dim3A_1556 = vector.broadcast %jit3A_1554 : i32 to vector<16xi32>
    %select_n3A_1557 = arith.select %eq3A_1552, %broadcast_in_dim3A_1555, %broadcast_in_dim3A_1556 : vector<16xi1>, vector<16xi32>
    %broadcast_in_dim3A_1558 = arith.constant true
    %broadcast_in_dim3A_1559 = vector.broadcast %broadcast_in_dim3A_1558 : i1 to vector<16xi1>
    %masked_cumsum3A_1560 = tpu.scan <sum>, %select_n3A_1557 masked %broadcast_in_dim3A_1559 : vector<16xi32>, vector<16xi1> -> vector<16xi32>
    %eq3A_1561 = arith.constant 7 : i32
    %eq3A_1562 = vector.broadcast %eq3A_1561 : i32 to vector<16xi32>
    %eq3A_1563 = arith.cmpi eq, %iota3A, %eq3A_1562 : vector<16xi32>
    %jit3A_1564 = arith.constant 0 : i32
    %broadcast_in_dim3A_1565 = vector.broadcast %jit3A_1564 : i32 to vector<16xi32>
    %select_n3A_1566 = arith.select %eq3A_1563, %add3A_1549, %broadcast_in_dim3A_1565 : vector<16xi1>, vector<16xi32>
    %reduce_sum3A_1567 = arith.constant true
    %reduce_sum3A_1568 = vector.broadcast %reduce_sum3A_1567 : i1 to vector<16xi1>
    %reduce_sum3A_1569 = tpu.scan <sum>, %select_n3A_1566 masked %reduce_sum3A_1568 : vector<16xi32>, vector<16xi1> -> vector<16xi32>
    %reduce_sum3A_1570 = vector.extract %reduce_sum3A_1569[15] : i32 from vector<16xi32>
    %add3A_1571 = vector.broadcast %reduce_sum3A_1570 : i32 to vector<16xi32>
    %add3A_1572 = arith.addi %add3A_1571, %masked_cumsum3A_1560 : vector<16xi32>
    %sub3A_1573 = arith.constant 1 : i32
    %sub3A_1574 = vector.broadcast %sub3A_1573 : i32 to vector<16xi32>
    %sub3A_1575 = arith.subi %add3A_1572, %sub3A_1574 : vector<16xi32>
    %select_n3A_1576 = arith.select %eq3A_1552, %sub3A_1575, %select_n3A_1537 : vector<16xi1>, vector<16xi32>
    %eq3A_1577 = arith.constant 7 : i32
    %eq3A_1578 = vector.broadcast %eq3A_1577 : i32 to vector<16xi32>
    %eq3A_1579 = arith.cmpi eq, %iota3A, %eq3A_1578 : vector<16xi32>
    %reduce_sum3A_1580 = arith.constant true
    %reduce_sum3A_1581 = vector.broadcast %reduce_sum3A_1580 : i1 to vector<16xi1>
    %reduce_sum3A_1582 = tpu.scan <sum>, %select_n3A_1557 masked %reduce_sum3A_1581 : vector<16xi32>, vector<16xi1> -> vector<16xi32>
    %reduce_sum3A_1583 = vector.extract %reduce_sum3A_1582[15] : i32 from vector<16xi32>
    %jit3A_1584 = arith.constant 0 : i32
    %broadcast_in_dim3A_1585 = vector.broadcast %reduce_sum3A_1583 : i32 to vector<16xi32>
    %broadcast_in_dim3A_1586 = vector.broadcast %jit3A_1584 : i32 to vector<16xi32>
    %select_n3A_1587 = arith.select %eq3A_1579, %broadcast_in_dim3A_1585, %broadcast_in_dim3A_1586 : vector<16xi1>, vector<16xi32>
    %add3A_1588 = arith.addi %add3A_1549, %select_n3A_1587 : vector<16xi32>
    %swap3A_1589 = arith.constant 48 : index
    %swap3A_1590 = tpu.vector_load %arg10[%swap3A_1589] {strides = array<i32>} : memref<64xi32, #tpu.memory_space<vmem>>, vector<16xi32>,
    tpu.vector_store %arg10[%swap3A_1589], %select_n3A_1576 {strides = array<i32>} : memref<64xi32, #tpu.memory_space<vmem>>, vector<16xi32>,
    %get3A_1591 = arith.constant 64 : index
    %get3A_1592 = tpu.vector_load %arg8[%get3A_1591] {strides = array<i32>} : memref<128xi32, #tpu.memory_space<vmem>>, vector<16xi32>,
    %broadcast_in_dim3A_1593 = arith.constant 0 : i32
    %broadcast_in_dim3A_1594 = vector.broadcast %broadcast_in_dim3A_1593 : i32 to vector<16xi32>
    %eq3A_1595 = arith.constant 0 : i32
    %eq3A_1596 = vector.broadcast %eq3A_1595 : i32 to vector<16xi32>
    %eq3A_1597 = arith.cmpi eq, %get3A_1592, %eq3A_1596 : vector<16xi32>
    %jit3A_1598 = arith.constant 1 : i32
    %jit3A_1599 = arith.constant 0 : i32
    %broadcast_in_dim3A_1600 = vector.broadcast %jit3A_1598 : i32 to vector<16xi32>
    %broadcast_in_dim3A_1601 = vector.broadcast %jit3A_1599 : i32 to vector<16xi32>
    %select_n3A_1602 = arith.select %eq3A_1597, %broadcast_in_dim3A_1600, %broadcast_in_dim3A_1601 : vector<16xi1>, vector<16xi32>
    %broadcast_in_dim3A_1603 = arith.constant true
    %broadcast_in_dim3A_1604 = vector.broadcast %broadcast_in_dim3A_1603 : i1 to vector<16xi1>
    %masked_cumsum3A_1605 = tpu.scan <sum>, %select_n3A_1602 masked %broadcast_in_dim3A_1604 : vector<16xi32>, vector<16xi1> -> vector<16xi32>
    %eq3A_1606 = arith.constant 0 : i32
    %eq3A_1607 = vector.broadcast %eq3A_1606 : i32 to vector<16xi32>
    %eq3A_1608 = arith.cmpi eq, %iota3A, %eq3A_1607 : vector<16xi32>
    %jit3A_1609 = arith.constant 0 : i32
    %broadcast_in_dim3A_1610 = vector.broadcast %jit3A_1609 : i32 to vector<16xi32>
    %select_n3A_1611 = arith.select %eq3A_1608, %add3A_1588, %broadcast_in_dim3A_1610 : vector<16xi1>, vector<16xi32>
    %reduce_sum3A_1612 = arith.constant true
    %reduce_sum3A_1613 = vector.broadcast %reduce_sum3A_1612 : i1 to vector<16xi1>
    %reduce_sum3A_1614 = tpu.scan <sum>, %select_n3A_1611 masked %reduce_sum3A_1613 : vector<16xi32>, vector<16xi1> -> vector<16xi32>
    %reduce_sum3A_1615 = vector.extract %reduce_sum3A_1614[15] : i32 from vector<16xi32>
    %add3A_1616 = vector.broadcast %reduce_sum3A_1615 : i32 to vector<16xi32>
    %add3A_1617 = arith.addi %add3A_1616, %masked_cumsum3A_1605 : vector<16xi32>
    %sub3A_1618 = arith.constant 1 : i32
    %sub3A_1619 = vector.broadcast %sub3A_1618 : i32 to vector<16xi32>
    %sub3A_1620 = arith.subi %add3A_1617, %sub3A_1619 : vector<16xi32>
    %select_n3A_1621 = arith.select %eq3A_1597, %sub3A_1620, %broadcast_in_dim3A_1594 : vector<16xi1>, vector<16xi32>
    %eq3A_1622 = arith.constant 0 : i32
    %eq3A_1623 = vector.broadcast %eq3A_1622 : i32 to vector<16xi32>
    %eq3A_1624 = arith.cmpi eq, %iota3A, %eq3A_1623 : vector<16xi32>
    %reduce_sum3A_1625 = arith.constant true
    %reduce_sum3A_1626 = vector.broadcast %reduce_sum3A_1625 : i1 to vector<16xi1>
    %reduce_sum3A_1627 = tpu.scan <sum>, %select_n3A_1602 masked %reduce_sum3A_1626 : vector<16xi32>, vector<16xi1> -> vector<16xi32>
    %reduce_sum3A_1628 = vector.extract %reduce_sum3A_1627[15] : i32 from vector<16xi32>
    %jit3A_1629 = arith.constant 0 : i32
    %broadcast_in_dim3A_1630 = vector.broadcast %reduce_sum3A_1628 : i32 to vector<16xi32>
    %broadcast_in_dim3A_1631 = vector.broadcast %jit3A_1629 : i32 to vector<16xi32>
    %select_n3A_1632 = arith.select %eq3A_1624, %broadcast_in_dim3A_1630, %broadcast_in_dim3A_1631 : vector<16xi1>, vector<16xi32>
    %add3A_1633 = arith.addi %add3A_1588, %select_n3A_1632 : vector<16xi32>
    %eq3A_1634 = arith.constant 1 : i32
    %eq3A_1635 = vector.broadcast %eq3A_1634 : i32 to vector<16xi32>
    %eq3A_1636 = arith.cmpi eq, %get3A_1592, %eq3A_1635 : vector<16xi32>
    %jit3A_1637 = arith.constant 1 : i32
    %jit3A_1638 = arith.constant 0 : i32
    %broadcast_in_dim3A_1639 = vector.broadcast %jit3A_1637 : i32 to vector<16xi32>
    %broadcast_in_dim3A_1640 = vector.broadcast %jit3A_1638 : i32 to vector<16xi32>
    %select_n3A_1641 = arith.select %eq3A_1636, %broadcast_in_dim3A_1639, %broadcast_in_dim3A_1640 : vector<16xi1>, vector<16xi32>
    %broadcast_in_dim3A_1642 = arith.constant true
    %broadcast_in_dim3A_1643 = vector.broadcast %broadcast_in_dim3A_1642 : i1 to vector<16xi1>
    %masked_cumsum3A_1644 = tpu.scan <sum>, %select_n3A_1641 masked %broadcast_in_dim3A_1643 : vector<16xi32>, vector<16xi1> -> vector<16xi32>
    %eq3A_1645 = arith.constant 1 : i32
    %eq3A_1646 = vector.broadcast %eq3A_1645 : i32 to vector<16xi32>
    %eq3A_1647 = arith.cmpi eq, %iota3A, %eq3A_1646 : vector<16xi32>
    %jit3A_1648 = arith.constant 0 : i32
    %broadcast_in_dim3A_1649 = vector.broadcast %jit3A_1648 : i32 to vector<16xi32>
    %select_n3A_1650 = arith.select %eq3A_1647, %add3A_1633, %broadcast_in_dim3A_1649 : vector<16xi1>, vector<16xi32>
    %reduce_sum3A_1651 = arith.constant true
    %reduce_sum3A_1652 = vector.broadcast %reduce_sum3A_1651 : i1 to vector<16xi1>
    %reduce_sum3A_1653 = tpu.scan <sum>, %select_n3A_1650 masked %reduce_sum3A_1652 : vector<16xi32>, vector<16xi1> -> vector<16xi32>
    %reduce_sum3A_1654 = vector.extract %reduce_sum3A_1653[15] : i32 from vector<16xi32>
    %add3A_1655 = vector.broadcast %reduce_sum3A_1654 : i32 to vector<16xi32>
    %add3A_1656 = arith.addi %add3A_1655, %masked_cumsum3A_1644 : vector<16xi32>
    %sub3A_1657 = arith.constant 1 : i32
    %sub3A_1658 = vector.broadcast %sub3A_1657 : i32 to vector<16xi32>
    %sub3A_1659 = arith.subi %add3A_1656, %sub3A_1658 : vector<16xi32>
    %select_n3A_1660 = arith.select %eq3A_1636, %sub3A_1659, %select_n3A_1621 : vector<16xi1>, vector<16xi32>
    %eq3A_1661 = arith.constant 1 : i32
    %eq3A_1662 = vector.broadcast %eq3A_1661 : i32 to vector<16xi32>
    %eq3A_1663 = arith.cmpi eq, %iota3A, %eq3A_1662 : vector<16xi32>
    %reduce_sum3A_1664 = arith.constant true
    %reduce_sum3A_1665 = vector.broadcast %reduce_sum3A_1664 : i1 to vector<16xi1>
    %reduce_sum3A_1666 = tpu.scan <sum>, %select_n3A_1641 masked %reduce_sum3A_1665 : vector<16xi32>, vector<16xi1> -> vector<16xi32>
    %reduce_sum3A_1667 = vector.extract %reduce_sum3A_1666[15] : i32 from vector<16xi32>
    %jit3A_1668 = arith.constant 0 : i32
    %broadcast_in_dim3A_1669 = vector.broadcast %reduce_sum3A_1667 : i32 to vector<16xi32>
    %broadcast_in_dim3A_1670 = vector.broadcast %jit3A_1668 : i32 to vector<16xi32>
    %select_n3A_1671 = arith.select %eq3A_1663, %broadcast_in_dim3A_1669, %broadcast_in_dim3A_1670 : vector<16xi1>, vector<16xi32>
    %add3A_1672 = arith.addi %add3A_1633, %select_n3A_1671 : vector<16xi32>
    %eq3A_1673 = arith.constant 2 : i32
    %eq3A_1674 = vector.broadcast %eq3A_1673 : i32 to vector<16xi32>
    %eq3A_1675 = arith.cmpi eq, %get3A_1592, %eq3A_1674 : vector<16xi32>
    %jit3A_1676 = arith.constant 1 : i32
    %jit3A_1677 = arith.constant 0 : i32
    %broadcast_in_dim3A_1678 = vector.broadcast %jit3A_1676 : i32 to vector<16xi32>
    %broadcast_in_dim3A_1679 = vector.broadcast %jit3A_1677 : i32 to vector<16xi32>
    %select_n3A_1680 = arith.select %eq3A_1675, %broadcast_in_dim3A_1678, %broadcast_in_dim3A_1679 : vector<16xi1>, vector<16xi32>
    %broadcast_in_dim3A_1681 = arith.constant true
    %broadcast_in_dim3A_1682 = vector.broadcast %broadcast_in_dim3A_1681 : i1 to vector<16xi1>
    %masked_cumsum3A_1683 = tpu.scan <sum>, %select_n3A_1680 masked %broadcast_in_dim3A_1682 : vector<16xi32>, vector<16xi1> -> vector<16xi32>
    %eq3A_1684 = arith.constant 2 : i32
    %eq3A_1685 = vector.broadcast %eq3A_1684 : i32 to vector<16xi32>
    %eq3A_1686 = arith.cmpi eq, %iota3A, %eq3A_1685 : vector<16xi32>
    %jit3A_1687 = arith.constant 0 : i32
    %broadcast_in_dim3A_1688 = vector.broadcast %jit3A_1687 : i32 to vector<16xi32>
    %select_n3A_1689 = arith.select %eq3A_1686, %add3A_1672, %broadcast_in_dim3A_1688 : vector<16xi1>, vector<16xi32>
    %reduce_sum3A_1690 = arith.constant true
    %reduce_sum3A_1691 = vector.broadcast %reduce_sum3A_1690 : i1 to vector<16xi1>
    %reduce_sum3A_1692 = tpu.scan <sum>, %select_n3A_1689 masked %reduce_sum3A_1691 : vector<16xi32>, vector<16xi1> -> vector<16xi32>
    %reduce_sum3A_1693 = vector.extract %reduce_sum3A_1692[15] : i32 from vector<16xi32>
    %add3A_1694 = vector.broadcast %reduce_sum3A_1693 : i32 to vector<16xi32>
    %add3A_1695 = arith.addi %add3A_1694, %masked_cumsum3A_1683 : vector<16xi32>
    %sub3A_1696 = arith.constant 1 : i32
    %sub3A_1697 = vector.broadcast %sub3A_1696 : i32 to vector<16xi32>
    %sub3A_1698 = arith.subi %add3A_1695, %sub3A_1697 : vector<16xi32>
    %select_n3A_1699 = arith.select %eq3A_1675, %sub3A_1698, %select_n3A_1660 : vector<16xi1>, vector<16xi32>
    %eq3A_1700 = arith.constant 2 : i32
    %eq3A_1701 = vector.broadcast %eq3A_1700 : i32 to vector<16xi32>
    %eq3A_1702 = arith.cmpi eq, %iota3A, %eq3A_1701 : vector<16xi32>
    %reduce_sum3A_1703 = arith.constant true
    %reduce_sum3A_1704 = vector.broadcast %reduce_sum3A_1703 : i1 to vector<16xi1>
    %reduce_sum3A_1705 = tpu.scan <sum>, %select_n3A_1680 masked %reduce_sum3A_1704 : vector<16xi32>, vector<16xi1> -> vector<16xi32>
    %reduce_sum3A_1706 = vector.extract %reduce_sum3A_1705[15] : i32 from vector<16xi32>
    %jit3A_1707 = arith.constant 0 : i32
    %broadcast_in_dim3A_1708 = vector.broadcast %reduce_sum3A_1706 : i32 to vector<16xi32>
    %broadcast_in_dim3A_1709 = vector.broadcast %jit3A_1707 : i32 to vector<16xi32>
    %select_n3A_1710 = arith.select %eq3A_1702, %broadcast_in_dim3A_1708, %broadcast_in_dim3A_1709 : vector<16xi1>, vector<16xi32>
    %add3A_1711 = arith.addi %add3A_1672, %select_n3A_1710 : vector<16xi32>
    %eq3A_1712 = arith.constant 3 : i32
    %eq3A_1713 = vector.broadcast %eq3A_1712 : i32 to vector<16xi32>
    %eq3A_1714 = arith.cmpi eq, %get3A_1592, %eq3A_1713 : vector<16xi32>
    %jit3A_1715 = arith.constant 1 : i32
    %jit3A_1716 = arith.constant 0 : i32
    %broadcast_in_dim3A_1717 = vector.broadcast %jit3A_1715 : i32 to vector<16xi32>
    %broadcast_in_dim3A_1718 = vector.broadcast %jit3A_1716 : i32 to vector<16xi32>
    %select_n3A_1719 = arith.select %eq3A_1714, %broadcast_in_dim3A_1717, %broadcast_in_dim3A_1718 : vector<16xi1>, vector<16xi32>
    %broadcast_in_dim3A_1720 = arith.constant true
    %broadcast_in_dim3A_1721 = vector.broadcast %broadcast_in_dim3A_1720 : i1 to vector<16xi1>
    %masked_cumsum3A_1722 = tpu.scan <sum>, %select_n3A_1719 masked %broadcast_in_dim3A_1721 : vector<16xi32>, vector<16xi1> -> vector<16xi32>
    %eq3A_1723 = arith.constant 3 : i32
    %eq3A_1724 = vector.broadcast %eq3A_1723 : i32 to vector<16xi32>
    %eq3A_1725 = arith.cmpi eq, %iota3A, %eq3A_1724 : vector<16xi32>
    %jit3A_1726 = arith.constant 0 : i32
    %broadcast_in_dim3A_1727 = vector.broadcast %jit3A_1726 : i32 to vector<16xi32>
    %select_n3A_1728 = arith.select %eq3A_1725, %add3A_1711, %broadcast_in_dim3A_1727 : vector<16xi1>, vector<16xi32>
    %reduce_sum3A_1729 = arith.constant true
    %reduce_sum3A_1730 = vector.broadcast %reduce_sum3A_1729 : i1 to vector<16xi1>
    %reduce_sum3A_1731 = tpu.scan <sum>, %select_n3A_1728 masked %reduce_sum3A_1730 : vector<16xi32>, vector<16xi1> -> vector<16xi32>
    %reduce_sum3A_1732 = vector.extract %reduce_sum3A_1731[15] : i32 from vector<16xi32>
    %add3A_1733 = vector.broadcast %reduce_sum3A_1732 : i32 to vector<16xi32>
    %add3A_1734 = arith.addi %add3A_1733, %masked_cumsum3A_1722 : vector<16xi32>
    %sub3A_1735 = arith.constant 1 : i32
    %sub3A_1736 = vector.broadcast %sub3A_1735 : i32 to vector<16xi32>
    %sub3A_1737 = arith.subi %add3A_1734, %sub3A_1736 : vector<16xi32>
    %select_n3A_1738 = arith.select %eq3A_1714, %sub3A_1737, %select_n3A_1699 : vector<16xi1>, vector<16xi32>
    %eq3A_1739 = arith.constant 3 : i32
    %eq3A_1740 = vector.broadcast %eq3A_1739 : i32 to vector<16xi32>
    %eq3A_1741 = arith.cmpi eq, %iota3A, %eq3A_1740 : vector<16xi32>
    %reduce_sum3A_1742 = arith.constant true
    %reduce_sum3A_1743 = vector.broadcast %reduce_sum3A_1742 : i1 to vector<16xi1>
    %reduce_sum3A_1744 = tpu.scan <sum>, %select_n3A_1719 masked %reduce_sum3A_1743 : vector<16xi32>, vector<16xi1> -> vector<16xi32>
    %reduce_sum3A_1745 = vector.extract %reduce_sum3A_1744[15] : i32 from vector<16xi32>
    %jit3A_1746 = arith.constant 0 : i32
    %broadcast_in_dim3A_1747 = vector.broadcast %reduce_sum3A_1745 : i32 to vector<16xi32>
    %broadcast_in_dim3A_1748 = vector.broadcast %jit3A_1746 : i32 to vector<16xi32>
    %select_n3A_1749 = arith.select %eq3A_1741, %broadcast_in_dim3A_1747, %broadcast_in_dim3A_1748 : vector<16xi1>, vector<16xi32>
    %add3A_1750 = arith.addi %add3A_1711, %select_n3A_1749 : vector<16xi32>
    %eq3A_1751 = arith.constant 4 : i32
    %eq3A_1752 = vector.broadcast %eq3A_1751 : i32 to vector<16xi32>
    %eq3A_1753 = arith.cmpi eq, %get3A_1592, %eq3A_1752 : vector<16xi32>
    %jit3A_1754 = arith.constant 1 : i32
    %jit3A_1755 = arith.constant 0 : i32
    %broadcast_in_dim3A_1756 = vector.broadcast %jit3A_1754 : i32 to vector<16xi32>
    %broadcast_in_dim3A_1757 = vector.broadcast %jit3A_1755 : i32 to vector<16xi32>
    %select_n3A_1758 = arith.select %eq3A_1753, %broadcast_in_dim3A_1756, %broadcast_in_dim3A_1757 : vector<16xi1>, vector<16xi32>
    %broadcast_in_dim3A_1759 = arith.constant true
    %broadcast_in_dim3A_1760 = vector.broadcast %broadcast_in_dim3A_1759 : i1 to vector<16xi1>
    %masked_cumsum3A_1761 = tpu.scan <sum>, %select_n3A_1758 masked %broadcast_in_dim3A_1760 : vector<16xi32>, vector<16xi1> -> vector<16xi32>
    %eq3A_1762 = arith.constant 4 : i32
    %eq3A_1763 = vector.broadcast %eq3A_1762 : i32 to vector<16xi32>
    %eq3A_1764 = arith.cmpi eq, %iota3A, %eq3A_1763 : vector<16xi32>
    %jit3A_1765 = arith.constant 0 : i32
    %broadcast_in_dim3A_1766 = vector.broadcast %jit3A_1765 : i32 to vector<16xi32>
    %select_n3A_1767 = arith.select %eq3A_1764, %add3A_1750, %broadcast_in_dim3A_1766 : vector<16xi1>, vector<16xi32>
    %reduce_sum3A_1768 = arith.constant true
    %reduce_sum3A_1769 = vector.broadcast %reduce_sum3A_1768 : i1 to vector<16xi1>
    %reduce_sum3A_1770 = tpu.scan <sum>, %select_n3A_1767 masked %reduce_sum3A_1769 : vector<16xi32>, vector<16xi1> -> vector<16xi32>
    %reduce_sum3A_1771 = vector.extract %reduce_sum3A_1770[15] : i32 from vector<16xi32>
    %add3A_1772 = vector.broadcast %reduce_sum3A_1771 : i32 to vector<16xi32>
    %add3A_1773 = arith.addi %add3A_1772, %masked_cumsum3A_1761 : vector<16xi32>
    %sub3A_1774 = arith.constant 1 : i32
    %sub3A_1775 = vector.broadcast %sub3A_1774 : i32 to vector<16xi32>
    %sub3A_1776 = arith.subi %add3A_1773, %sub3A_1775 : vector<16xi32>
    %select_n3A_1777 = arith.select %eq3A_1753, %sub3A_1776, %select_n3A_1738 : vector<16xi1>, vector<16xi32>
    %eq3A_1778 = arith.constant 4 : i32
    %eq3A_1779 = vector.broadcast %eq3A_1778 : i32 to vector<16xi32>
    %eq3A_1780 = arith.cmpi eq, %iota3A, %eq3A_1779 : vector<16xi32>
    %reduce_sum3A_1781 = arith.constant true
    %reduce_sum3A_1782 = vector.broadcast %reduce_sum3A_1781 : i1 to vector<16xi1>
    %reduce_sum3A_1783 = tpu.scan <sum>, %select_n3A_1758 masked %reduce_sum3A_1782 : vector<16xi32>, vector<16xi1> -> vector<16xi32>
    %reduce_sum3A_1784 = vector.extract %reduce_sum3A_1783[15] : i32 from vector<16xi32>
    %jit3A_1785 = arith.constant 0 : i32
    %broadcast_in_dim3A_1786 = vector.broadcast %reduce_sum3A_1784 : i32 to vector<16xi32>
    %broadcast_in_dim3A_1787 = vector.broadcast %jit3A_1785 : i32 to vector<16xi32>
    %select_n3A_1788 = arith.select %eq3A_1780, %broadcast_in_dim3A_1786, %broadcast_in_dim3A_1787 : vector<16xi1>, vector<16xi32>
    %add3A_1789 = arith.addi %add3A_1750, %select_n3A_1788 : vector<16xi32>
    %eq3A_1790 = arith.constant 5 : i32
    %eq3A_1791 = vector.broadcast %eq3A_1790 : i32 to vector<16xi32>
    %eq3A_1792 = arith.cmpi eq, %get3A_1592, %eq3A_1791 : vector<16xi32>
    %jit3A_1793 = arith.constant 1 : i32
    %jit3A_1794 = arith.constant 0 : i32
    %broadcast_in_dim3A_1795 = vector.broadcast %jit3A_1793 : i32 to vector<16xi32>
    %broadcast_in_dim3A_1796 = vector.broadcast %jit3A_1794 : i32 to vector<16xi32>
    %select_n3A_1797 = arith.select %eq3A_1792, %broadcast_in_dim3A_1795, %broadcast_in_dim3A_1796 : vector<16xi1>, vector<16xi32>
    %broadcast_in_dim3A_1798 = arith.constant true
    %broadcast_in_dim3A_1799 = vector.broadcast %broadcast_in_dim3A_1798 : i1 to vector<16xi1>
    %masked_cumsum3A_1800 = tpu.scan <sum>, %select_n3A_1797 masked %broadcast_in_dim3A_1799 : vector<16xi32>, vector<16xi1> -> vector<16xi32>
    %eq3A_1801 = arith.constant 5 : i32
    %eq3A_1802 = vector.broadcast %eq3A_1801 : i32 to vector<16xi32>
    %eq3A_1803 = arith.cmpi eq, %iota3A, %eq3A_1802 : vector<16xi32>
    %jit3A_1804 = arith.constant 0 : i32
    %broadcast_in_dim3A_1805 = vector.broadcast %jit3A_1804 : i32 to vector<16xi32>
    %select_n3A_1806 = arith.select %eq3A_1803, %add3A_1789, %broadcast_in_dim3A_1805 : vector<16xi1>, vector<16xi32>
    %reduce_sum3A_1807 = arith.constant true
    %reduce_sum3A_1808 = vector.broadcast %reduce_sum3A_1807 : i1 to vector<16xi1>
    %reduce_sum3A_1809 = tpu.scan <sum>, %select_n3A_1806 masked %reduce_sum3A_1808 : vector<16xi32>, vector<16xi1> -> vector<16xi32>
    %reduce_sum3A_1810 = vector.extract %reduce_sum3A_1809[15] : i32 from vector<16xi32>
    %add3A_1811 = vector.broadcast %reduce_sum3A_1810 : i32 to vector<16xi32>
    %add3A_1812 = arith.addi %add3A_1811, %masked_cumsum3A_1800 : vector<16xi32>
    %sub3A_1813 = arith.constant 1 : i32
    %sub3A_1814 = vector.broadcast %sub3A_1813 : i32 to vector<16xi32>
    %sub3A_1815 = arith.subi %add3A_1812, %sub3A_1814 : vector<16xi32>
    %select_n3A_1816 = arith.select %eq3A_1792, %sub3A_1815, %select_n3A_1777 : vector<16xi1>, vector<16xi32>
    %eq3A_1817 = arith.constant 5 : i32
    %eq3A_1818 = vector.broadcast %eq3A_1817 : i32 to vector<16xi32>
    %eq3A_1819 = arith.cmpi eq, %iota3A, %eq3A_1818 : vector<16xi32>
    %reduce_sum3A_1820 = arith.constant true
    %reduce_sum3A_1821 = vector.broadcast %reduce_sum3A_1820 : i1 to vector<16xi1>
    %reduce_sum3A_1822 = tpu.scan <sum>, %select_n3A_1797 masked %reduce_sum3A_1821 : vector<16xi32>, vector<16xi1> -> vector<16xi32>
    %reduce_sum3A_1823 = vector.extract %reduce_sum3A_1822[15] : i32 from vector<16xi32>
    %jit3A_1824 = arith.constant 0 : i32
    %broadcast_in_dim3A_1825 = vector.broadcast %reduce_sum3A_1823 : i32 to vector<16xi32>
    %broadcast_in_dim3A_1826 = vector.broadcast %jit3A_1824 : i32 to vector<16xi32>
    %select_n3A_1827 = arith.select %eq3A_1819, %broadcast_in_dim3A_1825, %broadcast_in_dim3A_1826 : vector<16xi1>, vector<16xi32>
    %add3A_1828 = arith.addi %add3A_1789, %select_n3A_1827 : vector<16xi32>
    %eq3A_1829 = arith.constant 6 : i32
    %eq3A_1830 = vector.broadcast %eq3A_1829 : i32 to vector<16xi32>
    %eq3A_1831 = arith.cmpi eq, %get3A_1592, %eq3A_1830 : vector<16xi32>
    %jit3A_1832 = arith.constant 1 : i32
    %jit3A_1833 = arith.constant 0 : i32
    %broadcast_in_dim3A_1834 = vector.broadcast %jit3A_1832 : i32 to vector<16xi32>
    %broadcast_in_dim3A_1835 = vector.broadcast %jit3A_1833 : i32 to vector<16xi32>
    %select_n3A_1836 = arith.select %eq3A_1831, %broadcast_in_dim3A_1834, %broadcast_in_dim3A_1835 : vector<16xi1>, vector<16xi32>
    %broadcast_in_dim3A_1837 = arith.constant true
    %broadcast_in_dim3A_1838 = vector.broadcast %broadcast_in_dim3A_1837 : i1 to vector<16xi1>
    %masked_cumsum3A_1839 = tpu.scan <sum>, %select_n3A_1836 masked %broadcast_in_dim3A_1838 : vector<16xi32>, vector<16xi1> -> vector<16xi32>
    %eq3A_1840 = arith.constant 6 : i32
    %eq3A_1841 = vector.broadcast %eq3A_1840 : i32 to vector<16xi32>
    %eq3A_1842 = arith.cmpi eq, %iota3A, %eq3A_1841 : vector<16xi32>
    %jit3A_1843 = arith.constant 0 : i32
    %broadcast_in_dim3A_1844 = vector.broadcast %jit3A_1843 : i32 to vector<16xi32>
    %select_n3A_1845 = arith.select %eq3A_1842, %add3A_1828, %broadcast_in_dim3A_1844 : vector<16xi1>, vector<16xi32>
    %reduce_sum3A_1846 = arith.constant true
    %reduce_sum3A_1847 = vector.broadcast %reduce_sum3A_1846 : i1 to vector<16xi1>
    %reduce_sum3A_1848 = tpu.scan <sum>, %select_n3A_1845 masked %reduce_sum3A_1847 : vector<16xi32>, vector<16xi1> -> vector<16xi32>
    %reduce_sum3A_1849 = vector.extract %reduce_sum3A_1848[15] : i32 from vector<16xi32>
    %add3A_1850 = vector.broadcast %reduce_sum3A_1849 : i32 to vector<16xi32>
    %add3A_1851 = arith.addi %add3A_1850, %masked_cumsum3A_1839 : vector<16xi32>
    %sub3A_1852 = arith.constant 1 : i32
    %sub3A_1853 = vector.broadcast %sub3A_1852 : i32 to vector<16xi32>
    %sub3A_1854 = arith.subi %add3A_1851, %sub3A_1853 : vector<16xi32>
    %select_n3A_1855 = arith.select %eq3A_1831, %sub3A_1854, %select_n3A_1816 : vector<16xi1>, vector<16xi32>
    %eq3A_1856 = arith.constant 6 : i32
    %eq3A_1857 = vector.broadcast %eq3A_1856 : i32 to vector<16xi32>
    %eq3A_1858 = arith.cmpi eq, %iota3A, %eq3A_1857 : vector<16xi32>
    %reduce_sum3A_1859 = arith.constant true
    %reduce_sum3A_1860 = vector.broadcast %reduce_sum3A_1859 : i1 to vector<16xi1>
    %reduce_sum3A_1861 = tpu.scan <sum>, %select_n3A_1836 masked %reduce_sum3A_1860 : vector<16xi32>, vector<16xi1> -> vector<16xi32>
    %reduce_sum3A_1862 = vector.extract %reduce_sum3A_1861[15] : i32 from vector<16xi32>
    %jit3A_1863 = arith.constant 0 : i32
    %broadcast_in_dim3A_1864 = vector.broadcast %reduce_sum3A_1862 : i32 to vector<16xi32>
    %broadcast_in_dim3A_1865 = vector.broadcast %jit3A_1863 : i32 to vector<16xi32>
    %select_n3A_1866 = arith.select %eq3A_1858, %broadcast_in_dim3A_1864, %broadcast_in_dim3A_1865 : vector<16xi1>, vector<16xi32>
    %add3A_1867 = arith.addi %add3A_1828, %select_n3A_1866 : vector<16xi32>
    %eq3A_1868 = arith.constant 7 : i32
    %eq3A_1869 = vector.broadcast %eq3A_1868 : i32 to vector<16xi32>
    %eq3A_1870 = arith.cmpi eq, %get3A_1592, %eq3A_1869 : vector<16xi32>
    %jit3A_1871 = arith.constant 1 : i32
    %jit3A_1872 = arith.constant 0 : i32
    %broadcast_in_dim3A_1873 = vector.broadcast %jit3A_1871 : i32 to vector<16xi32>
    %broadcast_in_dim3A_1874 = vector.broadcast %jit3A_1872 : i32 to vector<16xi32>
    %select_n3A_1875 = arith.select %eq3A_1870, %broadcast_in_dim3A_1873, %broadcast_in_dim3A_1874 : vector<16xi1>, vector<16xi32>
    %broadcast_in_dim3A_1876 = arith.constant true
    %broadcast_in_dim3A_1877 = vector.broadcast %broadcast_in_dim3A_1876 : i1 to vector<16xi1>
    %masked_cumsum3A_1878 = tpu.scan <sum>, %select_n3A_1875 masked %broadcast_in_dim3A_1877 : vector<16xi32>, vector<16xi1> -> vector<16xi32>
    %eq3A_1879 = arith.constant 7 : i32
    %eq3A_1880 = vector.broadcast %eq3A_1879 : i32 to vector<16xi32>
    %eq3A_1881 = arith.cmpi eq, %iota3A, %eq3A_1880 : vector<16xi32>
    %jit3A_1882 = arith.constant 0 : i32
    %broadcast_in_dim3A_1883 = vector.broadcast %jit3A_1882 : i32 to vector<16xi32>
    %select_n3A_1884 = arith.select %eq3A_1881, %add3A_1867, %broadcast_in_dim3A_1883 : vector<16xi1>, vector<16xi32>
    %reduce_sum3A_1885 = arith.constant true
    %reduce_sum3A_1886 = vector.broadcast %reduce_sum3A_1885 : i1 to vector<16xi1>
    %reduce_sum3A_1887 = tpu.scan <sum>, %select_n3A_1884 masked %reduce_sum3A_1886 : vector<16xi32>, vector<16xi1> -> vector<16xi32>
    %reduce_sum3A_1888 = vector.extract %reduce_sum3A_1887[15] : i32 from vector<16xi32>
    %add3A_1889 = vector.broadcast %reduce_sum3A_1888 : i32 to vector<16xi32>
    %add3A_1890 = arith.addi %add3A_1889, %masked_cumsum3A_1878 : vector<16xi32>
    %sub3A_1891 = arith.constant 1 : i32
    %sub3A_1892 = vector.broadcast %sub3A_1891 : i32 to vector<16xi32>
    %sub3A_1893 = arith.subi %add3A_1890, %sub3A_1892 : vector<16xi32>
    %select_n3A_1894 = arith.select %eq3A_1870, %sub3A_1893, %select_n3A_1855 : vector<16xi1>, vector<16xi32>
    %eq3A_1895 = arith.constant 7 : i32
    %eq3A_1896 = vector.broadcast %eq3A_1895 : i32 to vector<16xi32>
    %eq3A_1897 = arith.cmpi eq, %iota3A, %eq3A_1896 : vector<16xi32>
    %reduce_sum3A_1898 = arith.constant true
    %reduce_sum3A_1899 = vector.broadcast %reduce_sum3A_1898 : i1 to vector<16xi1>
    %reduce_sum3A_1900 = tpu.scan <sum>, %select_n3A_1875 masked %reduce_sum3A_1899 : vector<16xi32>, vector<16xi1> -> vector<16xi32>
    %reduce_sum3A_1901 = vector.extract %reduce_sum3A_1900[15] : i32 from vector<16xi32>
    %jit3A_1902 = arith.constant 0 : i32
    %broadcast_in_dim3A_1903 = vector.broadcast %reduce_sum3A_1901 : i32 to vector<16xi32>
    %broadcast_in_dim3A_1904 = vector.broadcast %jit3A_1902 : i32 to vector<16xi32>
    %select_n3A_1905 = arith.select %eq3A_1897, %broadcast_in_dim3A_1903, %broadcast_in_dim3A_1904 : vector<16xi1>, vector<16xi32>
    %add3A_1906 = arith.addi %add3A_1867, %select_n3A_1905 : vector<16xi32>
    %swap3A_1907 = arith.constant 0 : index
    %swap3A_1908 = tpu.vector_load %arg11[%swap3A_1907] {strides = array<i32>} : memref<64xi32, #tpu.memory_space<vmem>>, vector<16xi32>,
    tpu.vector_store %arg11[%swap3A_1907], %select_n3A_1894 {strides = array<i32>} : memref<64xi32, #tpu.memory_space<vmem>>, vector<16xi32>,
    %get3A_1909 = arith.constant 80 : index
    %get3A_1910 = tpu.vector_load %arg8[%get3A_1909] {strides = array<i32>} : memref<128xi32, #tpu.memory_space<vmem>>, vector<16xi32>,
    %broadcast_in_dim3A_1911 = arith.constant 0 : i32
    %broadcast_in_dim3A_1912 = vector.broadcast %broadcast_in_dim3A_1911 : i32 to vector<16xi32>
    %eq3A_1913 = arith.constant 0 : i32
    %eq3A_1914 = vector.broadcast %eq3A_1913 : i32 to vector<16xi32>
    %eq3A_1915 = arith.cmpi eq, %get3A_1910, %eq3A_1914 : vector<16xi32>
    %jit3A_1916 = arith.constant 1 : i32
    %jit3A_1917 = arith.constant 0 : i32
    %broadcast_in_dim3A_1918 = vector.broadcast %jit3A_1916 : i32 to vector<16xi32>
    %broadcast_in_dim3A_1919 = vector.broadcast %jit3A_1917 : i32 to vector<16xi32>
    %select_n3A_1920 = arith.select %eq3A_1915, %broadcast_in_dim3A_1918, %broadcast_in_dim3A_1919 : vector<16xi1>, vector<16xi32>
    %broadcast_in_dim3A_1921 = arith.constant true
    %broadcast_in_dim3A_1922 = vector.broadcast %broadcast_in_dim3A_1921 : i1 to vector<16xi1>
    %masked_cumsum3A_1923 = tpu.scan <sum>, %select_n3A_1920 masked %broadcast_in_dim3A_1922 : vector<16xi32>, vector<16xi1> -> vector<16xi32>
    %eq3A_1924 = arith.constant 0 : i32
    %eq3A_1925 = vector.broadcast %eq3A_1924 : i32 to vector<16xi32>
    %eq3A_1926 = arith.cmpi eq, %iota3A, %eq3A_1925 : vector<16xi32>
    %jit3A_1927 = arith.constant 0 : i32
    %broadcast_in_dim3A_1928 = vector.broadcast %jit3A_1927 : i32 to vector<16xi32>
    %select_n3A_1929 = arith.select %eq3A_1926, %add3A_1906, %broadcast_in_dim3A_1928 : vector<16xi1>, vector<16xi32>
    %reduce_sum3A_1930 = arith.constant true
    %reduce_sum3A_1931 = vector.broadcast %reduce_sum3A_1930 : i1 to vector<16xi1>
    %reduce_sum3A_1932 = tpu.scan <sum>, %select_n3A_1929 masked %reduce_sum3A_1931 : vector<16xi32>, vector<16xi1> -> vector<16xi32>
    %reduce_sum3A_1933 = vector.extract %reduce_sum3A_1932[15] : i32 from vector<16xi32>
    %add3A_1934 = vector.broadcast %reduce_sum3A_1933 : i32 to vector<16xi32>
    %add3A_1935 = arith.addi %add3A_1934, %masked_cumsum3A_1923 : vector<16xi32>
    %sub3A_1936 = arith.constant 1 : i32
    %sub3A_1937 = vector.broadcast %sub3A_1936 : i32 to vector<16xi32>
    %sub3A_1938 = arith.subi %add3A_1935, %sub3A_1937 : vector<16xi32>
    %select_n3A_1939 = arith.select %eq3A_1915, %sub3A_1938, %broadcast_in_dim3A_1912 : vector<16xi1>, vector<16xi32>
    %eq3A_1940 = arith.constant 0 : i32
    %eq3A_1941 = vector.broadcast %eq3A_1940 : i32 to vector<16xi32>
    %eq3A_1942 = arith.cmpi eq, %iota3A, %eq3A_1941 : vector<16xi32>
    %reduce_sum3A_1943 = arith.constant true
    %reduce_sum3A_1944 = vector.broadcast %reduce_sum3A_1943 : i1 to vector<16xi1>
    %reduce_sum3A_1945 = tpu.scan <sum>, %select_n3A_1920 masked %reduce_sum3A_1944 : vector<16xi32>, vector<16xi1> -> vector<16xi32>
    %reduce_sum3A_1946 = vector.extract %reduce_sum3A_1945[15] : i32 from vector<16xi32>
    %jit3A_1947 = arith.constant 0 : i32
    %broadcast_in_dim3A_1948 = vector.broadcast %reduce_sum3A_1946 : i32 to vector<16xi32>
    %broadcast_in_dim3A_1949 = vector.broadcast %jit3A_1947 : i32 to vector<16xi32>
    %select_n3A_1950 = arith.select %eq3A_1942, %broadcast_in_dim3A_1948, %broadcast_in_dim3A_1949 : vector<16xi1>, vector<16xi32>
    %add3A_1951 = arith.addi %add3A_1906, %select_n3A_1950 : vector<16xi32>
    %eq3A_1952 = arith.constant 1 : i32
    %eq3A_1953 = vector.broadcast %eq3A_1952 : i32 to vector<16xi32>
    %eq3A_1954 = arith.cmpi eq, %get3A_1910, %eq3A_1953 : vector<16xi32>
    %jit3A_1955 = arith.constant 1 : i32
    %jit3A_1956 = arith.constant 0 : i32
    %broadcast_in_dim3A_1957 = vector.broadcast %jit3A_1955 : i32 to vector<16xi32>
    %broadcast_in_dim3A_1958 = vector.broadcast %jit3A_1956 : i32 to vector<16xi32>
    %select_n3A_1959 = arith.select %eq3A_1954, %broadcast_in_dim3A_1957, %broadcast_in_dim3A_1958 : vector<16xi1>, vector<16xi32>
    %broadcast_in_dim3A_1960 = arith.constant true
    %broadcast_in_dim3A_1961 = vector.broadcast %broadcast_in_dim3A_1960 : i1 to vector<16xi1>
    %masked_cumsum3A_1962 = tpu.scan <sum>, %select_n3A_1959 masked %broadcast_in_dim3A_1961 : vector<16xi32>, vector<16xi1> -> vector<16xi32>
    %eq3A_1963 = arith.constant 1 : i32
    %eq3A_1964 = vector.broadcast %eq3A_1963 : i32 to vector<16xi32>
    %eq3A_1965 = arith.cmpi eq, %iota3A, %eq3A_1964 : vector<16xi32>
    %jit3A_1966 = arith.constant 0 : i32
    %broadcast_in_dim3A_1967 = vector.broadcast %jit3A_1966 : i32 to vector<16xi32>
    %select_n3A_1968 = arith.select %eq3A_1965, %add3A_1951, %broadcast_in_dim3A_1967 : vector<16xi1>, vector<16xi32>
    %reduce_sum3A_1969 = arith.constant true
    %reduce_sum3A_1970 = vector.broadcast %reduce_sum3A_1969 : i1 to vector<16xi1>
    %reduce_sum3A_1971 = tpu.scan <sum>, %select_n3A_1968 masked %reduce_sum3A_1970 : vector<16xi32>, vector<16xi1> -> vector<16xi32>
    %reduce_sum3A_1972 = vector.extract %reduce_sum3A_1971[15] : i32 from vector<16xi32>
    %add3A_1973 = vector.broadcast %reduce_sum3A_1972 : i32 to vector<16xi32>
    %add3A_1974 = arith.addi %add3A_1973, %masked_cumsum3A_1962 : vector<16xi32>
    %sub3A_1975 = arith.constant 1 : i32
    %sub3A_1976 = vector.broadcast %sub3A_1975 : i32 to vector<16xi32>
    %sub3A_1977 = arith.subi %add3A_1974, %sub3A_1976 : vector<16xi32>
    %select_n3A_1978 = arith.select %eq3A_1954, %sub3A_1977, %select_n3A_1939 : vector<16xi1>, vector<16xi32>
    %eq3A_1979 = arith.constant 1 : i32
    %eq3A_1980 = vector.broadcast %eq3A_1979 : i32 to vector<16xi32>
    %eq3A_1981 = arith.cmpi eq, %iota3A, %eq3A_1980 : vector<16xi32>
    %reduce_sum3A_1982 = arith.constant true
    %reduce_sum3A_1983 = vector.broadcast %reduce_sum3A_1982 : i1 to vector<16xi1>
    %reduce_sum3A_1984 = tpu.scan <sum>, %select_n3A_1959 masked %reduce_sum3A_1983 : vector<16xi32>, vector<16xi1> -> vector<16xi32>
    %reduce_sum3A_1985 = vector.extract %reduce_sum3A_1984[15] : i32 from vector<16xi32>
    %jit3A_1986 = arith.constant 0 : i32
    %broadcast_in_dim3A_1987 = vector.broadcast %reduce_sum3A_1985 : i32 to vector<16xi32>
    %broadcast_in_dim3A_1988 = vector.broadcast %jit3A_1986 : i32 to vector<16xi32>
    %select_n3A_1989 = arith.select %eq3A_1981, %broadcast_in_dim3A_1987, %broadcast_in_dim3A_1988 : vector<16xi1>, vector<16xi32>
    %add3A_1990 = arith.addi %add3A_1951, %select_n3A_1989 : vector<16xi32>
    %eq3A_1991 = arith.constant 2 : i32
    %eq3A_1992 = vector.broadcast %eq3A_1991 : i32 to vector<16xi32>
    %eq3A_1993 = arith.cmpi eq, %get3A_1910, %eq3A_1992 : vector<16xi32>
    %jit3A_1994 = arith.constant 1 : i32
    %jit3A_1995 = arith.constant 0 : i32
    %broadcast_in_dim3A_1996 = vector.broadcast %jit3A_1994 : i32 to vector<16xi32>
    %broadcast_in_dim3A_1997 = vector.broadcast %jit3A_1995 : i32 to vector<16xi32>
    %select_n3A_1998 = arith.select %eq3A_1993, %broadcast_in_dim3A_1996, %broadcast_in_dim3A_1997 : vector<16xi1>, vector<16xi32>
    %broadcast_in_dim3A_1999 = arith.constant true
    %broadcast_in_dim3A_2000 = vector.broadcast %broadcast_in_dim3A_1999 : i1 to vector<16xi1>
    %masked_cumsum3A_2001 = tpu.scan <sum>, %select_n3A_1998 masked %broadcast_in_dim3A_2000 : vector<16xi32>, vector<16xi1> -> vector<16xi32>
    %eq3A_2002 = arith.constant 2 : i32
    %eq3A_2003 = vector.broadcast %eq3A_2002 : i32 to vector<16xi32>
    %eq3A_2004 = arith.cmpi eq, %iota3A, %eq3A_2003 : vector<16xi32>
    %jit3A_2005 = arith.constant 0 : i32
    %broadcast_in_dim3A_2006 = vector.broadcast %jit3A_2005 : i32 to vector<16xi32>
    %select_n3A_2007 = arith.select %eq3A_2004, %add3A_1990, %broadcast_in_dim3A_2006 : vector<16xi1>, vector<16xi32>
    %reduce_sum3A_2008 = arith.constant true
    %reduce_sum3A_2009 = vector.broadcast %reduce_sum3A_2008 : i1 to vector<16xi1>
    %reduce_sum3A_2010 = tpu.scan <sum>, %select_n3A_2007 masked %reduce_sum3A_2009 : vector<16xi32>, vector<16xi1> -> vector<16xi32>
    %reduce_sum3A_2011 = vector.extract %reduce_sum3A_2010[15] : i32 from vector<16xi32>
    %add3A_2012 = vector.broadcast %reduce_sum3A_2011 : i32 to vector<16xi32>
    %add3A_2013 = arith.addi %add3A_2012, %masked_cumsum3A_2001 : vector<16xi32>
    %sub3A_2014 = arith.constant 1 : i32
    %sub3A_2015 = vector.broadcast %sub3A_2014 : i32 to vector<16xi32>
    %sub3A_2016 = arith.subi %add3A_2013, %sub3A_2015 : vector<16xi32>
    %select_n3A_2017 = arith.select %eq3A_1993, %sub3A_2016, %select_n3A_1978 : vector<16xi1>, vector<16xi32>
    %eq3A_2018 = arith.constant 2 : i32
    %eq3A_2019 = vector.broadcast %eq3A_2018 : i32 to vector<16xi32>
    %eq3A_2020 = arith.cmpi eq, %iota3A, %eq3A_2019 : vector<16xi32>
    %reduce_sum3A_2021 = arith.constant true
    %reduce_sum3A_2022 = vector.broadcast %reduce_sum3A_2021 : i1 to vector<16xi1>
    %reduce_sum3A_2023 = tpu.scan <sum>, %select_n3A_1998 masked %reduce_sum3A_2022 : vector<16xi32>, vector<16xi1> -> vector<16xi32>
    %reduce_sum3A_2024 = vector.extract %reduce_sum3A_2023[15] : i32 from vector<16xi32>
    %jit3A_2025 = arith.constant 0 : i32
    %broadcast_in_dim3A_2026 = vector.broadcast %reduce_sum3A_2024 : i32 to vector<16xi32>
    %broadcast_in_dim3A_2027 = vector.broadcast %jit3A_2025 : i32 to vector<16xi32>
    %select_n3A_2028 = arith.select %eq3A_2020, %broadcast_in_dim3A_2026, %broadcast_in_dim3A_2027 : vector<16xi1>, vector<16xi32>
    %add3A_2029 = arith.addi %add3A_1990, %select_n3A_2028 : vector<16xi32>
    %eq3A_2030 = arith.constant 3 : i32
    %eq3A_2031 = vector.broadcast %eq3A_2030 : i32 to vector<16xi32>
    %eq3A_2032 = arith.cmpi eq, %get3A_1910, %eq3A_2031 : vector<16xi32>
    %jit3A_2033 = arith.constant 1 : i32
    %jit3A_2034 = arith.constant 0 : i32
    %broadcast_in_dim3A_2035 = vector.broadcast %jit3A_2033 : i32 to vector<16xi32>
    %broadcast_in_dim3A_2036 = vector.broadcast %jit3A_2034 : i32 to vector<16xi32>
    %select_n3A_2037 = arith.select %eq3A_2032, %broadcast_in_dim3A_2035, %broadcast_in_dim3A_2036 : vector<16xi1>, vector<16xi32>
    %broadcast_in_dim3A_2038 = arith.constant true
    %broadcast_in_dim3A_2039 = vector.broadcast %broadcast_in_dim3A_2038 : i1 to vector<16xi1>
    %masked_cumsum3A_2040 = tpu.scan <sum>, %select_n3A_2037 masked %broadcast_in_dim3A_2039 : vector<16xi32>, vector<16xi1> -> vector<16xi32>
    %eq3A_2041 = arith.constant 3 : i32
    %eq3A_2042 = vector.broadcast %eq3A_2041 : i32 to vector<16xi32>
    %eq3A_2043 = arith.cmpi eq, %iota3A, %eq3A_2042 : vector<16xi32>
    %jit3A_2044 = arith.constant 0 : i32
    %broadcast_in_dim3A_2045 = vector.broadcast %jit3A_2044 : i32 to vector<16xi32>
    %select_n3A_2046 = arith.select %eq3A_2043, %add3A_2029, %broadcast_in_dim3A_2045 : vector<16xi1>, vector<16xi32>
    %reduce_sum3A_2047 = arith.constant true
    %reduce_sum3A_2048 = vector.broadcast %reduce_sum3A_2047 : i1 to vector<16xi1>
    %reduce_sum3A_2049 = tpu.scan <sum>, %select_n3A_2046 masked %reduce_sum3A_2048 : vector<16xi32>, vector<16xi1> -> vector<16xi32>
    %reduce_sum3A_2050 = vector.extract %reduce_sum3A_2049[15] : i32 from vector<16xi32>
    %add3A_2051 = vector.broadcast %reduce_sum3A_2050 : i32 to vector<16xi32>
    %add3A_2052 = arith.addi %add3A_2051, %masked_cumsum3A_2040 : vector<16xi32>
    %sub3A_2053 = arith.constant 1 : i32
    %sub3A_2054 = vector.broadcast %sub3A_2053 : i32 to vector<16xi32>
    %sub3A_2055 = arith.subi %add3A_2052, %sub3A_2054 : vector<16xi32>
    %select_n3A_2056 = arith.select %eq3A_2032, %sub3A_2055, %select_n3A_2017 : vector<16xi1>, vector<16xi32>
    %eq3A_2057 = arith.constant 3 : i32
    %eq3A_2058 = vector.broadcast %eq3A_2057 : i32 to vector<16xi32>
    %eq3A_2059 = arith.cmpi eq, %iota3A, %eq3A_2058 : vector<16xi32>
    %reduce_sum3A_2060 = arith.constant true
    %reduce_sum3A_2061 = vector.broadcast %reduce_sum3A_2060 : i1 to vector<16xi1>
    %reduce_sum3A_2062 = tpu.scan <sum>, %select_n3A_2037 masked %reduce_sum3A_2061 : vector<16xi32>, vector<16xi1> -> vector<16xi32>
    %reduce_sum3A_2063 = vector.extract %reduce_sum3A_2062[15] : i32 from vector<16xi32>
    %jit3A_2064 = arith.constant 0 : i32
    %broadcast_in_dim3A_2065 = vector.broadcast %reduce_sum3A_2063 : i32 to vector<16xi32>
    %broadcast_in_dim3A_2066 = vector.broadcast %jit3A_2064 : i32 to vector<16xi32>
    %select_n3A_2067 = arith.select %eq3A_2059, %broadcast_in_dim3A_2065, %broadcast_in_dim3A_2066 : vector<16xi1>, vector<16xi32>
    %add3A_2068 = arith.addi %add3A_2029, %select_n3A_2067 : vector<16xi32>
    %eq3A_2069 = arith.constant 4 : i32
    %eq3A_2070 = vector.broadcast %eq3A_2069 : i32 to vector<16xi32>
    %eq3A_2071 = arith.cmpi eq, %get3A_1910, %eq3A_2070 : vector<16xi32>
    %jit3A_2072 = arith.constant 1 : i32
    %jit3A_2073 = arith.constant 0 : i32
    %broadcast_in_dim3A_2074 = vector.broadcast %jit3A_2072 : i32 to vector<16xi32>
    %broadcast_in_dim3A_2075 = vector.broadcast %jit3A_2073 : i32 to vector<16xi32>
    %select_n3A_2076 = arith.select %eq3A_2071, %broadcast_in_dim3A_2074, %broadcast_in_dim3A_2075 : vector<16xi1>, vector<16xi32>
    %broadcast_in_dim3A_2077 = arith.constant true
    %broadcast_in_dim3A_2078 = vector.broadcast %broadcast_in_dim3A_2077 : i1 to vector<16xi1>
    %masked_cumsum3A_2079 = tpu.scan <sum>, %select_n3A_2076 masked %broadcast_in_dim3A_2078 : vector<16xi32>, vector<16xi1> -> vector<16xi32>
    %eq3A_2080 = arith.constant 4 : i32
    %eq3A_2081 = vector.broadcast %eq3A_2080 : i32 to vector<16xi32>
    %eq3A_2082 = arith.cmpi eq, %iota3A, %eq3A_2081 : vector<16xi32>
    %jit3A_2083 = arith.constant 0 : i32
    %broadcast_in_dim3A_2084 = vector.broadcast %jit3A_2083 : i32 to vector<16xi32>
    %select_n3A_2085 = arith.select %eq3A_2082, %add3A_2068, %broadcast_in_dim3A_2084 : vector<16xi1>, vector<16xi32>
    %reduce_sum3A_2086 = arith.constant true
    %reduce_sum3A_2087 = vector.broadcast %reduce_sum3A_2086 : i1 to vector<16xi1>
    %reduce_sum3A_2088 = tpu.scan <sum>, %select_n3A_2085 masked %reduce_sum3A_2087 : vector<16xi32>, vector<16xi1> -> vector<16xi32>
    %reduce_sum3A_2089 = vector.extract %reduce_sum3A_2088[15] : i32 from vector<16xi32>
    %add3A_2090 = vector.broadcast %reduce_sum3A_2089 : i32 to vector<16xi32>
    %add3A_2091 = arith.addi %add3A_2090, %masked_cumsum3A_2079 : vector<16xi32>
    %sub3A_2092 = arith.constant 1 : i32
    %sub3A_2093 = vector.broadcast %sub3A_2092 : i32 to vector<16xi32>
    %sub3A_2094 = arith.subi %add3A_2091, %sub3A_2093 : vector<16xi32>
    %select_n3A_2095 = arith.select %eq3A_2071, %sub3A_2094, %select_n3A_2056 : vector<16xi1>, vector<16xi32>
    %eq3A_2096 = arith.constant 4 : i32
    %eq3A_2097 = vector.broadcast %eq3A_2096 : i32 to vector<16xi32>
    %eq3A_2098 = arith.cmpi eq, %iota3A, %eq3A_2097 : vector<16xi32>
    %reduce_sum3A_2099 = arith.constant true
    %reduce_sum3A_2100 = vector.broadcast %reduce_sum3A_2099 : i1 to vector<16xi1>
    %reduce_sum3A_2101 = tpu.scan <sum>, %select_n3A_2076 masked %reduce_sum3A_2100 : vector<16xi32>, vector<16xi1> -> vector<16xi32>
    %reduce_sum3A_2102 = vector.extract %reduce_sum3A_2101[15] : i32 from vector<16xi32>
    %jit3A_2103 = arith.constant 0 : i32
    %broadcast_in_dim3A_2104 = vector.broadcast %reduce_sum3A_2102 : i32 to vector<16xi32>
    %broadcast_in_dim3A_2105 = vector.broadcast %jit3A_2103 : i32 to vector<16xi32>
    %select_n3A_2106 = arith.select %eq3A_2098, %broadcast_in_dim3A_2104, %broadcast_in_dim3A_2105 : vector<16xi1>, vector<16xi32>
    %add3A_2107 = arith.addi %add3A_2068, %select_n3A_2106 : vector<16xi32>
    %eq3A_2108 = arith.constant 5 : i32
    %eq3A_2109 = vector.broadcast %eq3A_2108 : i32 to vector<16xi32>
    %eq3A_2110 = arith.cmpi eq, %get3A_1910, %eq3A_2109 : vector<16xi32>
    %jit3A_2111 = arith.constant 1 : i32
    %jit3A_2112 = arith.constant 0 : i32
    %broadcast_in_dim3A_2113 = vector.broadcast %jit3A_2111 : i32 to vector<16xi32>
    %broadcast_in_dim3A_2114 = vector.broadcast %jit3A_2112 : i32 to vector<16xi32>
    %select_n3A_2115 = arith.select %eq3A_2110, %broadcast_in_dim3A_2113, %broadcast_in_dim3A_2114 : vector<16xi1>, vector<16xi32>
    %broadcast_in_dim3A_2116 = arith.constant true
    %broadcast_in_dim3A_2117 = vector.broadcast %broadcast_in_dim3A_2116 : i1 to vector<16xi1>
    %masked_cumsum3A_2118 = tpu.scan <sum>, %select_n3A_2115 masked %broadcast_in_dim3A_2117 : vector<16xi32>, vector<16xi1> -> vector<16xi32>
    %eq3A_2119 = arith.constant 5 : i32
    %eq3A_2120 = vector.broadcast %eq3A_2119 : i32 to vector<16xi32>
    %eq3A_2121 = arith.cmpi eq, %iota3A, %eq3A_2120 : vector<16xi32>
    %jit3A_2122 = arith.constant 0 : i32
    %broadcast_in_dim3A_2123 = vector.broadcast %jit3A_2122 : i32 to vector<16xi32>
    %select_n3A_2124 = arith.select %eq3A_2121, %add3A_2107, %broadcast_in_dim3A_2123 : vector<16xi1>, vector<16xi32>
    %reduce_sum3A_2125 = arith.constant true
    %reduce_sum3A_2126 = vector.broadcast %reduce_sum3A_2125 : i1 to vector<16xi1>
    %reduce_sum3A_2127 = tpu.scan <sum>, %select_n3A_2124 masked %reduce_sum3A_2126 : vector<16xi32>, vector<16xi1> -> vector<16xi32>
    %reduce_sum3A_2128 = vector.extract %reduce_sum3A_2127[15] : i32 from vector<16xi32>
    %add3A_2129 = vector.broadcast %reduce_sum3A_2128 : i32 to vector<16xi32>
    %add3A_2130 = arith.addi %add3A_2129, %masked_cumsum3A_2118 : vector<16xi32>
    %sub3A_2131 = arith.constant 1 : i32
    %sub3A_2132 = vector.broadcast %sub3A_2131 : i32 to vector<16xi32>
    %sub3A_2133 = arith.subi %add3A_2130, %sub3A_2132 : vector<16xi32>
    %select_n3A_2134 = arith.select %eq3A_2110, %sub3A_2133, %select_n3A_2095 : vector<16xi1>, vector<16xi32>
    %eq3A_2135 = arith.constant 5 : i32
    %eq3A_2136 = vector.broadcast %eq3A_2135 : i32 to vector<16xi32>
    %eq3A_2137 = arith.cmpi eq, %iota3A, %eq3A_2136 : vector<16xi32>
    %reduce_sum3A_2138 = arith.constant true
    %reduce_sum3A_2139 = vector.broadcast %reduce_sum3A_2138 : i1 to vector<16xi1>
    %reduce_sum3A_2140 = tpu.scan <sum>, %select_n3A_2115 masked %reduce_sum3A_2139 : vector<16xi32>, vector<16xi1> -> vector<16xi32>
    %reduce_sum3A_2141 = vector.extract %reduce_sum3A_2140[15] : i32 from vector<16xi32>
    %jit3A_2142 = arith.constant 0 : i32
    %broadcast_in_dim3A_2143 = vector.broadcast %reduce_sum3A_2141 : i32 to vector<16xi32>
    %broadcast_in_dim3A_2144 = vector.broadcast %jit3A_2142 : i32 to vector<16xi32>
    %select_n3A_2145 = arith.select %eq3A_2137, %broadcast_in_dim3A_2143, %broadcast_in_dim3A_2144 : vector<16xi1>, vector<16xi32>
    %add3A_2146 = arith.addi %add3A_2107, %select_n3A_2145 : vector<16xi32>
    %eq3A_2147 = arith.constant 6 : i32
    %eq3A_2148 = vector.broadcast %eq3A_2147 : i32 to vector<16xi32>
    %eq3A_2149 = arith.cmpi eq, %get3A_1910, %eq3A_2148 : vector<16xi32>
    %jit3A_2150 = arith.constant 1 : i32
    %jit3A_2151 = arith.constant 0 : i32
    %broadcast_in_dim3A_2152 = vector.broadcast %jit3A_2150 : i32 to vector<16xi32>
    %broadcast_in_dim3A_2153 = vector.broadcast %jit3A_2151 : i32 to vector<16xi32>
    %select_n3A_2154 = arith.select %eq3A_2149, %broadcast_in_dim3A_2152, %broadcast_in_dim3A_2153 : vector<16xi1>, vector<16xi32>
    %broadcast_in_dim3A_2155 = arith.constant true
    %broadcast_in_dim3A_2156 = vector.broadcast %broadcast_in_dim3A_2155 : i1 to vector<16xi1>
    %masked_cumsum3A_2157 = tpu.scan <sum>, %select_n3A_2154 masked %broadcast_in_dim3A_2156 : vector<16xi32>, vector<16xi1> -> vector<16xi32>
    %eq3A_2158 = arith.constant 6 : i32
    %eq3A_2159 = vector.broadcast %eq3A_2158 : i32 to vector<16xi32>
    %eq3A_2160 = arith.cmpi eq, %iota3A, %eq3A_2159 : vector<16xi32>
    %jit3A_2161 = arith.constant 0 : i32
    %broadcast_in_dim3A_2162 = vector.broadcast %jit3A_2161 : i32 to vector<16xi32>
    %select_n3A_2163 = arith.select %eq3A_2160, %add3A_2146, %broadcast_in_dim3A_2162 : vector<16xi1>, vector<16xi32>
    %reduce_sum3A_2164 = arith.constant true
    %reduce_sum3A_2165 = vector.broadcast %reduce_sum3A_2164 : i1 to vector<16xi1>
    %reduce_sum3A_2166 = tpu.scan <sum>, %select_n3A_2163 masked %reduce_sum3A_2165 : vector<16xi32>, vector<16xi1> -> vector<16xi32>
    %reduce_sum3A_2167 = vector.extract %reduce_sum3A_2166[15] : i32 from vector<16xi32>
    %add3A_2168 = vector.broadcast %reduce_sum3A_2167 : i32 to vector<16xi32>
    %add3A_2169 = arith.addi %add3A_2168, %masked_cumsum3A_2157 : vector<16xi32>
    %sub3A_2170 = arith.constant 1 : i32
    %sub3A_2171 = vector.broadcast %sub3A_2170 : i32 to vector<16xi32>
    %sub3A_2172 = arith.subi %add3A_2169, %sub3A_2171 : vector<16xi32>
    %select_n3A_2173 = arith.select %eq3A_2149, %sub3A_2172, %select_n3A_2134 : vector<16xi1>, vector<16xi32>
    %eq3A_2174 = arith.constant 6 : i32
    %eq3A_2175 = vector.broadcast %eq3A_2174 : i32 to vector<16xi32>
    %eq3A_2176 = arith.cmpi eq, %iota3A, %eq3A_2175 : vector<16xi32>
    %reduce_sum3A_2177 = arith.constant true
    %reduce_sum3A_2178 = vector.broadcast %reduce_sum3A_2177 : i1 to vector<16xi1>
    %reduce_sum3A_2179 = tpu.scan <sum>, %select_n3A_2154 masked %reduce_sum3A_2178 : vector<16xi32>, vector<16xi1> -> vector<16xi32>
    %reduce_sum3A_2180 = vector.extract %reduce_sum3A_2179[15] : i32 from vector<16xi32>
    %jit3A_2181 = arith.constant 0 : i32
    %broadcast_in_dim3A_2182 = vector.broadcast %reduce_sum3A_2180 : i32 to vector<16xi32>
    %broadcast_in_dim3A_2183 = vector.broadcast %jit3A_2181 : i32 to vector<16xi32>
    %select_n3A_2184 = arith.select %eq3A_2176, %broadcast_in_dim3A_2182, %broadcast_in_dim3A_2183 : vector<16xi1>, vector<16xi32>
    %add3A_2185 = arith.addi %add3A_2146, %select_n3A_2184 : vector<16xi32>
    %eq3A_2186 = arith.constant 7 : i32
    %eq3A_2187 = vector.broadcast %eq3A_2186 : i32 to vector<16xi32>
    %eq3A_2188 = arith.cmpi eq, %get3A_1910, %eq3A_2187 : vector<16xi32>
    %jit3A_2189 = arith.constant 1 : i32
    %jit3A_2190 = arith.constant 0 : i32
    %broadcast_in_dim3A_2191 = vector.broadcast %jit3A_2189 : i32 to vector<16xi32>
    %broadcast_in_dim3A_2192 = vector.broadcast %jit3A_2190 : i32 to vector<16xi32>
    %select_n3A_2193 = arith.select %eq3A_2188, %broadcast_in_dim3A_2191, %broadcast_in_dim3A_2192 : vector<16xi1>, vector<16xi32>
    %broadcast_in_dim3A_2194 = arith.constant true
    %broadcast_in_dim3A_2195 = vector.broadcast %broadcast_in_dim3A_2194 : i1 to vector<16xi1>
    %masked_cumsum3A_2196 = tpu.scan <sum>, %select_n3A_2193 masked %broadcast_in_dim3A_2195 : vector<16xi32>, vector<16xi1> -> vector<16xi32>
    %eq3A_2197 = arith.constant 7 : i32
    %eq3A_2198 = vector.broadcast %eq3A_2197 : i32 to vector<16xi32>
    %eq3A_2199 = arith.cmpi eq, %iota3A, %eq3A_2198 : vector<16xi32>
    %jit3A_2200 = arith.constant 0 : i32
    %broadcast_in_dim3A_2201 = vector.broadcast %jit3A_2200 : i32 to vector<16xi32>
    %select_n3A_2202 = arith.select %eq3A_2199, %add3A_2185, %broadcast_in_dim3A_2201 : vector<16xi1>, vector<16xi32>
    %reduce_sum3A_2203 = arith.constant true
    %reduce_sum3A_2204 = vector.broadcast %reduce_sum3A_2203 : i1 to vector<16xi1>
    %reduce_sum3A_2205 = tpu.scan <sum>, %select_n3A_2202 masked %reduce_sum3A_2204 : vector<16xi32>, vector<16xi1> -> vector<16xi32>
    %reduce_sum3A_2206 = vector.extract %reduce_sum3A_2205[15] : i32 from vector<16xi32>
    %add3A_2207 = vector.broadcast %reduce_sum3A_2206 : i32 to vector<16xi32>
    %add3A_2208 = arith.addi %add3A_2207, %masked_cumsum3A_2196 : vector<16xi32>
    %sub3A_2209 = arith.constant 1 : i32
    %sub3A_2210 = vector.broadcast %sub3A_2209 : i32 to vector<16xi32>
    %sub3A_2211 = arith.subi %add3A_2208, %sub3A_2210 : vector<16xi32>
    %select_n3A_2212 = arith.select %eq3A_2188, %sub3A_2211, %select_n3A_2173 : vector<16xi1>, vector<16xi32>
    %eq3A_2213 = arith.constant 7 : i32
    %eq3A_2214 = vector.broadcast %eq3A_2213 : i32 to vector<16xi32>
    %eq3A_2215 = arith.cmpi eq, %iota3A, %eq3A_2214 : vector<16xi32>
    %reduce_sum3A_2216 = arith.constant true
    %reduce_sum3A_2217 = vector.broadcast %reduce_sum3A_2216 : i1 to vector<16xi1>
    %reduce_sum3A_2218 = tpu.scan <sum>, %select_n3A_2193 masked %reduce_sum3A_2217 : vector<16xi32>, vector<16xi1> -> vector<16xi32>
    %reduce_sum3A_2219 = vector.extract %reduce_sum3A_2218[15] : i32 from vector<16xi32>
    %jit3A_2220 = arith.constant 0 : i32
    %broadcast_in_dim3A_2221 = vector.broadcast %reduce_sum3A_2219 : i32 to vector<16xi32>
    %broadcast_in_dim3A_2222 = vector.broadcast %jit3A_2220 : i32 to vector<16xi32>
    %select_n3A_2223 = arith.select %eq3A_2215, %broadcast_in_dim3A_2221, %broadcast_in_dim3A_2222 : vector<16xi1>, vector<16xi32>
    %add3A_2224 = arith.addi %add3A_2185, %select_n3A_2223 : vector<16xi32>
    %swap3A_2225 = arith.constant 16 : index
    %swap3A_2226 = tpu.vector_load %arg11[%swap3A_2225] {strides = array<i32>} : memref<64xi32, #tpu.memory_space<vmem>>, vector<16xi32>,
    tpu.vector_store %arg11[%swap3A_2225], %select_n3A_2212 {strides = array<i32>} : memref<64xi32, #tpu.memory_space<vmem>>, vector<16xi32>,
    %get3A_2227 = arith.constant 96 : index
    %get3A_2228 = tpu.vector_load %arg8[%get3A_2227] {strides = array<i32>} : memref<128xi32, #tpu.memory_space<vmem>>, vector<16xi32>,
    %broadcast_in_dim3A_2229 = arith.constant 0 : i32
    %broadcast_in_dim3A_2230 = vector.broadcast %broadcast_in_dim3A_2229 : i32 to vector<16xi32>
    %eq3A_2231 = arith.constant 0 : i32
    %eq3A_2232 = vector.broadcast %eq3A_2231 : i32 to vector<16xi32>
    %eq3A_2233 = arith.cmpi eq, %get3A_2228, %eq3A_2232 : vector<16xi32>
    %jit3A_2234 = arith.constant 1 : i32
    %jit3A_2235 = arith.constant 0 : i32
    %broadcast_in_dim3A_2236 = vector.broadcast %jit3A_2234 : i32 to vector<16xi32>
    %broadcast_in_dim3A_2237 = vector.broadcast %jit3A_2235 : i32 to vector<16xi32>
    %select_n3A_2238 = arith.select %eq3A_2233, %broadcast_in_dim3A_2236, %broadcast_in_dim3A_2237 : vector<16xi1>, vector<16xi32>
    %broadcast_in_dim3A_2239 = arith.constant true
    %broadcast_in_dim3A_2240 = vector.broadcast %broadcast_in_dim3A_2239 : i1 to vector<16xi1>
    %masked_cumsum3A_2241 = tpu.scan <sum>, %select_n3A_2238 masked %broadcast_in_dim3A_2240 : vector<16xi32>, vector<16xi1> -> vector<16xi32>
    %eq3A_2242 = arith.constant 0 : i32
    %eq3A_2243 = vector.broadcast %eq3A_2242 : i32 to vector<16xi32>
    %eq3A_2244 = arith.cmpi eq, %iota3A, %eq3A_2243 : vector<16xi32>
    %jit3A_2245 = arith.constant 0 : i32
    %broadcast_in_dim3A_2246 = vector.broadcast %jit3A_2245 : i32 to vector<16xi32>
    %select_n3A_2247 = arith.select %eq3A_2244, %add3A_2224, %broadcast_in_dim3A_2246 : vector<16xi1>, vector<16xi32>
    %reduce_sum3A_2248 = arith.constant true
    %reduce_sum3A_2249 = vector.broadcast %reduce_sum3A_2248 : i1 to vector<16xi1>
    %reduce_sum3A_2250 = tpu.scan <sum>, %select_n3A_2247 masked %reduce_sum3A_2249 : vector<16xi32>, vector<16xi1> -> vector<16xi32>
    %reduce_sum3A_2251 = vector.extract %reduce_sum3A_2250[15] : i32 from vector<16xi32>
    %add3A_2252 = vector.broadcast %reduce_sum3A_2251 : i32 to vector<16xi32>
    %add3A_2253 = arith.addi %add3A_2252, %masked_cumsum3A_2241 : vector<16xi32>
    %sub3A_2254 = arith.constant 1 : i32
    %sub3A_2255 = vector.broadcast %sub3A_2254 : i32 to vector<16xi32>
    %sub3A_2256 = arith.subi %add3A_2253, %sub3A_2255 : vector<16xi32>
    %select_n3A_2257 = arith.select %eq3A_2233, %sub3A_2256, %broadcast_in_dim3A_2230 : vector<16xi1>, vector<16xi32>
    %eq3A_2258 = arith.constant 0 : i32
    %eq3A_2259 = vector.broadcast %eq3A_2258 : i32 to vector<16xi32>
    %eq3A_2260 = arith.cmpi eq, %iota3A, %eq3A_2259 : vector<16xi32>
    %reduce_sum3A_2261 = arith.constant true
    %reduce_sum3A_2262 = vector.broadcast %reduce_sum3A_2261 : i1 to vector<16xi1>
    %reduce_sum3A_2263 = tpu.scan <sum>, %select_n3A_2238 masked %reduce_sum3A_2262 : vector<16xi32>, vector<16xi1> -> vector<16xi32>
    %reduce_sum3A_2264 = vector.extract %reduce_sum3A_2263[15] : i32 from vector<16xi32>
    %jit3A_2265 = arith.constant 0 : i32
    %broadcast_in_dim3A_2266 = vector.broadcast %reduce_sum3A_2264 : i32 to vector<16xi32>
    %broadcast_in_dim3A_2267 = vector.broadcast %jit3A_2265 : i32 to vector<16xi32>
    %select_n3A_2268 = arith.select %eq3A_2260, %broadcast_in_dim3A_2266, %broadcast_in_dim3A_2267 : vector<16xi1>, vector<16xi32>
    %add3A_2269 = arith.addi %add3A_2224, %select_n3A_2268 : vector<16xi32>
    %eq3A_2270 = arith.constant 1 : i32
    %eq3A_2271 = vector.broadcast %eq3A_2270 : i32 to vector<16xi32>
    %eq3A_2272 = arith.cmpi eq, %get3A_2228, %eq3A_2271 : vector<16xi32>
    %jit3A_2273 = arith.constant 1 : i32
    %jit3A_2274 = arith.constant 0 : i32
    %broadcast_in_dim3A_2275 = vector.broadcast %jit3A_2273 : i32 to vector<16xi32>
    %broadcast_in_dim3A_2276 = vector.broadcast %jit3A_2274 : i32 to vector<16xi32>
    %select_n3A_2277 = arith.select %eq3A_2272, %broadcast_in_dim3A_2275, %broadcast_in_dim3A_2276 : vector<16xi1>, vector<16xi32>
    %broadcast_in_dim3A_2278 = arith.constant true
    %broadcast_in_dim3A_2279 = vector.broadcast %broadcast_in_dim3A_2278 : i1 to vector<16xi1>
    %masked_cumsum3A_2280 = tpu.scan <sum>, %select_n3A_2277 masked %broadcast_in_dim3A_2279 : vector<16xi32>, vector<16xi1> -> vector<16xi32>
    %eq3A_2281 = arith.constant 1 : i32
    %eq3A_2282 = vector.broadcast %eq3A_2281 : i32 to vector<16xi32>
    %eq3A_2283 = arith.cmpi eq, %iota3A, %eq3A_2282 : vector<16xi32>
    %jit3A_2284 = arith.constant 0 : i32
    %broadcast_in_dim3A_2285 = vector.broadcast %jit3A_2284 : i32 to vector<16xi32>
    %select_n3A_2286 = arith.select %eq3A_2283, %add3A_2269, %broadcast_in_dim3A_2285 : vector<16xi1>, vector<16xi32>
    %reduce_sum3A_2287 = arith.constant true
    %reduce_sum3A_2288 = vector.broadcast %reduce_sum3A_2287 : i1 to vector<16xi1>
    %reduce_sum3A_2289 = tpu.scan <sum>, %select_n3A_2286 masked %reduce_sum3A_2288 : vector<16xi32>, vector<16xi1> -> vector<16xi32>
    %reduce_sum3A_2290 = vector.extract %reduce_sum3A_2289[15] : i32 from vector<16xi32>
    %add3A_2291 = vector.broadcast %reduce_sum3A_2290 : i32 to vector<16xi32>
    %add3A_2292 = arith.addi %add3A_2291, %masked_cumsum3A_2280 : vector<16xi32>
    %sub3A_2293 = arith.constant 1 : i32
    %sub3A_2294 = vector.broadcast %sub3A_2293 : i32 to vector<16xi32>
    %sub3A_2295 = arith.subi %add3A_2292, %sub3A_2294 : vector<16xi32>
    %select_n3A_2296 = arith.select %eq3A_2272, %sub3A_2295, %select_n3A_2257 : vector<16xi1>, vector<16xi32>
    %eq3A_2297 = arith.constant 1 : i32
    %eq3A_2298 = vector.broadcast %eq3A_2297 : i32 to vector<16xi32>
    %eq3A_2299 = arith.cmpi eq, %iota3A, %eq3A_2298 : vector<16xi32>
    %reduce_sum3A_2300 = arith.constant true
    %reduce_sum3A_2301 = vector.broadcast %reduce_sum3A_2300 : i1 to vector<16xi1>
    %reduce_sum3A_2302 = tpu.scan <sum>, %select_n3A_2277 masked %reduce_sum3A_2301 : vector<16xi32>, vector<16xi1> -> vector<16xi32>
    %reduce_sum3A_2303 = vector.extract %reduce_sum3A_2302[15] : i32 from vector<16xi32>
    %jit3A_2304 = arith.constant 0 : i32
    %broadcast_in_dim3A_2305 = vector.broadcast %reduce_sum3A_2303 : i32 to vector<16xi32>
    %broadcast_in_dim3A_2306 = vector.broadcast %jit3A_2304 : i32 to vector<16xi32>
    %select_n3A_2307 = arith.select %eq3A_2299, %broadcast_in_dim3A_2305, %broadcast_in_dim3A_2306 : vector<16xi1>, vector<16xi32>
    %add3A_2308 = arith.addi %add3A_2269, %select_n3A_2307 : vector<16xi32>
    %eq3A_2309 = arith.constant 2 : i32
    %eq3A_2310 = vector.broadcast %eq3A_2309 : i32 to vector<16xi32>
    %eq3A_2311 = arith.cmpi eq, %get3A_2228, %eq3A_2310 : vector<16xi32>
    %jit3A_2312 = arith.constant 1 : i32
    %jit3A_2313 = arith.constant 0 : i32
    %broadcast_in_dim3A_2314 = vector.broadcast %jit3A_2312 : i32 to vector<16xi32>
    %broadcast_in_dim3A_2315 = vector.broadcast %jit3A_2313 : i32 to vector<16xi32>
    %select_n3A_2316 = arith.select %eq3A_2311, %broadcast_in_dim3A_2314, %broadcast_in_dim3A_2315 : vector<16xi1>, vector<16xi32>
    %broadcast_in_dim3A_2317 = arith.constant true
    %broadcast_in_dim3A_2318 = vector.broadcast %broadcast_in_dim3A_2317 : i1 to vector<16xi1>
    %masked_cumsum3A_2319 = tpu.scan <sum>, %select_n3A_2316 masked %broadcast_in_dim3A_2318 : vector<16xi32>, vector<16xi1> -> vector<16xi32>
    %eq3A_2320 = arith.constant 2 : i32
    %eq3A_2321 = vector.broadcast %eq3A_2320 : i32 to vector<16xi32>
    %eq3A_2322 = arith.cmpi eq, %iota3A, %eq3A_2321 : vector<16xi32>
    %jit3A_2323 = arith.constant 0 : i32
    %broadcast_in_dim3A_2324 = vector.broadcast %jit3A_2323 : i32 to vector<16xi32>
    %select_n3A_2325 = arith.select %eq3A_2322, %add3A_2308, %broadcast_in_dim3A_2324 : vector<16xi1>, vector<16xi32>
    %reduce_sum3A_2326 = arith.constant true
    %reduce_sum3A_2327 = vector.broadcast %reduce_sum3A_2326 : i1 to vector<16xi1>
    %reduce_sum3A_2328 = tpu.scan <sum>, %select_n3A_2325 masked %reduce_sum3A_2327 : vector<16xi32>, vector<16xi1> -> vector<16xi32>
    %reduce_sum3A_2329 = vector.extract %reduce_sum3A_2328[15] : i32 from vector<16xi32>
    %add3A_2330 = vector.broadcast %reduce_sum3A_2329 : i32 to vector<16xi32>
    %add3A_2331 = arith.addi %add3A_2330, %masked_cumsum3A_2319 : vector<16xi32>
    %sub3A_2332 = arith.constant 1 : i32
    %sub3A_2333 = vector.broadcast %sub3A_2332 : i32 to vector<16xi32>
    %sub3A_2334 = arith.subi %add3A_2331, %sub3A_2333 : vector<16xi32>
    %select_n3A_2335 = arith.select %eq3A_2311, %sub3A_2334, %select_n3A_2296 : vector<16xi1>, vector<16xi32>
    %eq3A_2336 = arith.constant 2 : i32
    %eq3A_2337 = vector.broadcast %eq3A_2336 : i32 to vector<16xi32>
    %eq3A_2338 = arith.cmpi eq, %iota3A, %eq3A_2337 : vector<16xi32>
    %reduce_sum3A_2339 = arith.constant true
    %reduce_sum3A_2340 = vector.broadcast %reduce_sum3A_2339 : i1 to vector<16xi1>
    %reduce_sum3A_2341 = tpu.scan <sum>, %select_n3A_2316 masked %reduce_sum3A_2340 : vector<16xi32>, vector<16xi1> -> vector<16xi32>
    %reduce_sum3A_2342 = vector.extract %reduce_sum3A_2341[15] : i32 from vector<16xi32>
    %jit3A_2343 = arith.constant 0 : i32
    %broadcast_in_dim3A_2344 = vector.broadcast %reduce_sum3A_2342 : i32 to vector<16xi32>
    %broadcast_in_dim3A_2345 = vector.broadcast %jit3A_2343 : i32 to vector<16xi32>
    %select_n3A_2346 = arith.select %eq3A_2338, %broadcast_in_dim3A_2344, %broadcast_in_dim3A_2345 : vector<16xi1>, vector<16xi32>
    %add3A_2347 = arith.addi %add3A_2308, %select_n3A_2346 : vector<16xi32>
    %eq3A_2348 = arith.constant 3 : i32
    %eq3A_2349 = vector.broadcast %eq3A_2348 : i32 to vector<16xi32>
    %eq3A_2350 = arith.cmpi eq, %get3A_2228, %eq3A_2349 : vector<16xi32>
    %jit3A_2351 = arith.constant 1 : i32
    %jit3A_2352 = arith.constant 0 : i32
    %broadcast_in_dim3A_2353 = vector.broadcast %jit3A_2351 : i32 to vector<16xi32>
    %broadcast_in_dim3A_2354 = vector.broadcast %jit3A_2352 : i32 to vector<16xi32>
    %select_n3A_2355 = arith.select %eq3A_2350, %broadcast_in_dim3A_2353, %broadcast_in_dim3A_2354 : vector<16xi1>, vector<16xi32>
    %broadcast_in_dim3A_2356 = arith.constant true
    %broadcast_in_dim3A_2357 = vector.broadcast %broadcast_in_dim3A_2356 : i1 to vector<16xi1>
    %masked_cumsum3A_2358 = tpu.scan <sum>, %select_n3A_2355 masked %broadcast_in_dim3A_2357 : vector<16xi32>, vector<16xi1> -> vector<16xi32>
    %eq3A_2359 = arith.constant 3 : i32
    %eq3A_2360 = vector.broadcast %eq3A_2359 : i32 to vector<16xi32>
    %eq3A_2361 = arith.cmpi eq, %iota3A, %eq3A_2360 : vector<16xi32>
    %jit3A_2362 = arith.constant 0 : i32
    %broadcast_in_dim3A_2363 = vector.broadcast %jit3A_2362 : i32 to vector<16xi32>
    %select_n3A_2364 = arith.select %eq3A_2361, %add3A_2347, %broadcast_in_dim3A_2363 : vector<16xi1>, vector<16xi32>
    %reduce_sum3A_2365 = arith.constant true
    %reduce_sum3A_2366 = vector.broadcast %reduce_sum3A_2365 : i1 to vector<16xi1>
    %reduce_sum3A_2367 = tpu.scan <sum>, %select_n3A_2364 masked %reduce_sum3A_2366 : vector<16xi32>, vector<16xi1> -> vector<16xi32>
    %reduce_sum3A_2368 = vector.extract %reduce_sum3A_2367[15] : i32 from vector<16xi32>
    %add3A_2369 = vector.broadcast %reduce_sum3A_2368 : i32 to vector<16xi32>
    %add3A_2370 = arith.addi %add3A_2369, %masked_cumsum3A_2358 : vector<16xi32>
    %sub3A_2371 = arith.constant 1 : i32
    %sub3A_2372 = vector.broadcast %sub3A_2371 : i32 to vector<16xi32>
    %sub3A_2373 = arith.subi %add3A_2370, %sub3A_2372 : vector<16xi32>
    %select_n3A_2374 = arith.select %eq3A_2350, %sub3A_2373, %select_n3A_2335 : vector<16xi1>, vector<16xi32>
    %eq3A_2375 = arith.constant 3 : i32
    %eq3A_2376 = vector.broadcast %eq3A_2375 : i32 to vector<16xi32>
    %eq3A_2377 = arith.cmpi eq, %iota3A, %eq3A_2376 : vector<16xi32>
    %reduce_sum3A_2378 = arith.constant true
    %reduce_sum3A_2379 = vector.broadcast %reduce_sum3A_2378 : i1 to vector<16xi1>
    %reduce_sum3A_2380 = tpu.scan <sum>, %select_n3A_2355 masked %reduce_sum3A_2379 : vector<16xi32>, vector<16xi1> -> vector<16xi32>
    %reduce_sum3A_2381 = vector.extract %reduce_sum3A_2380[15] : i32 from vector<16xi32>
    %jit3A_2382 = arith.constant 0 : i32
    %broadcast_in_dim3A_2383 = vector.broadcast %reduce_sum3A_2381 : i32 to vector<16xi32>
    %broadcast_in_dim3A_2384 = vector.broadcast %jit3A_2382 : i32 to vector<16xi32>
    %select_n3A_2385 = arith.select %eq3A_2377, %broadcast_in_dim3A_2383, %broadcast_in_dim3A_2384 : vector<16xi1>, vector<16xi32>
    %add3A_2386 = arith.addi %add3A_2347, %select_n3A_2385 : vector<16xi32>
    %eq3A_2387 = arith.constant 4 : i32
    %eq3A_2388 = vector.broadcast %eq3A_2387 : i32 to vector<16xi32>
    %eq3A_2389 = arith.cmpi eq, %get3A_2228, %eq3A_2388 : vector<16xi32>
    %jit3A_2390 = arith.constant 1 : i32
    %jit3A_2391 = arith.constant 0 : i32
    %broadcast_in_dim3A_2392 = vector.broadcast %jit3A_2390 : i32 to vector<16xi32>
    %broadcast_in_dim3A_2393 = vector.broadcast %jit3A_2391 : i32 to vector<16xi32>
    %select_n3A_2394 = arith.select %eq3A_2389, %broadcast_in_dim3A_2392, %broadcast_in_dim3A_2393 : vector<16xi1>, vector<16xi32>
    %broadcast_in_dim3A_2395 = arith.constant true
    %broadcast_in_dim3A_2396 = vector.broadcast %broadcast_in_dim3A_2395 : i1 to vector<16xi1>
    %masked_cumsum3A_2397 = tpu.scan <sum>, %select_n3A_2394 masked %broadcast_in_dim3A_2396 : vector<16xi32>, vector<16xi1> -> vector<16xi32>
    %eq3A_2398 = arith.constant 4 : i32
    %eq3A_2399 = vector.broadcast %eq3A_2398 : i32 to vector<16xi32>
    %eq3A_2400 = arith.cmpi eq, %iota3A, %eq3A_2399 : vector<16xi32>
    %jit3A_2401 = arith.constant 0 : i32
    %broadcast_in_dim3A_2402 = vector.broadcast %jit3A_2401 : i32 to vector<16xi32>
    %select_n3A_2403 = arith.select %eq3A_2400, %add3A_2386, %broadcast_in_dim3A_2402 : vector<16xi1>, vector<16xi32>
    %reduce_sum3A_2404 = arith.constant true
    %reduce_sum3A_2405 = vector.broadcast %reduce_sum3A_2404 : i1 to vector<16xi1>
    %reduce_sum3A_2406 = tpu.scan <sum>, %select_n3A_2403 masked %reduce_sum3A_2405 : vector<16xi32>, vector<16xi1> -> vector<16xi32>
    %reduce_sum3A_2407 = vector.extract %reduce_sum3A_2406[15] : i32 from vector<16xi32>
    %add3A_2408 = vector.broadcast %reduce_sum3A_2407 : i32 to vector<16xi32>
    %add3A_2409 = arith.addi %add3A_2408, %masked_cumsum3A_2397 : vector<16xi32>
    %sub3A_2410 = arith.constant 1 : i32
    %sub3A_2411 = vector.broadcast %sub3A_2410 : i32 to vector<16xi32>
    %sub3A_2412 = arith.subi %add3A_2409, %sub3A_2411 : vector<16xi32>
    %select_n3A_2413 = arith.select %eq3A_2389, %sub3A_2412, %select_n3A_2374 : vector<16xi1>, vector<16xi32>
    %eq3A_2414 = arith.constant 4 : i32
    %eq3A_2415 = vector.broadcast %eq3A_2414 : i32 to vector<16xi32>
    %eq3A_2416 = arith.cmpi eq, %iota3A, %eq3A_2415 : vector<16xi32>
    %reduce_sum3A_2417 = arith.constant true
    %reduce_sum3A_2418 = vector.broadcast %reduce_sum3A_2417 : i1 to vector<16xi1>
    %reduce_sum3A_2419 = tpu.scan <sum>, %select_n3A_2394 masked %reduce_sum3A_2418 : vector<16xi32>, vector<16xi1> -> vector<16xi32>
    %reduce_sum3A_2420 = vector.extract %reduce_sum3A_2419[15] : i32 from vector<16xi32>
    %jit3A_2421 = arith.constant 0 : i32
    %broadcast_in_dim3A_2422 = vector.broadcast %reduce_sum3A_2420 : i32 to vector<16xi32>
    %broadcast_in_dim3A_2423 = vector.broadcast %jit3A_2421 : i32 to vector<16xi32>
    %select_n3A_2424 = arith.select %eq3A_2416, %broadcast_in_dim3A_2422, %broadcast_in_dim3A_2423 : vector<16xi1>, vector<16xi32>
    %add3A_2425 = arith.addi %add3A_2386, %select_n3A_2424 : vector<16xi32>
    %eq3A_2426 = arith.constant 5 : i32
    %eq3A_2427 = vector.broadcast %eq3A_2426 : i32 to vector<16xi32>
    %eq3A_2428 = arith.cmpi eq, %get3A_2228, %eq3A_2427 : vector<16xi32>
    %jit3A_2429 = arith.constant 1 : i32
    %jit3A_2430 = arith.constant 0 : i32
    %broadcast_in_dim3A_2431 = vector.broadcast %jit3A_2429 : i32 to vector<16xi32>
    %broadcast_in_dim3A_2432 = vector.broadcast %jit3A_2430 : i32 to vector<16xi32>
    %select_n3A_2433 = arith.select %eq3A_2428, %broadcast_in_dim3A_2431, %broadcast_in_dim3A_2432 : vector<16xi1>, vector<16xi32>
    %broadcast_in_dim3A_2434 = arith.constant true
    %broadcast_in_dim3A_2435 = vector.broadcast %broadcast_in_dim3A_2434 : i1 to vector<16xi1>
    %masked_cumsum3A_2436 = tpu.scan <sum>, %select_n3A_2433 masked %broadcast_in_dim3A_2435 : vector<16xi32>, vector<16xi1> -> vector<16xi32>
    %eq3A_2437 = arith.constant 5 : i32
    %eq3A_2438 = vector.broadcast %eq3A_2437 : i32 to vector<16xi32>
    %eq3A_2439 = arith.cmpi eq, %iota3A, %eq3A_2438 : vector<16xi32>
    %jit3A_2440 = arith.constant 0 : i32
    %broadcast_in_dim3A_2441 = vector.broadcast %jit3A_2440 : i32 to vector<16xi32>
    %select_n3A_2442 = arith.select %eq3A_2439, %add3A_2425, %broadcast_in_dim3A_2441 : vector<16xi1>, vector<16xi32>
    %reduce_sum3A_2443 = arith.constant true
    %reduce_sum3A_2444 = vector.broadcast %reduce_sum3A_2443 : i1 to vector<16xi1>
    %reduce_sum3A_2445 = tpu.scan <sum>, %select_n3A_2442 masked %reduce_sum3A_2444 : vector<16xi32>, vector<16xi1> -> vector<16xi32>
    %reduce_sum3A_2446 = vector.extract %reduce_sum3A_2445[15] : i32 from vector<16xi32>
    %add3A_2447 = vector.broadcast %reduce_sum3A_2446 : i32 to vector<16xi32>
    %add3A_2448 = arith.addi %add3A_2447, %masked_cumsum3A_2436 : vector<16xi32>
    %sub3A_2449 = arith.constant 1 : i32
    %sub3A_2450 = vector.broadcast %sub3A_2449 : i32 to vector<16xi32>
    %sub3A_2451 = arith.subi %add3A_2448, %sub3A_2450 : vector<16xi32>
    %select_n3A_2452 = arith.select %eq3A_2428, %sub3A_2451, %select_n3A_2413 : vector<16xi1>, vector<16xi32>
    %eq3A_2453 = arith.constant 5 : i32
    %eq3A_2454 = vector.broadcast %eq3A_2453 : i32 to vector<16xi32>
    %eq3A_2455 = arith.cmpi eq, %iota3A, %eq3A_2454 : vector<16xi32>
    %reduce_sum3A_2456 = arith.constant true
    %reduce_sum3A_2457 = vector.broadcast %reduce_sum3A_2456 : i1 to vector<16xi1>
    %reduce_sum3A_2458 = tpu.scan <sum>, %select_n3A_2433 masked %reduce_sum3A_2457 : vector<16xi32>, vector<16xi1> -> vector<16xi32>
    %reduce_sum3A_2459 = vector.extract %reduce_sum3A_2458[15] : i32 from vector<16xi32>
    %jit3A_2460 = arith.constant 0 : i32
    %broadcast_in_dim3A_2461 = vector.broadcast %reduce_sum3A_2459 : i32 to vector<16xi32>
    %broadcast_in_dim3A_2462 = vector.broadcast %jit3A_2460 : i32 to vector<16xi32>
    %select_n3A_2463 = arith.select %eq3A_2455, %broadcast_in_dim3A_2461, %broadcast_in_dim3A_2462 : vector<16xi1>, vector<16xi32>
    %add3A_2464 = arith.addi %add3A_2425, %select_n3A_2463 : vector<16xi32>
    %eq3A_2465 = arith.constant 6 : i32
    %eq3A_2466 = vector.broadcast %eq3A_2465 : i32 to vector<16xi32>
    %eq3A_2467 = arith.cmpi eq, %get3A_2228, %eq3A_2466 : vector<16xi32>
    %jit3A_2468 = arith.constant 1 : i32
    %jit3A_2469 = arith.constant 0 : i32
    %broadcast_in_dim3A_2470 = vector.broadcast %jit3A_2468 : i32 to vector<16xi32>
    %broadcast_in_dim3A_2471 = vector.broadcast %jit3A_2469 : i32 to vector<16xi32>
    %select_n3A_2472 = arith.select %eq3A_2467, %broadcast_in_dim3A_2470, %broadcast_in_dim3A_2471 : vector<16xi1>, vector<16xi32>
    %broadcast_in_dim3A_2473 = arith.constant true
    %broadcast_in_dim3A_2474 = vector.broadcast %broadcast_in_dim3A_2473 : i1 to vector<16xi1>
    %masked_cumsum3A_2475 = tpu.scan <sum>, %select_n3A_2472 masked %broadcast_in_dim3A_2474 : vector<16xi32>, vector<16xi1> -> vector<16xi32>
    %eq3A_2476 = arith.constant 6 : i32
    %eq3A_2477 = vector.broadcast %eq3A_2476 : i32 to vector<16xi32>
    %eq3A_2478 = arith.cmpi eq, %iota3A, %eq3A_2477 : vector<16xi32>
    %jit3A_2479 = arith.constant 0 : i32
    %broadcast_in_dim3A_2480 = vector.broadcast %jit3A_2479 : i32 to vector<16xi32>
    %select_n3A_2481 = arith.select %eq3A_2478, %add3A_2464, %broadcast_in_dim3A_2480 : vector<16xi1>, vector<16xi32>
    %reduce_sum3A_2482 = arith.constant true
    %reduce_sum3A_2483 = vector.broadcast %reduce_sum3A_2482 : i1 to vector<16xi1>
    %reduce_sum3A_2484 = tpu.scan <sum>, %select_n3A_2481 masked %reduce_sum3A_2483 : vector<16xi32>, vector<16xi1> -> vector<16xi32>
    %reduce_sum3A_2485 = vector.extract %reduce_sum3A_2484[15] : i32 from vector<16xi32>
    %add3A_2486 = vector.broadcast %reduce_sum3A_2485 : i32 to vector<16xi32>
    %add3A_2487 = arith.addi %add3A_2486, %masked_cumsum3A_2475 : vector<16xi32>
    %sub3A_2488 = arith.constant 1 : i32
    %sub3A_2489 = vector.broadcast %sub3A_2488 : i32 to vector<16xi32>
    %sub3A_2490 = arith.subi %add3A_2487, %sub3A_2489 : vector<16xi32>
    %select_n3A_2491 = arith.select %eq3A_2467, %sub3A_2490, %select_n3A_2452 : vector<16xi1>, vector<16xi32>
    %eq3A_2492 = arith.constant 6 : i32
    %eq3A_2493 = vector.broadcast %eq3A_2492 : i32 to vector<16xi32>
    %eq3A_2494 = arith.cmpi eq, %iota3A, %eq3A_2493 : vector<16xi32>
    %reduce_sum3A_2495 = arith.constant true
    %reduce_sum3A_2496 = vector.broadcast %reduce_sum3A_2495 : i1 to vector<16xi1>
    %reduce_sum3A_2497 = tpu.scan <sum>, %select_n3A_2472 masked %reduce_sum3A_2496 : vector<16xi32>, vector<16xi1> -> vector<16xi32>
    %reduce_sum3A_2498 = vector.extract %reduce_sum3A_2497[15] : i32 from vector<16xi32>
    %jit3A_2499 = arith.constant 0 : i32
    %broadcast_in_dim3A_2500 = vector.broadcast %reduce_sum3A_2498 : i32 to vector<16xi32>
    %broadcast_in_dim3A_2501 = vector.broadcast %jit3A_2499 : i32 to vector<16xi32>
    %select_n3A_2502 = arith.select %eq3A_2494, %broadcast_in_dim3A_2500, %broadcast_in_dim3A_2501 : vector<16xi1>, vector<16xi32>
    %add3A_2503 = arith.addi %add3A_2464, %select_n3A_2502 : vector<16xi32>
    %eq3A_2504 = arith.constant 7 : i32
    %eq3A_2505 = vector.broadcast %eq3A_2504 : i32 to vector<16xi32>
    %eq3A_2506 = arith.cmpi eq, %get3A_2228, %eq3A_2505 : vector<16xi32>
    %jit3A_2507 = arith.constant 1 : i32
    %jit3A_2508 = arith.constant 0 : i32
    %broadcast_in_dim3A_2509 = vector.broadcast %jit3A_2507 : i32 to vector<16xi32>
    %broadcast_in_dim3A_2510 = vector.broadcast %jit3A_2508 : i32 to vector<16xi32>
    %select_n3A_2511 = arith.select %eq3A_2506, %broadcast_in_dim3A_2509, %broadcast_in_dim3A_2510 : vector<16xi1>, vector<16xi32>
    %broadcast_in_dim3A_2512 = arith.constant true
    %broadcast_in_dim3A_2513 = vector.broadcast %broadcast_in_dim3A_2512 : i1 to vector<16xi1>
    %masked_cumsum3A_2514 = tpu.scan <sum>, %select_n3A_2511 masked %broadcast_in_dim3A_2513 : vector<16xi32>, vector<16xi1> -> vector<16xi32>
    %eq3A_2515 = arith.constant 7 : i32
    %eq3A_2516 = vector.broadcast %eq3A_2515 : i32 to vector<16xi32>
    %eq3A_2517 = arith.cmpi eq, %iota3A, %eq3A_2516 : vector<16xi32>
    %jit3A_2518 = arith.constant 0 : i32
    %broadcast_in_dim3A_2519 = vector.broadcast %jit3A_2518 : i32 to vector<16xi32>
    %select_n3A_2520 = arith.select %eq3A_2517, %add3A_2503, %broadcast_in_dim3A_2519 : vector<16xi1>, vector<16xi32>
    %reduce_sum3A_2521 = arith.constant true
    %reduce_sum3A_2522 = vector.broadcast %reduce_sum3A_2521 : i1 to vector<16xi1>
    %reduce_sum3A_2523 = tpu.scan <sum>, %select_n3A_2520 masked %reduce_sum3A_2522 : vector<16xi32>, vector<16xi1> -> vector<16xi32>
    %reduce_sum3A_2524 = vector.extract %reduce_sum3A_2523[15] : i32 from vector<16xi32>
    %add3A_2525 = vector.broadcast %reduce_sum3A_2524 : i32 to vector<16xi32>
    %add3A_2526 = arith.addi %add3A_2525, %masked_cumsum3A_2514 : vector<16xi32>
    %sub3A_2527 = arith.constant 1 : i32
    %sub3A_2528 = vector.broadcast %sub3A_2527 : i32 to vector<16xi32>
    %sub3A_2529 = arith.subi %add3A_2526, %sub3A_2528 : vector<16xi32>
    %select_n3A_2530 = arith.select %eq3A_2506, %sub3A_2529, %select_n3A_2491 : vector<16xi1>, vector<16xi32>
    %eq3A_2531 = arith.constant 7 : i32
    %eq3A_2532 = vector.broadcast %eq3A_2531 : i32 to vector<16xi32>
    %eq3A_2533 = arith.cmpi eq, %iota3A, %eq3A_2532 : vector<16xi32>
    %reduce_sum3A_2534 = arith.constant true
    %reduce_sum3A_2535 = vector.broadcast %reduce_sum3A_2534 : i1 to vector<16xi1>
    %reduce_sum3A_2536 = tpu.scan <sum>, %select_n3A_2511 masked %reduce_sum3A_2535 : vector<16xi32>, vector<16xi1> -> vector<16xi32>
    %reduce_sum3A_2537 = vector.extract %reduce_sum3A_2536[15] : i32 from vector<16xi32>
    %jit3A_2538 = arith.constant 0 : i32
    %broadcast_in_dim3A_2539 = vector.broadcast %reduce_sum3A_2537 : i32 to vector<16xi32>
    %broadcast_in_dim3A_2540 = vector.broadcast %jit3A_2538 : i32 to vector<16xi32>
    %select_n3A_2541 = arith.select %eq3A_2533, %broadcast_in_dim3A_2539, %broadcast_in_dim3A_2540 : vector<16xi1>, vector<16xi32>
    %add3A_2542 = arith.addi %add3A_2503, %select_n3A_2541 : vector<16xi32>
    %swap3A_2543 = arith.constant 32 : index
    %swap3A_2544 = tpu.vector_load %arg11[%swap3A_2543] {strides = array<i32>} : memref<64xi32, #tpu.memory_space<vmem>>, vector<16xi32>,
    tpu.vector_store %arg11[%swap3A_2543], %select_n3A_2530 {strides = array<i32>} : memref<64xi32, #tpu.memory_space<vmem>>, vector<16xi32>,
    %get3A_2545 = arith.constant 112 : index
    %get3A_2546 = tpu.vector_load %arg8[%get3A_2545] {strides = array<i32>} : memref<128xi32, #tpu.memory_space<vmem>>, vector<16xi32>,
    %broadcast_in_dim3A_2547 = arith.constant 0 : i32
    %broadcast_in_dim3A_2548 = vector.broadcast %broadcast_in_dim3A_2547 : i32 to vector<16xi32>
    %eq3A_2549 = arith.constant 0 : i32
    %eq3A_2550 = vector.broadcast %eq3A_2549 : i32 to vector<16xi32>
    %eq3A_2551 = arith.cmpi eq, %get3A_2546, %eq3A_2550 : vector<16xi32>
    %jit3A_2552 = arith.constant 1 : i32
    %jit3A_2553 = arith.constant 0 : i32
    %broadcast_in_dim3A_2554 = vector.broadcast %jit3A_2552 : i32 to vector<16xi32>
    %broadcast_in_dim3A_2555 = vector.broadcast %jit3A_2553 : i32 to vector<16xi32>
    %select_n3A_2556 = arith.select %eq3A_2551, %broadcast_in_dim3A_2554, %broadcast_in_dim3A_2555 : vector<16xi1>, vector<16xi32>
    %broadcast_in_dim3A_2557 = arith.constant true
    %broadcast_in_dim3A_2558 = vector.broadcast %broadcast_in_dim3A_2557 : i1 to vector<16xi1>
    %masked_cumsum3A_2559 = tpu.scan <sum>, %select_n3A_2556 masked %broadcast_in_dim3A_2558 : vector<16xi32>, vector<16xi1> -> vector<16xi32>
    %eq3A_2560 = arith.constant 0 : i32
    %eq3A_2561 = vector.broadcast %eq3A_2560 : i32 to vector<16xi32>
    %eq3A_2562 = arith.cmpi eq, %iota3A, %eq3A_2561 : vector<16xi32>
    %jit3A_2563 = arith.constant 0 : i32
    %broadcast_in_dim3A_2564 = vector.broadcast %jit3A_2563 : i32 to vector<16xi32>
    %select_n3A_2565 = arith.select %eq3A_2562, %add3A_2542, %broadcast_in_dim3A_2564 : vector<16xi1>, vector<16xi32>
    %reduce_sum3A_2566 = arith.constant true
    %reduce_sum3A_2567 = vector.broadcast %reduce_sum3A_2566 : i1 to vector<16xi1>
    %reduce_sum3A_2568 = tpu.scan <sum>, %select_n3A_2565 masked %reduce_sum3A_2567 : vector<16xi32>, vector<16xi1> -> vector<16xi32>
    %reduce_sum3A_2569 = vector.extract %reduce_sum3A_2568[15] : i32 from vector<16xi32>
    %add3A_2570 = vector.broadcast %reduce_sum3A_2569 : i32 to vector<16xi32>
    %add3A_2571 = arith.addi %add3A_2570, %masked_cumsum3A_2559 : vector<16xi32>
    %sub3A_2572 = arith.constant 1 : i32
    %sub3A_2573 = vector.broadcast %sub3A_2572 : i32 to vector<16xi32>
    %sub3A_2574 = arith.subi %add3A_2571, %sub3A_2573 : vector<16xi32>
    %select_n3A_2575 = arith.select %eq3A_2551, %sub3A_2574, %broadcast_in_dim3A_2548 : vector<16xi1>, vector<16xi32>
    %eq3A_2576 = arith.constant 0 : i32
    %eq3A_2577 = vector.broadcast %eq3A_2576 : i32 to vector<16xi32>
    %eq3A_2578 = arith.cmpi eq, %iota3A, %eq3A_2577 : vector<16xi32>
    %reduce_sum3A_2579 = arith.constant true
    %reduce_sum3A_2580 = vector.broadcast %reduce_sum3A_2579 : i1 to vector<16xi1>
    %reduce_sum3A_2581 = tpu.scan <sum>, %select_n3A_2556 masked %reduce_sum3A_2580 : vector<16xi32>, vector<16xi1> -> vector<16xi32>
    %reduce_sum3A_2582 = vector.extract %reduce_sum3A_2581[15] : i32 from vector<16xi32>
    %jit3A_2583 = arith.constant 0 : i32
    %broadcast_in_dim3A_2584 = vector.broadcast %reduce_sum3A_2582 : i32 to vector<16xi32>
    %broadcast_in_dim3A_2585 = vector.broadcast %jit3A_2583 : i32 to vector<16xi32>
    %select_n3A_2586 = arith.select %eq3A_2578, %broadcast_in_dim3A_2584, %broadcast_in_dim3A_2585 : vector<16xi1>, vector<16xi32>
    %add3A_2587 = arith.addi %add3A_2542, %select_n3A_2586 : vector<16xi32>
    %eq3A_2588 = arith.constant 1 : i32
    %eq3A_2589 = vector.broadcast %eq3A_2588 : i32 to vector<16xi32>
    %eq3A_2590 = arith.cmpi eq, %get3A_2546, %eq3A_2589 : vector<16xi32>
    %jit3A_2591 = arith.constant 1 : i32
    %jit3A_2592 = arith.constant 0 : i32
    %broadcast_in_dim3A_2593 = vector.broadcast %jit3A_2591 : i32 to vector<16xi32>
    %broadcast_in_dim3A_2594 = vector.broadcast %jit3A_2592 : i32 to vector<16xi32>
    %select_n3A_2595 = arith.select %eq3A_2590, %broadcast_in_dim3A_2593, %broadcast_in_dim3A_2594 : vector<16xi1>, vector<16xi32>
    %broadcast_in_dim3A_2596 = arith.constant true
    %broadcast_in_dim3A_2597 = vector.broadcast %broadcast_in_dim3A_2596 : i1 to vector<16xi1>
    %masked_cumsum3A_2598 = tpu.scan <sum>, %select_n3A_2595 masked %broadcast_in_dim3A_2597 : vector<16xi32>, vector<16xi1> -> vector<16xi32>
    %eq3A_2599 = arith.constant 1 : i32
    %eq3A_2600 = vector.broadcast %eq3A_2599 : i32 to vector<16xi32>
    %eq3A_2601 = arith.cmpi eq, %iota3A, %eq3A_2600 : vector<16xi32>
    %jit3A_2602 = arith.constant 0 : i32
    %broadcast_in_dim3A_2603 = vector.broadcast %jit3A_2602 : i32 to vector<16xi32>
    %select_n3A_2604 = arith.select %eq3A_2601, %add3A_2587, %broadcast_in_dim3A_2603 : vector<16xi1>, vector<16xi32>
    %reduce_sum3A_2605 = arith.constant true
    %reduce_sum3A_2606 = vector.broadcast %reduce_sum3A_2605 : i1 to vector<16xi1>
    %reduce_sum3A_2607 = tpu.scan <sum>, %select_n3A_2604 masked %reduce_sum3A_2606 : vector<16xi32>, vector<16xi1> -> vector<16xi32>
    %reduce_sum3A_2608 = vector.extract %reduce_sum3A_2607[15] : i32 from vector<16xi32>
    %add3A_2609 = vector.broadcast %reduce_sum3A_2608 : i32 to vector<16xi32>
    %add3A_2610 = arith.addi %add3A_2609, %masked_cumsum3A_2598 : vector<16xi32>
    %sub3A_2611 = arith.constant 1 : i32
    %sub3A_2612 = vector.broadcast %sub3A_2611 : i32 to vector<16xi32>
    %sub3A_2613 = arith.subi %add3A_2610, %sub3A_2612 : vector<16xi32>
    %select_n3A_2614 = arith.select %eq3A_2590, %sub3A_2613, %select_n3A_2575 : vector<16xi1>, vector<16xi32>
    %eq3A_2615 = arith.constant 1 : i32
    %eq3A_2616 = vector.broadcast %eq3A_2615 : i32 to vector<16xi32>
    %eq3A_2617 = arith.cmpi eq, %iota3A, %eq3A_2616 : vector<16xi32>
    %reduce_sum3A_2618 = arith.constant true
    %reduce_sum3A_2619 = vector.broadcast %reduce_sum3A_2618 : i1 to vector<16xi1>
    %reduce_sum3A_2620 = tpu.scan <sum>, %select_n3A_2595 masked %reduce_sum3A_2619 : vector<16xi32>, vector<16xi1> -> vector<16xi32>
    %reduce_sum3A_2621 = vector.extract %reduce_sum3A_2620[15] : i32 from vector<16xi32>
    %jit3A_2622 = arith.constant 0 : i32
    %broadcast_in_dim3A_2623 = vector.broadcast %reduce_sum3A_2621 : i32 to vector<16xi32>
    %broadcast_in_dim3A_2624 = vector.broadcast %jit3A_2622 : i32 to vector<16xi32>
    %select_n3A_2625 = arith.select %eq3A_2617, %broadcast_in_dim3A_2623, %broadcast_in_dim3A_2624 : vector<16xi1>, vector<16xi32>
    %add3A_2626 = arith.addi %add3A_2587, %select_n3A_2625 : vector<16xi32>
    %eq3A_2627 = arith.constant 2 : i32
    %eq3A_2628 = vector.broadcast %eq3A_2627 : i32 to vector<16xi32>
    %eq3A_2629 = arith.cmpi eq, %get3A_2546, %eq3A_2628 : vector<16xi32>
    %jit3A_2630 = arith.constant 1 : i32
    %jit3A_2631 = arith.constant 0 : i32
    %broadcast_in_dim3A_2632 = vector.broadcast %jit3A_2630 : i32 to vector<16xi32>
    %broadcast_in_dim3A_2633 = vector.broadcast %jit3A_2631 : i32 to vector<16xi32>
    %select_n3A_2634 = arith.select %eq3A_2629, %broadcast_in_dim3A_2632, %broadcast_in_dim3A_2633 : vector<16xi1>, vector<16xi32>
    %broadcast_in_dim3A_2635 = arith.constant true
    %broadcast_in_dim3A_2636 = vector.broadcast %broadcast_in_dim3A_2635 : i1 to vector<16xi1>
    %masked_cumsum3A_2637 = tpu.scan <sum>, %select_n3A_2634 masked %broadcast_in_dim3A_2636 : vector<16xi32>, vector<16xi1> -> vector<16xi32>
    %eq3A_2638 = arith.constant 2 : i32
    %eq3A_2639 = vector.broadcast %eq3A_2638 : i32 to vector<16xi32>
    %eq3A_2640 = arith.cmpi eq, %iota3A, %eq3A_2639 : vector<16xi32>
    %jit3A_2641 = arith.constant 0 : i32
    %broadcast_in_dim3A_2642 = vector.broadcast %jit3A_2641 : i32 to vector<16xi32>
    %select_n3A_2643 = arith.select %eq3A_2640, %add3A_2626, %broadcast_in_dim3A_2642 : vector<16xi1>, vector<16xi32>
    %reduce_sum3A_2644 = arith.constant true
    %reduce_sum3A_2645 = vector.broadcast %reduce_sum3A_2644 : i1 to vector<16xi1>
    %reduce_sum3A_2646 = tpu.scan <sum>, %select_n3A_2643 masked %reduce_sum3A_2645 : vector<16xi32>, vector<16xi1> -> vector<16xi32>
    %reduce_sum3A_2647 = vector.extract %reduce_sum3A_2646[15] : i32 from vector<16xi32>
    %add3A_2648 = vector.broadcast %reduce_sum3A_2647 : i32 to vector<16xi32>
    %add3A_2649 = arith.addi %add3A_2648, %masked_cumsum3A_2637 : vector<16xi32>
    %sub3A_2650 = arith.constant 1 : i32
    %sub3A_2651 = vector.broadcast %sub3A_2650 : i32 to vector<16xi32>
    %sub3A_2652 = arith.subi %add3A_2649, %sub3A_2651 : vector<16xi32>
    %select_n3A_2653 = arith.select %eq3A_2629, %sub3A_2652, %select_n3A_2614 : vector<16xi1>, vector<16xi32>
    %eq3A_2654 = arith.constant 2 : i32
    %eq3A_2655 = vector.broadcast %eq3A_2654 : i32 to vector<16xi32>
    %eq3A_2656 = arith.cmpi eq, %iota3A, %eq3A_2655 : vector<16xi32>
    %reduce_sum3A_2657 = arith.constant true
    %reduce_sum3A_2658 = vector.broadcast %reduce_sum3A_2657 : i1 to vector<16xi1>
    %reduce_sum3A_2659 = tpu.scan <sum>, %select_n3A_2634 masked %reduce_sum3A_2658 : vector<16xi32>, vector<16xi1> -> vector<16xi32>
    %reduce_sum3A_2660 = vector.extract %reduce_sum3A_2659[15] : i32 from vector<16xi32>
    %jit3A_2661 = arith.constant 0 : i32
    %broadcast_in_dim3A_2662 = vector.broadcast %reduce_sum3A_2660 : i32 to vector<16xi32>
    %broadcast_in_dim3A_2663 = vector.broadcast %jit3A_2661 : i32 to vector<16xi32>
    %select_n3A_2664 = arith.select %eq3A_2656, %broadcast_in_dim3A_2662, %broadcast_in_dim3A_2663 : vector<16xi1>, vector<16xi32>
    %add3A_2665 = arith.addi %add3A_2626, %select_n3A_2664 : vector<16xi32>
    %eq3A_2666 = arith.constant 3 : i32
    %eq3A_2667 = vector.broadcast %eq3A_2666 : i32 to vector<16xi32>
    %eq3A_2668 = arith.cmpi eq, %get3A_2546, %eq3A_2667 : vector<16xi32>
    %jit3A_2669 = arith.constant 1 : i32
    %jit3A_2670 = arith.constant 0 : i32
    %broadcast_in_dim3A_2671 = vector.broadcast %jit3A_2669 : i32 to vector<16xi32>
    %broadcast_in_dim3A_2672 = vector.broadcast %jit3A_2670 : i32 to vector<16xi32>
    %select_n3A_2673 = arith.select %eq3A_2668, %broadcast_in_dim3A_2671, %broadcast_in_dim3A_2672 : vector<16xi1>, vector<16xi32>
    %broadcast_in_dim3A_2674 = arith.constant true
    %broadcast_in_dim3A_2675 = vector.broadcast %broadcast_in_dim3A_2674 : i1 to vector<16xi1>
    %masked_cumsum3A_2676 = tpu.scan <sum>, %select_n3A_2673 masked %broadcast_in_dim3A_2675 : vector<16xi32>, vector<16xi1> -> vector<16xi32>
    %eq3A_2677 = arith.constant 3 : i32
    %eq3A_2678 = vector.broadcast %eq3A_2677 : i32 to vector<16xi32>
    %eq3A_2679 = arith.cmpi eq, %iota3A, %eq3A_2678 : vector<16xi32>
    %jit3A_2680 = arith.constant 0 : i32
    %broadcast_in_dim3A_2681 = vector.broadcast %jit3A_2680 : i32 to vector<16xi32>
    %select_n3A_2682 = arith.select %eq3A_2679, %add3A_2665, %broadcast_in_dim3A_2681 : vector<16xi1>, vector<16xi32>
    %reduce_sum3A_2683 = arith.constant true
    %reduce_sum3A_2684 = vector.broadcast %reduce_sum3A_2683 : i1 to vector<16xi1>
    %reduce_sum3A_2685 = tpu.scan <sum>, %select_n3A_2682 masked %reduce_sum3A_2684 : vector<16xi32>, vector<16xi1> -> vector<16xi32>
    %reduce_sum3A_2686 = vector.extract %reduce_sum3A_2685[15] : i32 from vector<16xi32>
    %add3A_2687 = vector.broadcast %reduce_sum3A_2686 : i32 to vector<16xi32>
    %add3A_2688 = arith.addi %add3A_2687, %masked_cumsum3A_2676 : vector<16xi32>
    %sub3A_2689 = arith.constant 1 : i32
    %sub3A_2690 = vector.broadcast %sub3A_2689 : i32 to vector<16xi32>
    %sub3A_2691 = arith.subi %add3A_2688, %sub3A_2690 : vector<16xi32>
    %select_n3A_2692 = arith.select %eq3A_2668, %sub3A_2691, %select_n3A_2653 : vector<16xi1>, vector<16xi32>
    %eq3A_2693 = arith.constant 3 : i32
    %eq3A_2694 = vector.broadcast %eq3A_2693 : i32 to vector<16xi32>
    %eq3A_2695 = arith.cmpi eq, %iota3A, %eq3A_2694 : vector<16xi32>
    %reduce_sum3A_2696 = arith.constant true
    %reduce_sum3A_2697 = vector.broadcast %reduce_sum3A_2696 : i1 to vector<16xi1>
    %reduce_sum3A_2698 = tpu.scan <sum>, %select_n3A_2673 masked %reduce_sum3A_2697 : vector<16xi32>, vector<16xi1> -> vector<16xi32>
    %reduce_sum3A_2699 = vector.extract %reduce_sum3A_2698[15] : i32 from vector<16xi32>
    %jit3A_2700 = arith.constant 0 : i32
    %broadcast_in_dim3A_2701 = vector.broadcast %reduce_sum3A_2699 : i32 to vector<16xi32>
    %broadcast_in_dim3A_2702 = vector.broadcast %jit3A_2700 : i32 to vector<16xi32>
    %select_n3A_2703 = arith.select %eq3A_2695, %broadcast_in_dim3A_2701, %broadcast_in_dim3A_2702 : vector<16xi1>, vector<16xi32>
    %add3A_2704 = arith.addi %add3A_2665, %select_n3A_2703 : vector<16xi32>
    %eq3A_2705 = arith.constant 4 : i32
    %eq3A_2706 = vector.broadcast %eq3A_2705 : i32 to vector<16xi32>
    %eq3A_2707 = arith.cmpi eq, %get3A_2546, %eq3A_2706 : vector<16xi32>
    %jit3A_2708 = arith.constant 1 : i32
    %jit3A_2709 = arith.constant 0 : i32
    %broadcast_in_dim3A_2710 = vector.broadcast %jit3A_2708 : i32 to vector<16xi32>
    %broadcast_in_dim3A_2711 = vector.broadcast %jit3A_2709 : i32 to vector<16xi32>
    %select_n3A_2712 = arith.select %eq3A_2707, %broadcast_in_dim3A_2710, %broadcast_in_dim3A_2711 : vector<16xi1>, vector<16xi32>
    %broadcast_in_dim3A_2713 = arith.constant true
    %broadcast_in_dim3A_2714 = vector.broadcast %broadcast_in_dim3A_2713 : i1 to vector<16xi1>
    %masked_cumsum3A_2715 = tpu.scan <sum>, %select_n3A_2712 masked %broadcast_in_dim3A_2714 : vector<16xi32>, vector<16xi1> -> vector<16xi32>
    %eq3A_2716 = arith.constant 4 : i32
    %eq3A_2717 = vector.broadcast %eq3A_2716 : i32 to vector<16xi32>
    %eq3A_2718 = arith.cmpi eq, %iota3A, %eq3A_2717 : vector<16xi32>
    %jit3A_2719 = arith.constant 0 : i32
    %broadcast_in_dim3A_2720 = vector.broadcast %jit3A_2719 : i32 to vector<16xi32>
    %select_n3A_2721 = arith.select %eq3A_2718, %add3A_2704, %broadcast_in_dim3A_2720 : vector<16xi1>, vector<16xi32>
    %reduce_sum3A_2722 = arith.constant true
    %reduce_sum3A_2723 = vector.broadcast %reduce_sum3A_2722 : i1 to vector<16xi1>
    %reduce_sum3A_2724 = tpu.scan <sum>, %select_n3A_2721 masked %reduce_sum3A_2723 : vector<16xi32>, vector<16xi1> -> vector<16xi32>
    %reduce_sum3A_2725 = vector.extract %reduce_sum3A_2724[15] : i32 from vector<16xi32>
    %add3A_2726 = vector.broadcast %reduce_sum3A_2725 : i32 to vector<16xi32>
    %add3A_2727 = arith.addi %add3A_2726, %masked_cumsum3A_2715 : vector<16xi32>
    %sub3A_2728 = arith.constant 1 : i32
    %sub3A_2729 = vector.broadcast %sub3A_2728 : i32 to vector<16xi32>
    %sub3A_2730 = arith.subi %add3A_2727, %sub3A_2729 : vector<16xi32>
    %select_n3A_2731 = arith.select %eq3A_2707, %sub3A_2730, %select_n3A_2692 : vector<16xi1>, vector<16xi32>
    %eq3A_2732 = arith.constant 4 : i32
    %eq3A_2733 = vector.broadcast %eq3A_2732 : i32 to vector<16xi32>
    %eq3A_2734 = arith.cmpi eq, %iota3A, %eq3A_2733 : vector<16xi32>
    %reduce_sum3A_2735 = arith.constant true
    %reduce_sum3A_2736 = vector.broadcast %reduce_sum3A_2735 : i1 to vector<16xi1>
    %reduce_sum3A_2737 = tpu.scan <sum>, %select_n3A_2712 masked %reduce_sum3A_2736 : vector<16xi32>, vector<16xi1> -> vector<16xi32>
    %reduce_sum3A_2738 = vector.extract %reduce_sum3A_2737[15] : i32 from vector<16xi32>
    %jit3A_2739 = arith.constant 0 : i32
    %broadcast_in_dim3A_2740 = vector.broadcast %reduce_sum3A_2738 : i32 to vector<16xi32>
    %broadcast_in_dim3A_2741 = vector.broadcast %jit3A_2739 : i32 to vector<16xi32>
    %select_n3A_2742 = arith.select %eq3A_2734, %broadcast_in_dim3A_2740, %broadcast_in_dim3A_2741 : vector<16xi1>, vector<16xi32>
    %add3A_2743 = arith.addi %add3A_2704, %select_n3A_2742 : vector<16xi32>
    %eq3A_2744 = arith.constant 5 : i32
    %eq3A_2745 = vector.broadcast %eq3A_2744 : i32 to vector<16xi32>
    %eq3A_2746 = arith.cmpi eq, %get3A_2546, %eq3A_2745 : vector<16xi32>
    %jit3A_2747 = arith.constant 1 : i32
    %jit3A_2748 = arith.constant 0 : i32
    %broadcast_in_dim3A_2749 = vector.broadcast %jit3A_2747 : i32 to vector<16xi32>
    %broadcast_in_dim3A_2750 = vector.broadcast %jit3A_2748 : i32 to vector<16xi32>
    %select_n3A_2751 = arith.select %eq3A_2746, %broadcast_in_dim3A_2749, %broadcast_in_dim3A_2750 : vector<16xi1>, vector<16xi32>
    %broadcast_in_dim3A_2752 = arith.constant true
    %broadcast_in_dim3A_2753 = vector.broadcast %broadcast_in_dim3A_2752 : i1 to vector<16xi1>
    %masked_cumsum3A_2754 = tpu.scan <sum>, %select_n3A_2751 masked %broadcast_in_dim3A_2753 : vector<16xi32>, vector<16xi1> -> vector<16xi32>
    %eq3A_2755 = arith.constant 5 : i32
    %eq3A_2756 = vector.broadcast %eq3A_2755 : i32 to vector<16xi32>
    %eq3A_2757 = arith.cmpi eq, %iota3A, %eq3A_2756 : vector<16xi32>
    %jit3A_2758 = arith.constant 0 : i32
    %broadcast_in_dim3A_2759 = vector.broadcast %jit3A_2758 : i32 to vector<16xi32>
    %select_n3A_2760 = arith.select %eq3A_2757, %add3A_2743, %broadcast_in_dim3A_2759 : vector<16xi1>, vector<16xi32>
    %reduce_sum3A_2761 = arith.constant true
    %reduce_sum3A_2762 = vector.broadcast %reduce_sum3A_2761 : i1 to vector<16xi1>
    %reduce_sum3A_2763 = tpu.scan <sum>, %select_n3A_2760 masked %reduce_sum3A_2762 : vector<16xi32>, vector<16xi1> -> vector<16xi32>
    %reduce_sum3A_2764 = vector.extract %reduce_sum3A_2763[15] : i32 from vector<16xi32>
    %add3A_2765 = vector.broadcast %reduce_sum3A_2764 : i32 to vector<16xi32>
    %add3A_2766 = arith.addi %add3A_2765, %masked_cumsum3A_2754 : vector<16xi32>
    %sub3A_2767 = arith.constant 1 : i32
    %sub3A_2768 = vector.broadcast %sub3A_2767 : i32 to vector<16xi32>
    %sub3A_2769 = arith.subi %add3A_2766, %sub3A_2768 : vector<16xi32>
    %select_n3A_2770 = arith.select %eq3A_2746, %sub3A_2769, %select_n3A_2731 : vector<16xi1>, vector<16xi32>
    %eq3A_2771 = arith.constant 5 : i32
    %eq3A_2772 = vector.broadcast %eq3A_2771 : i32 to vector<16xi32>
    %eq3A_2773 = arith.cmpi eq, %iota3A, %eq3A_2772 : vector<16xi32>
    %reduce_sum3A_2774 = arith.constant true
    %reduce_sum3A_2775 = vector.broadcast %reduce_sum3A_2774 : i1 to vector<16xi1>
    %reduce_sum3A_2776 = tpu.scan <sum>, %select_n3A_2751 masked %reduce_sum3A_2775 : vector<16xi32>, vector<16xi1> -> vector<16xi32>
    %reduce_sum3A_2777 = vector.extract %reduce_sum3A_2776[15] : i32 from vector<16xi32>
    %jit3A_2778 = arith.constant 0 : i32
    %broadcast_in_dim3A_2779 = vector.broadcast %reduce_sum3A_2777 : i32 to vector<16xi32>
    %broadcast_in_dim3A_2780 = vector.broadcast %jit3A_2778 : i32 to vector<16xi32>
    %select_n3A_2781 = arith.select %eq3A_2773, %broadcast_in_dim3A_2779, %broadcast_in_dim3A_2780 : vector<16xi1>, vector<16xi32>
    %add3A_2782 = arith.addi %add3A_2743, %select_n3A_2781 : vector<16xi32>
    %eq3A_2783 = arith.constant 6 : i32
    %eq3A_2784 = vector.broadcast %eq3A_2783 : i32 to vector<16xi32>
    %eq3A_2785 = arith.cmpi eq, %get3A_2546, %eq3A_2784 : vector<16xi32>
    %jit3A_2786 = arith.constant 1 : i32
    %jit3A_2787 = arith.constant 0 : i32
    %broadcast_in_dim3A_2788 = vector.broadcast %jit3A_2786 : i32 to vector<16xi32>
    %broadcast_in_dim3A_2789 = vector.broadcast %jit3A_2787 : i32 to vector<16xi32>
    %select_n3A_2790 = arith.select %eq3A_2785, %broadcast_in_dim3A_2788, %broadcast_in_dim3A_2789 : vector<16xi1>, vector<16xi32>
    %broadcast_in_dim3A_2791 = arith.constant true
    %broadcast_in_dim3A_2792 = vector.broadcast %broadcast_in_dim3A_2791 : i1 to vector<16xi1>
    %masked_cumsum3A_2793 = tpu.scan <sum>, %select_n3A_2790 masked %broadcast_in_dim3A_2792 : vector<16xi32>, vector<16xi1> -> vector<16xi32>
    %eq3A_2794 = arith.constant 6 : i32
    %eq3A_2795 = vector.broadcast %eq3A_2794 : i32 to vector<16xi32>
    %eq3A_2796 = arith.cmpi eq, %iota3A, %eq3A_2795 : vector<16xi32>
    %jit3A_2797 = arith.constant 0 : i32
    %broadcast_in_dim3A_2798 = vector.broadcast %jit3A_2797 : i32 to vector<16xi32>
    %select_n3A_2799 = arith.select %eq3A_2796, %add3A_2782, %broadcast_in_dim3A_2798 : vector<16xi1>, vector<16xi32>
    %reduce_sum3A_2800 = arith.constant true
    %reduce_sum3A_2801 = vector.broadcast %reduce_sum3A_2800 : i1 to vector<16xi1>
    %reduce_sum3A_2802 = tpu.scan <sum>, %select_n3A_2799 masked %reduce_sum3A_2801 : vector<16xi32>, vector<16xi1> -> vector<16xi32>
    %reduce_sum3A_2803 = vector.extract %reduce_sum3A_2802[15] : i32 from vector<16xi32>
    %add3A_2804 = vector.broadcast %reduce_sum3A_2803 : i32 to vector<16xi32>
    %add3A_2805 = arith.addi %add3A_2804, %masked_cumsum3A_2793 : vector<16xi32>
    %sub3A_2806 = arith.constant 1 : i32
    %sub3A_2807 = vector.broadcast %sub3A_2806 : i32 to vector<16xi32>
    %sub3A_2808 = arith.subi %add3A_2805, %sub3A_2807 : vector<16xi32>
    %select_n3A_2809 = arith.select %eq3A_2785, %sub3A_2808, %select_n3A_2770 : vector<16xi1>, vector<16xi32>
    %eq3A_2810 = arith.constant 6 : i32
    %eq3A_2811 = vector.broadcast %eq3A_2810 : i32 to vector<16xi32>
    %eq3A_2812 = arith.cmpi eq, %iota3A, %eq3A_2811 : vector<16xi32>
    %reduce_sum3A_2813 = arith.constant true
    %reduce_sum3A_2814 = vector.broadcast %reduce_sum3A_2813 : i1 to vector<16xi1>
    %reduce_sum3A_2815 = tpu.scan <sum>, %select_n3A_2790 masked %reduce_sum3A_2814 : vector<16xi32>, vector<16xi1> -> vector<16xi32>
    %reduce_sum3A_2816 = vector.extract %reduce_sum3A_2815[15] : i32 from vector<16xi32>
    %jit3A_2817 = arith.constant 0 : i32
    %broadcast_in_dim3A_2818 = vector.broadcast %reduce_sum3A_2816 : i32 to vector<16xi32>
    %broadcast_in_dim3A_2819 = vector.broadcast %jit3A_2817 : i32 to vector<16xi32>
    %select_n3A_2820 = arith.select %eq3A_2812, %broadcast_in_dim3A_2818, %broadcast_in_dim3A_2819 : vector<16xi1>, vector<16xi32>
    %add3A_2821 = arith.addi %add3A_2782, %select_n3A_2820 : vector<16xi32>
    %eq3A_2822 = arith.constant 7 : i32
    %eq3A_2823 = vector.broadcast %eq3A_2822 : i32 to vector<16xi32>
    %eq3A_2824 = arith.cmpi eq, %get3A_2546, %eq3A_2823 : vector<16xi32>
    %jit3A_2825 = arith.constant 1 : i32
    %jit3A_2826 = arith.constant 0 : i32
    %broadcast_in_dim3A_2827 = vector.broadcast %jit3A_2825 : i32 to vector<16xi32>
    %broadcast_in_dim3A_2828 = vector.broadcast %jit3A_2826 : i32 to vector<16xi32>
    %select_n3A_2829 = arith.select %eq3A_2824, %broadcast_in_dim3A_2827, %broadcast_in_dim3A_2828 : vector<16xi1>, vector<16xi32>
    %broadcast_in_dim3A_2830 = arith.constant true
    %broadcast_in_dim3A_2831 = vector.broadcast %broadcast_in_dim3A_2830 : i1 to vector<16xi1>
    %masked_cumsum3A_2832 = tpu.scan <sum>, %select_n3A_2829 masked %broadcast_in_dim3A_2831 : vector<16xi32>, vector<16xi1> -> vector<16xi32>
    %eq3A_2833 = arith.constant 7 : i32
    %eq3A_2834 = vector.broadcast %eq3A_2833 : i32 to vector<16xi32>
    %eq3A_2835 = arith.cmpi eq, %iota3A, %eq3A_2834 : vector<16xi32>
    %jit3A_2836 = arith.constant 0 : i32
    %broadcast_in_dim3A_2837 = vector.broadcast %jit3A_2836 : i32 to vector<16xi32>
    %select_n3A_2838 = arith.select %eq3A_2835, %add3A_2821, %broadcast_in_dim3A_2837 : vector<16xi1>, vector<16xi32>
    %reduce_sum3A_2839 = arith.constant true
    %reduce_sum3A_2840 = vector.broadcast %reduce_sum3A_2839 : i1 to vector<16xi1>
    %reduce_sum3A_2841 = tpu.scan <sum>, %select_n3A_2838 masked %reduce_sum3A_2840 : vector<16xi32>, vector<16xi1> -> vector<16xi32>
    %reduce_sum3A_2842 = vector.extract %reduce_sum3A_2841[15] : i32 from vector<16xi32>
    %add3A_2843 = vector.broadcast %reduce_sum3A_2842 : i32 to vector<16xi32>
    %add3A_2844 = arith.addi %add3A_2843, %masked_cumsum3A_2832 : vector<16xi32>
    %sub3A_2845 = arith.constant 1 : i32
    %sub3A_2846 = vector.broadcast %sub3A_2845 : i32 to vector<16xi32>
    %sub3A_2847 = arith.subi %add3A_2844, %sub3A_2846 : vector<16xi32>
    %select_n3A_2848 = arith.select %eq3A_2824, %sub3A_2847, %select_n3A_2809 : vector<16xi1>, vector<16xi32>
    %eq3A_2849 = arith.constant 7 : i32
    %eq3A_2850 = vector.broadcast %eq3A_2849 : i32 to vector<16xi32>
    %eq3A_2851 = arith.cmpi eq, %iota3A, %eq3A_2850 : vector<16xi32>
    %reduce_sum3A_2852 = arith.constant true
    %reduce_sum3A_2853 = vector.broadcast %reduce_sum3A_2852 : i1 to vector<16xi1>
    %reduce_sum3A_2854 = tpu.scan <sum>, %select_n3A_2829 masked %reduce_sum3A_2853 : vector<16xi32>, vector<16xi1> -> vector<16xi32>
    %reduce_sum3A_2855 = vector.extract %reduce_sum3A_2854[15] : i32 from vector<16xi32>
    %jit3A_2856 = arith.constant 0 : i32
    %broadcast_in_dim3A_2857 = vector.broadcast %reduce_sum3A_2855 : i32 to vector<16xi32>
    %broadcast_in_dim3A_2858 = vector.broadcast %jit3A_2856 : i32 to vector<16xi32>
    %select_n3A_2859 = arith.select %eq3A_2851, %broadcast_in_dim3A_2857, %broadcast_in_dim3A_2858 : vector<16xi1>, vector<16xi32>
    %add3A_2860 = arith.addi %add3A_2821, %select_n3A_2859 : vector<16xi32>
    %swap3A_2861 = arith.constant 48 : index
    %swap3A_2862 = tpu.vector_load %arg11[%swap3A_2861] {strides = array<i32>} : memref<64xi32, #tpu.memory_space<vmem>>, vector<16xi32>,
    tpu.vector_store %arg11[%swap3A_2861], %select_n3A_2848 {strides = array<i32>} : memref<64xi32, #tpu.memory_space<vmem>>, vector<16xi32>,
    %mul3A_2863 = arith.constant 128 : i32
    %mul3A_2864 = arith.muli %add3A, %mul3A_2863 : i32
    "tpu.region"() ({
      %run_scoped3A = tpu.sem_alloc : memref<!tpu.dma_semaphore, #tpu.memory_space<semaphore_mem>>
      %dma_start3A_2891 = tpu.memref_slice %arg5[%mul3A_2864] : memref<4096xi32, #tpu.memory_space<hbm>> -> memref<64xi32, #tpu.memory_space<hbm>>
      %dma_start3A_2892 = tpu.memref_slice %arg5[%mul3A_2864] : memref<4096xi32, #tpu.memory_space<hbm>> -> memref<64xi32, #tpu.memory_space<hbm>>
      tpu.enqueue_dma source(%arg10 : memref<64xi32, #tpu.memory_space<vmem>>) target(%dma_start3A_2892 : memref<64xi32, #tpu.memory_space<hbm>>) target_semaphore(%run_scoped3A : memref<!tpu.dma_semaphore, #tpu.memory_space<semaphore_mem>>)
      %dma_wait3A_2893 = tpu.memref_slice %arg5[%mul3A_2864] : memref<4096xi32, #tpu.memory_space<hbm>> -> memref<64xi32, #tpu.memory_space<hbm>>
      %dma_wait3A_2894 = tpu.memref_slice %arg5[%mul3A_2864] : memref<4096xi32, #tpu.memory_space<hbm>> -> memref<64xi32, #tpu.memory_space<hbm>>
      tpu.wait_dma2 semaphore(%run_scoped3A : memref<!tpu.dma_semaphore, #tpu.memory_space<semaphore_mem>>) src(%arg10 : memref<64xi32, #tpu.memory_space<vmem>>) dst(%dma_wait3A_2894 : memref<64xi32, #tpu.memory_space<hbm>>)
      tpu.yield
    }) : () -> ()
    %mul3A_2865 = arith.constant 128 : i32
    %mul3A_2866 = arith.muli %add3A, %mul3A_2865 : i32
    %add3A_2867 = arith.constant 64 : i32
    %add3A_2868 = arith.addi %mul3A_2866, %add3A_2867 : i32
    "tpu.region"() ({
      %run_scoped3A = tpu.sem_alloc : memref<!tpu.dma_semaphore, #tpu.memory_space<semaphore_mem>>
      %dma_start3A_2891 = tpu.memref_slice %arg5[%add3A_2868] : memref<4096xi32, #tpu.memory_space<hbm>> -> memref<64xi32, #tpu.memory_space<hbm>>
      %dma_start3A_2892 = tpu.memref_slice %arg5[%add3A_2868] : memref<4096xi32, #tpu.memory_space<hbm>> -> memref<64xi32, #tpu.memory_space<hbm>>
      tpu.enqueue_dma source(%arg11 : memref<64xi32, #tpu.memory_space<vmem>>) target(%dma_start3A_2892 : memref<64xi32, #tpu.memory_space<hbm>>) target_semaphore(%run_scoped3A : memref<!tpu.dma_semaphore, #tpu.memory_space<semaphore_mem>>)
      %dma_wait3A_2893 = tpu.memref_slice %arg5[%add3A_2868] : memref<4096xi32, #tpu.memory_space<hbm>> -> memref<64xi32, #tpu.memory_space<hbm>>
      %dma_wait3A_2894 = tpu.memref_slice %arg5[%add3A_2868] : memref<4096xi32, #tpu.memory_space<hbm>> -> memref<64xi32, #tpu.memory_space<hbm>>
      tpu.wait_dma2 semaphore(%run_scoped3A : memref<!tpu.dma_semaphore, #tpu.memory_space<semaphore_mem>>) src(%arg11 : memref<64xi32, #tpu.memory_space<vmem>>) dst(%dma_wait3A_2894 : memref<64xi32, #tpu.memory_space<hbm>>)
      tpu.yield
    }) : () -> ()
    %dma_wait3A = arith.constant 0 : i32
    %dma_wait3A_2869 = tpu.memref_slice %arg4[%mul3A_11, %dma_wait3A] : memref<2048x512xi32, #tpu.memory_space<hbm>> -> memref<64x512xi32, #tpu.memory_space<hbm>>
    %dma_wait3A_2870 = arith.constant 0 : i32
    %dma_wait3A_2871 = tpu.memref_slice %arg4[%mul3A_11, %dma_wait3A_2870] : memref<2048x512xi32, #tpu.memory_space<hbm>> -> memref<64x512xi32, #tpu.memory_space<hbm>>
    tpu.wait_dma2 semaphore(%arg15 : memref<!tpu.dma_semaphore, #tpu.memory_space<semaphore_mem>>) src(%dma_wait3A_2871 : memref<64x512xi32, #tpu.memory_space<hbm>>) dst(%arg12 : memref<64x512xi32, #tpu.memory_space<vmem>>)
    %dma_start3A_2872 = arith.constant 0 : i32
    %dma_start3A_2873 = arith.constant 0 : i32
    %dma_start3A_2874 = tpu.memref_slice %arg7[%dma_start3A_2872, %dma_start3A_2873] : memref<6144x512xi32, #tpu.memory_space<hbm>> -> memref<6144x512xi32, #tpu.memory_space<hbm>>
    tpu.enqueue_indirect_dma source(%arg12 : memref<64x512xi32, #tpu.memory_space<vmem>>) target(%dma_start3A_2874 : memref<6144x512xi32, #tpu.memory_space<hbm>>) offsets(%arg10 : memref<64xi32, #tpu.memory_space<vmem>>) semaphore(%arg15 : memref<!tpu.dma_semaphore, #tpu.memory_space<semaphore_mem>>)
    %dma_wait3A_2875 = arith.constant 0 : i32
    %dma_wait3A_2876 = tpu.memref_slice %arg4[%add3A_16, %dma_wait3A_2875] : memref<2048x512xi32, #tpu.memory_space<hbm>> -> memref<64x512xi32, #tpu.memory_space<hbm>>
    %dma_wait3A_2877 = arith.constant 0 : i32
    %dma_wait3A_2878 = tpu.memref_slice %arg4[%add3A_16, %dma_wait3A_2877] : memref<2048x512xi32, #tpu.memory_space<hbm>> -> memref<64x512xi32, #tpu.memory_space<hbm>>
    tpu.wait_dma2 semaphore(%arg16 : memref<!tpu.dma_semaphore, #tpu.memory_space<semaphore_mem>>) src(%dma_wait3A_2878 : memref<64x512xi32, #tpu.memory_space<hbm>>) dst(%arg13 : memref<64x512xi32, #tpu.memory_space<vmem>>)
    %dma_start3A_2879 = arith.constant 0 : i32
    %dma_start3A_2880 = arith.constant 0 : i32
    %dma_start3A_2881 = tpu.memref_slice %arg7[%dma_start3A_2879, %dma_start3A_2880] : memref<6144x512xi32, #tpu.memory_space<hbm>> -> memref<6144x512xi32, #tpu.memory_space<hbm>>
    tpu.enqueue_indirect_dma source(%arg13 : memref<64x512xi32, #tpu.memory_space<vmem>>) target(%dma_start3A_2881 : memref<6144x512xi32, #tpu.memory_space<hbm>>) offsets(%arg11 : memref<64xi32, #tpu.memory_space<vmem>>) semaphore(%arg16 : memref<!tpu.dma_semaphore, #tpu.memory_space<semaphore_mem>>)
    %dma_wait3A_2882 = arith.constant 0 : i32
    %dma_wait3A_2883 = arith.constant 0 : i32
    %dma_wait3A_2884 = tpu.memref_slice %arg7[%dma_wait3A_2882, %dma_wait3A_2883] : memref<6144x512xi32, #tpu.memory_space<hbm>> -> memref<6144x512xi32, #tpu.memory_space<hbm>>
    tpu.wait_indirect_dma semaphore(%arg15 : memref<!tpu.dma_semaphore, #tpu.memory_space<semaphore_mem>>) src(%arg12 : memref<64x512xi32, #tpu.memory_space<vmem>>) dst(%dma_wait3A_2884 : memref<6144x512xi32, #tpu.memory_space<hbm>>)
    %dma_wait3A_2885 = arith.constant 0 : i32
    %dma_wait3A_2886 = arith.constant 0 : i32
    %dma_wait3A_2887 = tpu.memref_slice %arg7[%dma_wait3A_2885, %dma_wait3A_2886] : memref<6144x512xi32, #tpu.memory_space<hbm>> -> memref<6144x512xi32, #tpu.memory_space<hbm>>
    tpu.wait_indirect_dma semaphore(%arg16 : memref<!tpu.dma_semaphore, #tpu.memory_space<semaphore_mem>>) src(%arg13 : memref<64x512xi32, #tpu.memory_space<vmem>>) dst(%dma_wait3A_2887 : memref<6144x512xi32, #tpu.memory_space<hbm>>)
    %eq3A_2888 = arith.constant 0 : i32
    %eq3A_2889 = arith.cmpi eq, %add3A, %eq3A_2888 : i32
    %convert_element_type3A = arith.extui %eq3A_2889 : i1 to i32
    %cond3A = arith.constant 0 : i32
    %cond3A_2890 = arith.cmpi ne, %convert_element_type3A, %cond3A : i32
    scf.if %cond3A_2890 {
      %broadcast_in_dim3A_2891 = arith.constant 0 : i32
      %broadcast_in_dim3A_2892 = vector.broadcast %broadcast_in_dim3A_2891 : i32 to vector<16xi32>
      %broadcast_in_dim3A_2893 = arith.constant 0 : i32
      %broadcast_in_dim3A_2894 = vector.broadcast %broadcast_in_dim3A_2893 : i32 to vector<16xi32>
      %eq3A_2895 = arith.constant 0 : i32
      %eq3A_2896 = vector.broadcast %eq3A_2895 : i32 to vector<16xi32>
      %eq3A_2897 = arith.cmpi eq, %iota3A, %eq3A_2896 : vector<16xi32>
      %jit3A_2898 = arith.constant 0 : i32
      %broadcast_in_dim3A_2899 = vector.broadcast %jit3A_2898 : i32 to vector<16xi32>
      %select_n3A_2900 = arith.select %eq3A_2897, %masked_cumsum3A, %broadcast_in_dim3A_2899 : vector<16xi1>, vector<16xi32>
      %reduce_sum3A_2901 = arith.constant true
      %reduce_sum3A_2902 = vector.broadcast %reduce_sum3A_2901 : i1 to vector<16xi1>
      %reduce_sum3A_2903 = tpu.scan <sum>, %select_n3A_2900 masked %reduce_sum3A_2902 : vector<16xi32>, vector<16xi1> -> vector<16xi32>
      %reduce_sum3A_2904 = vector.extract %reduce_sum3A_2903[15] : i32 from vector<16xi32>
      %mul3A_2905 = arith.constant 256 : i32
      %mul3A_2906 = vector.broadcast %mul3A_2905 : i32 to vector<16xi32>
      %mul3A_2907 = arith.muli %iota3A, %mul3A_2906 : vector<16xi32>
      %ge3A = vector.broadcast %reduce_sum3A_2904 : i32 to vector<16xi32>
      %ge3A_2908 = arith.cmpi sge, %mul3A_2907, %ge3A : vector<16xi32>
      %jit3A_2909 = arith.constant 1 : i32
      %jit3A_2910 = arith.constant 0 : i32
      %broadcast_in_dim3A_2911 = vector.broadcast %jit3A_2909 : i32 to vector<16xi32>
      %broadcast_in_dim3A_2912 = vector.broadcast %jit3A_2910 : i32 to vector<16xi32>
      %select_n3A_2913 = arith.select %ge3A_2908, %broadcast_in_dim3A_2911, %broadcast_in_dim3A_2912 : vector<16xi1>, vector<16xi32>
      %add3A_2914 = arith.addi %broadcast_in_dim3A_2892, %select_n3A_2913 : vector<16xi32>
      %add3A_2915 = arith.constant 16 : i32
      %add3A_2916 = vector.broadcast %add3A_2915 : i32 to vector<16xi32>
      %add3A_2917 = arith.addi %iota3A, %add3A_2916 : vector<16xi32>
      %mul3A_2918 = arith.constant 256 : i32
      %mul3A_2919 = vector.broadcast %mul3A_2918 : i32 to vector<16xi32>
      %mul3A_2920 = arith.muli %add3A_2917, %mul3A_2919 : vector<16xi32>
      %ge3A_2921 = vector.broadcast %reduce_sum3A_2904 : i32 to vector<16xi32>
      %ge3A_2922 = arith.cmpi sge, %mul3A_2920, %ge3A_2921 : vector<16xi32>
      %jit3A_2923 = arith.constant 1 : i32
      %jit3A_2924 = arith.constant 0 : i32
      %broadcast_in_dim3A_2925 = vector.broadcast %jit3A_2923 : i32 to vector<16xi32>
      %broadcast_in_dim3A_2926 = vector.broadcast %jit3A_2924 : i32 to vector<16xi32>
      %select_n3A_2927 = arith.select %ge3A_2922, %broadcast_in_dim3A_2925, %broadcast_in_dim3A_2926 : vector<16xi1>, vector<16xi32>
      %add3A_2928 = arith.addi %broadcast_in_dim3A_2894, %select_n3A_2927 : vector<16xi32>
      %eq3A_2929 = arith.constant 1 : i32
      %eq3A_2930 = vector.broadcast %eq3A_2929 : i32 to vector<16xi32>
      %eq3A_2931 = arith.cmpi eq, %iota3A, %eq3A_2930 : vector<16xi32>
      %jit3A_2932 = arith.constant 0 : i32
      %broadcast_in_dim3A_2933 = vector.broadcast %jit3A_2932 : i32 to vector<16xi32>
      %select_n3A_2934 = arith.select %eq3A_2931, %masked_cumsum3A, %broadcast_in_dim3A_2933 : vector<16xi1>, vector<16xi32>
      %reduce_sum3A_2935 = arith.constant true
      %reduce_sum3A_2936 = vector.broadcast %reduce_sum3A_2935 : i1 to vector<16xi1>
      %reduce_sum3A_2937 = tpu.scan <sum>, %select_n3A_2934 masked %reduce_sum3A_2936 : vector<16xi32>, vector<16xi1> -> vector<16xi32>
      %reduce_sum3A_2938 = vector.extract %reduce_sum3A_2937[15] : i32 from vector<16xi32>
      %mul3A_2939 = arith.constant 256 : i32
      %mul3A_2940 = vector.broadcast %mul3A_2939 : i32 to vector<16xi32>
      %mul3A_2941 = arith.muli %iota3A, %mul3A_2940 : vector<16xi32>
      %ge3A_2942 = vector.broadcast %reduce_sum3A_2938 : i32 to vector<16xi32>
      %ge3A_2943 = arith.cmpi sge, %mul3A_2941, %ge3A_2942 : vector<16xi32>
      %jit3A_2944 = arith.constant 1 : i32
      %jit3A_2945 = arith.constant 0 : i32
      %broadcast_in_dim3A_2946 = vector.broadcast %jit3A_2944 : i32 to vector<16xi32>
      %broadcast_in_dim3A_2947 = vector.broadcast %jit3A_2945 : i32 to vector<16xi32>
      %select_n3A_2948 = arith.select %ge3A_2943, %broadcast_in_dim3A_2946, %broadcast_in_dim3A_2947 : vector<16xi1>, vector<16xi32>
      %add3A_2949 = arith.addi %add3A_2914, %select_n3A_2948 : vector<16xi32>
      %add3A_2950 = arith.constant 16 : i32
      %add3A_2951 = vector.broadcast %add3A_2950 : i32 to vector<16xi32>
      %add3A_2952 = arith.addi %iota3A, %add3A_2951 : vector<16xi32>
      %mul3A_2953 = arith.constant 256 : i32
      %mul3A_2954 = vector.broadcast %mul3A_2953 : i32 to vector<16xi32>
      %mul3A_2955 = arith.muli %add3A_2952, %mul3A_2954 : vector<16xi32>
      %ge3A_2956 = vector.broadcast %reduce_sum3A_2938 : i32 to vector<16xi32>
      %ge3A_2957 = arith.cmpi sge, %mul3A_2955, %ge3A_2956 : vector<16xi32>
      %jit3A_2958 = arith.constant 1 : i32
      %jit3A_2959 = arith.constant 0 : i32
      %broadcast_in_dim3A_2960 = vector.broadcast %jit3A_2958 : i32 to vector<16xi32>
      %broadcast_in_dim3A_2961 = vector.broadcast %jit3A_2959 : i32 to vector<16xi32>
      %select_n3A_2962 = arith.select %ge3A_2957, %broadcast_in_dim3A_2960, %broadcast_in_dim3A_2961 : vector<16xi1>, vector<16xi32>
      %add3A_2963 = arith.addi %add3A_2928, %select_n3A_2962 : vector<16xi32>
      %eq3A_2964 = arith.constant 2 : i32
      %eq3A_2965 = vector.broadcast %eq3A_2964 : i32 to vector<16xi32>
      %eq3A_2966 = arith.cmpi eq, %iota3A, %eq3A_2965 : vector<16xi32>
      %jit3A_2967 = arith.constant 0 : i32
      %broadcast_in_dim3A_2968 = vector.broadcast %jit3A_2967 : i32 to vector<16xi32>
      %select_n3A_2969 = arith.select %eq3A_2966, %masked_cumsum3A, %broadcast_in_dim3A_2968 : vector<16xi1>, vector<16xi32>
      %reduce_sum3A_2970 = arith.constant true
      %reduce_sum3A_2971 = vector.broadcast %reduce_sum3A_2970 : i1 to vector<16xi1>
      %reduce_sum3A_2972 = tpu.scan <sum>, %select_n3A_2969 masked %reduce_sum3A_2971 : vector<16xi32>, vector<16xi1> -> vector<16xi32>
      %reduce_sum3A_2973 = vector.extract %reduce_sum3A_2972[15] : i32 from vector<16xi32>
      %mul3A_2974 = arith.constant 256 : i32
      %mul3A_2975 = vector.broadcast %mul3A_2974 : i32 to vector<16xi32>
      %mul3A_2976 = arith.muli %iota3A, %mul3A_2975 : vector<16xi32>
      %ge3A_2977 = vector.broadcast %reduce_sum3A_2973 : i32 to vector<16xi32>
      %ge3A_2978 = arith.cmpi sge, %mul3A_2976, %ge3A_2977 : vector<16xi32>
      %jit3A_2979 = arith.constant 1 : i32
      %jit3A_2980 = arith.constant 0 : i32
      %broadcast_in_dim3A_2981 = vector.broadcast %jit3A_2979 : i32 to vector<16xi32>
      %broadcast_in_dim3A_2982 = vector.broadcast %jit3A_2980 : i32 to vector<16xi32>
      %select_n3A_2983 = arith.select %ge3A_2978, %broadcast_in_dim3A_2981, %broadcast_in_dim3A_2982 : vector<16xi1>, vector<16xi32>
      %add3A_2984 = arith.addi %add3A_2949, %select_n3A_2983 : vector<16xi32>
      %add3A_2985 = arith.constant 16 : i32
      %add3A_2986 = vector.broadcast %add3A_2985 : i32 to vector<16xi32>
      %add3A_2987 = arith.addi %iota3A, %add3A_2986 : vector<16xi32>
      %mul3A_2988 = arith.constant 256 : i32
      %mul3A_2989 = vector.broadcast %mul3A_2988 : i32 to vector<16xi32>
      %mul3A_2990 = arith.muli %add3A_2987, %mul3A_2989 : vector<16xi32>
      %ge3A_2991 = vector.broadcast %reduce_sum3A_2973 : i32 to vector<16xi32>
      %ge3A_2992 = arith.cmpi sge, %mul3A_2990, %ge3A_2991 : vector<16xi32>
      %jit3A_2993 = arith.constant 1 : i32
      %jit3A_2994 = arith.constant 0 : i32
      %broadcast_in_dim3A_2995 = vector.broadcast %jit3A_2993 : i32 to vector<16xi32>
      %broadcast_in_dim3A_2996 = vector.broadcast %jit3A_2994 : i32 to vector<16xi32>
      %select_n3A_2997 = arith.select %ge3A_2992, %broadcast_in_dim3A_2995, %broadcast_in_dim3A_2996 : vector<16xi1>, vector<16xi32>
      %add3A_2998 = arith.addi %add3A_2963, %select_n3A_2997 : vector<16xi32>
      %eq3A_2999 = arith.constant 3 : i32
      %eq3A_3000 = vector.broadcast %eq3A_2999 : i32 to vector<16xi32>
      %eq3A_3001 = arith.cmpi eq, %iota3A, %eq3A_3000 : vector<16xi32>
      %jit3A_3002 = arith.constant 0 : i32
      %broadcast_in_dim3A_3003 = vector.broadcast %jit3A_3002 : i32 to vector<16xi32>
      %select_n3A_3004 = arith.select %eq3A_3001, %masked_cumsum3A, %broadcast_in_dim3A_3003 : vector<16xi1>, vector<16xi32>
      %reduce_sum3A_3005 = arith.constant true
      %reduce_sum3A_3006 = vector.broadcast %reduce_sum3A_3005 : i1 to vector<16xi1>
      %reduce_sum3A_3007 = tpu.scan <sum>, %select_n3A_3004 masked %reduce_sum3A_3006 : vector<16xi32>, vector<16xi1> -> vector<16xi32>
      %reduce_sum3A_3008 = vector.extract %reduce_sum3A_3007[15] : i32 from vector<16xi32>
      %mul3A_3009 = arith.constant 256 : i32
      %mul3A_3010 = vector.broadcast %mul3A_3009 : i32 to vector<16xi32>
      %mul3A_3011 = arith.muli %iota3A, %mul3A_3010 : vector<16xi32>
      %ge3A_3012 = vector.broadcast %reduce_sum3A_3008 : i32 to vector<16xi32>
      %ge3A_3013 = arith.cmpi sge, %mul3A_3011, %ge3A_3012 : vector<16xi32>
      %jit3A_3014 = arith.constant 1 : i32
      %jit3A_3015 = arith.constant 0 : i32
      %broadcast_in_dim3A_3016 = vector.broadcast %jit3A_3014 : i32 to vector<16xi32>
      %broadcast_in_dim3A_3017 = vector.broadcast %jit3A_3015 : i32 to vector<16xi32>
      %select_n3A_3018 = arith.select %ge3A_3013, %broadcast_in_dim3A_3016, %broadcast_in_dim3A_3017 : vector<16xi1>, vector<16xi32>
      %add3A_3019 = arith.addi %add3A_2984, %select_n3A_3018 : vector<16xi32>
      %add3A_3020 = arith.constant 16 : i32
      %add3A_3021 = vector.broadcast %add3A_3020 : i32 to vector<16xi32>
      %add3A_3022 = arith.addi %iota3A, %add3A_3021 : vector<16xi32>
      %mul3A_3023 = arith.constant 256 : i32
      %mul3A_3024 = vector.broadcast %mul3A_3023 : i32 to vector<16xi32>
      %mul3A_3025 = arith.muli %add3A_3022, %mul3A_3024 : vector<16xi32>
      %ge3A_3026 = vector.broadcast %reduce_sum3A_3008 : i32 to vector<16xi32>
      %ge3A_3027 = arith.cmpi sge, %mul3A_3025, %ge3A_3026 : vector<16xi32>
      %jit3A_3028 = arith.constant 1 : i32
      %jit3A_3029 = arith.constant 0 : i32
      %broadcast_in_dim3A_3030 = vector.broadcast %jit3A_3028 : i32 to vector<16xi32>
      %broadcast_in_dim3A_3031 = vector.broadcast %jit3A_3029 : i32 to vector<16xi32>
      %select_n3A_3032 = arith.select %ge3A_3027, %broadcast_in_dim3A_3030, %broadcast_in_dim3A_3031 : vector<16xi1>, vector<16xi32>
      %add3A_3033 = arith.addi %add3A_2998, %select_n3A_3032 : vector<16xi32>
      %eq3A_3034 = arith.constant 4 : i32
      %eq3A_3035 = vector.broadcast %eq3A_3034 : i32 to vector<16xi32>
      %eq3A_3036 = arith.cmpi eq, %iota3A, %eq3A_3035 : vector<16xi32>
      %jit3A_3037 = arith.constant 0 : i32
      %broadcast_in_dim3A_3038 = vector.broadcast %jit3A_3037 : i32 to vector<16xi32>
      %select_n3A_3039 = arith.select %eq3A_3036, %masked_cumsum3A, %broadcast_in_dim3A_3038 : vector<16xi1>, vector<16xi32>
      %reduce_sum3A_3040 = arith.constant true
      %reduce_sum3A_3041 = vector.broadcast %reduce_sum3A_3040 : i1 to vector<16xi1>
      %reduce_sum3A_3042 = tpu.scan <sum>, %select_n3A_3039 masked %reduce_sum3A_3041 : vector<16xi32>, vector<16xi1> -> vector<16xi32>
      %reduce_sum3A_3043 = vector.extract %reduce_sum3A_3042[15] : i32 from vector<16xi32>
      %mul3A_3044 = arith.constant 256 : i32
      %mul3A_3045 = vector.broadcast %mul3A_3044 : i32 to vector<16xi32>
      %mul3A_3046 = arith.muli %iota3A, %mul3A_3045 : vector<16xi32>
      %ge3A_3047 = vector.broadcast %reduce_sum3A_3043 : i32 to vector<16xi32>
      %ge3A_3048 = arith.cmpi sge, %mul3A_3046, %ge3A_3047 : vector<16xi32>
      %jit3A_3049 = arith.constant 1 : i32
      %jit3A_3050 = arith.constant 0 : i32
      %broadcast_in_dim3A_3051 = vector.broadcast %jit3A_3049 : i32 to vector<16xi32>
      %broadcast_in_dim3A_3052 = vector.broadcast %jit3A_3050 : i32 to vector<16xi32>
      %select_n3A_3053 = arith.select %ge3A_3048, %broadcast_in_dim3A_3051, %broadcast_in_dim3A_3052 : vector<16xi1>, vector<16xi32>
      %add3A_3054 = arith.addi %add3A_3019, %select_n3A_3053 : vector<16xi32>
      %add3A_3055 = arith.constant 16 : i32
      %add3A_3056 = vector.broadcast %add3A_3055 : i32 to vector<16xi32>
      %add3A_3057 = arith.addi %iota3A, %add3A_3056 : vector<16xi32>
      %mul3A_3058 = arith.constant 256 : i32
      %mul3A_3059 = vector.broadcast %mul3A_3058 : i32 to vector<16xi32>
      %mul3A_3060 = arith.muli %add3A_3057, %mul3A_3059 : vector<16xi32>
      %ge3A_3061 = vector.broadcast %reduce_sum3A_3043 : i32 to vector<16xi32>
      %ge3A_3062 = arith.cmpi sge, %mul3A_3060, %ge3A_3061 : vector<16xi32>
      %jit3A_3063 = arith.constant 1 : i32
      %jit3A_3064 = arith.constant 0 : i32
      %broadcast_in_dim3A_3065 = vector.broadcast %jit3A_3063 : i32 to vector<16xi32>
      %broadcast_in_dim3A_3066 = vector.broadcast %jit3A_3064 : i32 to vector<16xi32>
      %select_n3A_3067 = arith.select %ge3A_3062, %broadcast_in_dim3A_3065, %broadcast_in_dim3A_3066 : vector<16xi1>, vector<16xi32>
      %add3A_3068 = arith.addi %add3A_3033, %select_n3A_3067 : vector<16xi32>
      %eq3A_3069 = arith.constant 5 : i32
      %eq3A_3070 = vector.broadcast %eq3A_3069 : i32 to vector<16xi32>
      %eq3A_3071 = arith.cmpi eq, %iota3A, %eq3A_3070 : vector<16xi32>
      %jit3A_3072 = arith.constant 0 : i32
      %broadcast_in_dim3A_3073 = vector.broadcast %jit3A_3072 : i32 to vector<16xi32>
      %select_n3A_3074 = arith.select %eq3A_3071, %masked_cumsum3A, %broadcast_in_dim3A_3073 : vector<16xi1>, vector<16xi32>
      %reduce_sum3A_3075 = arith.constant true
      %reduce_sum3A_3076 = vector.broadcast %reduce_sum3A_3075 : i1 to vector<16xi1>
      %reduce_sum3A_3077 = tpu.scan <sum>, %select_n3A_3074 masked %reduce_sum3A_3076 : vector<16xi32>, vector<16xi1> -> vector<16xi32>
      %reduce_sum3A_3078 = vector.extract %reduce_sum3A_3077[15] : i32 from vector<16xi32>
      %mul3A_3079 = arith.constant 256 : i32
      %mul3A_3080 = vector.broadcast %mul3A_3079 : i32 to vector<16xi32>
      %mul3A_3081 = arith.muli %iota3A, %mul3A_3080 : vector<16xi32>
      %ge3A_3082 = vector.broadcast %reduce_sum3A_3078 : i32 to vector<16xi32>
      %ge3A_3083 = arith.cmpi sge, %mul3A_3081, %ge3A_3082 : vector<16xi32>
      %jit3A_3084 = arith.constant 1 : i32
      %jit3A_3085 = arith.constant 0 : i32
      %broadcast_in_dim3A_3086 = vector.broadcast %jit3A_3084 : i32 to vector<16xi32>
      %broadcast_in_dim3A_3087 = vector.broadcast %jit3A_3085 : i32 to vector<16xi32>
      %select_n3A_3088 = arith.select %ge3A_3083, %broadcast_in_dim3A_3086, %broadcast_in_dim3A_3087 : vector<16xi1>, vector<16xi32>
      %add3A_3089 = arith.addi %add3A_3054, %select_n3A_3088 : vector<16xi32>
      %add3A_3090 = arith.constant 16 : i32
      %add3A_3091 = vector.broadcast %add3A_3090 : i32 to vector<16xi32>
      %add3A_3092 = arith.addi %iota3A, %add3A_3091 : vector<16xi32>
      %mul3A_3093 = arith.constant 256 : i32
      %mul3A_3094 = vector.broadcast %mul3A_3093 : i32 to vector<16xi32>
      %mul3A_3095 = arith.muli %add3A_3092, %mul3A_3094 : vector<16xi32>
      %ge3A_3096 = vector.broadcast %reduce_sum3A_3078 : i32 to vector<16xi32>
      %ge3A_3097 = arith.cmpi sge, %mul3A_3095, %ge3A_3096 : vector<16xi32>
      %jit3A_3098 = arith.constant 1 : i32
      %jit3A_3099 = arith.constant 0 : i32
      %broadcast_in_dim3A_3100 = vector.broadcast %jit3A_3098 : i32 to vector<16xi32>
      %broadcast_in_dim3A_3101 = vector.broadcast %jit3A_3099 : i32 to vector<16xi32>
      %select_n3A_3102 = arith.select %ge3A_3097, %broadcast_in_dim3A_3100, %broadcast_in_dim3A_3101 : vector<16xi1>, vector<16xi32>
      %add3A_3103 = arith.addi %add3A_3068, %select_n3A_3102 : vector<16xi32>
      %eq3A_3104 = arith.constant 6 : i32
      %eq3A_3105 = vector.broadcast %eq3A_3104 : i32 to vector<16xi32>
      %eq3A_3106 = arith.cmpi eq, %iota3A, %eq3A_3105 : vector<16xi32>
      %jit3A_3107 = arith.constant 0 : i32
      %broadcast_in_dim3A_3108 = vector.broadcast %jit3A_3107 : i32 to vector<16xi32>
      %select_n3A_3109 = arith.select %eq3A_3106, %masked_cumsum3A, %broadcast_in_dim3A_3108 : vector<16xi1>, vector<16xi32>
      %reduce_sum3A_3110 = arith.constant true
      %reduce_sum3A_3111 = vector.broadcast %reduce_sum3A_3110 : i1 to vector<16xi1>
      %reduce_sum3A_3112 = tpu.scan <sum>, %select_n3A_3109 masked %reduce_sum3A_3111 : vector<16xi32>, vector<16xi1> -> vector<16xi32>
      %reduce_sum3A_3113 = vector.extract %reduce_sum3A_3112[15] : i32 from vector<16xi32>
      %mul3A_3114 = arith.constant 256 : i32
      %mul3A_3115 = vector.broadcast %mul3A_3114 : i32 to vector<16xi32>
      %mul3A_3116 = arith.muli %iota3A, %mul3A_3115 : vector<16xi32>
      %ge3A_3117 = vector.broadcast %reduce_sum3A_3113 : i32 to vector<16xi32>
      %ge3A_3118 = arith.cmpi sge, %mul3A_3116, %ge3A_3117 : vector<16xi32>
      %jit3A_3119 = arith.constant 1 : i32
      %jit3A_3120 = arith.constant 0 : i32
      %broadcast_in_dim3A_3121 = vector.broadcast %jit3A_3119 : i32 to vector<16xi32>
      %broadcast_in_dim3A_3122 = vector.broadcast %jit3A_3120 : i32 to vector<16xi32>
      %select_n3A_3123 = arith.select %ge3A_3118, %broadcast_in_dim3A_3121, %broadcast_in_dim3A_3122 : vector<16xi1>, vector<16xi32>
      %add3A_3124 = arith.addi %add3A_3089, %select_n3A_3123 : vector<16xi32>
      %add3A_3125 = arith.constant 16 : i32
      %add3A_3126 = vector.broadcast %add3A_3125 : i32 to vector<16xi32>
      %add3A_3127 = arith.addi %iota3A, %add3A_3126 : vector<16xi32>
      %mul3A_3128 = arith.constant 256 : i32
      %mul3A_3129 = vector.broadcast %mul3A_3128 : i32 to vector<16xi32>
      %mul3A_3130 = arith.muli %add3A_3127, %mul3A_3129 : vector<16xi32>
      %ge3A_3131 = vector.broadcast %reduce_sum3A_3113 : i32 to vector<16xi32>
      %ge3A_3132 = arith.cmpi sge, %mul3A_3130, %ge3A_3131 : vector<16xi32>
      %jit3A_3133 = arith.constant 1 : i32
      %jit3A_3134 = arith.constant 0 : i32
      %broadcast_in_dim3A_3135 = vector.broadcast %jit3A_3133 : i32 to vector<16xi32>
      %broadcast_in_dim3A_3136 = vector.broadcast %jit3A_3134 : i32 to vector<16xi32>
      %select_n3A_3137 = arith.select %ge3A_3132, %broadcast_in_dim3A_3135, %broadcast_in_dim3A_3136 : vector<16xi1>, vector<16xi32>
      %add3A_3138 = arith.addi %add3A_3103, %select_n3A_3137 : vector<16xi32>
      %eq3A_3139 = arith.constant 7 : i32
      %eq3A_3140 = vector.broadcast %eq3A_3139 : i32 to vector<16xi32>
      %eq3A_3141 = arith.cmpi eq, %iota3A, %eq3A_3140 : vector<16xi32>
      %jit3A_3142 = arith.constant 0 : i32
      %broadcast_in_dim3A_3143 = vector.broadcast %jit3A_3142 : i32 to vector<16xi32>
      %select_n3A_3144 = arith.select %eq3A_3141, %masked_cumsum3A, %broadcast_in_dim3A_3143 : vector<16xi1>, vector<16xi32>
      %reduce_sum3A_3145 = arith.constant true
      %reduce_sum3A_3146 = vector.broadcast %reduce_sum3A_3145 : i1 to vector<16xi1>
      %reduce_sum3A_3147 = tpu.scan <sum>, %select_n3A_3144 masked %reduce_sum3A_3146 : vector<16xi32>, vector<16xi1> -> vector<16xi32>
      %reduce_sum3A_3148 = vector.extract %reduce_sum3A_3147[15] : i32 from vector<16xi32>
      %mul3A_3149 = arith.constant 256 : i32
      %mul3A_3150 = vector.broadcast %mul3A_3149 : i32 to vector<16xi32>
      %mul3A_3151 = arith.muli %iota3A, %mul3A_3150 : vector<16xi32>
      %ge3A_3152 = vector.broadcast %reduce_sum3A_3148 : i32 to vector<16xi32>
      %ge3A_3153 = arith.cmpi sge, %mul3A_3151, %ge3A_3152 : vector<16xi32>
      %jit3A_3154 = arith.constant 1 : i32
      %jit3A_3155 = arith.constant 0 : i32
      %broadcast_in_dim3A_3156 = vector.broadcast %jit3A_3154 : i32 to vector<16xi32>
      %broadcast_in_dim3A_3157 = vector.broadcast %jit3A_3155 : i32 to vector<16xi32>
      %select_n3A_3158 = arith.select %ge3A_3153, %broadcast_in_dim3A_3156, %broadcast_in_dim3A_3157 : vector<16xi1>, vector<16xi32>
      %add3A_3159 = arith.addi %add3A_3124, %select_n3A_3158 : vector<16xi32>
      %add3A_3160 = arith.constant 16 : i32
      %add3A_3161 = vector.broadcast %add3A_3160 : i32 to vector<16xi32>
      %add3A_3162 = arith.addi %iota3A, %add3A_3161 : vector<16xi32>
      %mul3A_3163 = arith.constant 256 : i32
      %mul3A_3164 = vector.broadcast %mul3A_3163 : i32 to vector<16xi32>
      %mul3A_3165 = arith.muli %add3A_3162, %mul3A_3164 : vector<16xi32>
      %ge3A_3166 = vector.broadcast %reduce_sum3A_3148 : i32 to vector<16xi32>
      %ge3A_3167 = arith.cmpi sge, %mul3A_3165, %ge3A_3166 : vector<16xi32>
      %jit3A_3168 = arith.constant 1 : i32
      %jit3A_3169 = arith.constant 0 : i32
      %broadcast_in_dim3A_3170 = vector.broadcast %jit3A_3168 : i32 to vector<16xi32>
      %broadcast_in_dim3A_3171 = vector.broadcast %jit3A_3169 : i32 to vector<16xi32>
      %select_n3A_3172 = arith.select %ge3A_3167, %broadcast_in_dim3A_3170, %broadcast_in_dim3A_3171 : vector<16xi1>, vector<16xi32>
      %add3A_3173 = arith.addi %add3A_3138, %select_n3A_3172 : vector<16xi32>
      %swap3A_3174 = arith.constant 0 : index
      %swap3A_3175 = tpu.vector_load %arg14[%swap3A_3174] {strides = array<i32>} : memref<32xi32, #tpu.memory_space<vmem>>, vector<16xi32>,
      tpu.vector_store %arg14[%swap3A_3174], %add3A_3159 {strides = array<i32>} : memref<32xi32, #tpu.memory_space<vmem>>, vector<16xi32>,
      %swap3A_3176 = arith.constant 16 : index
      %swap3A_3177 = tpu.vector_load %arg14[%swap3A_3176] {strides = array<i32>} : memref<32xi32, #tpu.memory_space<vmem>>, vector<16xi32>,
      tpu.vector_store %arg14[%swap3A_3176], %add3A_3173 {strides = array<i32>} : memref<32xi32, #tpu.memory_space<vmem>>, vector<16xi32>,
      "tpu.region"() ({
        %run_scoped3A = tpu.sem_alloc : memref<!tpu.dma_semaphore, #tpu.memory_space<semaphore_mem>>
        tpu.enqueue_dma source(%arg14 : memref<32xi32, #tpu.memory_space<vmem>>) target(%arg6 : memref<32xi32, #tpu.memory_space<hbm>>) target_semaphore(%run_scoped3A : memref<!tpu.dma_semaphore, #tpu.memory_space<semaphore_mem>>)
        tpu.wait_dma2 semaphore(%run_scoped3A : memref<!tpu.dma_semaphore, #tpu.memory_space<semaphore_mem>>) src(%arg14 : memref<32xi32, #tpu.memory_space<vmem>>) dst(%arg6 : memref<32xi32, #tpu.memory_space<hbm>>)
        tpu.yield
      }) : () -> ()
    } else {
    }
    return
  }
}

#map = affine_map<(d0, d1) -> (0)>
#map1 = affine_map<(d0, d1) -> (0, 0)>
module attributes {stable_mosaic.version = 14 : i64} {
  func.func @_sc_gather_body(%arg0: i32, %arg1: i32, %arg2: memref<4096xi32, #tpu.memory_space<hbm>>, %arg3: memref<6144x512xi32, #tpu.memory_space<hbm>>, %arg4: memref<2048x512xi32, #tpu.memory_space<hbm>>, %arg5: memref<2048x512xi32, #tpu.memory_space<hbm>>, %arg6: memref<64xi32, #tpu.memory_space<vmem>>, %arg7: memref<64xi32, #tpu.memory_space<vmem>>, %arg8: memref<64x512xi32, #tpu.memory_space<vmem>>, %arg9: memref<64x512xi32, #tpu.memory_space<vmem>>, %arg10: memref<!tpu.dma_semaphore, #tpu.memory_space<semaphore_mem>>, %arg11: memref<!tpu.dma_semaphore, #tpu.memory_space<semaphore_mem>>) attributes {dimension_semantics = [#tpu.dimension_semantics<core_parallel>, #tpu.dimension_semantics<subcore_parallel>], iteration_bounds = array<i64: 2, 16>, scalar_prefetch = 0 : i64, scratch_operands = 6 : i64, tpu.core_type = #tpu.core_type<sc_vector_subcore>, window_params = [{transform_indices = #map}, {transform_indices = #map1}, {transform_indices = #map1}, {transform_indices = #map1}]} {
    %mul3A = arith.constant 2 : i32
    %mul3A_0 = arith.muli %arg1, %mul3A : i32
    %add3A = arith.addi %mul3A_0, %arg0 : i32
    %mul3A_1 = arith.constant 64 : i32
    %mul3A_2 = arith.muli %add3A, %mul3A_1 : i32
    "tpu.region"() ({
      %run_scoped3A = tpu.sem_alloc : memref<!tpu.dma_semaphore, #tpu.memory_space<semaphore_mem>>
      %dma_start3A_37 = tpu.memref_slice %arg2[%mul3A_2] : memref<4096xi32, #tpu.memory_space<hbm>> -> memref<64xi32, #tpu.memory_space<hbm>>
      %dma_start3A_38 = tpu.memref_slice %arg2[%mul3A_2] : memref<4096xi32, #tpu.memory_space<hbm>> -> memref<64xi32, #tpu.memory_space<hbm>>
      tpu.enqueue_dma source(%dma_start3A_38 : memref<64xi32, #tpu.memory_space<hbm>>) target(%arg6 : memref<64xi32, #tpu.memory_space<vmem>>) target_semaphore(%run_scoped3A : memref<!tpu.dma_semaphore, #tpu.memory_space<semaphore_mem>>)
      %dma_wait3A_39 = tpu.memref_slice %arg2[%mul3A_2] : memref<4096xi32, #tpu.memory_space<hbm>> -> memref<64xi32, #tpu.memory_space<hbm>>
      %dma_wait3A_40 = tpu.memref_slice %arg2[%mul3A_2] : memref<4096xi32, #tpu.memory_space<hbm>> -> memref<64xi32, #tpu.memory_space<hbm>>
      tpu.wait_dma2 semaphore(%run_scoped3A : memref<!tpu.dma_semaphore, #tpu.memory_space<semaphore_mem>>) src(%dma_wait3A_40 : memref<64xi32, #tpu.memory_space<hbm>>) dst(%arg6 : memref<64xi32, #tpu.memory_space<vmem>>)
      tpu.yield
    }) : () -> ()
    %dma_start3A = arith.constant 0 : i32
    %dma_start3A_3 = arith.constant 0 : i32
    %dma_start3A_4 = tpu.memref_slice %arg3[%dma_start3A, %dma_start3A_3] : memref<6144x512xi32, #tpu.memory_space<hbm>> -> memref<6144x512xi32, #tpu.memory_space<hbm>>
    tpu.enqueue_indirect_dma source(%dma_start3A_4 : memref<6144x512xi32, #tpu.memory_space<hbm>>) target(%arg8 : memref<64x512xi32, #tpu.memory_space<vmem>>) offsets(%arg6 : memref<64xi32, #tpu.memory_space<vmem>>) semaphore(%arg10 : memref<!tpu.dma_semaphore, #tpu.memory_space<semaphore_mem>>)
    %mul3A_5 = arith.constant 64 : i32
    %mul3A_6 = arith.muli %add3A, %mul3A_5 : i32
    %add3A_7 = arith.constant 2048 : i32
    %add3A_8 = arith.addi %add3A_7, %mul3A_6 : i32
    "tpu.region"() ({
      %run_scoped3A = tpu.sem_alloc : memref<!tpu.dma_semaphore, #tpu.memory_space<semaphore_mem>>
      %dma_start3A_37 = tpu.memref_slice %arg2[%add3A_8] : memref<4096xi32, #tpu.memory_space<hbm>> -> memref<64xi32, #tpu.memory_space<hbm>>
      %dma_start3A_38 = tpu.memref_slice %arg2[%add3A_8] : memref<4096xi32, #tpu.memory_space<hbm>> -> memref<64xi32, #tpu.memory_space<hbm>>
      tpu.enqueue_dma source(%dma_start3A_38 : memref<64xi32, #tpu.memory_space<hbm>>) target(%arg7 : memref<64xi32, #tpu.memory_space<vmem>>) target_semaphore(%run_scoped3A : memref<!tpu.dma_semaphore, #tpu.memory_space<semaphore_mem>>)
      %dma_wait3A_39 = tpu.memref_slice %arg2[%add3A_8] : memref<4096xi32, #tpu.memory_space<hbm>> -> memref<64xi32, #tpu.memory_space<hbm>>
      %dma_wait3A_40 = tpu.memref_slice %arg2[%add3A_8] : memref<4096xi32, #tpu.memory_space<hbm>> -> memref<64xi32, #tpu.memory_space<hbm>>
      tpu.wait_dma2 semaphore(%run_scoped3A : memref<!tpu.dma_semaphore, #tpu.memory_space<semaphore_mem>>) src(%dma_wait3A_40 : memref<64xi32, #tpu.memory_space<hbm>>) dst(%arg7 : memref<64xi32, #tpu.memory_space<vmem>>)
      tpu.yield
    }) : () -> ()
    %dma_start3A_9 = arith.constant 0 : i32
    %dma_start3A_10 = arith.constant 0 : i32
    %dma_start3A_11 = tpu.memref_slice %arg3[%dma_start3A_9, %dma_start3A_10] : memref<6144x512xi32, #tpu.memory_space<hbm>> -> memref<6144x512xi32, #tpu.memory_space<hbm>>
    tpu.enqueue_indirect_dma source(%dma_start3A_11 : memref<6144x512xi32, #tpu.memory_space<hbm>>) target(%arg9 : memref<64x512xi32, #tpu.memory_space<vmem>>) offsets(%arg7 : memref<64xi32, #tpu.memory_space<vmem>>) semaphore(%arg11 : memref<!tpu.dma_semaphore, #tpu.memory_space<semaphore_mem>>)
    %dma_wait3A = arith.constant 0 : i32
    %dma_wait3A_12 = arith.constant 0 : i32
    %dma_wait3A_13 = tpu.memref_slice %arg3[%dma_wait3A, %dma_wait3A_12] : memref<6144x512xi32, #tpu.memory_space<hbm>> -> memref<6144x512xi32, #tpu.memory_space<hbm>>
    tpu.wait_indirect_dma semaphore(%arg10 : memref<!tpu.dma_semaphore, #tpu.memory_space<semaphore_mem>>) src(%dma_wait3A_13 : memref<6144x512xi32, #tpu.memory_space<hbm>>) dst(%arg8 : memref<64x512xi32, #tpu.memory_space<vmem>>)
    %mul3A_14 = arith.constant 64 : i32
    %mul3A_15 = arith.muli %add3A, %mul3A_14 : i32
    %dma_start3A_16 = arith.constant 0 : i32
    %dma_start3A_17 = tpu.memref_slice %arg4[%mul3A_15, %dma_start3A_16] : memref<2048x512xi32, #tpu.memory_space<hbm>> -> memref<64x512xi32, #tpu.memory_space<hbm>>
    %dma_start3A_18 = arith.constant 0 : i32
    %dma_start3A_19 = tpu.memref_slice %arg4[%mul3A_15, %dma_start3A_18] : memref<2048x512xi32, #tpu.memory_space<hbm>> -> memref<64x512xi32, #tpu.memory_space<hbm>>
    tpu.enqueue_dma source(%arg8 : memref<64x512xi32, #tpu.memory_space<vmem>>) target(%dma_start3A_19 : memref<64x512xi32, #tpu.memory_space<hbm>>) target_semaphore(%arg10 : memref<!tpu.dma_semaphore, #tpu.memory_space<semaphore_mem>>)
    %dma_wait3A_20 = arith.constant 0 : i32
    %dma_wait3A_21 = arith.constant 0 : i32
    %dma_wait3A_22 = tpu.memref_slice %arg3[%dma_wait3A_20, %dma_wait3A_21] : memref<6144x512xi32, #tpu.memory_space<hbm>> -> memref<6144x512xi32, #tpu.memory_space<hbm>>
    tpu.wait_indirect_dma semaphore(%arg11 : memref<!tpu.dma_semaphore, #tpu.memory_space<semaphore_mem>>) src(%dma_wait3A_22 : memref<6144x512xi32, #tpu.memory_space<hbm>>) dst(%arg9 : memref<64x512xi32, #tpu.memory_space<vmem>>)
    %mul3A_23 = arith.constant 64 : i32
    %mul3A_24 = arith.muli %add3A, %mul3A_23 : i32
    %dma_start3A_25 = arith.constant 0 : i32
    %dma_start3A_26 = tpu.memref_slice %arg5[%mul3A_24, %dma_start3A_25] : memref<2048x512xi32, #tpu.memory_space<hbm>> -> memref<64x512xi32, #tpu.memory_space<hbm>>
    %dma_start3A_27 = arith.constant 0 : i32
    %dma_start3A_28 = tpu.memref_slice %arg5[%mul3A_24, %dma_start3A_27] : memref<2048x512xi32, #tpu.memory_space<hbm>> -> memref<64x512xi32, #tpu.memory_space<hbm>>
    tpu.enqueue_dma source(%arg9 : memref<64x512xi32, #tpu.memory_space<vmem>>) target(%dma_start3A_28 : memref<64x512xi32, #tpu.memory_space<hbm>>) target_semaphore(%arg11 : memref<!tpu.dma_semaphore, #tpu.memory_space<semaphore_mem>>)
    %dma_wait3A_29 = arith.constant 0 : i32
    %dma_wait3A_30 = tpu.memref_slice %arg4[%mul3A_15, %dma_wait3A_29] : memref<2048x512xi32, #tpu.memory_space<hbm>> -> memref<64x512xi32, #tpu.memory_space<hbm>>
    %dma_wait3A_31 = arith.constant 0 : i32
    %dma_wait3A_32 = tpu.memref_slice %arg4[%mul3A_15, %dma_wait3A_31] : memref<2048x512xi32, #tpu.memory_space<hbm>> -> memref<64x512xi32, #tpu.memory_space<hbm>>
    tpu.wait_dma2 semaphore(%arg10 : memref<!tpu.dma_semaphore, #tpu.memory_space<semaphore_mem>>) src(%arg8 : memref<64x512xi32, #tpu.memory_space<vmem>>) dst(%dma_wait3A_32 : memref<64x512xi32, #tpu.memory_space<hbm>>)
    %dma_wait3A_33 = arith.constant 0 : i32
    %dma_wait3A_34 = tpu.memref_slice %arg5[%mul3A_24, %dma_wait3A_33] : memref<2048x512xi32, #tpu.memory_space<hbm>> -> memref<64x512xi32, #tpu.memory_space<hbm>>
    %dma_wait3A_35 = arith.constant 0 : i32
    %dma_wait3A_36 = tpu.memref_slice %arg5[%mul3A_24, %dma_wait3A_35] : memref<2048x512xi32, #tpu.memory_space<hbm>> -> memref<64x512xi32, #tpu.memory_space<hbm>>
    tpu.wait_dma2 semaphore(%arg11 : memref<!tpu.dma_semaphore, #tpu.memory_space<semaphore_mem>>) src(%arg9 : memref<64x512xi32, #tpu.memory_space<vmem>>) dst(%dma_wait3A_36 : memref<64x512xi32, #tpu.memory_space<hbm>>)
    return
  }
}

module attributes {stable_mosaic.version = 14 : i64} {
  func.func @_group_mlp_body(%arg0: i32, %arg1: memref<32xi32, #tpu.memory_space<smem>>, %arg2: memref<256x512xi32, #tpu.memory_space<vmem>>, %arg3: memref<1x512x1024xf32, #tpu.memory_space<vmem>>, %arg4: memref<1x512x1024xf32, #tpu.memory_space<vmem>>, %arg5: memref<1x1024x512xf32, #tpu.memory_space<vmem>>, %arg6: memref<256x512xi32, #tpu.memory_space<vmem>>) attributes {dimension_semantics = [#tpu.dimension_semantics<arbitrary>], iteration_bounds = array<i64: 24>, scalar_prefetch = 1 : i64, scratch_operands = 0 : i64, tpu.core_type = #tpu.core_type<tc>, window_params = [{transform_indices = @transform_0, window_bounds = array<i64: 256, 512>}, {transform_indices = @transform_1, window_bounds = array<i64: 1, 512, 1024>}, {transform_indices = @transform_2, window_bounds = array<i64: 1, 512, 1024>}, {transform_indices = @transform_3, window_bounds = array<i64: 1, 1024, 512>}, {transform_indices = @transform_4, window_bounds = array<i64: 256, 512>}]} {
    %get3A = arith.index_cast %arg0 : i32 to index
    %get3A_0 = memref.load %arg1[%get3A] : memref<32xi32, #tpu.memory_space<smem>>
    %lt3A = arith.constant 8 : i32
    %lt3A_1 = arith.cmpi slt, %get3A_0, %lt3A : i32
    %convert_element_type3A = arith.extui %lt3A_1 : i1 to i32
    %cond3A = arith.constant 0 : i32
    %cond3A_2 = arith.cmpi ne, %convert_element_type3A, %cond3A : i32
    scf.if %cond3A_2 {
      %get3A_3 = arith.constant 0 : index
      %get3A_4 = arith.constant 0 : index
      %get3A_5 = vector.load %arg2[%get3A_3, %get3A_4] : memref<256x512xi32, #tpu.memory_space<vmem>>, vector<256x512xi32>
      %and3A = arith.constant -65536 : i32
      %and3A_6 = vector.broadcast %and3A : i32 to vector<256x512xi32>
      %and3A_7 = arith.andi %get3A_5, %and3A_6 : vector<256x512xi32>
      %bitcast_convert_type3A = tpu.bitcast %and3A_7 : vector<256x512xi32> -> vector<256x512xf32>
      %shift_left3A = arith.constant 16 : i32
      %shift_left3A_8 = vector.broadcast %shift_left3A : i32 to vector<256x512xi32>
      %shift_left3A_9 = arith.shli %get3A_5, %shift_left3A_8 : vector<256x512xi32>
      %bitcast_convert_type3A_10 = tpu.bitcast %shift_left3A_9 : vector<256x512xi32> -> vector<256x512xf32>
      %concatenate3A = tpu.concatenate %bitcast_convert_type3A, %bitcast_convert_type3A_10 in 1 : vector<256x512xf32>, vector<256x512xf32> -> vector<256x1024xf32>
      %get3A_11 = arith.constant 0 : index
      %get3A_12 = arith.constant 0 : index
      %get3A_13 = arith.constant 0 : index
      %get3A_14 = vector.load %arg3[%get3A_11, %get3A_12, %get3A_13] : memref<1x512x1024xf32, #tpu.memory_space<vmem>>, vector<1x512x1024xf32>
      %get3A_15 = vector.shape_cast %get3A_14 : vector<1x512x1024xf32> to vector<512x1024xf32>
      %dot_general3A = arith.constant dense<0.000000e+00> : vector<256x512xf32>
      %dot_general3A_16 = tpu.matmul %concatenate3A, %get3A_15, %dot_general3A {dimension_numbers = #tpu.dot_dimension_numbers<[1], [1], [0], [0], [0, 0, 1, 0], [], []>, transpose_lhs_hint = false} : vector<256x1024xf32>, vector<512x1024xf32>, vector<256x512xf32> -> vector<256x512xf32>
      %get3A_17 = arith.constant 0 : index
      %get3A_18 = arith.constant 0 : index
      %get3A_19 = arith.constant 0 : index
      %get3A_20 = vector.load %arg4[%get3A_17, %get3A_18, %get3A_19] : memref<1x512x1024xf32, #tpu.memory_space<vmem>>, vector<1x512x1024xf32>
      %get3A_21 = vector.shape_cast %get3A_20 : vector<1x512x1024xf32> to vector<512x1024xf32>
      %dot_general3A_22 = arith.constant dense<0.000000e+00> : vector<256x512xf32>
      %dot_general3A_23 = tpu.matmul %concatenate3A, %get3A_21, %dot_general3A_22 {dimension_numbers = #tpu.dot_dimension_numbers<[1], [1], [0], [0], [0, 0, 1, 0], [], []>, transpose_lhs_hint = false} : vector<256x1024xf32>, vector<512x1024xf32>, vector<256x512xf32> -> vector<256x512xf32>
      %neg3A = arith.constant 0.000000e+00 : f32
      %neg3A_24 = vector.broadcast %neg3A : f32 to vector<256x512xf32>
      %neg3A_25 = arith.subf %neg3A_24, %dot_general3A_16 : vector<256x512xf32>
      %exp3A = math.exp %neg3A_25 : vector<256x512xf32>
      %add3A = arith.constant 1.000000e+00 : f32
      %add3A_26 = vector.broadcast %add3A : f32 to vector<256x512xf32>
      %add3A_27 = arith.addf %add3A_26, %exp3A : vector<256x512xf32>
      %div3A = arith.divf %dot_general3A_16, %add3A_27 : vector<256x512xf32>
      %mul3A = arith.mulf %div3A, %dot_general3A_23 : vector<256x512xf32>
      %get3A_28 = arith.constant 0 : index
      %get3A_29 = arith.constant 0 : index
      %get3A_30 = arith.constant 0 : index
      %get3A_31 = vector.load %arg5[%get3A_28, %get3A_29, %get3A_30] : memref<1x1024x512xf32, #tpu.memory_space<vmem>>, vector<1x1024x512xf32>
      %get3A_32 = vector.shape_cast %get3A_31 : vector<1x1024x512xf32> to vector<1024x512xf32>
      %dot_general3A_33 = arith.constant dense<0.000000e+00> : vector<256x1024xf32>
      %dot_general3A_34 = tpu.matmul %mul3A, %get3A_32, %dot_general3A_33 {dimension_numbers = #tpu.dot_dimension_numbers<[1], [1], [0], [0], [0, 0, 1, 0], [], []>, transpose_lhs_hint = false} : vector<256x512xf32>, vector<1024x512xf32>, vector<256x1024xf32> -> vector<256x1024xf32>
      %bitcast_convert_type3A_35 = tpu.bitcast %dot_general3A_34 : vector<256x1024xf32> -> vector<256x1024xi32>
      %slice3A = vector.extract_strided_slice %bitcast_convert_type3A_35 {offsets = [0, 0], sizes = [256, 512], strides = [1, 1]} : vector<256x1024xi32> to vector<256x512xi32>
      %add3A_36 = arith.constant 32768 : i32
      %add3A_37 = vector.broadcast %add3A_36 : i32 to vector<256x512xi32>
      %add3A_38 = arith.addi %slice3A, %add3A_37 : vector<256x512xi32>
      %and3A_39 = arith.constant -65536 : i32
      %and3A_40 = vector.broadcast %and3A_39 : i32 to vector<256x512xi32>
      %and3A_41 = arith.andi %add3A_38, %and3A_40 : vector<256x512xi32>
      %slice3A_42 = vector.extract_strided_slice %bitcast_convert_type3A_35 {offsets = [0, 512], sizes = [256, 512], strides = [1, 1]} : vector<256x1024xi32> to vector<256x512xi32>
      %add3A_43 = arith.constant 32768 : i32
      %add3A_44 = vector.broadcast %add3A_43 : i32 to vector<256x512xi32>
      %add3A_45 = arith.addi %slice3A_42, %add3A_44 : vector<256x512xi32>
      %shift_right_logical3A = arith.constant 16 : i32
      %shift_right_logical3A_46 = vector.broadcast %shift_right_logical3A : i32 to vector<256x512xi32>
      %shift_right_logical3A_47 = arith.shrui %add3A_45, %shift_right_logical3A_46 : vector<256x512xi32>
      %or3A = arith.ori %and3A_41, %shift_right_logical3A_47 : vector<256x512xi32>
      %swap3A = arith.constant 0 : index
      %swap3A_48 = arith.constant 0 : index
      %swap3A_49 = vector.load %arg6[%swap3A, %swap3A_48] : memref<256x512xi32, #tpu.memory_space<vmem>>, vector<256x512xi32>
      tpu.vector_store %arg6[%swap3A, %swap3A_48], %or3A {strides = array<i32>} : memref<256x512xi32, #tpu.memory_space<vmem>>, vector<256x512xi32>,
    } else {
    }
    return
  }
  func.func @transform_0(%arg0: i32, %arg1: memref<32xi32, #tpu.memory_space<smem>>) -> (i32, i32) {
    %c0_i32 = arith.constant 0 : i32
    %c0_i32_0 = arith.constant 0 : i32
    return %arg0, %c0_i32 : i32, i32
  }
  func.func @transform_1(%arg0: i32, %arg1: memref<32xi32, #tpu.memory_space<smem>>) -> (i32, i32, i32) {
    %get3A = arith.index_cast %arg0 : i32 to index
    %get3A_0 = memref.load %arg1[%get3A] : memref<32xi32, #tpu.memory_space<smem>>
    %min3A = arith.constant 7 : i32
    %min3A_1 = arith.minsi %get3A_0, %min3A : i32
    %c0_i32 = arith.constant 0 : i32
    %c0_i32_2 = arith.constant 0 : i32
    %c0_i32_3 = arith.constant 0 : i32
    return %min3A_1, %c0_i32, %c0_i32_2 : i32, i32, i32
  }
  func.func @transform_2(%arg0: i32, %arg1: memref<32xi32, #tpu.memory_space<smem>>) -> (i32, i32, i32) {
    %get3A = arith.index_cast %arg0 : i32 to index
    %get3A_0 = memref.load %arg1[%get3A] : memref<32xi32, #tpu.memory_space<smem>>
    %min3A = arith.constant 7 : i32
    %min3A_1 = arith.minsi %get3A_0, %min3A : i32
    %c0_i32 = arith.constant 0 : i32
    %c0_i32_2 = arith.constant 0 : i32
    %c0_i32_3 = arith.constant 0 : i32
    return %min3A_1, %c0_i32, %c0_i32_2 : i32, i32, i32
  }
  func.func @transform_3(%arg0: i32, %arg1: memref<32xi32, #tpu.memory_space<smem>>) -> (i32, i32, i32) {
    %get3A = arith.index_cast %arg0 : i32 to index
    %get3A_0 = memref.load %arg1[%get3A] : memref<32xi32, #tpu.memory_space<smem>>
    %min3A = arith.constant 7 : i32
    %min3A_1 = arith.minsi %get3A_0, %min3A : i32
    %c0_i32 = arith.constant 0 : i32
    %c0_i32_2 = arith.constant 0 : i32
    %c0_i32_3 = arith.constant 0 : i32
    return %min3A_1, %c0_i32, %c0_i32_2 : i32, i32, i32
  }
  func.func @transform_4(%arg0: i32, %arg1: memref<32xi32, #tpu.memory_space<smem>>) -> (i32, i32) {
    %c0_i32 = arith.constant 0 : i32
    %c0_i32_0 = arith.constant 0 : i32
    return %arg0, %c0_i32 : i32, i32
  }
}

module attributes {stable_mosaic.version = 14 : i64} {
  func.func @_gate_body(%arg0: i32, %arg1: memref<512x1024xf32, #tpu.memory_space<vmem>>, %arg2: memref<8x1024xf32, #tpu.memory_space<vmem>>, %arg3: memref<1x8xf32, #tpu.memory_space<vmem>>, %arg4: memref<512x1024xf32, #tpu.memory_space<vmem>>, %arg5: memref<512x1024xf32, #tpu.memory_space<vmem>>, %arg6: memref<1024x512xf32, #tpu.memory_space<vmem>>, %arg7: memref<512x1xi32, #tpu.memory_space<vmem>>, %arg8: memref<512x1xi32, #tpu.memory_space<vmem>>, %arg9: memref<512x1xf32, #tpu.memory_space<vmem>>, %arg10: memref<512x1xf32, #tpu.memory_space<vmem>>, %arg11: memref<4x2x16xi32, #tpu.memory_space<vmem>>, %arg12: memref<512x512xi32, #tpu.memory_space<vmem>>, %arg13: memref<512x512xi32, #tpu.memory_space<vmem>>) attributes {dimension_semantics = [#tpu.dimension_semantics<arbitrary>], iteration_bounds = array<i64: 4>, scalar_prefetch = 0 : i64, scratch_operands = 0 : i64, tpu.core_type = #tpu.core_type<tc>, window_params = [{transform_indices = @transform_0, window_bounds = array<i64: 512, 1024>}, {pipeline_mode = #tpu.pipeline_mode<synchronous>, transform_indices = @transform_1, window_bounds = array<i64: 8, 1024>}, {pipeline_mode = #tpu.pipeline_mode<synchronous>, transform_indices = @transform_2, window_bounds = array<i64: 1, 8>}, {pipeline_mode = #tpu.pipeline_mode<synchronous>, transform_indices = @transform_3, window_bounds = array<i64: 512, 1024>}, {pipeline_mode = #tpu.pipeline_mode<synchronous>, transform_indices = @transform_4, window_bounds = array<i64: 512, 1024>}, {pipeline_mode = #tpu.pipeline_mode<synchronous>, transform_indices = @transform_5, window_bounds = array<i64: 1024, 512>}, {transform_indices = @transform_6, window_bounds = array<i64: 512, 1>}, {transform_indices = @transform_7, window_bounds = array<i64: 512, 1>}, {transform_indices = @transform_8, window_bounds = array<i64: 512, 1>}, {transform_indices = @transform_9, window_bounds = array<i64: 512, 1>}, {transform_indices = @transform_10, window_bounds = array<i64: 4, 2, 16>}, {transform_indices = @transform_11, window_bounds = array<i64: 512, 512>}, {transform_indices = @transform_12, window_bounds = array<i64: 512, 512>}]} {
    %get3A = arith.constant 0 : index
    %get3A_0 = arith.constant 0 : index
    %get3A_1 = vector.load %arg1[%get3A, %get3A_0] : memref<512x1024xf32, #tpu.memory_space<vmem>>, vector<512x1024xf32>
    %get3A_2 = arith.constant 0 : index
    %get3A_3 = arith.constant 0 : index
    %get3A_4 = vector.load %arg2[%get3A_2, %get3A_3] : memref<8x1024xf32, #tpu.memory_space<vmem>>, vector<8x1024xf32>
    %dot_general3A = arith.constant dense<0.000000e+00> : vector<512x8xf32>
    %dot_general3A_5 = tpu.matmul %get3A_1, %get3A_4, %dot_general3A {dimension_numbers = #tpu.dot_dimension_numbers<[1], [1], [0], [0], [0, 0, 1, 0], [], []>, transpose_lhs_hint = false} : vector<512x1024xf32>, vector<8x1024xf32>, vector<512x8xf32> -> vector<512x8xf32>
    %get3A_6 = arith.constant 0 : index
    %get3A_7 = arith.constant 0 : index
    %get3A_8 = vector.load %arg3[%get3A_6, %get3A_7] : memref<1x8xf32, #tpu.memory_space<vmem>>, vector<1x8xf32>
    %add3A = vector.broadcast %get3A_8 : vector<1x8xf32> to vector<512x8xf32>
    %add3A_9 = arith.addf %dot_general3A_5, %add3A : vector<512x8xf32>
    %iota3A = tpu.iota {dimensions = array<i32: 1>} : vector<512x8xi32>
    %reduce_max3A = arith.constant dense<0xFF800000> : vector<512xf32>
    %reduce_max3A_10 = vector.multi_reduction <maximumf>, %add3A_9, %reduce_max3A [1] : vector<512x8xf32> to vector<512xf32>
    %broadcast_in_dim3A = vector.shape_cast %reduce_max3A_10 : vector<512xf32> to vector<512x1xf32>
    %eq3A = vector.broadcast %broadcast_in_dim3A : vector<512x1xf32> to vector<512x8xf32>
    %eq3A_11 = arith.cmpf oeq, %add3A_9, %eq3A : vector<512x8xf32>
    %jit3A = arith.constant 8 : i32
    %broadcast_in_dim3A_12 = vector.broadcast %jit3A : i32 to vector<512x8xi32>
    %select_n3A = arith.select %eq3A_11, %iota3A, %broadcast_in_dim3A_12 : vector<512x8xi1>, vector<512x8xi32>
    %reduce_min3A = arith.constant dense<2147483647> : vector<512xi32>
    %reduce_min3A_13 = vector.multi_reduction <minsi>, %select_n3A, %reduce_min3A [1] : vector<512x8xi32> to vector<512xi32>
    %broadcast_in_dim3A_14 = vector.shape_cast %reduce_min3A_13 : vector<512xi32> to vector<512x1xi32>
    %eq3A_15 = vector.broadcast %broadcast_in_dim3A_14 : vector<512x1xi32> to vector<512x8xi32>
    %eq3A_16 = arith.cmpi eq, %iota3A, %eq3A_15 : vector<512x8xi32>
    %jit3A_17 = arith.constant -1.000000e+30 : f32
    %broadcast_in_dim3A_18 = vector.broadcast %jit3A_17 : f32 to vector<512x8xf32>
    %select_n3A_19 = arith.select %eq3A_16, %broadcast_in_dim3A_18, %add3A_9 : vector<512x8xi1>, vector<512x8xf32>
    %reduce_max3A_20 = arith.constant dense<0xFF800000> : vector<512xf32>
    %reduce_max3A_21 = vector.multi_reduction <maximumf>, %select_n3A_19, %reduce_max3A_20 [1] : vector<512x8xf32> to vector<512xf32>
    %broadcast_in_dim3A_22 = vector.shape_cast %reduce_max3A_21 : vector<512xf32> to vector<512x1xf32>
    %eq3A_23 = vector.broadcast %broadcast_in_dim3A_22 : vector<512x1xf32> to vector<512x8xf32>
    %eq3A_24 = arith.cmpf oeq, %select_n3A_19, %eq3A_23 : vector<512x8xf32>
    %jit3A_25 = arith.constant 8 : i32
    %broadcast_in_dim3A_26 = vector.broadcast %jit3A_25 : i32 to vector<512x8xi32>
    %select_n3A_27 = arith.select %eq3A_24, %iota3A, %broadcast_in_dim3A_26 : vector<512x8xi1>, vector<512x8xi32>
    %reduce_min3A_28 = arith.constant dense<2147483647> : vector<512xi32>
    %reduce_min3A_29 = vector.multi_reduction <minsi>, %select_n3A_27, %reduce_min3A_28 [1] : vector<512x8xi32> to vector<512xi32>
    %broadcast_in_dim3A_30 = vector.shape_cast %reduce_min3A_29 : vector<512xi32> to vector<512x1xi32>
    %sub3A = arith.subf %broadcast_in_dim3A_22, %broadcast_in_dim3A : vector<512x1xf32>
    %exp3A = math.exp %sub3A : vector<512x1xf32>
    %add3A_31 = arith.constant 1.000000e+00 : f32
    %add3A_32 = vector.broadcast %add3A_31 : f32 to vector<512x1xf32>
    %add3A_33 = arith.addf %add3A_32, %exp3A : vector<512x1xf32>
    %div3A = arith.constant 1.000000e+00 : f32
    %div3A_34 = vector.broadcast %div3A : f32 to vector<512x1xf32>
    %div3A_35 = arith.divf %div3A_34, %add3A_33 : vector<512x1xf32>
    %swap3A = arith.constant 0 : index
    %swap3A_36 = arith.constant 0 : index
    %swap3A_37 = vector.load %arg7[%swap3A, %swap3A_36] : memref<512x1xi32, #tpu.memory_space<vmem>>, vector<512x1xi32>
    tpu.vector_store %arg7[%swap3A, %swap3A_36], %broadcast_in_dim3A_14 {strides = array<i32>} : memref<512x1xi32, #tpu.memory_space<vmem>>, vector<512x1xi32>,
    %swap3A_38 = arith.constant 0 : index
    %swap3A_39 = arith.constant 0 : index
    %swap3A_40 = vector.load %arg8[%swap3A_38, %swap3A_39] : memref<512x1xi32, #tpu.memory_space<vmem>>, vector<512x1xi32>
    tpu.vector_store %arg8[%swap3A_38, %swap3A_39], %broadcast_in_dim3A_30 {strides = array<i32>} : memref<512x1xi32, #tpu.memory_space<vmem>>, vector<512x1xi32>,
    %swap3A_41 = arith.constant 0 : index
    %swap3A_42 = arith.constant 0 : index
    %swap3A_43 = vector.load %arg9[%swap3A_41, %swap3A_42] : memref<512x1xf32, #tpu.memory_space<vmem>>, vector<512x1xf32>
    tpu.vector_store %arg9[%swap3A_41, %swap3A_42], %div3A_35 {strides = array<i32>} : memref<512x1xf32, #tpu.memory_space<vmem>>, vector<512x1xf32>,
    %sub3A_44 = arith.constant 1.000000e+00 : f32
    %sub3A_45 = vector.broadcast %sub3A_44 : f32 to vector<512x1xf32>
    %sub3A_46 = arith.subf %sub3A_45, %div3A_35 : vector<512x1xf32>
    %swap3A_47 = arith.constant 0 : index
    %swap3A_48 = arith.constant 0 : index
    %swap3A_49 = vector.load %arg10[%swap3A_47, %swap3A_48] : memref<512x1xf32, #tpu.memory_space<vmem>>, vector<512x1xf32>
    tpu.vector_store %arg10[%swap3A_47, %swap3A_48], %sub3A_46 {strides = array<i32>} : memref<512x1xf32, #tpu.memory_space<vmem>>, vector<512x1xf32>,
    %slice3A = vector.extract_strided_slice %broadcast_in_dim3A_14 {offsets = [0, 0], sizes = [128, 1], strides = [1, 1]} : vector<512x1xi32> to vector<128x1xi32>
    %iota3A_50 = tpu.iota {dimensions = array<i32: 1>} : vector<128x16xi32>
    %eq3A_51 = vector.broadcast %slice3A : vector<128x1xi32> to vector<128x16xi32>
    %eq3A_52 = arith.cmpi eq, %eq3A_51, %iota3A_50 : vector<128x16xi32>
    %jit3A_53 = arith.constant 1 : i32
    %jit3A_54 = arith.constant 0 : i32
    %broadcast_in_dim3A_55 = vector.broadcast %jit3A_53 : i32 to vector<128x16xi32>
    %broadcast_in_dim3A_56 = vector.broadcast %jit3A_54 : i32 to vector<128x16xi32>
    %select_n3A_57 = arith.select %eq3A_52, %broadcast_in_dim3A_55, %broadcast_in_dim3A_56 : vector<128x16xi1>, vector<128x16xi32>
    %reduce_sum3A = arith.constant dense<0> : vector<16xi32>
    %reduce_sum3A_58 = vector.multi_reduction <add>, %select_n3A_57, %reduce_sum3A [0] : vector<128x16xi32> to vector<16xi32>
    %broadcast_in_dim3A_59 = vector.shape_cast %reduce_sum3A_58 : vector<16xi32> to vector<1x16xi32>
    %slice3A_60 = vector.extract_strided_slice %broadcast_in_dim3A_30 {offsets = [0, 0], sizes = [128, 1], strides = [1, 1]} : vector<512x1xi32> to vector<128x1xi32>
    %iota3A_61 = tpu.iota {dimensions = array<i32: 1>} : vector<128x16xi32>
    %eq3A_62 = vector.broadcast %slice3A_60 : vector<128x1xi32> to vector<128x16xi32>
    %eq3A_63 = arith.cmpi eq, %eq3A_62, %iota3A_61 : vector<128x16xi32>
    %jit3A_64 = arith.constant 1 : i32
    %jit3A_65 = arith.constant 0 : i32
    %broadcast_in_dim3A_66 = vector.broadcast %jit3A_64 : i32 to vector<128x16xi32>
    %broadcast_in_dim3A_67 = vector.broadcast %jit3A_65 : i32 to vector<128x16xi32>
    %select_n3A_68 = arith.select %eq3A_63, %broadcast_in_dim3A_66, %broadcast_in_dim3A_67 : vector<128x16xi1>, vector<128x16xi32>
    %reduce_sum3A_69 = arith.constant dense<0> : vector<16xi32>
    %reduce_sum3A_70 = vector.multi_reduction <add>, %select_n3A_68, %reduce_sum3A_69 [0] : vector<128x16xi32> to vector<16xi32>
    %broadcast_in_dim3A_71 = vector.shape_cast %reduce_sum3A_70 : vector<16xi32> to vector<1x16xi32>
    %slice3A_72 = vector.extract_strided_slice %broadcast_in_dim3A_14 {offsets = [128, 0], sizes = [128, 1], strides = [1, 1]} : vector<512x1xi32> to vector<128x1xi32>
    %iota3A_73 = tpu.iota {dimensions = array<i32: 1>} : vector<128x16xi32>
    %eq3A_74 = vector.broadcast %slice3A_72 : vector<128x1xi32> to vector<128x16xi32>
    %eq3A_75 = arith.cmpi eq, %eq3A_74, %iota3A_73 : vector<128x16xi32>
    %jit3A_76 = arith.constant 1 : i32
    %jit3A_77 = arith.constant 0 : i32
    %broadcast_in_dim3A_78 = vector.broadcast %jit3A_76 : i32 to vector<128x16xi32>
    %broadcast_in_dim3A_79 = vector.broadcast %jit3A_77 : i32 to vector<128x16xi32>
    %select_n3A_80 = arith.select %eq3A_75, %broadcast_in_dim3A_78, %broadcast_in_dim3A_79 : vector<128x16xi1>, vector<128x16xi32>
    %reduce_sum3A_81 = arith.constant dense<0> : vector<16xi32>
    %reduce_sum3A_82 = vector.multi_reduction <add>, %select_n3A_80, %reduce_sum3A_81 [0] : vector<128x16xi32> to vector<16xi32>
    %broadcast_in_dim3A_83 = vector.shape_cast %reduce_sum3A_82 : vector<16xi32> to vector<1x16xi32>
    %slice3A_84 = vector.extract_strided_slice %broadcast_in_dim3A_30 {offsets = [128, 0], sizes = [128, 1], strides = [1, 1]} : vector<512x1xi32> to vector<128x1xi32>
    %iota3A_85 = tpu.iota {dimensions = array<i32: 1>} : vector<128x16xi32>
    %eq3A_86 = vector.broadcast %slice3A_84 : vector<128x1xi32> to vector<128x16xi32>
    %eq3A_87 = arith.cmpi eq, %eq3A_86, %iota3A_85 : vector<128x16xi32>
    %jit3A_88 = arith.constant 1 : i32
    %jit3A_89 = arith.constant 0 : i32
    %broadcast_in_dim3A_90 = vector.broadcast %jit3A_88 : i32 to vector<128x16xi32>
    %broadcast_in_dim3A_91 = vector.broadcast %jit3A_89 : i32 to vector<128x16xi32>
    %select_n3A_92 = arith.select %eq3A_87, %broadcast_in_dim3A_90, %broadcast_in_dim3A_91 : vector<128x16xi1>, vector<128x16xi32>
    %reduce_sum3A_93 = arith.constant dense<0> : vector<16xi32>
    %reduce_sum3A_94 = vector.multi_reduction <add>, %select_n3A_92, %reduce_sum3A_93 [0] : vector<128x16xi32> to vector<16xi32>
    %broadcast_in_dim3A_95 = vector.shape_cast %reduce_sum3A_94 : vector<16xi32> to vector<1x16xi32>
    %slice3A_96 = vector.extract_strided_slice %broadcast_in_dim3A_14 {offsets = [256, 0], sizes = [128, 1], strides = [1, 1]} : vector<512x1xi32> to vector<128x1xi32>
    %iota3A_97 = tpu.iota {dimensions = array<i32: 1>} : vector<128x16xi32>
    %eq3A_98 = vector.broadcast %slice3A_96 : vector<128x1xi32> to vector<128x16xi32>
    %eq3A_99 = arith.cmpi eq, %eq3A_98, %iota3A_97 : vector<128x16xi32>
    %jit3A_100 = arith.constant 1 : i32
    %jit3A_101 = arith.constant 0 : i32
    %broadcast_in_dim3A_102 = vector.broadcast %jit3A_100 : i32 to vector<128x16xi32>
    %broadcast_in_dim3A_103 = vector.broadcast %jit3A_101 : i32 to vector<128x16xi32>
    %select_n3A_104 = arith.select %eq3A_99, %broadcast_in_dim3A_102, %broadcast_in_dim3A_103 : vector<128x16xi1>, vector<128x16xi32>
    %reduce_sum3A_105 = arith.constant dense<0> : vector<16xi32>
    %reduce_sum3A_106 = vector.multi_reduction <add>, %select_n3A_104, %reduce_sum3A_105 [0] : vector<128x16xi32> to vector<16xi32>
    %broadcast_in_dim3A_107 = vector.shape_cast %reduce_sum3A_106 : vector<16xi32> to vector<1x16xi32>
    %slice3A_108 = vector.extract_strided_slice %broadcast_in_dim3A_30 {offsets = [256, 0], sizes = [128, 1], strides = [1, 1]} : vector<512x1xi32> to vector<128x1xi32>
    %iota3A_109 = tpu.iota {dimensions = array<i32: 1>} : vector<128x16xi32>
    %eq3A_110 = vector.broadcast %slice3A_108 : vector<128x1xi32> to vector<128x16xi32>
    %eq3A_111 = arith.cmpi eq, %eq3A_110, %iota3A_109 : vector<128x16xi32>
    %jit3A_112 = arith.constant 1 : i32
    %jit3A_113 = arith.constant 0 : i32
    %broadcast_in_dim3A_114 = vector.broadcast %jit3A_112 : i32 to vector<128x16xi32>
    %broadcast_in_dim3A_115 = vector.broadcast %jit3A_113 : i32 to vector<128x16xi32>
    %select_n3A_116 = arith.select %eq3A_111, %broadcast_in_dim3A_114, %broadcast_in_dim3A_115 : vector<128x16xi1>, vector<128x16xi32>
    %reduce_sum3A_117 = arith.constant dense<0> : vector<16xi32>
    %reduce_sum3A_118 = vector.multi_reduction <add>, %select_n3A_116, %reduce_sum3A_117 [0] : vector<128x16xi32> to vector<16xi32>
    %broadcast_in_dim3A_119 = vector.shape_cast %reduce_sum3A_118 : vector<16xi32> to vector<1x16xi32>
    %slice3A_120 = vector.extract_strided_slice %broadcast_in_dim3A_14 {offsets = [384, 0], sizes = [128, 1], strides = [1, 1]} : vector<512x1xi32> to vector<128x1xi32>
    %iota3A_121 = tpu.iota {dimensions = array<i32: 1>} : vector<128x16xi32>
    %eq3A_122 = vector.broadcast %slice3A_120 : vector<128x1xi32> to vector<128x16xi32>
    %eq3A_123 = arith.cmpi eq, %eq3A_122, %iota3A_121 : vector<128x16xi32>
    %jit3A_124 = arith.constant 1 : i32
    %jit3A_125 = arith.constant 0 : i32
    %broadcast_in_dim3A_126 = vector.broadcast %jit3A_124 : i32 to vector<128x16xi32>
    %broadcast_in_dim3A_127 = vector.broadcast %jit3A_125 : i32 to vector<128x16xi32>
    %select_n3A_128 = arith.select %eq3A_123, %broadcast_in_dim3A_126, %broadcast_in_dim3A_127 : vector<128x16xi1>, vector<128x16xi32>
    %reduce_sum3A_129 = arith.constant dense<0> : vector<16xi32>
    %reduce_sum3A_130 = vector.multi_reduction <add>, %select_n3A_128, %reduce_sum3A_129 [0] : vector<128x16xi32> to vector<16xi32>
    %broadcast_in_dim3A_131 = vector.shape_cast %reduce_sum3A_130 : vector<16xi32> to vector<1x16xi32>
    %slice3A_132 = vector.extract_strided_slice %broadcast_in_dim3A_30 {offsets = [384, 0], sizes = [128, 1], strides = [1, 1]} : vector<512x1xi32> to vector<128x1xi32>
    %iota3A_133 = tpu.iota {dimensions = array<i32: 1>} : vector<128x16xi32>
    %eq3A_134 = vector.broadcast %slice3A_132 : vector<128x1xi32> to vector<128x16xi32>
    %eq3A_135 = arith.cmpi eq, %eq3A_134, %iota3A_133 : vector<128x16xi32>
    %jit3A_136 = arith.constant 1 : i32
    %jit3A_137 = arith.constant 0 : i32
    %broadcast_in_dim3A_138 = vector.broadcast %jit3A_136 : i32 to vector<128x16xi32>
    %broadcast_in_dim3A_139 = vector.broadcast %jit3A_137 : i32 to vector<128x16xi32>
    %select_n3A_140 = arith.select %eq3A_135, %broadcast_in_dim3A_138, %broadcast_in_dim3A_139 : vector<128x16xi1>, vector<128x16xi32>
    %reduce_sum3A_141 = arith.constant dense<0> : vector<16xi32>
    %reduce_sum3A_142 = vector.multi_reduction <add>, %select_n3A_140, %reduce_sum3A_141 [0] : vector<128x16xi32> to vector<16xi32>
    %broadcast_in_dim3A_143 = vector.shape_cast %reduce_sum3A_142 : vector<16xi32> to vector<1x16xi32>
    %concatenate3A = tpu.concatenate %broadcast_in_dim3A_59, %broadcast_in_dim3A_71, %broadcast_in_dim3A_83, %broadcast_in_dim3A_95, %broadcast_in_dim3A_107, %broadcast_in_dim3A_119, %broadcast_in_dim3A_131, %broadcast_in_dim3A_143 in 0 : vector<1x16xi32>, vector<1x16xi32>, vector<1x16xi32>, vector<1x16xi32>, vector<1x16xi32>, vector<1x16xi32>, vector<1x16xi32>, vector<1x16xi32> -> vector<8x16xi32>
    %reshape3A = vector.shape_cast %concatenate3A : vector<8x16xi32> to vector<4x2x16xi32>
    %swap3A_144 = arith.constant 0 : index
    %swap3A_145 = arith.constant 0 : index
    %swap3A_146 = arith.constant 0 : index
    %swap3A_147 = vector.load %arg11[%swap3A_144, %swap3A_145, %swap3A_146] : memref<4x2x16xi32, #tpu.memory_space<vmem>>, vector<4x2x16xi32>
    tpu.vector_store %arg11[%swap3A_144, %swap3A_145, %swap3A_146], %reshape3A {strides = array<i32>} : memref<4x2x16xi32, #tpu.memory_space<vmem>>, vector<4x2x16xi32>,
    %get3A_148 = arith.constant 0 : index
    %get3A_149 = arith.constant 0 : index
    %get3A_150 = vector.load %arg1[%get3A_148, %get3A_149] : memref<512x1024xf32, #tpu.memory_space<vmem>>, vector<512x1024xf32>
    %bitcast_convert_type3A = tpu.bitcast %get3A_150 : vector<512x1024xf32> -> vector<512x1024xi32>
    %slice3A_151 = vector.extract_strided_slice %bitcast_convert_type3A {offsets = [0, 0], sizes = [512, 512], strides = [1, 1]} : vector<512x1024xi32> to vector<512x512xi32>
    %add3A_152 = arith.constant 32768 : i32
    %add3A_153 = vector.broadcast %add3A_152 : i32 to vector<512x512xi32>
    %add3A_154 = arith.addi %slice3A_151, %add3A_153 : vector<512x512xi32>
    %and3A = arith.constant -65536 : i32
    %and3A_155 = vector.broadcast %and3A : i32 to vector<512x512xi32>
    %and3A_156 = arith.andi %add3A_154, %and3A_155 : vector<512x512xi32>
    %slice3A_157 = vector.extract_strided_slice %bitcast_convert_type3A {offsets = [0, 512], sizes = [512, 512], strides = [1, 1]} : vector<512x1024xi32> to vector<512x512xi32>
    %add3A_158 = arith.constant 32768 : i32
    %add3A_159 = vector.broadcast %add3A_158 : i32 to vector<512x512xi32>
    %add3A_160 = arith.addi %slice3A_157, %add3A_159 : vector<512x512xi32>
    %shift_right_logical3A = arith.constant 16 : i32
    %shift_right_logical3A_161 = vector.broadcast %shift_right_logical3A : i32 to vector<512x512xi32>
    %shift_right_logical3A_162 = arith.shrui %add3A_160, %shift_right_logical3A_161 : vector<512x512xi32>
    %or3A = arith.ori %and3A_156, %shift_right_logical3A_162 : vector<512x512xi32>
    %swap3A_163 = arith.constant 0 : index
    %swap3A_164 = arith.constant 0 : index
    %swap3A_165 = vector.load %arg12[%swap3A_163, %swap3A_164] : memref<512x512xi32, #tpu.memory_space<vmem>>, vector<512x512xi32>
    tpu.vector_store %arg12[%swap3A_163, %swap3A_164], %or3A {strides = array<i32>} : memref<512x512xi32, #tpu.memory_space<vmem>>, vector<512x512xi32>,
    %get3A_166 = arith.constant 0 : index
    %get3A_167 = arith.constant 0 : index
    %get3A_168 = vector.load %arg1[%get3A_166, %get3A_167] : memref<512x1024xf32, #tpu.memory_space<vmem>>, vector<512x1024xf32>
    %get3A_169 = arith.constant 0 : index
    %get3A_170 = arith.constant 0 : index
    %get3A_171 = vector.load %arg4[%get3A_169, %get3A_170] : memref<512x1024xf32, #tpu.memory_space<vmem>>, vector<512x1024xf32>
    %dot_general3A_172 = arith.constant dense<0.000000e+00> : vector<512x512xf32>
    %dot_general3A_173 = tpu.matmul %get3A_168, %get3A_171, %dot_general3A_172 {dimension_numbers = #tpu.dot_dimension_numbers<[1], [1], [0], [0], [0, 0, 1, 0], [], []>, transpose_lhs_hint = false} : vector<512x1024xf32>, vector<512x1024xf32>, vector<512x512xf32> -> vector<512x512xf32>
    %get3A_174 = arith.constant 0 : index
    %get3A_175 = arith.constant 0 : index
    %get3A_176 = vector.load %arg5[%get3A_174, %get3A_175] : memref<512x1024xf32, #tpu.memory_space<vmem>>, vector<512x1024xf32>
    %dot_general3A_177 = arith.constant dense<0.000000e+00> : vector<512x512xf32>
    %dot_general3A_178 = tpu.matmul %get3A_168, %get3A_176, %dot_general3A_177 {dimension_numbers = #tpu.dot_dimension_numbers<[1], [1], [0], [0], [0, 0, 1, 0], [], []>, transpose_lhs_hint = false} : vector<512x1024xf32>, vector<512x1024xf32>, vector<512x512xf32> -> vector<512x512xf32>
    %neg3A = arith.constant 0.000000e+00 : f32
    %neg3A_179 = vector.broadcast %neg3A : f32 to vector<512x512xf32>
    %neg3A_180 = arith.subf %neg3A_179, %dot_general3A_173 : vector<512x512xf32>
    %exp3A_181 = math.exp %neg3A_180 : vector<512x512xf32>
    %add3A_182 = arith.constant 1.000000e+00 : f32
    %add3A_183 = vector.broadcast %add3A_182 : f32 to vector<512x512xf32>
    %add3A_184 = arith.addf %add3A_183, %exp3A_181 : vector<512x512xf32>
    %div3A_185 = arith.divf %dot_general3A_173, %add3A_184 : vector<512x512xf32>
    %mul3A = arith.mulf %div3A_185, %dot_general3A_178 : vector<512x512xf32>
    %get3A_186 = arith.constant 0 : index
    %get3A_187 = arith.constant 0 : index
    %get3A_188 = vector.load %arg6[%get3A_186, %get3A_187] : memref<1024x512xf32, #tpu.memory_space<vmem>>, vector<1024x512xf32>
    %dot_general3A_189 = arith.constant dense<0.000000e+00> : vector<512x1024xf32>
    %dot_general3A_190 = tpu.matmul %mul3A, %get3A_188, %dot_general3A_189 {dimension_numbers = #tpu.dot_dimension_numbers<[1], [1], [0], [0], [0, 0, 1, 0], [], []>, transpose_lhs_hint = false} : vector<512x512xf32>, vector<1024x512xf32>, vector<512x1024xf32> -> vector<512x1024xf32>
    %bitcast_convert_type3A_191 = tpu.bitcast %dot_general3A_190 : vector<512x1024xf32> -> vector<512x1024xi32>
    %slice3A_192 = vector.extract_strided_slice %bitcast_convert_type3A_191 {offsets = [0, 0], sizes = [512, 512], strides = [1, 1]} : vector<512x1024xi32> to vector<512x512xi32>
    %add3A_193 = arith.constant 32768 : i32
    %add3A_194 = vector.broadcast %add3A_193 : i32 to vector<512x512xi32>
    %add3A_195 = arith.addi %slice3A_192, %add3A_194 : vector<512x512xi32>
    %and3A_196 = arith.constant -65536 : i32
    %and3A_197 = vector.broadcast %and3A_196 : i32 to vector<512x512xi32>
    %and3A_198 = arith.andi %add3A_195, %and3A_197 : vector<512x512xi32>
    %slice3A_199 = vector.extract_strided_slice %bitcast_convert_type3A_191 {offsets = [0, 512], sizes = [512, 512], strides = [1, 1]} : vector<512x1024xi32> to vector<512x512xi32>
    %add3A_200 = arith.constant 32768 : i32
    %add3A_201 = vector.broadcast %add3A_200 : i32 to vector<512x512xi32>
    %add3A_202 = arith.addi %slice3A_199, %add3A_201 : vector<512x512xi32>
    %shift_right_logical3A_203 = arith.constant 16 : i32
    %shift_right_logical3A_204 = vector.broadcast %shift_right_logical3A_203 : i32 to vector<512x512xi32>
    %shift_right_logical3A_205 = arith.shrui %add3A_202, %shift_right_logical3A_204 : vector<512x512xi32>
    %or3A_206 = arith.ori %and3A_198, %shift_right_logical3A_205 : vector<512x512xi32>
    %swap3A_207 = arith.constant 0 : index
    %swap3A_208 = arith.constant 0 : index
    %swap3A_209 = vector.load %arg13[%swap3A_207, %swap3A_208] : memref<512x512xi32, #tpu.memory_space<vmem>>, vector<512x512xi32>
    tpu.vector_store %arg13[%swap3A_207, %swap3A_208], %or3A_206 {strides = array<i32>} : memref<512x512xi32, #tpu.memory_space<vmem>>, vector<512x512xi32>,
    return
  }
  func.func @transform_0(%arg0: i32) -> (i32, i32) {
    %c0_i32 = arith.constant 0 : i32
    %c0_i32_0 = arith.constant 0 : i32
    return %arg0, %c0_i32 : i32, i32
  }
  func.func @transform_1(%arg0: i32) -> (i32, i32) {
    %c0_i32 = arith.constant 0 : i32
    %c0_i32_0 = arith.constant 0 : i32
    %c0_i32_1 = arith.constant 0 : i32
    return %c0_i32, %c0_i32_0 : i32, i32
  }
  func.func @transform_2(%arg0: i32) -> (i32, i32) {
    %c0_i32 = arith.constant 0 : i32
    %c0_i32_0 = arith.constant 0 : i32
    %c0_i32_1 = arith.constant 0 : i32
    return %c0_i32, %c0_i32_0 : i32, i32
  }
  func.func @transform_3(%arg0: i32) -> (i32, i32) {
    %c0_i32 = arith.constant 0 : i32
    %c0_i32_0 = arith.constant 0 : i32
    %c0_i32_1 = arith.constant 0 : i32
    return %c0_i32, %c0_i32_0 : i32, i32
  }
  func.func @transform_4(%arg0: i32) -> (i32, i32) {
    %c0_i32 = arith.constant 0 : i32
    %c0_i32_0 = arith.constant 0 : i32
    %c0_i32_1 = arith.constant 0 : i32
    return %c0_i32, %c0_i32_0 : i32, i32
  }
  func.func @transform_5(%arg0: i32) -> (i32, i32) {
    %c0_i32 = arith.constant 0 : i32
    %c0_i32_0 = arith.constant 0 : i32
    %c0_i32_1 = arith.constant 0 : i32
    return %c0_i32, %c0_i32_0 : i32, i32
  }
  func.func @transform_6(%arg0: i32) -> (i32, i32) {
    %c0_i32 = arith.constant 0 : i32
    %c0_i32_0 = arith.constant 0 : i32
    return %arg0, %c0_i32 : i32, i32
  }
  func.func @transform_7(%arg0: i32) -> (i32, i32) {
    %c0_i32 = arith.constant 0 : i32
    %c0_i32_0 = arith.constant 0 : i32
    return %arg0, %c0_i32 : i32, i32
  }
  func.func @transform_8(%arg0: i32) -> (i32, i32) {
    %c0_i32 = arith.constant 0 : i32
    %c0_i32_0 = arith.constant 0 : i32
    return %arg0, %c0_i32 : i32, i32
  }
  func.func @transform_9(%arg0: i32) -> (i32, i32) {
    %c0_i32 = arith.constant 0 : i32
    %c0_i32_0 = arith.constant 0 : i32
    return %arg0, %c0_i32 : i32, i32
  }
  func.func @transform_10(%arg0: i32) -> (i32, i32, i32) {
    %c0_i32 = arith.constant 0 : i32
    %c0_i32_0 = arith.constant 0 : i32
    %c0_i32_1 = arith.constant 0 : i32
    return %arg0, %c0_i32, %c0_i32_0 : i32, i32, i32
  }
  func.func @transform_11(%arg0: i32) -> (i32, i32) {
    %c0_i32 = arith.constant 0 : i32
    %c0_i32_0 = arith.constant 0 : i32
    return %arg0, %c0_i32 : i32, i32
  }
  func.func @transform_12(%arg0: i32) -> (i32, i32) {
    %c0_i32 = arith.constant 0 : i32
    %c0_i32_0 = arith.constant 0 : i32
    return %arg0, %c0_i32 : i32, i32
  }
}

module attributes {stable_mosaic.version = 14 : i64} {
  func.func @_combine_body(%arg0: i32, %arg1: memref<1024x512xi32, #tpu.memory_space<vmem>>, %arg2: memref<1024x512xi32, #tpu.memory_space<vmem>>, %arg3: memref<1024x512xi32, #tpu.memory_space<vmem>>, %arg4: memref<1024x1xf32, #tpu.memory_space<vmem>>, %arg5: memref<1024x1xf32, #tpu.memory_space<vmem>>, %arg6: memref<1024x1024xf32, #tpu.memory_space<vmem>>) attributes {dimension_semantics = [#tpu.dimension_semantics<arbitrary>], iteration_bounds = array<i64: 2>, scalar_prefetch = 0 : i64, scratch_operands = 0 : i64, tpu.core_type = #tpu.core_type<tc>, window_params = [{transform_indices = @transform_0, window_bounds = array<i64: 1024, 512>}, {transform_indices = @transform_1, window_bounds = array<i64: 1024, 512>}, {transform_indices = @transform_2, window_bounds = array<i64: 1024, 512>}, {transform_indices = @transform_3, window_bounds = array<i64: 1024, 1>}, {transform_indices = @transform_4, window_bounds = array<i64: 1024, 1>}, {transform_indices = @transform_5, window_bounds = array<i64: 1024, 1024>}]} {
    %get3A = arith.constant 0 : index
    %get3A_0 = arith.constant 0 : index
    %get3A_1 = vector.load %arg1[%get3A, %get3A_0] : memref<1024x512xi32, #tpu.memory_space<vmem>>, vector<1024x512xi32>
    %and3A = arith.constant -65536 : i32
    %and3A_2 = vector.broadcast %and3A : i32 to vector<1024x512xi32>
    %and3A_3 = arith.andi %get3A_1, %and3A_2 : vector<1024x512xi32>
    %bitcast_convert_type3A = tpu.bitcast %and3A_3 : vector<1024x512xi32> -> vector<1024x512xf32>
    %shift_left3A = arith.constant 16 : i32
    %shift_left3A_4 = vector.broadcast %shift_left3A : i32 to vector<1024x512xi32>
    %shift_left3A_5 = arith.shli %get3A_1, %shift_left3A_4 : vector<1024x512xi32>
    %bitcast_convert_type3A_6 = tpu.bitcast %shift_left3A_5 : vector<1024x512xi32> -> vector<1024x512xf32>
    %concatenate3A = tpu.concatenate %bitcast_convert_type3A, %bitcast_convert_type3A_6 in 1 : vector<1024x512xf32>, vector<1024x512xf32> -> vector<1024x1024xf32>
    %get3A_7 = arith.constant 0 : index
    %get3A_8 = arith.constant 0 : index
    %get3A_9 = vector.load %arg4[%get3A_7, %get3A_8] : memref<1024x1xf32, #tpu.memory_space<vmem>>, vector<1024x1xf32>
    %get3A_10 = arith.constant 0 : index
    %get3A_11 = arith.constant 0 : index
    %get3A_12 = vector.load %arg2[%get3A_10, %get3A_11] : memref<1024x512xi32, #tpu.memory_space<vmem>>, vector<1024x512xi32>
    %and3A_13 = arith.constant -65536 : i32
    %and3A_14 = vector.broadcast %and3A_13 : i32 to vector<1024x512xi32>
    %and3A_15 = arith.andi %get3A_12, %and3A_14 : vector<1024x512xi32>
    %bitcast_convert_type3A_16 = tpu.bitcast %and3A_15 : vector<1024x512xi32> -> vector<1024x512xf32>
    %shift_left3A_17 = arith.constant 16 : i32
    %shift_left3A_18 = vector.broadcast %shift_left3A_17 : i32 to vector<1024x512xi32>
    %shift_left3A_19 = arith.shli %get3A_12, %shift_left3A_18 : vector<1024x512xi32>
    %bitcast_convert_type3A_20 = tpu.bitcast %shift_left3A_19 : vector<1024x512xi32> -> vector<1024x512xf32>
    %concatenate3A_21 = tpu.concatenate %bitcast_convert_type3A_16, %bitcast_convert_type3A_20 in 1 : vector<1024x512xf32>, vector<1024x512xf32> -> vector<1024x1024xf32>
    %mul3A = vector.broadcast %get3A_9 : vector<1024x1xf32> to vector<1024x1024xf32>
    %mul3A_22 = arith.mulf %mul3A, %concatenate3A_21 : vector<1024x1024xf32>
    %add3A = arith.addf %concatenate3A, %mul3A_22 : vector<1024x1024xf32>
    %get3A_23 = arith.constant 0 : index
    %get3A_24 = arith.constant 0 : index
    %get3A_25 = vector.load %arg5[%get3A_23, %get3A_24] : memref<1024x1xf32, #tpu.memory_space<vmem>>, vector<1024x1xf32>
    %get3A_26 = arith.constant 0 : index
    %get3A_27 = arith.constant 0 : index
    %get3A_28 = vector.load %arg3[%get3A_26, %get3A_27] : memref<1024x512xi32, #tpu.memory_space<vmem>>, vector<1024x512xi32>
    %and3A_29 = arith.constant -65536 : i32
    %and3A_30 = vector.broadcast %and3A_29 : i32 to vector<1024x512xi32>
    %and3A_31 = arith.andi %get3A_28, %and3A_30 : vector<1024x512xi32>
    %bitcast_convert_type3A_32 = tpu.bitcast %and3A_31 : vector<1024x512xi32> -> vector<1024x512xf32>
    %shift_left3A_33 = arith.constant 16 : i32
    %shift_left3A_34 = vector.broadcast %shift_left3A_33 : i32 to vector<1024x512xi32>
    %shift_left3A_35 = arith.shli %get3A_28, %shift_left3A_34 : vector<1024x512xi32>
    %bitcast_convert_type3A_36 = tpu.bitcast %shift_left3A_35 : vector<1024x512xi32> -> vector<1024x512xf32>
    %concatenate3A_37 = tpu.concatenate %bitcast_convert_type3A_32, %bitcast_convert_type3A_36 in 1 : vector<1024x512xf32>, vector<1024x512xf32> -> vector<1024x1024xf32>
    %mul3A_38 = vector.broadcast %get3A_25 : vector<1024x1xf32> to vector<1024x1024xf32>
    %mul3A_39 = arith.mulf %mul3A_38, %concatenate3A_37 : vector<1024x1024xf32>
    %add3A_40 = arith.addf %add3A, %mul3A_39 : vector<1024x1024xf32>
    %swap3A = arith.constant 0 : index
    %swap3A_41 = arith.constant 0 : index
    %swap3A_42 = vector.load %arg6[%swap3A, %swap3A_41] : memref<1024x1024xf32, #tpu.memory_space<vmem>>, vector<1024x1024xf32>
    tpu.vector_store %arg6[%swap3A, %swap3A_41], %add3A_40 {strides = array<i32>} : memref<1024x1024xf32, #tpu.memory_space<vmem>>, vector<1024x1024xf32>,
    return
  }
  func.func @transform_0(%arg0: i32) -> (i32, i32) {
    %c0_i32 = arith.constant 0 : i32
    %c0_i32_0 = arith.constant 0 : i32
    return %arg0, %c0_i32 : i32, i32
  }
  func.func @transform_1(%arg0: i32) -> (i32, i32) {
    %c0_i32 = arith.constant 0 : i32
    %c0_i32_0 = arith.constant 0 : i32
    return %arg0, %c0_i32 : i32, i32
  }
  func.func @transform_2(%arg0: i32) -> (i32, i32) {
    %c0_i32 = arith.constant 0 : i32
    %c0_i32_0 = arith.constant 0 : i32
    return %arg0, %c0_i32 : i32, i32
  }
  func.func @transform_3(%arg0: i32) -> (i32, i32) {
    %c0_i32 = arith.constant 0 : i32
    %c0_i32_0 = arith.constant 0 : i32
    return %arg0, %c0_i32 : i32, i32
  }
  func.func @transform_4(%arg0: i32) -> (i32, i32) {
    %c0_i32 = arith.constant 0 : i32
    %c0_i32_0 = arith.constant 0 : i32
    return %arg0, %c0_i32 : i32, i32
  }
  func.func @transform_5(%arg0: i32) -> (i32, i32) {
    %c0_i32 = arith.constant 0 : i32
    %c0_i32_0 = arith.constant 0 : i32
    return %arg0, %c0_i32 : i32, i32
  }
}

</mosaic_0001>

<sc_bundles>
// kernel: kernel.10.cloned.1.call-start
scs
__scs_entry_jumppad:
0x0: {  	(pc) =	sbr.rel $0x88, $3  }
0x1: {  	(tag) =	ssettag $0x0;
	lr =	simm.s32 $0x1  }
0x2: {  	[smem:$0x3F98] =	sst lr;
	_ =	strace $0xD0000000  }
0x3: {  	_ = 	snop  }
0x4: {  	_ = 	snop  }
0x5: {  	_ = 	snop  }
0x6: {  	_ = 	snop  }
0x7: {  	_ = 	snop  }
__scs_overlays_trampoline_lowered:
0x8: {  	[smem:$0x3FA7] =	sst s0  }
0x9: {  	[smem:$0x3FA8] =	sst s1  }
0xa: {  	[smem:$0x3FA9] =	sst s2  }
0xb: {  	[smem:$0x3FAA] =	sst s3  }
0xc: {  	[smem:$0x3FAB] =	sst s4  }
0xd: {  	[smem:$0x3FAC] =	sst s5  }
0xe: {  	[smem:$0x3FAD] =	sst s6  }
0xf: {  	[smem:$0x3FAE] =	sst s7  }
0x10: {  	[smem:$0x3FAF] =	sst s8  }
0x11: {  	[smem:$0x3FB0] =	sst s9;
	s0 =	simm.s32 @!p0 $0x0  }
0x12: {  	s1 =	sld [smem:$0x3F96];
	s0 =	simm.s32 @p0 $0x1  }
0x13: {  	[smem:$0x3FB1] =	sst s0;
	s0 =	simm.s32 @!p1 $0x0  }
0x14: {  	s2 =	sld [smem:$0x3F95];
	s0 =	simm.s32 @p1 $0x1  }
0x15: {  	[smem:$0x3FB2] =	sst s0;
	s0 =	simm.s32 @!p2 $0x0  }
0x16: {  	s3 =	sld [smem:$0x3FDB];
	s0 =	simm.s32 @p2 $0x1  }
0x17: {  	s4 =	simm.s32 $0x1BF5;
	[smem:$0x3FB4] =	sst s0  }
0x18: {  	s0 =	sld [smem:$0x3F97];
	_ =	swait.ge [sflag:s4], $0x0  }
0x19: {  	s7 =	sld [smem:$0x3F98]  }
0x1a: {  	s8 =	sadd.s32 $0xFFFFE003, lr  }
0x1b: {  	s9 =	sadd.s32 $0xFFFFFEF7, lr;
	s5 =	simm.s32 $0xFFFFFFFF;
	p2 =	slt.u32 s8, $0xFFFFF086  }
0x1c: {  	p1 =	slt.u32 s9, $0xF7A;
	s5 =	simm.s32 @!p2 $0x0  }
0x1d: {  	s5 =	simm.s32 @p1 $0x1;
	p0 =	seq.s32 s7, s2  }
0x1e: {  	s7 =	smul.u32 @!p0 $0xF7A, s2;
	p2 =	seq.s32 @!p0 s5, $0x0  }
0x1f: {  	s9 =	smul.u32 $0xF7A, s1;
	s8 =	simm.s32 @!p0 $0x1BF5;
	p2 =	por !p2, p0  }
0x20: {  	[sflag:s8] =	ssyncset.s32 @!p0 $0xFFFFF086;
	s6 =	sadd.s32 @!p0 s3, s7;
	s7 =	simm.s32 @!p0 $0x108  }
0x21: {  	s3 =	sadd.s32 s3, s9;
	s6 =	sadd.s32 @!p0 $0x88, s6;
	s7 =	simm.s32 @p2 $0x1082  }
0x22: {  	[simem:s7], [sflag:s8] =	dma.local @!p0 [hbm:s6], $0xF7A  }
0x23: {  	s9 =	sor.u32 $0xD0000000, s2;
	s6 =	simm.s32 $0x108;
	_ =	swait.ge @!p0 [sflag:s8], $0x0  }
0x24: {  	s3 =	sadd.s32 $0x88, s3;
	s6 =	simm.s32 @!p1 $0x1082;
	[sflag:s4] =	ssyncset.s32 $0xFFFFF086  }
0x25: {  	[simem:s6], [sflag:s4] =	dma.local [hbm:s3], $0xF7A  }
0x26: {  	[smem:$0x3F98] =	sst s1;
	(tag) =	ssettag s2;
	_ =	strace s9  }
0x27: {  	s1 =	sld [smem:$0x3FA8]  }
0x28: {  	s2 =	sld [smem:$0x3FA9]  }
0x29: {  	s4 =	sld [smem:$0x3FAB]  }
0x2a: {  	p0 =	seq.s32 s5, $0x0;
	s5 =	sld [smem:$0x3FAC]  }
0x2b: {  	s6 =	sld [smem:$0x3FAD]  }
0x2c: {  	s7 =	sld [smem:$0x3FAE]  }
0x2d: {  	s3 =	simm.s32 $0x108;
	s8 =	sld [smem:$0x3FAF]  }
0x2e: {  	s3 =	simm.s32 @!p0 $0x1082;
	s9 =	sld [smem:$0x3FB0]  }
0x2f: {  	lr =	sadd.s32 s0, s3;
	s0 =	sld [smem:$0x3FA7]  }
0x30: {  	s3 =	sld [smem:$0x3FAA]  }
0x31: {  	[smem:$0x3FB3] =	sst s10  }
0x32: {  	s10 =	sld [smem:$0x3FB1];
	_ =	sdelay $0x3  }
0x33: {  	p0 =	seq.s32 s10, $0x1;
	s10 =	sld [smem:$0x3FB3];
	_ =	sdelay $0x3  }
0x34: {  	[smem:$0x3FB3] =	sst s10  }
0x35: {  	s10 =	sld [smem:$0x3FB2];
	_ =	sdelay $0x3  }
0x36: {  	p1 =	seq.s32 s10, $0x1;
	s10 =	sld [smem:$0x3FB3];
	_ =	sdelay $0x3  }
0x37: {  	[smem:$0x3FB3] =	sst s10  }
0x38: {  	s10 =	sld [smem:$0x3FB4]  }
0x39: {  	_ = 	snop;
	(pc) =	sbr.ind lr, $3  }
0x3a: {  	_ = 	snop  }
0x3b: {  	_ = 	snop  }
0x3c: {  	p2 =	seq.s32 s10, $0x1;
	s10 =	sld [smem:$0x3FB3]  }
0x3d: {  	_ =	shalt  }
0x3e: {  	_ =	shalt  }
0x3f: {  	_ =	shalt  }
0x40: {  	_ =	shalt  }
0x41: {  	_ =	shalt  }
0x42: {  	_ =	shalt  }
0x43: {  	_ =	shalt  }
0x44: {  	_ =	shalt  }
0x45: {  	_ =	shalt  }
0x46: {  	_ =	shalt  }
0x47: {  	_ =	shalt  }
0x48: {  	_ =	shalt  }
0x49: {  	_ =	shalt  }
0x4a: {  	_ =	shalt  }
0x4b: {  	_ =	shalt  }
0x4c: {  	_ =	shalt  }
0x4d: {  	_ =	shalt  }
0x4e: {  	_ =	shalt  }
0x4f: {  	_ =	shalt  }
0x50: {  	_ =	shalt  }
0x51: {  	_ =	shalt  }
0x52: {  	_ =	shalt  }
0x53: {  	_ =	shalt  }
0x54: {  	_ =	shalt  }
0x55: {  	_ =	shalt  }
0x56: {  	_ =	shalt  }
0x57: {  	_ =	shalt  }
0x58: {  	_ =	shalt  }
0x59: {  	_ =	shalt  }
0x5a: {  	_ =	shalt  }
0x5b: {  	_ =	shalt  }
0x5c: {  	_ =	shalt  }
0x5d: {  	_ =	shalt  }
0x5e: {  	_ =	shalt  }
0x5f: {  	_ =	shalt  }
0x60: {  	_ =	shalt  }
0x61: {  	_ =	shalt  }
0x62: {  	_ =	shalt  }
0x63: {  	_ =	shalt  }
0x64: {  	_ =	shalt  }
0x65: {  	_ =	shalt  }
0x66: {  	_ =	shalt  }
0x67: {  	_ =	shalt  }
0x68: {  	_ =	shalt  }
0x69: {  	_ =	shalt  }
0x6a: {  	_ =	shalt  }
0x6b: {  	_ =	shalt  }
0x6c: {  	_ =	shalt  }
0x6d: {  	_ =	shalt  }
0x6e: {  	_ =	shalt  }
0x6f: {  	_ =	shalt  }
0x70: {  	_ =	shalt  }
0x71: {  	_ =	shalt  }
0x72: {  	_ =	shalt  }
0x73: {  	_ =	shalt  }
0x74: {  	_ =	shalt  }
0x75: {  	_ =	shalt  }
0x76: {  	_ =	shalt  }
0x77: {  	_ =	shalt  }
0x78: {  	_ =	shalt  }
0x79: {  	_ =	shalt  }
0x7a: {  	_ =	shalt  }
0x7b: {  	_ =	shalt  }
0x7c: {  	_ =	shalt  }
0x7d: {  	_ =	shalt  }
0x7e: {  	_ =	shalt  }
0x7f: {  	_ =	shalt  }
0x80: {  	_ =	shalt  }
0x81: {  	_ =	shalt  }
0x82: {  	_ =	shalt  }
0x83: {  	_ =	shalt  }
0x84: {  	_ =	shalt  }
0x85: {  	_ =	shalt  }
0x86: {  	_ =	shalt  }
0x87: {  	_ =	shalt  }
.Lfunc_end0:
.L_simem_size_0:
called_computation.1_lowered:
.L_overlay_start_0:
0x88: {  	s2 =	sld [smem:$0x3FD9]  }
0x89: {  	s3 =	sld [smem:$0x3FFE];
	_ =	sdelay $0x1  }
0x8a: {  	s1 =	srdreg.scid  }
0x8b: {  	s0 =	sand.u32 $0x1, s1  }
0x8c: {  	s17 =	sshll.u32 s0, $0xA;
	s2 =	sadd.s32 s3, s2  }
0x8d: {  	s2 =	sadd.s32 s2, s17  }
0x8e: {  	[smem:$0x3FBF] =	sst s2  }
0x8f: {  	_ = 	snop  }
0x90: {  	s2 =	sld [smem:$0x3FD0];
	(tm) =	ssettm $0x1  }
0x91: {  	s18 =	sld [smem:$0x3FFB];
	_ =	sdelay $0x3  }
0x92: {  	_ =	strace s18  }
0x93: {  	s3 =	sld [smem:$0x3FFC];
	_ =	sdelay $0x3  }
0x94: {  	_ =	strace s3  }
0x95: {  	s3 =	sld [smem:$0x3FFD];
	_ =	sdelay $0x3  }
0x96: {  	_ =	strace s3  }
0x97: {  	_ =	strace $0x8FFFFFFF  }
0x98: {  	s19 =	sld [smem:$0x3FDB];
	_ =	sdelay $0x1  }
0x99: {  	s4 =	simm.s32 $_scs_section_size  }
0x9a: {  	s5 =	simm.s32 $_size__tile_overlayer_lowered;
	s6 =	simm.s32 $_tile_overlayer_lowered  }
0x9b: {  	s22 =	simm.s32 $0x1BFF;
	s21 =	sshll.u32 s6, $0x1;
	s3 =	sadd.s32 s4, s19  }
0x9c: {  	s7 =	simm.s32 $0x0;
	s20 =	sshll.u32 s5, $0x1;
	s5 =	sadd.s32 s21, s3  }
0x9d: {  	[timem:s7], [sflag:s22] =	dma.local [hbm:s5], s20  }
0x9e: {  	_ =	swait.ge [sflag:s22], s20  }
0x9f: {  	s4 =	ssub.s32 $0x0, s20;
	[sflag:s22] =	ssyncset.done $0x0  }
0xa0: {  	[sflag:s22] =	ssyncadd.s32 s4;
	_ =	sdelay $0x1  }
0xa1: {  	s23 =	simm.s32 $0x1B8B  }
0xa2: {  	_ =	swait.ge [sflag:s23], $0x1  }
0xa3: {  	[sflag:s23] =	ssyncset.done $0x0  }
0xa4: {  	s25 =	simm.s32 $0x1B8E;
	s24 =	sld [smem:$0x3FFE];
	[sflag:s23] =	ssyncadd.s32 $0xFFFFFFFF  }
0xa5: {  	s26 =	simm.s32 $execute0_lowered;
	[smem:$0x3FD2] =	sst s25  }
0xa6: {  	s5 =	sshll.u32 s26, $0x1;
	_ =	strace $0x80000049;
	[dreg:$0x1] =	wrdreg $0xFFFFFFFF  }
0xa7: {  	s28 =	simm.s32 $_size_execute0_lowered;
	s3 =	sadd.s32 s3, s5;
	[dreg:$0x0] =	wrdreg $0x0  }
0xa8: {  	s5 =	sshll.u32 s28, $0x1;
	[dreg:$0x2] =	wrdreg s3  }
0xa9: {  	[dreg:$0x3] =	wrdreg s5  }
0xaa: {  	[dreg:$0x4] =	wrdreg $0xC0  }
0xab: {  	_ =	task [dreg:s7], $0x5FFFF  }
0xac: {  	[dreg:$0x1] =	wrdreg $0xFFFFFFFF  }
0xad: {  	[dreg:$0x0] =	wrdreg $0x60  }
0xae: {  	[dreg:$0x2] =	wrdreg s24  }
0xaf: {  	[dreg:$0x3] =	wrdreg s2  }
0xb0: {  	[dreg:$0x4] =	wrdreg $0x9  }
0xb1: {  	_ =	task.clear_ibuf [dreg:s7], $0x5FFFF;
	_ =	strace $0x90000049  }
0xb2: {  	s29 =	simm.s32 $0x9;
	_ =	strace $0x8000004B  }
0xb3: {  	_ =	swait.ge [sflag:s29], $0x1  }
0xb4: {  	[sflag:s29] =	ssyncadd.s32 $0xFFFFFFFF  }
0xb5: {  	_ =	strace $0x9000004B  }
0xb6: {  	_ =	sfence  }
0xb7: {  	s30 =	sld [smem:$0x0];
	_ =	sdelay $0x2  }
0xb8: {  	s31 =	sshll.u32 s1, $0xD;
	s1 =	sshrl.u32 s1, $0x2  }
0xb9: {  	s3 =	sand.u32 $0x4000, s31;
	s1 =	sadd.s32 s1, s30  }
0xba: {  	s0 =	sor.u32 s3, s0;
	s1 =	sshll.u32 s1, $0x11  }
0xbb: {  	s0 =	sor.u32 s1, s0  }
0xbc: {  	s0 =	sadd.s32 $0x8F2B, s0  }
0xbd: {  	[sflag:s0] =	ssyncadd.remote.s32 $0x1  }
0xbe: {  	_ =	sfence.sel $0xFFFF  }
0xbf: {  	[dreg:$0x0] =	wrdreg $0xFFFFFFFF;
	(pc) =	sbr.abs _section_cstart, $3  }
0xc0: {  	[dreg:$0x1] =	wrdreg $0xFFFFFFFF  }
0xc1: {  	_ =	task.clear_ibuf [dreg:s7], $0x2FFFF;
	_ =	strace $0x9FFFFFFF  }
0xc2: {  	(tm) =	ssettm $0x7FFFFFFF  }
0xc3: {  	_ =	shalt  }
tec
execute0_lowered:
.L_overlay_start_1:
0x0: {  	(tag) =	ssettag $0x1  }
0x1: {  	s1 =	srdreg.scid;
	s4 =	rddreg [dreg:$0x0]  }
0x2: {  	s0 =	stileid.u32;
	s5 =	rddreg [dreg:$0x1];
	s16 =	simm.s32 $0x900  }
0x3: {  	s17 =	simm.s32 $0x1100;
	s18 =	simm.s32 $0x1900;
	s19 =	simm.s32 $0x2100  }
0x4: {  	s20 =	simm.s32 $0x2900;
	s21 =	simm.s32 $0x3100;
	s1 =	sand.u32 $0x1, s1  }
0x5: {  	s23 =	simm.s32 $0x3900;
	s2 =	sshll.u32 s0, $0x7;
	s3 =	sshll.u32 s1, $0x6  }
0x6: {  	s24 =	simm.s32 $0x4100;
	s3 =	sor.u32 s3, s2;
	s2 =	simm.s32 $0x0  }
0x7: {  	s25 =	simm.s32 $0x4900;
	s26 =	simm.s32 $0x5100;
	[smem:$0x7FF] =	sst s2  }
0x8: {  	s9 =	simm.s32 $0x6100;
	_ =	strace $0x8000004A;
	[dreg:$0x7] =	wrdreg s16  }
0x9: {  	s10 =	simm.s32 $0x6900;
	s11 =	simm.s32 $0x7100;
	[dreg:$0x8] =	wrdreg s17  }
0xa: {  	s12 =	simm.s32 $0x7900;
	s13 =	simm.s32 $0x80;
	[dreg:$0x9] =	wrdreg s18  }
0xb: {  	s28 =	simm.s32 $0xE900;
	s29 =	simm.s32 $0xF100;
	[dreg:$0xa] =	wrdreg s19  }
0xc: {  	s30 =	simm.s32 $0xF900;
	s1 =	ssub.s32 $0x2, s1;
	[dreg:$0xb] =	wrdreg s20  }
0xd: {  	s31 =	simm.s32 $0x1;
	s22 =	sshrl.u32 s1, $0x1;
	[dreg:$0xc] =	wrdreg s21  }
0xe: {  	s6 =	sshrl.u32 s3, $0x3;
	s3 =	sshll.u32 s3, $0x6;
	[dreg:$0xd] =	wrdreg s23  }
0xf: {  	s1 =	ssub.s32 s1, s22;
	s22 =	simm.s32 $0xC100;
	[dreg:$0xe] =	wrdreg s24  }
0x10: {  	s6 =	sadd.s32 s6, s4;
	s14 =	sadd.s32 s3, s4;
	[dreg:$0xf] =	wrdreg s25  }
0x11: {  	s3 =	sadd.s32 s5, s3;
	s5 =	smax.u32 s1, $0x1;
	[dreg:$0x10] =	wrdreg s26  }
0x12: {  	s16 =	simm.s32 $0x9100;
	s17 =	simm.s32 $0x9900;
	s18 =	simm.s32 $0xA100  }
0x13: {  	s19 =	simm.s32 $0xA900;
	s20 =	simm.s32 $0xB100;
	s21 =	simm.s32 $0xB900  }
0x14: {  	s23 =	simm.s32 $0xC900;
	s24 =	simm.s32 $0xD100;
	s25 =	simm.s32 $0xD900  }
0x15: {  	s26 =	simm.s32 $0xE100;
	s7 =	sadd.s32 $0x62C00, s6;
	[dreg:$0x5] =	wrdreg s3  }
0x16: {  	s1 =	simm.s32 $0x2;
	s6 =	sadd.s32 $0x62D00, s6;
	[dreg:$0x3] =	wrdreg s7  }
0x17: {  	v2 =	vlaneseq.u32;
	s15 =	sadd.s32 $0x62E00, s14;
	s3 =	sadd.s32 $0x2600, s4;
	[dreg:$0x4] =	wrdreg s6  }
0x18: {  	vm0 =	vmmov $0xffff;
	v1 =	vshrl.u32 v2, $0x3;
	s4 =	sadd.s32 $0x2700, s4;
	s14 =	simm.s32 $0x8100;
	[dreg:$0x6] =	wrdreg s15  }
0x19: {  	v0 =	vand.u32 $0x7, v2;
	v2 =	vor.u32 $0x8, v2;
	v1 =	vmul.u32 $0x8, v1;
	s6 =	simm.s32 $0x3;
	s7 =	simm.s32 $0x100;
	s15 =	simm.s32 $0x8900  }
.LBB2_1:
0x1a: {  	s0 =	rddreg [dreg:$0x3]  }
0x1b: {  	[tilespmem:s2], [sflag:$0x3] =	stream.linear.gather [hbm4b:s0+s2], $0x40, $0x38;
	[tilespmem:$0x10100] =	vst v63  }
0x1c: {  	_ =	swait.ge [sflag:s6], $0x40  }
0x1d: {  	[sflag:s6] =	ssyncset.done $0x0  }
0x1e: {  	[sflag:s6] =	ssyncadd.s32 $0xFFFFFFC0  }
0x1f: {  	v3 =	vld [tilespmem:$0x0];
	_ =	sdelay $0x4  }
0x20: {  	v4 =	vshll.u32 v3, $0x2  }
0x21: {  	v3 =	vand.u32 $0x7, v3;
	v4 =	vand.u32 $0xFFFFFFE0, v4  }
0x22: {  	v3 =	vor.u32 v3, v4  }
0x23: {  	v4 =	vperm.xlane v3, v0;
	_ =	sdelay $0x1  }
0x24: {  	v4 =	vadd.s32 v1, v4;
	_ =	sdelay $0x1  }
0x25: {  	v3 =	vperm.xlane v3, v2;
	_ =	sdelay $0x1  }
0x26: {  	v3 =	vadd.s32 v1, v3  }
0x27: {  	[tilespmem:s7], [sflag:$0x1] =	stream.indirect_vreg.gather [hbm4b:s3+s2], $0x80, v4, vm0, $0xb8;
	[tilespmem:$0x10100] =	vst v63  }
0x28: {  	s0 =	rddreg [dreg:$0x7]  }
0x29: {  	[tilespmem:s0], [sflag:$0x1] =	stream.indirect_vreg.gather [hbm4b:s4+s2], $0x80, v4, vm0, $0xb8;
	[tilespmem:$0x10100] =	vst v63  }
0x2a: {  	s8 =	rddreg [dreg:$0x8]  }
0x2b: {  	[tilespmem:s8], [sflag:$0x1] =	stream.indirect_vreg.gather [hbm4b:s3+s2], $0x80, v3, vm0, $0xb8;
	[tilespmem:$0x10100] =	vst v63  }
0x2c: {  	s0 =	rddreg [dreg:$0x9]  }
0x2d: {  	[tilespmem:s0], [sflag:$0x1] =	stream.indirect_vreg.gather [hbm4b:s4+s2], $0x80, v3, vm0, $0xb8;
	[tilespmem:$0x10100] =	vst v63  }
0x2e: {  	v3 =	vld [tilespmem:$0x10];
	_ =	sdelay $0x4  }
0x2f: {  	v57 =	vshll.u32 v3, $0x2  }
0x30: {  	v3 =	vand.u32 $0x7, v3;
	v4 =	vand.u32 $0xFFFFFFE0, v57  }
0x31: {  	v3 =	vor.u32 v3, v4  }
0x32: {  	v4 =	vperm.xlane v3, v0;
	_ =	sdelay $0x1  }
0x33: {  	v4 =	vadd.s32 v1, v4;
	_ =	sdelay $0x1  }
0x34: {  	v3 =	vperm.xlane v3, v2;
	_ =	sdelay $0x1  }
0x35: {  	s0 =	rddreg [dreg:$0xa];
	v3 =	vadd.s32 v1, v3  }
0x36: {  	[tilespmem:s0], [sflag:$0x1] =	stream.indirect_vreg.gather [hbm4b:s3+s2], $0x80, v4, vm0, $0xb8;
	[tilespmem:$0x10100] =	vst v63  }
0x37: {  	s8 =	rddreg [dreg:$0xb]  }
0x38: {  	[tilespmem:s8], [sflag:$0x1] =	stream.indirect_vreg.gather [hbm4b:s4+s2], $0x80, v4, vm0, $0xb8;
	[tilespmem:$0x10100] =	vst v63  }
0x39: {  	s0 =	rddreg [dreg:$0xc]  }
0x3a: {  	[tilespmem:s0], [sflag:$0x1] =	stream.indirect_vreg.gather [hbm4b:s3+s2], $0x80, v3, vm0, $0xb8;
	[tilespmem:$0x10100] =	vst v63  }
0x3b: {  	s8 =	rddreg [dreg:$0xd]  }
0x3c: {  	[tilespmem:s8], [sflag:$0x1] =	stream.indirect_vreg.gather [hbm4b:s4+s2], $0x80, v3, vm0, $0xb8;
	[tilespmem:$0x10100] =	vst v63  }
0x3d: {  	v3 =	vld [tilespmem:$0x20];
	_ =	sdelay $0x4  }
0x3e: {  	v58 =	vshll.u32 v3, $0x2  }
0x3f: {  	v3 =	vand.u32 $0x7, v3;
	v4 =	vand.u32 $0xFFFFFFE0, v58  }
0x40: {  	v3 =	vor.u32 v3, v4  }
0x41: {  	v4 =	vperm.xlane v3, v0;
	_ =	sdelay $0x1  }
0x42: {  	v4 =	vadd.s32 v1, v4;
	_ =	sdelay $0x1  }
0x43: {  	v3 =	vperm.xlane v3, v2;
	_ =	sdelay $0x1  }
0x44: {  	s0 =	rddreg [dreg:$0xe];
	v3 =	vadd.s32 v1, v3  }
0x45: {  	[tilespmem:s0], [sflag:$0x1] =	stream.indirect_vreg.gather [hbm4b:s3+s2], $0x80, v4, vm0, $0xb8;
	[tilespmem:$0x10100] =	vst v63  }
0x46: {  	s8 =	rddreg [dreg:$0xf]  }
0x47: {  	[tilespmem:s8], [sflag:$0x1] =	stream.indirect_vreg.gather [hbm4b:s4+s2], $0x80, v4, vm0, $0xb8;
	[tilespmem:$0x10100] =	vst v63  }
0x48: {  	s0 =	rddreg [dreg:$0x10]  }
0x49: {  	[tilespmem:s0], [sflag:$0x1] =	stream.indirect_vreg.gather [hbm4b:s3+s2], $0x80, v3, vm0, $0xb8;
	[tilespmem:$0x10100] =	vst v63  }
0x4a: {  	s8 =	simm.s32 $0x5900  }
0x4b: {  	[tilespmem:s8], [sflag:$0x1] =	stream.indirect_vreg.gather [hbm4b:s4+s2], $0x80, v3, vm0, $0xb8;
	[tilespmem:$0x10100] =	vst v63  }
0x4c: {  	v3 =	vld [tilespmem:$0x30];
	_ =	sdelay $0x4  }
0x4d: {  	v59 =	vshll.u32 v3, $0x2  }
0x4e: {  	v3 =	vand.u32 $0x7, v3;
	v4 =	vand.u32 $0xFFFFFFE0, v59  }
0x4f: {  	v3 =	vor.u32 v3, v4  }
0x50: {  	v4 =	vperm.xlane v3, v0;
	_ =	sdelay $0x1  }
0x51: {  	v4 =	vadd.s32 v1, v4;
	_ =	sdelay $0x1  }
0x52: {  	v3 =	vperm.xlane v3, v2;
	_ =	sdelay $0x1  }
0x53: {  	v3 =	vadd.s32 v1, v3  }
0x54: {  	[tilespmem:s9], [sflag:$0x1] =	stream.indirect_vreg.gather [hbm4b:s3+s2], $0x80, v4, vm0, $0xb8;
	[tilespmem:$0x10100] =	vst v63  }
0x55: {  	_ = 	snop  }
0x56: {  	[tilespmem:s10], [sflag:$0x1] =	stream.indirect_vreg.gather [hbm4b:s4+s2], $0x80, v4, vm0, $0xb8;
	[tilespmem:$0x10100] =	vst v63  }
0x57: {  	_ = 	snop  }
0x58: {  	[tilespmem:s11], [sflag:$0x1] =	stream.indirect_vreg.gather [hbm4b:s3+s2], $0x80, v3, vm0, $0xb8;
	[tilespmem:$0x10100] =	vst v63  }
0x59: {  	_ = 	snop  }
0x5a: {  	[tilespmem:s12], [sflag:$0x1] =	stream.indirect_vreg.gather [hbm4b:s4+s2], $0x80, v3, vm0, $0xb8;
	[tilespmem:$0x10100] =	vst v63  }
0x5b: {  	s8 =	rddreg [dreg:$0x4]  }
0x5c: {  	[tilespmem:s13], [sflag:$0x3] =	stream.linear.gather [hbm4b:s8+s2], $0x40, $0x38;
	[tilespmem:$0x10100] =	vst v63  }
0x5d: {  	_ =	swait.ge [sflag:s6], $0x40  }
0x5e: {  	[sflag:s6] =	ssyncset.done $0x0  }
0x5f: {  	[sflag:s6] =	ssyncadd.s32 $0xFFFFFFC0  }
0x60: {  	v3 =	vld [tilespmem:$0x80];
	_ =	sdelay $0x4  }
0x61: {  	v60 =	vshll.u32 v3, $0x2  }
0x62: {  	v3 =	vand.u32 $0x7, v3;
	v4 =	vand.u32 $0xFFFFFFE0, v60  }
0x63: {  	v3 =	vor.u32 v3, v4  }
0x64: {  	v4 =	vperm.xlane v3, v0;
	_ =	sdelay $0x1  }
0x65: {  	v4 =	vadd.s32 v1, v4;
	_ =	sdelay $0x1  }
0x66: {  	v3 =	vperm.xlane v3, v2;
	_ =	sdelay $0x1  }
0x67: {  	v3 =	vadd.s32 v1, v3  }
0x68: {  	[tilespmem:s14], [sflag:$0x2] =	stream.indirect_vreg.gather [hbm4b:s3+s2], $0x80, v4, vm0, $0xb8;
	[tilespmem:$0x10100] =	vst v63  }
0x69: {  	_ = 	snop  }
0x6a: {  	[tilespmem:s15], [sflag:$0x2] =	stream.indirect_vreg.gather [hbm4b:s4+s2], $0x80, v4, vm0, $0xb8;
	[tilespmem:$0x10100] =	vst v63  }
0x6b: {  	_ = 	snop  }
0x6c: {  	[tilespmem:s16], [sflag:$0x2] =	stream.indirect_vreg.gather [hbm4b:s3+s2], $0x80, v3, vm0, $0xb8;
	[tilespmem:$0x10100] =	vst v63  }
0x6d: {  	_ = 	snop  }
0x6e: {  	[tilespmem:s17], [sflag:$0x2] =	stream.indirect_vreg.gather [hbm4b:s4+s2], $0x80, v3, vm0, $0xb8;
	[tilespmem:$0x10100] =	vst v63  }
0x6f: {  	v3 =	vld [tilespmem:$0x90];
	_ =	sdelay $0x4  }
0x70: {  	v61 =	vshll.u32 v3, $0x2  }
0x71: {  	v3 =	vand.u32 $0x7, v3;
	v4 =	vand.u32 $0xFFFFFFE0, v61  }
0x72: {  	v3 =	vor.u32 v3, v4  }
0x73: {  	v4 =	vperm.xlane v3, v0;
	_ =	sdelay $0x1  }
0x74: {  	v4 =	vadd.s32 v1, v4;
	_ =	sdelay $0x1  }
0x75: {  	v3 =	vperm.xlane v3, v2;
	_ =	sdelay $0x1  }
0x76: {  	v3 =	vadd.s32 v1, v3  }
0x77: {  	[tilespmem:s18], [sflag:$0x2] =	stream.indirect_vreg.gather [hbm4b:s3+s2], $0x80, v4, vm0, $0xb8;
	[tilespmem:$0x10100] =	vst v63  }
0x78: {  	_ = 	snop  }
0x79: {  	[tilespmem:s19], [sflag:$0x2] =	stream.indirect_vreg.gather [hbm4b:s4+s2], $0x80, v4, vm0, $0xb8;
	[tilespmem:$0x10100] =	vst v63  }
0x7a: {  	_ = 	snop  }
0x7b: {  	[tilespmem:s20], [sflag:$0x2] =	stream.indirect_vreg.gather [hbm4b:s3+s2], $0x80, v3, vm0, $0xb8;
	[tilespmem:$0x10100] =	vst v63  }
0x7c: {  	_ = 	snop  }
0x7d: {  	[tilespmem:s21], [sflag:$0x2] =	stream.indirect_vreg.gather [hbm4b:s4+s2], $0x80, v3, vm0, $0xb8;
	[tilespmem:$0x10100] =	vst v63  }
0x7e: {  	v3 =	vld [tilespmem:$0xA0];
	_ =	sdelay $0x4  }
0x7f: {  	v62 =	vshll.u32 v3, $0x2  }
0x80: {  	v3 =	vand.u32 $0x7, v3;
	v4 =	vand.u32 $0xFFFFFFE0, v62  }
0x81: {  	v3 =	vor.u32 v3, v4  }
0x82: {  	v4 =	vperm.xlane v3, v0;
	_ =	sdelay $0x1  }
0x83: {  	v4 =	vadd.s32 v1, v4;
	_ =	sdelay $0x1  }
0x84: {  	v3 =	vperm.xlane v3, v2;
	_ =	sdelay $0x1  }
0x85: {  	v3 =	vadd.s32 v1, v3  }
0x86: {  	[tilespmem:s22], [sflag:$0x2] =	stream.indirect_vreg.gather [hbm4b:s3+s2], $0x80, v4, vm0, $0xb8;
	[tilespmem:$0x10100] =	vst v63  }
0x87: {  	_ = 	snop  }
0x88: {  	[tilespmem:s23], [sflag:$0x2] =	stream.indirect_vreg.gather [hbm4b:s4+s2], $0x80, v4, vm0, $0xb8;
	[tilespmem:$0x10100] =	vst v63  }
0x89: {  	_ = 	snop  }
0x8a: {  	[tilespmem:s24], [sflag:$0x2] =	stream.indirect_vreg.gather [hbm4b:s3+s2], $0x80, v3, vm0, $0xb8;
	[tilespmem:$0x10100] =	vst v63  }
0x8b: {  	_ = 	snop  }
0x8c: {  	[tilespmem:s25], [sflag:$0x2] =	stream.indirect_vreg.gather [hbm4b:s4+s2], $0x80, v3, vm0, $0xb8;
	[tilespmem:$0x10100] =	vst v63  }
0x8d: {  	v3 =	vld [tilespmem:$0xB0];
	_ =	sdelay $0x4  }
0x8e: {  	v63 =	vshll.u32 v3, $0x2  }
0x8f: {  	v3 =	vand.u32 $0x7, v3;
	v4 =	vand.u32 $0xFFFFFFE0, v63  }
0x90: {  	v3 =	vor.u32 v3, v4  }
0x91: {  	v4 =	vperm.xlane v3, v0;
	_ =	sdelay $0x1  }
0x92: {  	v4 =	vadd.s32 v1, v4;
	_ =	sdelay $0x1  }
0x93: {  	v3 =	vperm.xlane v3, v2;
	_ =	sdelay $0x1  }
0x94: {  	v3 =	vadd.s32 v1, v3  }
0x95: {  	[tilespmem:s26], [sflag:$0x2] =	stream.indirect_vreg.gather [hbm4b:s3+s2], $0x80, v4, vm0, $0xb8;
	[tilespmem:$0x10100] =	vst v63  }
0x96: {  	_ = 	snop  }
0x97: {  	[tilespmem:s28], [sflag:$0x2] =	stream.indirect_vreg.gather [hbm4b:s4+s2], $0x80, v4, vm0, $0xb8;
	[tilespmem:$0x10100] =	vst v63  }
0x98: {  	_ = 	snop  }
0x99: {  	[tilespmem:s29], [sflag:$0x2] =	stream.indirect_vreg.gather [hbm4b:s3+s2], $0x80, v3, vm0, $0xb8;
	[tilespmem:$0x10100] =	vst v63  }
0x9a: {  	_ = 	snop  }
0x9b: {  	[tilespmem:s30], [sflag:$0x2] =	stream.indirect_vreg.gather [hbm4b:s4+s2], $0x80, v3, vm0, $0xb8;
	[tilespmem:$0x10100] =	vst v63  }
0x9c: {  	_ =	swait.ge [sflag:s31], $0x8000  }
0x9d: {  	[sflag:s31] =	ssyncset.done $0x0  }
0x9e: {  	s8 =	rddreg [dreg:$0x5];
	[sflag:s31] =	ssyncadd.s32 $0xFFFF8000  }
0x9f: {  	[hbm4b:s8+s2] =	stream.linear.scatter [tilespmem:s7], [sflag:$0x1], $0x8000, $0x38;
	[tilespmem:$0x10100] =	vst v63  }
0xa0: {  	_ =	swait.ge [sflag:s1], $0x8000  }
0xa1: {  	[sflag:s1] =	ssyncset.done $0x0  }
0xa2: {  	s8 =	rddreg [dreg:$0x6];
	[sflag:s1] =	ssyncadd.s32 $0xFFFF8000  }
0xa3: {  	[hbm4b:s8+s2] =	stream.linear.scatter [tilespmem:s14], [sflag:$0x2], $0x8000, $0x38;
	[tilespmem:$0x10100] =	vst v63  }
0xa4: {  	p0 =	sne.s32 s5, $0x1;
	_ =	swait.ge [sflag:s31], $0x8000  }
.Ltmp0:
0xa5: {  	[sflag:s31] =	ssyncset.done $0x0;
	(pc) =	sbr.rel @p0 .LBB2_1-.Ltmp0, $4  }
0xa6: {  	[sflag:s31] =	ssyncadd.s32 $0xFFFF8000  }
0xa7: {  	_ =	swait.ge [sflag:s1], $0x8000  }
0xa8: {  	[sflag:s1] =	ssyncset.done $0x0  }
0xa9: {  	s5 =	sadd.s32 $0xFFFFFFFF, s5;
	[sflag:s1] =	ssyncadd.s32 $0xFFFF8000  }
0xaa: {  	_ =	sfence.sel $0x180000  }
0xab: {  	[bflag:$0x0] =	sbarrier.arrive $0xFFFF  }
0xac: {  	_ =	strace $0x9000004A  }
0xad: {  	s0 =	stileid.u32;
	[bflag:$0x2] =	sbarrier.arrive $0xFFFF  }
0xae: {  	p0 =	sne.s32 s0, $0x0;
	s0 =	rddreg [dreg:$0x2]  }
0xaf: {  	s0 =	sadd.s32 @!p0 $0x100000, s0  }
0xb0: {  	[sflag:s0] =	ssyncadd.tile.s32 @!p0 $0x1;
	_ =	shalt  }
.Lfunc_end2:
_tile_overlayer_lowered:
.L_overlay_start_2:
0xb1: {  	(tag) =	ssettag $0x2  }
0xb2: {  	s0 =	rddreg [dreg:$0x0];
	s2 =	stileid.u32  }
0xb3: {  	s1 =	rddreg [dreg:$0x1];
	p0 =	sne.s32 s2, $0x0  }
0xb4: {  	s3 =	rddreg [dreg:$0x2];
	[bflag:$0x3] =	sbarrier.arrive $0xFFFF;
	s2 =	simm.s32 @!p0 $0x1C03  }
0xb5: {  	[timem:s3], [sflag:s2] =	dma.local @!p0 [hbm:s0], s1  }
0xb6: {  	s0 =	simm.s32 @!p0 $0x3  }
0xb7: {  	_ =	swait.ge @!p0 [sflag:s0], s1  }
0xb8: {  	s1 =	ssub.s32 @!p0 $0x0, s1;
	[sflag:s0] =	ssyncset.done @!p0 $0x0  }
0xb9: {  	[sflag:s0] =	ssyncadd.s32 @!p0 s1  }
0xba: {  	[bflag:$0x3] =	sbarrier.arrive $0xFFFF  }
0xbb: {  	_ =	shalt  }

// kernel: kernel.7.cloned.1.call-start
scs
__scs_entry_jumppad:
0x0: {  	(pc) =	sbr.rel $0x88, $3  }
0x1: {  	(tag) =	ssettag $0x0;
	lr =	simm.s32 $0x1  }
0x2: {  	[smem:$0x3F98] =	sst lr;
	_ =	strace $0xD0000000  }
0x3: {  	_ = 	snop  }
0x4: {  	_ = 	snop  }
0x5: {  	_ = 	snop  }
0x6: {  	_ = 	snop  }
0x7: {  	_ = 	snop  }
__scs_overlays_trampoline_lowered:
0x8: {  	[smem:$0x3FA7] =	sst s0  }
0x9: {  	[smem:$0x3FA8] =	sst s1  }
0xa: {  	[smem:$0x3FA9] =	sst s2  }
0xb: {  	[smem:$0x3FAA] =	sst s3  }
0xc: {  	[smem:$0x3FAB] =	sst s4  }
0xd: {  	[smem:$0x3FAC] =	sst s5  }
0xe: {  	[smem:$0x3FAD] =	sst s6  }
0xf: {  	[smem:$0x3FAE] =	sst s7  }
0x10: {  	[smem:$0x3FAF] =	sst s8  }
0x11: {  	[smem:$0x3FB0] =	sst s9;
	s0 =	simm.s32 @!p0 $0x0  }
0x12: {  	s1 =	sld [smem:$0x3F96];
	s0 =	simm.s32 @p0 $0x1  }
0x13: {  	[smem:$0x3FB1] =	sst s0;
	s0 =	simm.s32 @!p1 $0x0  }
0x14: {  	s2 =	sld [smem:$0x3F95];
	s0 =	simm.s32 @p1 $0x1  }
0x15: {  	[smem:$0x3FB2] =	sst s0;
	s0 =	simm.s32 @!p2 $0x0  }
0x16: {  	s3 =	sld [smem:$0x3FDB];
	s0 =	simm.s32 @p2 $0x1  }
0x17: {  	s4 =	simm.s32 $0x1BF5;
	[smem:$0x3FB4] =	sst s0  }
0x18: {  	s0 =	sld [smem:$0x3F97];
	_ =	swait.ge [sflag:s4], $0x0  }
0x19: {  	s7 =	sld [smem:$0x3F98]  }
0x1a: {  	s8 =	sadd.s32 $0xFFFFE003, lr  }
0x1b: {  	s9 =	sadd.s32 $0xFFFFFEF7, lr;
	s5 =	simm.s32 $0xFFFFFFFF;
	p2 =	slt.u32 s8, $0xFFFFF086  }
0x1c: {  	p1 =	slt.u32 s9, $0xF7A;
	s5 =	simm.s32 @!p2 $0x0  }
0x1d: {  	s5 =	simm.s32 @p1 $0x1;
	p0 =	seq.s32 s7, s2  }
0x1e: {  	s7 =	smul.u32 @!p0 $0xF7A, s2;
	p2 =	seq.s32 @!p0 s5, $0x0  }
0x1f: {  	s9 =	smul.u32 $0xF7A, s1;
	s8 =	simm.s32 @!p0 $0x1BF5;
	p2 =	por !p2, p0  }
0x20: {  	[sflag:s8] =	ssyncset.s32 @!p0 $0xFFFFF086;
	s6 =	sadd.s32 @!p0 s3, s7;
	s7 =	simm.s32 @!p0 $0x108  }
0x21: {  	s3 =	sadd.s32 s3, s9;
	s6 =	sadd.s32 @!p0 $0x88, s6;
	s7 =	simm.s32 @p2 $0x1082  }
0x22: {  	[simem:s7], [sflag:s8] =	dma.local @!p0 [hbm:s6], $0xF7A  }
0x23: {  	s9 =	sor.u32 $0xD0000000, s2;
	s6 =	simm.s32 $0x108;
	_ =	swait.ge @!p0 [sflag:s8], $0x0  }
0x24: {  	s3 =	sadd.s32 $0x88, s3;
	s6 =	simm.s32 @!p1 $0x1082;
	[sflag:s4] =	ssyncset.s32 $0xFFFFF086  }
0x25: {  	[simem:s6], [sflag:s4] =	dma.local [hbm:s3], $0xF7A  }
0x26: {  	[smem:$0x3F98] =	sst s1;
	(tag) =	ssettag s2;
	_ =	strace s9  }
0x27: {  	s1 =	sld [smem:$0x3FA8]  }
0x28: {  	s2 =	sld [smem:$0x3FA9]  }
0x29: {  	s4 =	sld [smem:$0x3FAB]  }
0x2a: {  	p0 =	seq.s32 s5, $0x0;
	s5 =	sld [smem:$0x3FAC]  }
0x2b: {  	s6 =	sld [smem:$0x3FAD]  }
0x2c: {  	s7 =	sld [smem:$0x3FAE]  }
0x2d: {  	s3 =	simm.s32 $0x108;
	s8 =	sld [smem:$0x3FAF]  }
0x2e: {  	s3 =	simm.s32 @!p0 $0x1082;
	s9 =	sld [smem:$0x3FB0]  }
0x2f: {  	lr =	sadd.s32 s0, s3;
	s0 =	sld [smem:$0x3FA7]  }
0x30: {  	s3 =	sld [smem:$0x3FAA]  }
0x31: {  	[smem:$0x3FB3] =	sst s10  }
0x32: {  	s10 =	sld [smem:$0x3FB1];
	_ =	sdelay $0x3  }
0x33: {  	p0 =	seq.s32 s10, $0x1;
	s10 =	sld [smem:$0x3FB3];
	_ =	sdelay $0x3  }
0x34: {  	[smem:$0x3FB3] =	sst s10  }
0x35: {  	s10 =	sld [smem:$0x3FB2];
	_ =	sdelay $0x3  }
0x36: {  	p1 =	seq.s32 s10, $0x1;
	s10 =	sld [smem:$0x3FB3];
	_ =	sdelay $0x3  }
0x37: {  	[smem:$0x3FB3] =	sst s10  }
0x38: {  	s10 =	sld [smem:$0x3FB4]  }
0x39: {  	_ = 	snop;
	(pc) =	sbr.ind lr, $3  }
0x3a: {  	_ = 	snop  }
0x3b: {  	_ = 	snop  }
0x3c: {  	p2 =	seq.s32 s10, $0x1;
	s10 =	sld [smem:$0x3FB3]  }
0x3d: {  	_ =	shalt  }
0x3e: {  	_ =	shalt  }
0x3f: {  	_ =	shalt  }
0x40: {  	_ =	shalt  }
0x41: {  	_ =	shalt  }
0x42: {  	_ =	shalt  }
0x43: {  	_ =	shalt  }
0x44: {  	_ =	shalt  }
0x45: {  	_ =	shalt  }
0x46: {  	_ =	shalt  }
0x47: {  	_ =	shalt  }
0x48: {  	_ =	shalt  }
0x49: {  	_ =	shalt  }
0x4a: {  	_ =	shalt  }
0x4b: {  	_ =	shalt  }
0x4c: {  	_ =	shalt  }
0x4d: {  	_ =	shalt  }
0x4e: {  	_ =	shalt  }
0x4f: {  	_ =	shalt  }
0x50: {  	_ =	shalt  }
0x51: {  	_ =	shalt  }
0x52: {  	_ =	shalt  }
0x53: {  	_ =	shalt  }
0x54: {  	_ =	shalt  }
0x55: {  	_ =	shalt  }
0x56: {  	_ =	shalt  }
0x57: {  	_ =	shalt  }
0x58: {  	_ =	shalt  }
0x59: {  	_ =	shalt  }
0x5a: {  	_ =	shalt  }
0x5b: {  	_ =	shalt  }
0x5c: {  	_ =	shalt  }
0x5d: {  	_ =	shalt  }
0x5e: {  	_ =	shalt  }
0x5f: {  	_ =	shalt  }
0x60: {  	_ =	shalt  }
0x61: {  	_ =	shalt  }
0x62: {  	_ =	shalt  }
0x63: {  	_ =	shalt  }
0x64: {  	_ =	shalt  }
0x65: {  	_ =	shalt  }
0x66: {  	_ =	shalt  }
0x67: {  	_ =	shalt  }
0x68: {  	_ =	shalt  }
0x69: {  	_ =	shalt  }
0x6a: {  	_ =	shalt  }
0x6b: {  	_ =	shalt  }
0x6c: {  	_ =	shalt  }
0x6d: {  	_ =	shalt  }
0x6e: {  	_ =	shalt  }
0x6f: {  	_ =	shalt  }
0x70: {  	_ =	shalt  }
0x71: {  	_ =	shalt  }
0x72: {  	_ =	shalt  }
0x73: {  	_ =	shalt  }
0x74: {  	_ =	shalt  }
0x75: {  	_ =	shalt  }
0x76: {  	_ =	shalt  }
0x77: {  	_ =	shalt  }
0x78: {  	_ =	shalt  }
0x79: {  	_ =	shalt  }
0x7a: {  	_ =	shalt  }
0x7b: {  	_ =	shalt  }
0x7c: {  	_ =	shalt  }
0x7d: {  	_ =	shalt  }
0x7e: {  	_ =	shalt  }
0x7f: {  	_ =	shalt  }
0x80: {  	_ =	shalt  }
0x81: {  	_ =	shalt  }
0x82: {  	_ =	shalt  }
0x83: {  	_ =	shalt  }
0x84: {  	_ =	shalt  }
0x85: {  	_ =	shalt  }
0x86: {  	_ =	shalt  }
0x87: {  	_ =	shalt  }
.Lfunc_end0:
.L_simem_size_0:
called_computation_lowered:
.L_overlay_start_0:
0x88: {  	s2 =	sld [smem:$0x3FD9]  }
0x89: {  	s3 =	sld [smem:$0x3FFE];
	_ =	sdelay $0x1  }
0x8a: {  	s1 =	srdreg.scid  }
0x8b: {  	s0 =	sand.u32 $0x1, s1  }
0x8c: {  	s17 =	sshll.u32 s0, $0xA;
	s2 =	sadd.s32 s3, s2  }
0x8d: {  	s2 =	sadd.s32 s2, s17  }
0x8e: {  	[smem:$0x3FBF] =	sst s2  }
0x8f: {  	_ = 	snop  }
0x90: {  	s2 =	sld [smem:$0x3FD0];
	(tm) =	ssettm $0x1  }
0x91: {  	s18 =	sld [smem:$0x3FFB];
	_ =	sdelay $0x3  }
0x92: {  	_ =	strace s18  }
0x93: {  	s3 =	sld [smem:$0x3FFC];
	_ =	sdelay $0x3  }
0x94: {  	_ =	strace s3  }
0x95: {  	s3 =	sld [smem:$0x3FFD];
	_ =	sdelay $0x3  }
0x96: {  	_ =	strace s3  }
0x97: {  	_ =	strace $0x8FFFFFFF  }
0x98: {  	s19 =	sld [smem:$0x3FDB];
	_ =	sdelay $0x1  }
0x99: {  	s4 =	simm.s32 $_scs_section_size  }
0x9a: {  	s5 =	simm.s32 $_size__tile_overlayer_lowered;
	s6 =	simm.s32 $_tile_overlayer_lowered  }
0x9b: {  	s22 =	simm.s32 $0x1BFF;
	s21 =	sshll.u32 s6, $0x1;
	s3 =	sadd.s32 s4, s19  }
0x9c: {  	s7 =	simm.s32 $0x0;
	s20 =	sshll.u32 s5, $0x1;
	s5 =	sadd.s32 s21, s3  }
0x9d: {  	[timem:s7], [sflag:s22] =	dma.local [hbm:s5], s20  }
0x9e: {  	_ =	swait.ge [sflag:s22], s20  }
0x9f: {  	s4 =	ssub.s32 $0x0, s20;
	[sflag:s22] =	ssyncset.done $0x0  }
0xa0: {  	[sflag:s22] =	ssyncadd.s32 s4;
	_ =	sdelay $0x1  }
0xa1: {  	s23 =	simm.s32 $0x1B8B  }
0xa2: {  	_ =	swait.ge [sflag:s23], $0x1  }
0xa3: {  	[sflag:s23] =	ssyncset.done $0x0  }
0xa4: {  	s25 =	simm.s32 $0x1B8E;
	s24 =	sld [smem:$0x3FFE];
	[sflag:s23] =	ssyncadd.s32 $0xFFFFFFFF  }
0xa5: {  	s26 =	simm.s32 $execute0_lowered;
	[smem:$0x3FD2] =	sst s25  }
0xa6: {  	s5 =	sshll.u32 s26, $0x1;
	_ =	strace $0x80000046;
	[dreg:$0x1] =	wrdreg $0xFFFFFFFF  }
0xa7: {  	s28 =	simm.s32 $_size_execute0_lowered;
	s3 =	sadd.s32 s3, s5;
	[dreg:$0x0] =	wrdreg $0x0  }
0xa8: {  	s5 =	sshll.u32 s28, $0x1;
	[dreg:$0x2] =	wrdreg s3  }
0xa9: {  	[dreg:$0x3] =	wrdreg s5  }
0xaa: {  	[dreg:$0x4] =	wrdreg $0xC0  }
0xab: {  	_ =	task [dreg:s7], $0x5FFFF  }
0xac: {  	[dreg:$0x1] =	wrdreg $0xFFFFFFFF  }
0xad: {  	[dreg:$0x0] =	wrdreg $0x60  }
0xae: {  	[dreg:$0x2] =	wrdreg s24  }
0xaf: {  	[dreg:$0x3] =	wrdreg s2  }
0xb0: {  	[dreg:$0x4] =	wrdreg $0x9  }
0xb1: {  	_ =	task.clear_ibuf [dreg:s7], $0x5FFFF;
	_ =	strace $0x90000046  }
0xb2: {  	s29 =	simm.s32 $0x9;
	_ =	strace $0x80000048  }
0xb3: {  	_ =	swait.ge [sflag:s29], $0x1  }
0xb4: {  	[sflag:s29] =	ssyncadd.s32 $0xFFFFFFFF  }
0xb5: {  	_ =	strace $0x90000048  }
0xb6: {  	_ =	sfence  }
0xb7: {  	s30 =	sld [smem:$0x0];
	_ =	sdelay $0x2  }
0xb8: {  	s31 =	sshll.u32 s1, $0xD;
	s1 =	sshrl.u32 s1, $0x2  }
0xb9: {  	s3 =	sand.u32 $0x4000, s31;
	s1 =	sadd.s32 s1, s30  }
0xba: {  	s0 =	sor.u32 s3, s0;
	s1 =	sshll.u32 s1, $0x11  }
0xbb: {  	s0 =	sor.u32 s1, s0  }
0xbc: {  	s0 =	sadd.s32 $0x8F2B, s0  }
0xbd: {  	[sflag:s0] =	ssyncadd.remote.s32 $0x1  }
0xbe: {  	_ =	sfence.sel $0xFFFF  }
0xbf: {  	[dreg:$0x0] =	wrdreg $0xFFFFFFFF;
	(pc) =	sbr.abs _section_cstart, $3  }
0xc0: {  	[dreg:$0x1] =	wrdreg $0xFFFFFFFF  }
0xc1: {  	_ =	task.clear_ibuf [dreg:s7], $0x2FFFF;
	_ =	strace $0x9FFFFFFF  }
0xc2: {  	(tm) =	ssettm $0x7FFFFFFF  }
0xc3: {  	_ =	shalt  }
tec
execute0_lowered:
.L_overlay_start_1:
0x0: {  	(tag) =	ssettag $0x1  }
0x1: {  	s0 =	rddreg [dreg:$0x0]  }
0x2: {  	s1 =	rddreg [dreg:$0x1]  }
0x3: {  	s3 =	srdreg.scid;
	s17 =	stileid.u32  }
0x4: {  	s2 =	simm.s32 $0x0;
	s4 =	sand.u32 $0x1, s3;
	s23 =	sshll.u32 s17, $0x1  }
0x5: {  	s3 =	sadd.s32 $0x2600, s0;
	s6 =	sadd.s32 $0x2A00, s0;
	s15 =	sor.u32 s4, s23  }
0x6: {  	s11 =	sadd.s32 $0x2D00, s0;
	s5 =	sshll.u32 s15, $0x4;
	p0 =	seq.s32 s15, $0x1F  }
0x7: {  	s10 =	sadd.s32 s5, s0;
	s5 =	sadd.s32 $0x2C00, s0;
	s0 =	simm.s32 @!p0 $0x0  }
0x8: {  	[smem:$0x7FF] =	sst s2;
	s0 =	simm.s32 @p0 $0x1;
	p0 =	sgt.u32 s15, $0x1C  }
0x9: {  	_ =	strace $0x80000047;
	[smem:$0x7E4] =	sst s0;
	s0 =	simm.s32 @!p0 $0x0  }
0xa: {  	s0 =	simm.s32 @p0 $0x1;
	p0 =	sgt.u32 s15, $0x1A  }
0xb: {  	[smem:$0x7E5] =	sst s0;
	s0 =	simm.s32 @!p0 $0x0  }
0xc: {  	s0 =	simm.s32 @p0 $0x1;
	p0 =	sgt.u32 s15, $0x18  }
0xd: {  	[smem:$0x7E6] =	sst s0;
	s0 =	simm.s32 @!p0 $0x0  }
0xe: {  	s0 =	simm.s32 @p0 $0x1;
	p0 =	sgt.u32 s15, $0x16  }
0xf: {  	[smem:$0x7E7] =	sst s0;
	s0 =	simm.s32 @!p0 $0x0  }
0x10: {  	s0 =	simm.s32 @p0 $0x1;
	p0 =	sgt.u32 s15, $0x14  }
0x11: {  	[smem:$0x7E8] =	sst s0;
	s0 =	simm.s32 @!p0 $0x0  }
0x12: {  	s0 =	simm.s32 @p0 $0x1;
	p0 =	sgt.u32 s15, $0x12  }
0x13: {  	[smem:$0x7E9] =	sst s0;
	s0 =	simm.s32 @!p0 $0x0  }
0x14: {  	s0 =	simm.s32 @p0 $0x1;
	p0 =	sgt.u32 s15, $0x10  }
0x15: {  	[smem:$0x7EA] =	sst s0;
	s0 =	simm.s32 @!p0 $0x0  }
0x16: {  	s0 =	simm.s32 @p0 $0x1;
	p0 =	sgt.u32 s15, $0xE  }
0x17: {  	s13 =	simm.s32 $0x380;
	[smem:$0x7EB] =	sst s0;
	s0 =	simm.s32 @!p0 $0x0  }
0x18: {  	s14 =	simm.s32 $0x8380;
	s0 =	simm.s32 @p0 $0x1;
	p0 =	sgt.u32 s15, $0xC  }
0x19: {  	s16 =	simm.s32 $0x3;
	[smem:$0x7EC] =	sst s0;
	s0 =	simm.s32 @!p0 $0x0  }
0x1a: {  	s19 =	simm.s32 $0x1;
	s0 =	simm.s32 @p0 $0x1;
	p0 =	sgt.u32 s15, $0xA  }
0x1b: {  	s20 =	simm.s32 $0x9380;
	[smem:$0x7ED] =	sst s0;
	s0 =	simm.s32 @!p0 $0x0  }
0x1c: {  	s21 =	simm.s32 $0x9B80;
	s0 =	simm.s32 @p0 $0x1;
	p0 =	sgt.u32 s15, $0x8  }
0x1d: {  	s22 =	simm.s32 $0xA380;
	[smem:$0x7EE] =	sst s0;
	s0 =	simm.s32 @!p0 $0x0  }
0x1e: {  	s28 =	simm.s32 $0xCB80;
	s0 =	simm.s32 @p0 $0x1;
	p0 =	sgt.u32 s15, $0x6  }
0x1f: {  	s29 =	simm.s32 $0xD380;
	[smem:$0x7EF] =	sst s0;
	s0 =	simm.s32 @!p0 $0x0  }
0x20: {  	s30 =	simm.s32 $0xDB80;
	s0 =	simm.s32 @p0 $0x1;
	p0 =	sgt.u32 s15, $0x4  }
0x21: {  	s31 =	simm.s32 $0xE380;
	[smem:$0x7F0] =	sst s0;
	s0 =	simm.s32 @!p0 $0x0  }
0x22: {  	p5 =	sgt.u32 s17, $0x5;
	s0 =	simm.s32 @p0 $0x1;
	p0 =	sgt.u32 s15, $0x2  }
0x23: {  	p6 =	sgt.u32 s17, $0x4;
	[smem:$0x7F1] =	sst s0;
	s0 =	simm.s32 @!p0 $0x0  }
0x24: {  	p1 =	sgt.u32 s17, $0x2;
	s0 =	simm.s32 @p0 $0x1;
	p0 =	sne.s32 s15, $0x0  }
0x25: {  	p2 =	sgt.u32 s17, $0x1;
	[smem:$0x7F2] =	sst s0;
	s0 =	simm.s32 @!p0 $0x0  }
0x26: {  	[dreg:$0x3] =	wrdreg s6;
	s0 =	simm.s32 @p0 $0x1;
	p0 =	seq.s32 s15, $0x0  }
0x27: {  	p3 =	seq.s32 s17, $0x0;
	[smem:$0x7F3] =	sst s0;
	s0 =	simm.s32 @!p0 $0x0  }
0x28: {  	s4 =	ssub.s32 $0x2, s4;
	s0 =	simm.s32 @p0 $0x1;
	p0 =	seq.s32 s17, $0xF  }
0x29: {  	s23 =	simm.s32 $0xAB80;
	[smem:$0x7F4] =	sst s0;
	s0 =	simm.s32 @!p0 $0x0  }
0x2a: {  	s24 =	sshll.u32 s15, $0xD;
	s0 =	simm.s32 @p0 $0x1;
	p0 =	sgt.u32 s17, $0xD  }
0x2b: {  	s7 =	sshrl.u32 s4, $0x1;
	[smem:$0x7F5] =	sst s0;
	s0 =	simm.s32 @!p0 $0x0  }
0x2c: {  	s25 =	sand.u32 $0x1E000, s24;
	s0 =	simm.s32 @p0 $0x1;
	p0 =	sgt.u32 s17, $0xC  }
0x2d: {  	s26 =	ssub.s32 s4, s7;
	[smem:$0x7F6] =	sst s0;
	s0 =	simm.s32 @!p0 $0x0  }
0x2e: {  	s24 =	simm.s32 $0xB380;
	s0 =	simm.s32 @p0 $0x1;
	p0 =	sgt.u32 s17, $0xB  }
0x2f: {  	s4 =	simm.s32 $0xFB80;
	[smem:$0x7F7] =	sst s0;
	s0 =	simm.s32 @!p0 $0x0  }
0x30: {  	s6 =	sadd.s32 s1, s25;
	s0 =	simm.s32 @p0 $0x1;
	p0 =	sgt.u32 s17, $0xA  }
0x31: {  	s8 =	sadd.s32 $0x2800, s10;
	[smem:$0x7F8] =	sst s0;
	s0 =	simm.s32 @!p0 $0x0  }
0x32: {  	s9 =	sadd.s32 $0x62C00, s10;
	s0 =	simm.s32 @p0 $0x1;
	p0 =	sgt.u32 s17, $0x9  }
0x33: {  	s10 =	sadd.s32 $0x62C08, s10;
	[smem:$0x7F9] =	sst s0;
	s0 =	simm.s32 @!p0 $0x0  }
0x34: {  	s12 =	smax.u32 s26, $0x1;
	s0 =	simm.s32 @p0 $0x1;
	p0 =	sgt.u32 s17, $0x8  }
0x35: {  	s25 =	simm.s32 $0xBB80;
	[smem:$0x7FA] =	sst s0;
	s0 =	simm.s32 @!p0 $0x0  }
0x36: {  	s26 =	simm.s32 $0xC380;
	s0 =	simm.s32 @p0 $0x1;
	p0 =	sgt.u32 s17, $0x7  }
.Ltmp0:
0x37: {  	vm1 =	vmmov $0x1;
	v1 =	vimm.s32 $0x0;
	[smem:$0x7FB] =	sst s0;
	s0 =	simm.s32 @!p0 $0x0;
	(pc) =	sbr.rel .LBB2_1-.Ltmp0, $4  }
0x38: {  	v2 =	vlaneseq.u32;
	v1 =	vsel vm1, $0xFFFFFFFF, v1;
	s1 =	simm.s32 $0xF380;
	s0 =	simm.s32 @p0 $0x1;
	p0 =	sgt.u32 s17, $0x6  }
0x39: {  	v3 =	vand.u32 $0x7, v2;
	[tilespmem:$0x1FFD0] =	vst v1;
	v1 =	vshrl.u32 v2, $0x3;
	s7 =	sadd.s32 $0x1000, s6;
	[smem:$0x7FC] =	sst s0;
	s0 =	simm.s32 @!p0 $0x0  }
0x3a: {  	[tilespmem:$0x1FFE0] =	vst v3;
	v44 =	vmul.u32 $0x8, v1;
	v1 =	vor.u32 $0x8, v2;
	s15 =	simm.s32 $0x80;
	s0 =	simm.s32 @p0 $0x1;
	p0 =	sgt.u32 s17, $0x3  }
0x3b: {  	vm5 =	vmmov $0xffff;
	v0 =	vimm.s32 $0x0;
	[tilespmem:$0x1FFF0] =	vst v1;
	s17 =	simm.s32 $0x2;
	[smem:$0x7FD] =	sst s0;
	s0 =	simm.s32 $0xEB80  }
.LBB2_3:
0x3c: {  	s12 =	sadd.s32 $0xFFFFFFFF, s12  }
0x3d: {  	p4 =	sne.s32 s12, $0x0  }
.Ltmp1:
0x3e: {  	_ = 	snop;
	(pc) =	sbr.rel @!p4 .LBB2_4-.Ltmp1, $1  }
0x3f: {  	_ =	sdelay $0x3  }
.LBB2_1:
0x40: {  	[tilespmem:s13], [sflag:$0x1] =	stream.linear.gather [hbm4b:s6+s2], $0x8000, $0x38;
	[tilespmem:$0x10400] =	vst v63  }
0x41: {  	_ = 	snop  }
0x42: {  	[tilespmem:s14], [sflag:$0x2] =	stream.linear.gather [hbm4b:s7+s2], $0x8000, $0x38;
	[tilespmem:$0x10400] =	vst v63  }
0x43: {  	_ = 	snop  }
0x44: {  	[tilespmem:s15], [sflag:$0x3] =	stream.linear.gather [hbm4b:s3+s2], $0x200, $0x38;
	[tilespmem:$0x10400] =	vst v63  }
0x45: {  	_ =	swait.ge [sflag:s16], $0x200  }
0x46: {  	[sflag:s16] =	ssyncset.done $0x0  }
0x47: {  	[sflag:s16] =	ssyncadd.s32 $0xFFFFFE00  }
0x48: {  	[tilespmem:s2], [sflag:$0x3] =	stream.linear.gather [hbm4b:s8+s2], $0x80, $0x38;
	[tilespmem:$0x10400] =	vst v63  }
0x49: {  	_ =	swait.ge [sflag:s16], $0x80  }
0x4a: {  	[sflag:s16] =	ssyncset.done $0x0  }
0x4b: {  	[sflag:s16] =	ssyncadd.s32 $0xFFFFFF80  }
0x4c: {  	s18 =	sld [smem:$0x7F4];
	v1 =	vld [tilespmem:$0x80]  }
0x4d: {  	v2 =	vld [tilespmem:$0xA0];
	_ =	sdelay $0x1  }
0x4e: {  	p4 =	seq.s32 s18, $0x1;
	s18 =	sld [smem:$0x7F2]  }
0x4f: {  	v5 =	vld [tilespmem:$0xC0];
	_ =	sdelay $0x1  }
0x50: {  	v6 =	vld [tilespmem:$0xE0];
	v10 =	vadd.s32 v2, v1;
	v1 =	vpsel p4, $0x0, v1;
	p4 =	seq.s32 s18, $0x1;
	s18 =	sld [smem:$0x7F1]  }
0x51: {  	v7 =	vld [tilespmem:$0x100]  }
0x52: {  	v2 =	vpsel p3, $0x0, v2  }
0x53: {  	v8 =	vld [tilespmem:$0x120];
	v1 =	vadd.s32 v1, v2;
	v2 =	vpsel !p4, $0x0, v5;
	p4 =	seq.s32 s18, $0x1;
	s18 =	sld [smem:$0x7F0]  }
0x54: {  	v9 =	vld [tilespmem:$0x140]  }
0x55: {  	v1 =	vadd.s32 v2, v1;
	v2 =	vpsel !p2, $0x0, v6  }
0x56: {  	v11 =	vld [tilespmem:$0x160];
	v1 =	vadd.s32 v2, v1;
	v2 =	vpsel !p4, $0x0, v7;
	p4 =	seq.s32 s18, $0x1;
	s18 =	sld [smem:$0x7EF]  }
0x57: {  	v12 =	vld [tilespmem:$0x180]  }
0x58: {  	v1 =	vadd.s32 v2, v1;
	v2 =	vpsel !p1, $0x0, v8  }
0x59: {  	v13 =	vld [tilespmem:$0x1A0];
	v1 =	vadd.s32 v2, v1;
	v2 =	vpsel !p4, $0x0, v9;
	p4 =	seq.s32 s18, $0x1;
	s18 =	sld [smem:$0x7EE]  }
0x5a: {  	v14 =	vld [tilespmem:$0x1C0]  }
0x5b: {  	v1 =	vadd.s32 v2, v1;
	v2 =	vpsel !p0, $0x0, v11  }
0x5c: {  	v15 =	vld [tilespmem:$0x1E0];
	v1 =	vadd.s32 v2, v1;
	v2 =	vpsel !p4, $0x0, v12;
	p4 =	seq.s32 s18, $0x1;
	s18 =	sld [smem:$0x7ED]  }
0x5d: {  	v16 =	vld [tilespmem:$0x200]  }
0x5e: {  	v1 =	vadd.s32 v2, v1;
	v2 =	vpsel !p6, $0x0, v13  }
0x5f: {  	v1 =	vadd.s32 v2, v1;
	v2 =	vpsel !p4, $0x0, v14;
	p4 =	seq.s32 s18, $0x1;
	s18 =	sld [smem:$0x7FD]  }
0x60: {  	v17 =	vld [tilespmem:$0x220]  }
0x61: {  	v1 =	vadd.s32 v2, v1;
	v2 =	vpsel !p5, $0x0, v15  }
0x62: {  	v10 =	vadd.s32 v5, v10;
	v1 =	vadd.s32 v2, v1;
	v2 =	vpsel !p4, $0x0, v16;
	p4 =	seq.s32 s18, $0x1;
	s18 =	sld [smem:$0x7EC]  }
0x63: {  	v18 =	vld [tilespmem:$0x240];
	v10 =	vadd.s32 v6, v10  }
0x64: {  	v10 =	vadd.s32 v7, v10  }
0x65: {  	v10 =	vadd.s32 v8, v10;
	v1 =	vadd.s32 v2, v1;
	v2 =	vpsel !p4, $0x0, v17;
	p4 =	seq.s32 s18, $0x1;
	s18 =	sld [smem:$0x7FC]  }
0x66: {  	v19 =	vld [tilespmem:$0x260];
	v10 =	vadd.s32 v9, v10  }
0x67: {  	v10 =	vadd.s32 v11, v10  }
0x68: {  	v10 =	vadd.s32 v12, v10;
	v1 =	vadd.s32 v2, v1;
	v2 =	vpsel !p4, $0x0, v18;
	p4 =	seq.s32 s18, $0x1;
	s18 =	sld [smem:$0x7EB]  }
0x69: {  	v20 =	vld [tilespmem:$0x90];
	v10 =	vadd.s32 v13, v10  }
0x6a: {  	v10 =	vadd.s32 v14, v10  }
0x6b: {  	v10 =	vadd.s32 v15, v10;
	v1 =	vadd.s32 v2, v1;
	v2 =	vpsel !p4, $0x0, v19;
	p4 =	seq.s32 s18, $0x1;
	s18 =	sld [smem:$0x7FB]  }
0x6c: {  	v49 =	vld [tilespmem:$0xB0];
	v10 =	vadd.s32 v16, v10  }
0x6d: {  	v50 =	vld [tilespmem:$0xD0];
	v10 =	vadd.s32 v17, v10  }
0x6e: {  	v51 =	vld [tilespmem:$0xF0];
	v10 =	vadd.s32 v18, v10;
	v1 =	vadd.s32 v2, v1;
	v2 =	vpsel !p4, $0x0, v20;
	p4 =	seq.s32 s18, $0x1;
	s18 =	sld [smem:$0x7EA]  }
0x6f: {  	v52 =	vld [tilespmem:$0x110];
	v10 =	vadd.s32 v19, v10  }
0x70: {  	v53 =	vld [tilespmem:$0x130];
	v10 =	vadd.s32 v20, v10  }
0x71: {  	v54 =	vld [tilespmem:$0x150];
	v10 =	vadd.s32 v49, v10;
	v1 =	vadd.s32 v2, v1;
	v2 =	vpsel !p4, $0x0, v49;
	p4 =	seq.s32 s18, $0x1;
	s18 =	sld [smem:$0x7FA]  }
0x72: {  	v55 =	vld [tilespmem:$0x170];
	v10 =	vadd.s32 v50, v10  }
0x73: {  	v56 =	vld [tilespmem:$0x190];
	v10 =	vadd.s32 v51, v10  }
0x74: {  	v57 =	vld [tilespmem:$0x1B0];
	v10 =	vadd.s32 v52, v10;
	v1 =	vadd.s32 v2, v1;
	v2 =	vpsel !p4, $0x0, v50;
	p4 =	seq.s32 s18, $0x1;
	s18 =	sld [smem:$0x7E9]  }
0x75: {  	v58 =	vld [tilespmem:$0x1D0];
	v10 =	vadd.s32 v53, v10  }
0x76: {  	v59 =	vld [tilespmem:$0x1F0];
	v10 =	vadd.s32 v54, v10  }
0x77: {  	v60 =	vld [tilespmem:$0x210];
	v10 =	vadd.s32 v55, v10;
	v1 =	vadd.s32 v2, v1;
	v2 =	vpsel !p4, $0x0, v51;
	p4 =	seq.s32 s18, $0x1;
	s18 =	sld [smem:$0x7F9]  }
0x78: {  	v61 =	vld [tilespmem:$0x230];
	v10 =	vadd.s32 v56, v10  }
0x79: {  	v62 =	vld [tilespmem:$0x250];
	v10 =	vadd.s32 v57, v10  }
0x7a: {  	v63 =	vld [tilespmem:$0x270];
	v10 =	vadd.s32 v58, v10;
	v1 =	vadd.s32 v2, v1;
	v2 =	vpsel !p4, $0x0, v52;
	p4 =	seq.s32 s18, $0x1;
	s18 =	sld [smem:$0x7E8]  }
0x7b: {  	v21 =	vadd.s32 v59, v10  }
0x7c: {  	v5 =	vadd.s32 v60, v21  }
0x7d: {  	v5 =	vadd.s32 v61, v5;
	v1 =	vadd.s32 v2, v1;
	v2 =	vpsel !p4, $0x0, v53;
	p4 =	seq.s32 s18, $0x1;
	s18 =	sld [smem:$0x7F8]  }
0x7e: {  	v5 =	vadd.s32 v62, v5  }
0x7f: {  	v5 =	vadd.s32 v63, v5  }
0x80: {  	v5 =	vadd.s32 $0xFF, v5;
	v1 =	vadd.s32 v2, v1;
	v2 =	vpsel !p4, $0x0, v54;
	p4 =	seq.s32 s18, $0x1;
	s18 =	sld [smem:$0x7E7]  }
0x81: {  	v5 =	vand.u32 $0xFFFFFF00, v5  }
0x82: {  	(xrf0) =	vadd.scan.msk.s32 $0xffff, v5  }
0x83: {  	v1 =	vadd.s32 v2, v1;
	v2 =	vpsel !p4, $0x0, v55;
	p4 =	seq.s32 s18, $0x1;
	s18 =	sld [smem:$0x7F7];
	_ =	sdelay $0x2  }
0x84: {  	v1 =	vadd.s32 v2, v1;
	v2 =	vpsel !p4, $0x0, v56;
	p4 =	seq.s32 s18, $0x1;
	s18 =	sld [smem:$0x7E6];
	_ =	sdelay $0x2  }
0x85: {  	v1 =	vadd.s32 v2, v1;
	v2 =	vpsel !p4, $0x0, v57;
	p4 =	seq.s32 s18, $0x1;
	s18 =	sld [smem:$0x7F6];
	_ =	sdelay $0x2  }
0x86: {  	v1 =	vadd.s32 v2, v1;
	v2 =	vpsel !p4, $0x0, v58;
	p4 =	seq.s32 s18, $0x1;
	s18 =	sld [smem:$0x7E5];
	_ =	sdelay $0x2  }
0x87: {  	v1 =	vadd.s32 v2, v1;
	v2 =	vpsel !p4, $0x0, v59;
	p4 =	seq.s32 s18, $0x1;
	s18 =	sld [smem:$0x7F5];
	_ =	sdelay $0x2  }
0x88: {  	v22 =	vld [tilespmem:$0x0];
	v1 =	vadd.s32 v2, v1;
	v2 =	vpsel !p4, $0x0, v60;
	p4 =	seq.s32 s18, $0x1;
	s18 =	sld [smem:$0x7E4];
	_ =	sdelay $0x2  }
0x89: {  	v1 =	vadd.s32 v2, v1;
	v2 =	vpsel !p4, $0x0, v61;
	p4 =	seq.s32 s18, $0x1  }
0x8a: {  	v3, _, _ =	vpop (xrf0);
	v1 =	vadd.s32 v2, v1;
	v2 =	vpsel !p4, $0x0, v62  }
0x8b: {  	vm1 =	veq.s32 v22, $0x0;
	v1 =	vadd.s32 v2, v1;
	v2 =	vsub.s32 v3, v5  }
0x8c: {  	v1 =	vadd.s32 v2, v1;
	v2 =	vsel vm1, $0x1, v0  }
0x8d: {  	(xrf0) =	vadd.scan.msk.s32 $0xffff, v2;
	v2 =	vld [tilespmem:$0x1FFD0];
	_ =	sdelay $0x4  }
0x8e: {  	vm3 =	vnez.u8 v2  }
0x8f: {  	vm8 =	veq.s32 v22, $0x1;
	v2 =	vnsel vm3, $0x0, v1  }
0x90: {  	(xrf0) =	vadd.scan.msk.s32 $0xffff, v2;
	v2 =	vsel vm8, $0x1, v0  }
0x91: {  	(xrf0) =	vadd.scan.msk.s32 $0xffff, v2;
	_ =	sdelay $0x3  }
0x92: {  	v12, _, _ =	vpop (xrf0)  }
0x93: {  	v2 =	vbroadcast v12, $0xF;
	v42, _, _ =	vpop (xrf0)  }
0x94: {  	v11, _, _ =	vpop (xrf0)  }
0x95: {  	vm12 =	vcmask $0x308;
	v2 =	vnsel vm3, $0x0, v2;
	v23 =	vbroadcast v11, $0xF  }
0x96: {  	vm13 =	vcmask $0x704;
	vm11 =	vcmask $0x70C;
	v1 =	vadd.s32 v2, v1  }
0x97: {  	vm9 =	veq.s32 v22, $0x2;
	v2 =	vsel vm12, $0x0, v1;
	v5 =	vnsel vm13, $0x0, v23  }
0x98: {  	[tilespmem:$0x1FAB0] =	vst v3;
	(xrf0) =	vadd.scan.msk.s32 $0xffff, v2;
	v2 =	vsel vm9, $0x1, v0;
	v1 =	vadd.s32 v5, v1  }
0x99: {  	vm10 =	veq.s32 v22, $0x3;
	v3 =	vimm.s32 $0x0;
	(xrf0) =	vadd.scan.msk.s32 $0xffff, v2;
	v2 =	vsel vm11, $0x0, v1  }
0x9a: {  	v3 =	vsel vm1, $0xFFFFFFFF, v3;
	(xrf0) =	vadd.scan.msk.s32 $0xffff, v2;
	v2 =	vsel vm10, $0x1, v0  }
0x9b: {  	[tilespmem:$0x1FAD0] =	vst v3;
	v3 =	vimm.s32 $0x0;
	(xrf0) =	vadd.scan.msk.s32 $0xffff, v2  }
0x9c: {  	v3 =	vsel vm8, $0xFFFFFFFF, v3  }
0x9d: {  	[tilespmem:$0x1FB00] =	vst v3;
	v3 =	vimm.s32 $0x0  }
0x9e: {  	v3 =	vsel vm9, $0xFFFFFFFF, v3;
	v2, _, _ =	vpop (xrf0)  }
0x9f: {  	[tilespmem:$0x1FB10] =	vst v3;
	v16, _, _ =	vpop (xrf0)  }
0xa0: {  	v3 =	vimm.s32 $0x0;
	[tilespmem:$0x1FAC0] =	vst v2;
	v2 =	vbroadcast v16, $0xF;
	v45, _, _ =	vpop (xrf0)  }
0xa1: {  	v3 =	vsel vm10, $0xFFFFFFFF, v3;
	vm10 =	vcmask $0xB08;
	v41, _, _ =	vpop (xrf0)  }
0xa2: {  	v2 =	vnsel vm10, $0x0, v2;
	v24 =	vbroadcast v41, $0xF  }
0xa3: {  	vm8 =	vcmask $0xB10;
	vm9 =	vcmask $0xF0C;
	v1 =	vadd.s32 v2, v1  }
0xa4: {  	vm14 =	veq.s32 v22, $0x4;
	v2 =	vsel vm8, $0x0, v1;
	v5 =	vnsel vm9, $0x0, v24  }
0xa5: {  	vm7 =	vcmask $0xF14;
	(xrf0) =	vadd.scan.msk.s32 $0xffff, v2;
	v2 =	vsel vm14, $0x1, v0;
	v1 =	vadd.s32 v5, v1  }
0xa6: {  	(xrf0) =	vadd.scan.msk.s32 $0xffff, v2;
	v2 =	vsel vm7, $0x0, v1  }
0xa7: {  	vm15 =	veq.s32 v22, $0x5;
	(xrf0) =	vadd.scan.msk.s32 $0xffff, v2  }
0xa8: {  	v2 =	vsel vm15, $0x1, v0  }
0xa9: {  	(xrf0) =	vadd.scan.msk.s32 $0xffff, v2;
	_ =	sdelay $0x1  }
0xaa: {  	v2, _, _ =	vpop (xrf0)  }
0xab: {  	[tilespmem:$0x1FB30] =	vst v3;
	v19, _, _ =	vpop (xrf0)  }
0xac: {  	v3 =	vimm.s32 $0x0;
	[tilespmem:$0x1FAE0] =	vst v2;
	v2, _, _ =	vpop (xrf0)  }
0xad: {  	vm6 =	vcmask $0x1310;
	v3 =	vsel vm14, $0xFFFFFFFF, v3;
	[tilespmem:$0x1FB20] =	vst v2;
	v2 =	vbroadcast v19, $0xF  }
0xae: {  	vm4 =	vcmask $0x1318;
	vm0 =	vcmask $0x1714;
	[tilespmem:$0x1FB80] =	vst v3;
	v3 =	vimm.s32 $0x0;
	v17, _, _ =	vpop (xrf0)  }
0xaf: {  	v3 =	vsel vm15, $0xFFFFFFFF, v3;
	v25 =	vbroadcast v17, $0xF;
	v2 =	vnsel vm6, $0x0, v2  }
0xb0: {  	[tilespmem:$0x1FBC0] =	vst v3;
	v3 =	vimm.s32 $0x0;
	vm14 =	veq.s32 v22, $0x6;
	v1 =	vadd.s32 v2, v1  }
0xb1: {  	v3 =	vsel vm14, $0xFFFFFFFF, v3;
	v5 =	vnsel vm0, $0x0, v25;
	v2 =	vsel vm4, $0x0, v1  }
0xb2: {  	v1 =	vadd.s32 v5, v1;
	(xrf0) =	vadd.scan.msk.s32 $0xffff, v2;
	v2 =	vsel vm14, $0x1, v0;
	vm14 =	vcmask $0x171C  }
0xb3: {  	vm15 =	veq.s32 v22, $0x7;
	(xrf0) =	vadd.scan.msk.s32 $0xffff, v2;
	v2 =	vsel vm14, $0x0, v1  }
0xb4: {  	(xrf0) =	vadd.scan.msk.s32 $0xffff, v2;
	v2 =	vsel vm15, $0x1, v0  }
0xb5: {  	(xrf0) =	vadd.scan.msk.s32 $0xffff, v2  }
0xb6: {  	[tilespmem:$0x1FC00] =	vst v3;
	v3 =	vimm.s32 $0x0  }
0xb7: {  	v3 =	vsel vm15, $0xFFFFFFFF, v3  }
0xb8: {  	v2, _, _ =	vpop (xrf0)  }
0xb9: {  	[tilespmem:$0x1FB60] =	vst v2;
	v13, _, _ =	vpop (xrf0);
	v2 =	vld [tilespmem:$0x10]  }
0xba: {  	[tilespmem:$0x1FCE0] =	vst v3;
	v3, _, _ =	vpop (xrf0);
	v26 =	vbroadcast v13, $0xF  }
0xbb: {  	vm15 =	vcmask $0x1B18;
	v21, _, _ =	vpop (xrf0)  }
0xbc: {  	v5 =	vnsel vm15, $0x0, v26;
	v27 =	vbroadcast v21, $0xF  }
0xbd: {  	vm2 =	vcmask $0x1B20;
	vm15 =	vcmask $0x1F1C;
	v1 =	vadd.s32 v5, v1  }
0xbe: {  	[tilespmem:$0x1FBA0] =	vst v3;
	v5 =	vsel vm2, $0x0, v1;
	v6 =	vnsel vm15, $0x0, v27;
	vm1 =	veq.s32 v2, $0x0  }
0xbf: {  	v3 =	vimm.s32 $0x0;
	(xrf0) =	vadd.scan.msk.s32 $0xffff, v5;
	v1 =	vadd.s32 v6, v1;
	v28 =	vsel vm1, $0x1, v0  }
0xc0: {  	v3 =	vsel vm1, $0xFFFFFFFF, v3;
	vm1 =	veq.s32 v2, $0x1;
	(xrf0) =	vadd.scan.msk.s32 $0xffff, v28;
	v29 =	vnsel vm3, $0x0, v1  }
0xc1: {  	[tilespmem:$0x1FB40] =	vst v3;
	v3 =	vimm.s32 $0x0;
	v30 =	vsel vm1, $0x1, v0;
	(xrf0) =	vadd.scan.msk.s32 $0xffff, v29  }
0xc2: {  	v3 =	vsel vm1, $0xFFFFFFFF, v3;
	(xrf0) =	vadd.scan.msk.s32 $0xffff, v30;
	_ =	sdelay $0x2  }
0xc3: {  	[tilespmem:$0x1FB90] =	vst v3;
	v3, _, _ =	vpop (xrf0)  }
0xc4: {  	v39, _, _ =	vpop (xrf0)  }
0xc5: {  	[tilespmem:$0x1FC80] =	vst v3;
	v3, _, _ =	vpop (xrf0);
	v31 =	vbroadcast v39, $0xF  }
0xc6: {  	v33, _, _ =	vpop (xrf0)  }
0xc7: {  	v5 =	vnsel vm3, $0x0, v31;
	v36 =	vbroadcast v33, $0xF  }
0xc8: {  	vm1 =	veq.s32 v2, $0x2;
	v1 =	vadd.s32 v5, v1  }
0xc9: {  	v37 =	vsel vm1, $0x1, v0;
	v5 =	vsel vm12, $0x0, v1;
	v6 =	vnsel vm13, $0x0, v36  }
0xca: {  	[tilespmem:$0x1FAF0] =	vst v3;
	v3 =	vimm.s32 $0x0;
	(xrf0) =	vadd.scan.msk.s32 $0xffff, v5;
	v1 =	vadd.s32 v6, v1  }
0xcb: {  	v3 =	vsel vm1, $0xFFFFFFFF, v3;
	vm1 =	veq.s32 v2, $0x3;
	(xrf0) =	vadd.scan.msk.s32 $0xffff, v37;
	v38 =	vsel vm11, $0x0, v1  }
0xcc: {  	[tilespmem:$0x1FBD0] =	vst v3;
	v3 =	vimm.s32 $0x0;
	v40 =	vsel vm1, $0x1, v0;
	(xrf0) =	vadd.scan.msk.s32 $0xffff, v38  }
0xcd: {  	v3 =	vsel vm1, $0xFFFFFFFF, v3;
	(xrf0) =	vadd.scan.msk.s32 $0xffff, v40;
	_ =	sdelay $0x2  }
0xce: {  	[tilespmem:$0x1FC10] =	vst v3;
	v3, _, _ =	vpop (xrf0)  }
0xcf: {  	v32, _, _ =	vpop (xrf0)  }
0xd0: {  	[tilespmem:$0x1FB50] =	vst v3;
	v3, _, _ =	vpop (xrf0);
	v43 =	vbroadcast v32, $0xF  }
0xd1: {  	v30, _, _ =	vpop (xrf0)  }
0xd2: {  	v5 =	vnsel vm10, $0x0, v43;
	v46 =	vbroadcast v30, $0xF  }
0xd3: {  	vm1 =	veq.s32 v2, $0x4;
	v1 =	vadd.s32 v5, v1  }
0xd4: {  	v47 =	vsel vm1, $0x1, v0;
	v5 =	vsel vm8, $0x0, v1;
	v6 =	vnsel vm9, $0x0, v46  }
0xd5: {  	[tilespmem:$0x1FB70] =	vst v3;
	v3 =	vimm.s32 $0x0;
	(xrf0) =	vadd.scan.msk.s32 $0xffff, v5;
	v1 =	vadd.s32 v6, v1  }
0xd6: {  	v3 =	vsel vm1, $0xFFFFFFFF, v3;
	vm1 =	veq.s32 v2, $0x5;
	(xrf0) =	vadd.scan.msk.s32 $0xffff, v47;
	v48 =	vsel vm7, $0x0, v1  }
0xd7: {  	[tilespmem:$0x1FC60] =	vst v3;
	v3 =	vimm.s32 $0x0;
	v49 =	vsel vm1, $0x1, v0;
	(xrf0) =	vadd.scan.msk.s32 $0xffff, v48  }
0xd8: {  	v3 =	vsel vm1, $0xFFFFFFFF, v3;
	(xrf0) =	vadd.scan.msk.s32 $0xffff, v49;
	_ =	sdelay $0x2  }
0xd9: {  	[tilespmem:$0x1FCB0] =	vst v3;
	v3, _, _ =	vpop (xrf0)  }
0xda: {  	v31, _, _ =	vpop (xrf0)  }
0xdb: {  	[tilespmem:$0x1FBB0] =	vst v3;
	v3, _, _ =	vpop (xrf0)  }
0xdc: {  	v50 =	vbroadcast v31, $0xF;
	v24, _, _ =	vpop (xrf0)  }
0xdd: {  	vm1 =	veq.s32 v2, $0x6;
	v51 =	vbroadcast v24, $0xF  }
0xde: {  	v52 =	vsel vm1, $0x1, v0;
	[tilespmem:$0x1FBF0] =	vst v3;
	v3 =	vimm.s32 $0x0;
	v5 =	vnsel vm6, $0x0, v50  }
0xdf: {  	v3 =	vsel vm1, $0xFFFFFFFF, v3;
	v1 =	vadd.s32 v5, v1;
	v6 =	vnsel vm0, $0x0, v51  }
0xe0: {  	vm1 =	vmmov vm14;
	v5 =	vsel vm4, $0x0, v1;
	v1 =	vadd.s32 v6, v1  }
0xe1: {  	(xrf0) =	vadd.scan.msk.s32 $0xffff, v5;
	v53 =	vsel vm14, $0x0, v1;
	vm14 =	veq.s32 v2, $0x7;
	v2 =	vimm.s32 $0x0  }
0xe2: {  	(xrf0) =	vadd.scan.msk.s32 $0xffff, v52;
	v2 =	vsel vm14, $0xFFFFFFFF, v2  }
0xe3: {  	(xrf0) =	vadd.scan.msk.s32 $0xffff, v53;
	[tilespmem:$0x1FE30] =	vst v2;
	v2 =	vsel vm14, $0x1, v0  }
0xe4: {  	(xrf0) =	vadd.scan.msk.s32 $0xffff, v2;
	_ =	sdelay $0x2  }
0xe5: {  	v2, _, _ =	vpop (xrf0)  }
0xe6: {  	[tilespmem:$0x1FC30] =	vst v2;
	v25, _, _ =	vpop (xrf0);
	v2 =	vld [tilespmem:$0x20]  }
0xe7: {  	[tilespmem:$0x1FCF0] =	vst v3;
	v3, _, _ =	vpop (xrf0);
	v54 =	vbroadcast v25, $0xF  }
0xe8: {  	vm14 =	vcmask $0x1B18;
	v22, _, _ =	vpop (xrf0)  }
0xe9: {  	v5 =	vnsel vm14, $0x0, v54;
	v55 =	vbroadcast v22, $0xF  }
0xea: {  	v1 =	vadd.s32 v5, v1  }
0xeb: {  	[tilespmem:$0x1FC90] =	vst v3;
	v5 =	vsel vm2, $0x0, v1;
	v6 =	vnsel vm15, $0x0, v55;
	vm15 =	veq.s32 v2, $0x0  }
0xec: {  	v3 =	vimm.s32 $0x0;
	(xrf0) =	vadd.scan.msk.s32 $0xffff, v5;
	v1 =	vadd.s32 v6, v1;
	v56 =	vsel vm15, $0x1, v0  }
0xed: {  	v3 =	vsel vm15, $0xFFFFFFFF, v3;
	vm15 =	veq.s32 v2, $0x1;
	(xrf0) =	vadd.scan.msk.s32 $0xffff, v56;
	v57 =	vnsel vm3, $0x0, v1  }
0xee: {  	[tilespmem:$0x1FC20] =	vst v3;
	v3 =	vimm.s32 $0x0;
	v58 =	vsel vm15, $0x1, v0;
	(xrf0) =	vadd.scan.msk.s32 $0xffff, v57  }
0xef: {  	v3 =	vsel vm15, $0xFFFFFFFF, v3;
	(xrf0) =	vadd.scan.msk.s32 $0xffff, v58;
	_ =	sdelay $0x2  }
0xf0: {  	[tilespmem:$0x1FC70] =	vst v3;
	v3, _, _ =	vpop (xrf0)  }
0xf1: {  	v51, _, _ =	vpop (xrf0)  }
0xf2: {  	[tilespmem:$0x1FDD0] =	vst v3;
	v3, _, _ =	vpop (xrf0);
	v59 =	vbroadcast v51, $0xF  }
0xf3: {  	v8, _, _ =	vpop (xrf0)  }
0xf4: {  	v5 =	vnsel vm3, $0x0, v59;
	v60 =	vbroadcast v8, $0xF  }
0xf5: {  	vm15 =	veq.s32 v2, $0x2;
	v1 =	vadd.s32 v5, v1  }
0xf6: {  	v61 =	vsel vm15, $0x1, v0;
	v5 =	vsel vm12, $0x0, v1;
	v6 =	vnsel vm13, $0x0, v60  }
0xf7: {  	[tilespmem:$0x1FBE0] =	vst v3;
	v3 =	vimm.s32 $0x0;
	(xrf0) =	vadd.scan.msk.s32 $0xffff, v5;
	v1 =	vadd.s32 v6, v1  }
0xf8: {  	v3 =	vsel vm15, $0xFFFFFFFF, v3;
	vm15 =	veq.s32 v2, $0x3;
	(xrf0) =	vadd.scan.msk.s32 $0xffff, v61;
	v62 =	vsel vm11, $0x0, v1  }
0xf9: {  	[tilespmem:$0x1FCC0] =	vst v3;
	v3 =	vimm.s32 $0x0;
	v63 =	vsel vm15, $0x1, v0;
	(xrf0) =	vadd.scan.msk.s32 $0xffff, v62  }
0xfa: {  	v3 =	vsel vm15, $0xFFFFFFFF, v3;
	(xrf0) =	vadd.scan.msk.s32 $0xffff, v63;
	_ =	sdelay $0x2  }
0xfb: {  	[tilespmem:$0x1FD00] =	vst v3;
	v3, _, _ =	vpop (xrf0)  }
0xfc: {  	v47, _, _ =	vpop (xrf0)  }
0xfd: {  	[tilespmem:$0x1FC40] =	vst v3;
	v3, _, _ =	vpop (xrf0);
	v9 =	vbroadcast v47, $0xF  }
0xfe: {  	v14, _, _ =	vpop (xrf0)  }
0xff: {  	v5 =	vnsel vm10, $0x0, v9;
	v10 =	vbroadcast v14, $0xF  }
0x100: {  	vm15 =	veq.s32 v2, $0x4;
	v1 =	vadd.s32 v5, v1  }
0x101: {  	v15 =	vsel vm15, $0x1, v0;
	v5 =	vsel vm8, $0x0, v1;
	v6 =	vnsel vm9, $0x0, v10  }
0x102: {  	[tilespmem:$0x1FC50] =	vst v3;
	v3 =	vimm.s32 $0x0;
	(xrf0) =	vadd.scan.msk.s32 $0xffff, v5;
	v1 =	vadd.s32 v6, v1  }
0x103: {  	v3 =	vsel vm15, $0xFFFFFFFF, v3;
	vm15 =	veq.s32 v2, $0x5;
	(xrf0) =	vadd.scan.msk.s32 $0xffff, v15;
	v18 =	vsel vm7, $0x0, v1  }
0x104: {  	[tilespmem:$0x1FD10] =	vst v3;
	v3 =	vimm.s32 $0x0;
	v20 =	vsel vm15, $0x1, v0;
	(xrf0) =	vadd.scan.msk.s32 $0xffff, v18  }
0x105: {  	v3 =	vsel vm15, $0xFFFFFFFF, v3;
	(xrf0) =	vadd.scan.msk.s32 $0xffff, v20;
	_ =	sdelay $0x2  }
0x106: {  	[tilespmem:$0x1FD60] =	vst v3;
	v3, _, _ =	vpop (xrf0)  }
0x107: {  	v46, _, _ =	vpop (xrf0)  }
0x108: {  	[tilespmem:$0x1FCA0] =	vst v3;
	v3, _, _ =	vpop (xrf0)  }
0x109: {  	v23 =	vbroadcast v46, $0xF;
	v38, _, _ =	vpop (xrf0)  }
0x10a: {  	v26 =	vbroadcast v38, $0xF  }
0x10b: {  	[tilespmem:$0x1FCD0] =	vst v3;
	v3 =	vimm.s32 $0x0;
	v5 =	vnsel vm6, $0x0, v23  }
0x10c: {  	v1 =	vadd.s32 v5, v1;
	v6 =	vnsel vm0, $0x0, v26;
	vm0 =	veq.s32 v2, $0x6  }
0x10d: {  	v5 =	vsel vm4, $0x0, v1;
	v3 =	vsel vm0, $0xFFFFFFFF, v3;
	v1 =	vadd.s32 v6, v1  }
0x10e: {  	(xrf0) =	vadd.scan.msk.s32 $0xffff, v5;
	v27 =	vsel vm0, $0x1, v0;
	vm0 =	veq.s32 v2, $0x7;
	v2 =	vimm.s32 $0x0  }
0x10f: {  	(xrf0) =	vadd.scan.msk.s32 $0xffff, v27;
	v28 =	vsel vm1, $0x0, v1;
	v2 =	vsel vm0, $0xFFFFFFFF, v2  }
0x110: {  	[tilespmem:$0x1FE40] =	vst v2;
	(xrf0) =	vadd.scan.msk.s32 $0xffff, v28;
	v2 =	vsel vm0, $0x1, v0  }
0x111: {  	(xrf0) =	vadd.scan.msk.s32 $0xffff, v2;
	_ =	sdelay $0x2  }
0x112: {  	v2, _, _ =	vpop (xrf0)  }
0x113: {  	[tilespmem:$0x1FD20] =	vst v2;
	v10, _, _ =	vpop (xrf0);
	v2 =	vld [tilespmem:$0x30]  }
0x114: {  	[tilespmem:$0x1FD90] =	vst v3;
	v3, _, _ =	vpop (xrf0);
	v29 =	vbroadcast v10, $0xF  }
0x115: {  	v26, _, _ =	vpop (xrf0)  }
0x116: {  	v5 =	vnsel vm14, $0x0, v29;
	v34 =	vbroadcast v26, $0xF  }
0x117: {  	vm0 =	vcmask $0x1F1C;
	v1 =	vadd.s32 v5, v1  }
0x118: {  	[tilespmem:$0x1FD40] =	vst v3;
	v5 =	vsel vm2, $0x0, v1;
	v6 =	vnsel vm0, $0x0, v34;
	vm1 =	veq.s32 v2, $0x0  }
0x119: {  	v3 =	vimm.s32 $0x0;
	(xrf0) =	vadd.scan.msk.s32 $0xffff, v5;
	v1 =	vadd.s32 v6, v1;
	v35 =	vsel vm1, $0x1, v0  }
0x11a: {  	v3 =	vsel vm1, $0xFFFFFFFF, v3;
	vm1 =	veq.s32 v2, $0x1;
	(xrf0) =	vadd.scan.msk.s32 $0xffff, v35;
	v36 =	vnsel vm3, $0x0, v1  }
0x11b: {  	[tilespmem:$0x1FD70] =	vst v3;
	v3 =	vimm.s32 $0x0;
	v37 =	vsel vm1, $0x1, v0;
	(xrf0) =	vadd.scan.msk.s32 $0xffff, v36  }
0x11c: {  	v3 =	vsel vm1, $0xFFFFFFFF, v3;
	(xrf0) =	vadd.scan.msk.s32 $0xffff, v37;
	_ =	sdelay $0x2  }
0x11d: {  	[tilespmem:$0x1FDA0] =	vst v3;
	v3, _, _ =	vpop (xrf0)  }
0x11e: {  	v56, _, _ =	vpop (xrf0)  }
0x11f: {  	[tilespmem:$0x1FDE0] =	vst v3;
	v3, _, _ =	vpop (xrf0);
	v40 =	vbroadcast v56, $0xF  }
0x120: {  	v53, _, _ =	vpop (xrf0)  }
0x121: {  	v5 =	vnsel vm3, $0x0, v40;
	v43 =	vbroadcast v53, $0xF  }
0x122: {  	vm1 =	veq.s32 v2, $0x2;
	v1 =	vadd.s32 v5, v1  }
0x123: {  	v48 =	vsel vm1, $0x1, v0;
	v5 =	vsel vm12, $0x0, v1;
	v6 =	vnsel vm13, $0x0, v43  }
0x124: {  	[tilespmem:$0x1FD30] =	vst v3;
	v3 =	vimm.s32 $0x0;
	(xrf0) =	vadd.scan.msk.s32 $0xffff, v5;
	v1 =	vadd.s32 v6, v1  }
0x125: {  	v3 =	vsel vm1, $0xFFFFFFFF, v3;
	vm1 =	veq.s32 v2, $0x3;
	(xrf0) =	vadd.scan.msk.s32 $0xffff, v48;
	v49 =	vsel vm11, $0x0, v1  }
0x126: {  	[tilespmem:$0x1FDB0] =	vst v3;
	v3 =	vimm.s32 $0x0;
	v50 =	vsel vm1, $0x1, v0;
	(xrf0) =	vadd.scan.msk.s32 $0xffff, v49  }
0x127: {  	v3 =	vsel vm1, $0xFFFFFFFF, v3;
	(xrf0) =	vadd.scan.msk.s32 $0xffff, v50;
	_ =	sdelay $0x2  }
0x128: {  	[tilespmem:$0x1FDC0] =	vst v3;
	v3, _, _ =	vpop (xrf0)  }
0x129: {  	v63, _, _ =	vpop (xrf0)  }
0x12a: {  	[tilespmem:$0x1FD50] =	vst v3;
	v3, _, _ =	vpop (xrf0);
	v52 =	vbroadcast v63, $0xF  }
0x12b: {  	v60, _, _ =	vpop (xrf0)  }
0x12c: {  	v5 =	vnsel vm10, $0x0, v52;
	v54 =	vbroadcast v60, $0xF  }
0x12d: {  	vm1 =	veq.s32 v2, $0x4;
	v1 =	vadd.s32 v5, v1  }
0x12e: {  	v55 =	vsel vm1, $0x1, v0;
	v5 =	vsel vm8, $0x0, v1;
	v6 =	vnsel vm9, $0x0, v54  }
0x12f: {  	[tilespmem:$0x1FD80] =	vst v3;
	v3 =	vimm.s32 $0x0;
	(xrf0) =	vadd.scan.msk.s32 $0xffff, v5;
	v1 =	vadd.s32 v6, v1  }
0x130: {  	v3 =	vsel vm1, $0xFFFFFFFF, v3;
	vm1 =	veq.s32 v2, $0x5;
	(xrf0) =	vadd.scan.msk.s32 $0xffff, v55;
	v57 =	vsel vm7, $0x0, v1  }
0x131: {  	v58 =	vsel vm1, $0x1, v0;
	(xrf0) =	vadd.scan.msk.s32 $0xffff, v57  }
0x132: {  	(xrf0) =	vadd.scan.msk.s32 $0xffff, v58;
	_ =	sdelay $0x2  }
0x133: {  	v27, _, _ =	vpop (xrf0)  }
0x134: {  	v20, _, _ =	vpop (xrf0)  }
0x135: {  	vm15 =	vmmov vm14;
	vm14 =	veq.s32 v2, $0x6;
	v29, _, _ =	vpop (xrf0);
	v59 =	vbroadcast v20, $0xF  }
0x136: {  	v62 =	vsel vm14, $0x1, v0;
	v50, _, _ =	vpop (xrf0)  }
0x137: {  	[tilespmem:$0x1FE00] =	vst v3;
	v3 =	vimm.s32 $0x0;
	v5 =	vnsel vm6, $0x0, v59;
	v61 =	vbroadcast v50, $0xF  }
0x138: {  	v3 =	vsel vm1, $0xFFFFFFFF, v3;
	vm1 =	vcmask $0x1714;
	v1 =	vadd.s32 v5, v1  }
0x139: {  	[tilespmem:$0x1FE50] =	vst v3;
	v3 =	vimm.s32 $0x0;
	v5 =	vsel vm4, $0x0, v1;
	v6 =	vnsel vm1, $0x0, v61  }
0x13a: {  	vm12 =	vcmask $0x171C;
	v3 =	vsel vm14, $0xFFFFFFFF, v3;
	(xrf0) =	vadd.scan.msk.s32 $0xffff, v5;
	v1 =	vadd.s32 v6, v1  }
0x13b: {  	vm14 =	veq.s32 v2, $0x7;
	v2 =	vimm.s32 $0x0;
	(xrf0) =	vadd.scan.msk.s32 $0xffff, v62;
	v9 =	vsel vm12, $0x0, v1  }
0x13c: {  	v2 =	vsel vm14, $0xFFFFFFFF, v2;
	(xrf0) =	vadd.scan.msk.s32 $0xffff, v9  }
0x13d: {  	[tilespmem:$0x1FF80] =	vst v2;
	v2 =	vsel vm14, $0x1, v0  }
0x13e: {  	(xrf0) =	vadd.scan.msk.s32 $0xffff, v2;
	_ =	sdelay $0x1  }
0x13f: {  	v2, _, _ =	vpop (xrf0)  }
0x140: {  	v59, _, _ =	vpop (xrf0)  }
0x141: {  	v15 =	vld [tilespmem:$0x40];
	[tilespmem:$0x1FDF0] =	vst v2;
	v2, _, _ =	vpop (xrf0)  }
0x142: {  	[tilespmem:$0x1FE10] =	vst v2;
	v2 =	vbroadcast v59, $0xF  }
0x143: {  	[tilespmem:$0x1FE70] =	vst v3;
	v3, _, _ =	vpop (xrf0)  }
0x144: {  	v23 =	vbroadcast v3, $0xF;
	v2 =	vnsel vm15, $0x0, v2  }
0x145: {  	vm14 =	vmmov vm0;
	v1 =	vadd.s32 v2, v1  }
0x146: {  	[tilespmem:$0x1FF70] =	vst v3;
	v2 =	vnsel vm0, $0x0, v23;
	vm0 =	veq.s32 v15, $0x0;
	v28 =	vsel vm2, $0x0, v1  }
0x147: {  	v3 =	vimm.s32 $0x0;
	v1 =	vadd.s32 v2, v1;
	v2 =	vsel vm0, $0x1, v0;
	(xrf0) =	vadd.scan.msk.s32 $0xffff, v28  }
0x148: {  	v3 =	vsel vm0, $0xFFFFFFFF, v3;
	vm0 =	veq.s32 v15, $0x1;
	(xrf0) =	vadd.scan.msk.s32 $0xffff, v2;
	v2 =	vnsel vm3, $0x0, v1  }
0x149: {  	(xrf0) =	vadd.scan.msk.s32 $0xffff, v2;
	v2 =	vsel vm0, $0x1, v0  }
0x14a: {  	(xrf0) =	vadd.scan.msk.s32 $0xffff, v2;
	_ =	sdelay $0x2  }
0x14b: {  	v2, _, _ =	vpop (xrf0)  }
0x14c: {  	v28, _, _ =	vpop (xrf0)  }
0x14d: {  	[tilespmem:$0x1FF30] =	vst v2;
	v2, _, _ =	vpop (xrf0)  }
0x14e: {  	[tilespmem:$0x1FE20] =	vst v2;
	v2 =	vbroadcast v28, $0xF;
	v18, _, _ =	vpop (xrf0)  }
0x14f: {  	v34 =	vbroadcast v18, $0xF  }
0x150: {  	v2 =	vnsel vm3, $0x0, v2  }
0x151: {  	v1 =	vadd.s32 v2, v1;
	v2 =	vnsel vm13, $0x0, v34;
	vm13 =	vcmask $0x308  }
0x152: {  	[tilespmem:$0x1FE80] =	vst v3;
	v35 =	vsel vm13, $0x0, v1;
	vm13 =	veq.s32 v15, $0x2  }
0x153: {  	v3 =	vimm.s32 $0x0;
	v36 =	vadd.s32 v2, v1;
	(xrf0) =	vadd.scan.msk.s32 $0xffff, v35;
	v1 =	vsel vm13, $0x1, v0  }
0x154: {  	v3 =	vsel vm0, $0xFFFFFFFF, v3;
	vm0 =	veq.s32 v15, $0x3;
	(xrf0) =	vadd.scan.msk.s32 $0xffff, v1;
	v1 =	vsel vm11, $0x0, v36  }
0x155: {  	(xrf0) =	vadd.scan.msk.s32 $0xffff, v1;
	v1 =	vsel vm0, $0x1, v0  }
0x156: {  	v2 =	vimm.s32 $0x0;
	(xrf0) =	vadd.scan.msk.s32 $0xffff, v1  }
0x157: {  	v2 =	vsel vm0, $0xFFFFFFFF, v2;
	_ =	sdelay $0x1  }
0x158: {  	v6, _, _ =	vpop (xrf0)  }
0x159: {  	[tilespmem:$0x1FEE0] =	vst v2;
	v2, _, _ =	vpop (xrf0)  }
0x15a: {  	v1, _, _ =	vpop (xrf0);
	v37 =	vbroadcast v2, $0xF  }
0x15b: {  	[tilespmem:$0x1FE60] =	vst v1;
	v1, _, _ =	vpop (xrf0)  }
0x15c: {  	[tilespmem:$0x1FE90] =	vst v3;
	v3 =	vimm.s32 $0x0;
	v9 =	vnsel vm10, $0x0, v37;
	v23 =	vbroadcast v1, $0xF  }
0x15d: {  	v3 =	vsel vm13, $0xFFFFFFFF, v3;
	v5 =	vadd.s32 v9, v36  }
0x15e: {  	[tilespmem:$0x1FEA0] =	vst v3;
	vm0 =	veq.s32 v15, $0x4;
	v40 =	vnsel vm9, $0x0, v23;
	v43 =	vsel vm8, $0x0, v5  }
0x15f: {  	v3 =	vimm.s32 $0x0;
	v48 =	vsel vm0, $0x1, v0;
	(xrf0) =	vadd.scan.msk.s32 $0xffff, v43;
	v35 =	vadd.s32 v40, v5  }
0x160: {  	v3 =	vsel vm0, $0xFFFFFFFF, v3;
	vm0 =	veq.s32 v15, $0x5;
	(xrf0) =	vadd.scan.msk.s32 $0xffff, v48;
	v49 =	vsel vm7, $0x0, v35  }
0x161: {  	[tilespmem:$0x1FF00] =	vst v3;
	v3 =	vimm.s32 $0x0;
	v52 =	vsel vm0, $0x1, v0;
	(xrf0) =	vadd.scan.msk.s32 $0xffff, v49  }
0x162: {  	v3 =	vsel vm0, $0xFFFFFFFF, v3;
	(xrf0) =	vadd.scan.msk.s32 $0xffff, v52;
	_ =	sdelay $0x2  }
0x163: {  	[tilespmem:$0x1FF10] =	vst v3;
	v3, _, _ =	vpop (xrf0)  }
0x164: {  	v9, _, _ =	vpop (xrf0)  }
0x165: {  	[tilespmem:$0x1FEB0] =	vst v3;
	v3, _, _ =	vpop (xrf0);
	v36 =	vbroadcast v9, $0xF  }
0x166: {  	v5, _, _ =	vpop (xrf0)  }
0x167: {  	v36 =	vnsel vm6, $0x0, v36;
	v37 =	vbroadcast v5, $0xF  }
0x168: {  	vm0 =	vmmov vm1;
	[tilespmem:$0x1FED0] =	vst v3;
	v3 =	vimm.s32 $0x0;
	v35 =	vadd.s32 v36, v35  }
0x169: {  	v54 =	vnsel vm1, $0x0, v37;
	v55 =	vsel vm4, $0x0, v35;
	vm1 =	veq.s32 v15, $0x6  }
0x16a: {  	v3 =	vsel vm1, $0xFFFFFFFF, v3;
	(xrf0) =	vadd.scan.msk.s32 $0xffff, v55;
	v36 =	vadd.s32 v54, v35;
	v57 =	vsel vm1, $0x1, v0  }
0x16b: {  	vm1 =	vmmov vm12;
	(xrf0) =	vadd.scan.msk.s32 $0xffff, v57;
	v58 =	vsel vm12, $0x0, v36;
	vm12 =	veq.s32 v15, $0x7  }
0x16c: {  	(xrf0) =	vadd.scan.msk.s32 $0xffff, v58;
	v7 =	vsel vm12, $0x1, v0  }
0x16d: {  	(xrf0) =	vadd.scan.msk.s32 $0xffff, v7;
	_ =	sdelay $0x2  }
0x16e: {  	v23, _, _ =	vpop (xrf0)  }
0x16f: {  	v37 =	vld [tilespmem:$0x50];
	v58, _, _ =	vpop (xrf0)  }
0x170: {  	v35, _, _ =	vpop (xrf0);
	v40 =	vbroadcast v58, $0xF  }
0x171: {  	v49, _, _ =	vpop (xrf0)  }
0x172: {  	[tilespmem:$0x1FF50] =	vst v3;
	v3 =	vimm.s32 $0x0;
	v40 =	vnsel vm15, $0x0, v40;
	v43 =	vbroadcast v49, $0xF  }
0x173: {  	v3 =	vsel vm12, $0xFFFFFFFF, v3;
	v36 =	vadd.s32 v40, v36  }
0x174: {  	[tilespmem:$0x1FF90] =	vst v3;
	v61 =	vnsel vm14, $0x0, v43;
	v62 =	vsel vm2, $0x0, v36;
	vm14 =	veq.s32 v37, $0x0  }
0x175: {  	v3 =	vimm.s32 $0x0;
	(xrf0) =	vadd.scan.msk.s32 $0xffff, v62;
	v36 =	vadd.s32 v61, v36;
	v4 =	vsel vm14, $0x1, v0  }
0x176: {  	vm15 =	veq.s32 v37, $0x1;
	v3 =	vsel vm14, $0xFFFFFFFF, v3;
	(xrf0) =	vadd.scan.msk.s32 $0xffff, v4;
	v7 =	vnsel vm3, $0x0, v36  }
0x177: {  	v15 =	vsel vm15, $0x1, v0;
	[tilespmem:$0x1FEC0] =	vst v3;
	v3 =	vimm.s32 $0x0;
	(xrf0) =	vadd.scan.msk.s32 $0xffff, v7  }
0x178: {  	v3 =	vsel vm15, $0xFFFFFFFF, v3;
	(xrf0) =	vadd.scan.msk.s32 $0xffff, v15;
	_ =	sdelay $0x2  }
0x179: {  	[tilespmem:$0x1FEF0] =	vst v3;
	v3, _, _ =	vpop (xrf0)  }
0x17a: {  	v61, _, _ =	vpop (xrf0)  }
0x17b: {  	v15, _, _ =	vpop (xrf0);
	v34 =	vbroadcast v61, $0xF  }
0x17c: {  	v57, _, _ =	vpop (xrf0)  }
0x17d: {  	vm13 =	vmmov vm10;
	v40 =	vnsel vm3, $0x0, v34;
	v48 =	vbroadcast v57, $0xF  }
0x17e: {  	vm12 =	vcmask $0x308;
	vm14 =	vcmask $0x704;
	v36 =	vadd.s32 v40, v36  }
0x17f: {  	vm10 =	veq.s32 v37, $0x2;
	v52 =	vnsel vm14, $0x0, v48;
	v54 =	vsel vm12, $0x0, v36  }
0x180: {  	v55 =	vsel vm10, $0x1, v0;
	(xrf0) =	vadd.scan.msk.s32 $0xffff, v54;
	v36 =	vadd.s32 v52, v36  }
0x181: {  	vm15 =	veq.s32 v37, $0x3;
	(xrf0) =	vadd.scan.msk.s32 $0xffff, v55;
	v62 =	vsel vm11, $0x0, v36  }
0x182: {  	v4 =	vsel vm15, $0x1, v0;
	(xrf0) =	vadd.scan.msk.s32 $0xffff, v62  }
0x183: {  	(xrf0) =	vadd.scan.msk.s32 $0xffff, v4;
	_ =	sdelay $0x2  }
0x184: {  	v40, _, _ =	vpop (xrf0)  }
0x185: {  	v62, _, _ =	vpop (xrf0)  }
0x186: {  	v43, _, _ =	vpop (xrf0);
	v48 =	vbroadcast v62, $0xF  }
0x187: {  	v54, _, _ =	vpop (xrf0)  }
0x188: {  	[tilespmem:$0x1FF40] =	vst v3;
	v3 =	vimm.s32 $0x0;
	v48 =	vnsel vm13, $0x0, v48;
	v52 =	vbroadcast v54, $0xF  }
0x189: {  	v3 =	vsel vm15, $0xFFFFFFFF, v3;
	vm15 =	vmmov vm8;
	v36 =	vadd.s32 v48, v36  }
0x18a: {  	v7 =	vnsel vm9, $0x0, v52;
	v34 =	vsel vm8, $0x0, v36;
	vm8 =	veq.s32 v37, $0x4  }
0x18b: {  	(xrf0) =	vadd.scan.msk.s32 $0xffff, v34;
	v34 =	vadd.s32 v7, v36;
	v52 =	vsel vm8, $0x1, v0  }
0x18c: {  	(xrf0) =	vadd.scan.msk.s32 $0xffff, v52;
	v55 =	vsel vm7, $0x0, v34;
	vm7 =	veq.s32 v37, $0x5  }
0x18d: {  	(xrf0) =	vadd.scan.msk.s32 $0xffff, v55;
	v7 =	vsel vm7, $0x1, v0  }
0x18e: {  	(xrf0) =	vadd.scan.msk.s32 $0xffff, v7;
	_ =	sdelay $0x2  }
0x18f: {  	[tilespmem:$0x1FF20] =	vst v3;
	v3 =	vimm.s32 $0x0;
	v48, _, _ =	vpop (xrf0)  }
0x190: {  	v3 =	vsel vm8, $0xFFFFFFFF, v3;
	v55, _, _ =	vpop (xrf0)  }
0x191: {  	[tilespmem:$0x1FF60] =	vst v3;
	v3 =	vimm.s32 $0x0;
	v52, _, _ =	vpop (xrf0);
	v4 =	vbroadcast v55, $0xF  }
0x192: {  	vm9 =	veq.s32 v37, $0x6;
	v3 =	vsel vm7, $0xFFFFFFFF, v3;
	v36, _, _ =	vpop (xrf0)  }
0x193: {  	vm8 =	veq.s32 v37, $0x7;
	v37 =	vld [tilespmem:$0x1FAC0];
	[tilespmem:$0x1FFA0] =	vst v3;
	v4 =	vnsel vm6, $0x0, v4;
	v3 =	vbroadcast v36, $0xF  }
0x194: {  	v42 =	vadd.s32 $0xFFFFFFFF, v42;
	v7 =	vimm.s32 $0x0;
	v4 =	vadd.s32 v4, v34  }
0x195: {  	v7 =	vsel vm9, $0xFFFFFFFF, v7;
	v3 =	vnsel vm0, $0x0, v3;
	v34 =	vsel vm4, $0x0, v4  }
0x196: {  	[tilespmem:$0x1FFB0] =	vst v7;
	v7 =	vsel vm9, $0x1, v0;
	(xrf0) =	vadd.scan.msk.s32 $0xffff, v34;
	v3 =	vadd.s32 v3, v4  }
0x197: {  	v4 =	vbroadcast v42, $0xF;
	v42 =	vimm.s32 $0x0;
	(xrf0) =	vadd.scan.msk.s32 $0xffff, v7;
	v34 =	vsel vm1, $0x0, v3  }
0x198: {  	v7 =	vsel vm8, $0xFFFFFFFF, v42;
	v42 =	vadd.s32 $0xFFFFFFFF, v37;
	v37 =	vsel vm8, $0x1, v0;
	(xrf0) =	vadd.scan.msk.s32 $0xffff, v34  }
0x199: {  	(xrf0) =	vadd.scan.msk.s32 $0xffff, v37;
	v37 =	vadd.s32 $0xFFFFFFFF, v45;
	v45 =	vld [tilespmem:$0x1FAE0];
	_ =	sdelay $0x1  }
0x19a: {  	v4 =	vadd.s32 v12, v4;
	v12 =	vbroadcast v42, $0xF;
	v42 =	vld [tilespmem:$0x1FAD0];
	_ =	sdelay $0x2  }
0x19b: {  	[tilespmem:$0x1FFC0] =	vst v7;
	v7 =	vadd.s32 $0xFFFFFFFF, v45;
	v45 =	vld [tilespmem:$0x1FB00];
	_ =	sdelay $0x1  }
0x19c: {  	vm9 =	vnez.u8 v42;
	v42 =	vld [tilespmem:$0x1FAF0];
	_ =	sdelay $0x1  }
0x19d: {  	v11 =	vadd.s32 v11, v12;
	v12 =	vbroadcast v7, $0xF  }
0x19e: {  	v4 =	vnsel vm9, $0x0, v4;
	vm8 =	vnez.u8 v45  }
0x19f: {  	v4 =	vsel vm8, v11, v4;
	v11 =	vadd.s32 v41, v12;
	v41 =	vld [tilespmem:$0x1FB20]  }
0x1a0: {  	v34 =	vbroadcast v37, $0xF;
	v37 =	vadd.s32 $0xFFFFFFFF, v42  }
0x1a1: {  	v45 =	vbroadcast v37, $0xF;
	v37 =	vld [tilespmem:$0x1FB10];
	_ =	sdelay $0x2  }
0x1a2: {  	v42 =	vadd.s32 v16, v34;
	v34 =	vadd.s32 v39, v45;
	v39 =	vadd.s32 $0xFFFFFFFF, v41;
	v41 =	vld [tilespmem:$0x1FB30];
	_ =	sdelay $0x1  }
0x1a3: {  	vm9 =	vnez.u8 v37  }
0x1a4: {  	v4 =	vsel vm9, v42, v4;
	v42 =	vld [tilespmem:$0x1FB40]  }
0x1a5: {  	v16, _, _ =	vpop (xrf0)  }
0x1a6: {  	v12, _, _ =	vpop (xrf0);
	vm8 =	vnez.u8 v41;
	v41 =	vld [tilespmem:$0x1FB50]  }
0x1a7: {  	v45 =	vbroadcast v12, $0xF;
	v37 =	vld [tilespmem:$0x60];
	v39 =	vbroadcast v39, $0xF  }
0x1a8: {  	v7, _, _ =	vpop (xrf0);
	v4 =	vsel vm8, v11, v4;
	vm8 =	vcmask $0x1B18  }
0x1a9: {  	v19 =	vadd.s32 v19, v39;
	vm9 =	vnez.u8 v42;
	v11, _, _ =	vpop (xrf0);
	v45 =	vnsel vm8, $0x0, v45  }
0x1aa: {  	v34 =	vnsel vm9, $0x0, v34;
	v42 =	vbroadcast v11, $0xF;
	v3 =	vadd.s32 v45, v3  }
0x1ab: {  	vm9 =	vcmask $0x1F1C;
	v45 =	vsel vm2, $0x0, v3;
	v41 =	vadd.s32 $0xFFFFFFFF, v41  }
0x1ac: {  	v39 =	vbroadcast v41, $0xF;
	v41 =	vnsel vm9, $0x0, v42;
	vm9 =	veq.s32 v37, $0x0  }
0x1ad: {  	(xrf0) =	vadd.scan.msk.s32 $0xffff, v45;
	v45 =	vsel vm9, $0x1, v0  }
0x1ae: {  	(xrf0) =	vadd.scan.msk.s32 $0xffff, v45;
	v45 =	vld [tilespmem:$0x1FB70];
	_ =	sdelay $0x2  }
0x1af: {  	v3 =	vadd.s32 v41, v3  }
0x1b0: {  	v41 =	vnsel vm3, $0x0, v3  }
0x1b1: {  	(xrf0) =	vadd.scan.msk.s32 $0xffff, v41;
	v41 =	vadd.s32 $0xFFFFFFFF, v45;
	v45 =	vld [tilespmem:$0x1FB80];
	_ =	sdelay $0x2  }
0x1b2: {  	v42 =	vld [tilespmem:$0x1FB60];
	_ =	sdelay $0x1  }
0x1b3: {  	vm1 =	vnez.u8 v45;
	v45 =	vld [tilespmem:$0x1FB90];
	_ =	sdelay $0x1  }
0x1b4: {  	vm8 =	veq.s32 v37, $0x1  }
0x1b5: {  	v33 =	vadd.s32 v33, v39;
	v39 =	vadd.s32 $0xFFFFFFFF, v42;
	v42 =	vsel vm8, $0x1, v0  }
0x1b6: {  	(xrf0) =	vadd.scan.msk.s32 $0xffff, v42;
	v42 =	vld [tilespmem:$0x1FBA0]  }
0x1b7: {  	v4 =	vsel vm1, v19, v4;
	vm1 =	vnez.u8 v45;
	v45 =	vld [tilespmem:$0x1FBB0];
	_ =	sdelay $0x2  }
0x1b8: {  	v39 =	vbroadcast v39, $0xF  }
0x1b9: {  	v19 =	vsel vm1, v33, v34;
	v34 =	vadd.s32 $0xFFFFFFFF, v42;
	v42 =	vld [tilespmem:$0x1FBC0]  }
0x1ba: {  	v17 =	vadd.s32 v17, v39;
	v33 =	vbroadcast v41, $0xF;
	v39 =	vadd.s32 $0xFFFFFFFF, v45;
	v45 =	vld [tilespmem:$0x1FBD0];
	_ =	sdelay $0x1  }
0x1bb: {  	v32 =	vadd.s32 v32, v33;
	v33 =	vbroadcast v34, $0xF;
	v34 =	vbroadcast v39, $0xF;
	v39 =	vld [tilespmem:$0x1FBE0];
	_ =	sdelay $0x1  }
0x1bc: {  	vm1 =	vnez.u8 v42;
	v42 =	vld [tilespmem:$0x1FBF0]  }
0x1bd: {  	v4 =	vsel vm1, v17, v4;
	vm1 =	vnez.u8 v45;
	v45 =	vld [tilespmem:$0x1FC00]  }
0x1be: {  	v17 =	vsel vm1, v32, v19;
	v19, _, _ =	vpop (xrf0)  }
0x1bf: {  	v33 =	vadd.s32 v13, v33;
	v41 =	vadd.s32 $0xFFFFFFFF, v39;
	v13, _, _ =	vpop (xrf0)  }
0x1c0: {  	v39 =	vbroadcast v41, $0xF;
	v41 =	vbroadcast v13, $0xF  }
0x1c1: {  	v30 =	vadd.s32 v30, v34  }
0x1c2: {  	v34 =	vadd.s32 $0xFFFFFFFF, v42;
	v42 =	vld [tilespmem:$0x1FC10];
	vm1 =	vnez.u8 v45;
	v45 =	vnsel vm3, $0x0, v41  }
0x1c3: {  	v4 =	vsel vm1, v33, v4;
	v33 =	vbroadcast v34, $0xF;
	v34 =	vadd.s32 v51, v39;
	v51 =	vld [tilespmem:$0x1FC20]  }
0x1c4: {  	v3 =	vadd.s32 v45, v3;
	v45 =	vld [tilespmem:$0x1FC30];
	_ =	sdelay $0x2  }
0x1c5: {  	v32, _, _ =	vpop (xrf0);
	vm1 =	vnez.u8 v42  }
0x1c6: {  	v17 =	vsel vm1, v30, v17;
	v30, _, _ =	vpop (xrf0);
	vm1 =	vnez.u8 v51;
	v51 =	vld [tilespmem:$0x1FC40]  }
0x1c7: {  	v41 =	vbroadcast v30, $0xF;
	v31 =	vadd.s32 v31, v33;
	v33 =	vadd.s32 $0xFFFFFFFF, v45;
	v45 =	vld [tilespmem:$0x1FC50];
	_ =	sdelay $0x1  }
0x1c8: {  	v41 =	vnsel vm14, $0x0, v41  }
0x1c9: {  	vm7 =	veq.s32 v37, $0x2;
	v41 =	vadd.s32 v41, v3;
	v3 =	vsel vm12, $0x0, v3  }
0x1ca: {  	v42 =	vsel vm7, $0x1, v0;
	(xrf0) =	vadd.scan.msk.s32 $0xffff, v3;
	v3 =	vbroadcast v33, $0xF;
	v39 =	vadd.s32 $0xFFFFFFFF, v51  }
0x1cb: {  	(xrf0) =	vadd.scan.msk.s32 $0xffff, v42;
	v51 =	vsel vm11, $0x0, v41;
	v33 =	vbroadcast v39, $0xF;
	v39 =	vadd.s32 $0xFFFFFFFF, v45;
	v45 =	vld [tilespmem:$0x1FC60]  }
0x1cc: {  	(xrf0) =	vadd.scan.msk.s32 $0xffff, v51;
	v51 =	vld [tilespmem:$0x1FC70];
	_ =	sdelay $0x3  }
0x1cd: {  	vm14 =	vnez.u8 v45  }
0x1ce: {  	v17 =	vsel vm14, v31, v17;
	vm14 =	vnez.u8 v51;
	v51 =	vld [tilespmem:$0x1FCB0];
	_ =	sdelay $0x1  }
0x1cf: {  	vm6 =	veq.s32 v37, $0x3  }
0x1d0: {  	v42 =	vld [tilespmem:$0x1FC90];
	v8 =	vadd.s32 v8, v33;
	v33 =	vbroadcast v39, $0xF;
	v39 =	vsel vm6, $0x1, v0  }
0x1d1: {  	v34 =	vnsel vm1, $0x0, v34;
	v3 =	vadd.s32 v24, v3;
	(xrf0) =	vadd.scan.msk.s32 $0xffff, v39;
	v39 =	vld [tilespmem:$0x1FC80]  }
0x1d2: {  	v24 =	vadd.s32 v47, v33;
	v47 =	vld [tilespmem:$0x1FCA0];
	v8 =	vsel vm14, v8, v34;
	vm14 =	vnez.u8 v51  }
0x1d3: {  	v17 =	vsel vm14, v3, v17;
	v3 =	vld [tilespmem:$0x1FCC0];
	_ =	sdelay $0x2  }
0x1d4: {  	v33 =	vadd.s32 $0xFFFFFFFF, v42;
	v42 =	vld [tilespmem:$0x1FCD0];
	v31 =	vadd.s32 $0xFFFFFFFF, v39  }
0x1d5: {  	v45 =	vbroadcast v31, $0xF;
	v31 =	vadd.s32 $0xFFFFFFFF, v47  }
0x1d6: {  	vm14 =	vnez.u8 v3;
	v3 =	vbroadcast v31, $0xF;
	_ =	sdelay $0x1  }
0x1d7: {  	v14 =	vadd.s32 v14, v3;
	v3 =	vld [tilespmem:$0x1FCE0]  }
0x1d8: {  	v8 =	vsel vm14, v24, v8;
	v24 =	vadd.s32 v21, v45;
	v45 =	vadd.s32 $0xFFFFFFFF, v42;
	v42 =	vld [tilespmem:$0x1FCF0]  }
0x1d9: {  	v31, _, _ =	vpop (xrf0);
	v47 =	vbroadcast v45, $0xF;
	v45 =	vld [tilespmem:$0x1FD00]  }
0x1da: {  	v33 =	vbroadcast v33, $0xF;
	v21, _, _ =	vpop (xrf0)  }
0x1db: {  	v51 =	vbroadcast v21, $0xF  }
0x1dc: {  	v33 =	vadd.s32 v25, v33;
	v25, _, _ =	vpop (xrf0);
	v46 =	vadd.s32 v46, v47;
	vm14 =	vnez.u8 v3  }
0x1dd: {  	v47 =	vnsel vm13, $0x0, v51;
	v3 =	vsel vm14, v24, v4;
	vm14 =	vnez.u8 v42;
	v24, _, _ =	vpop (xrf0)  }
0x1de: {  	v39 =	vld [tilespmem:$0x1FD10];
	v4 =	vsel vm14, v33, v17;
	vm14 =	vnez.u8 v45;
	v51 =	vbroadcast v24, $0xF  }
0x1df: {  	v8 =	vsel vm14, v14, v8;
	vm14 =	vcmask $0xF0C  }
0x1e0: {  	v33 =	vnsel vm14, $0x0, v51;
	v51 =	vld [tilespmem:$0x1FD30]  }
0x1e1: {  	v15 =	vadd.s32 $0xFFFFFFFF, v15;
	v45 =	vld [tilespmem:$0x1FD20]  }
0x1e2: {  	v15 =	vbroadcast v15, $0xF;
	v42 =	vadd.s32 v47, v41;
	v41 =	vld [tilespmem:$0x1FD40]  }
0x1e3: {  	v23 =	vadd.s32 $0xFFFFFFFF, v23;
	vm13 =	vnez.u8 v39  }
0x1e4: {  	v15 =	vadd.s32 v61, v15;
	v61 =	vbroadcast v23, $0xF;
	v8 =	vsel vm13, v46, v8  }
0x1e5: {  	v46 =	vsel vm15, $0x0, v42;
	v14 =	vadd.s32 v33, v42;
	v33 =	vadd.s32 $0xFFFFFFFF, v51  }
0x1e6: {  	vm14 =	veq.s32 v37, $0x4;
	v17 =	vadd.s32 $0xFFFFFFFF, v45;
	v45 =	vld [tilespmem:$0x1FD50];
	v33 =	vbroadcast v33, $0xF  }
0x1e7: {  	vm13 =	vcmask $0xF14;
	(xrf0) =	vadd.scan.msk.s32 $0xffff, v46;
	v47 =	vsel vm14, $0x1, v0;
	v34 =	vadd.s32 $0xFFFFFFFF, v41;
	v41 =	vld [tilespmem:$0x1FD80]  }
0x1e8: {  	vm0 =	veq.s32 v37, $0x5;
	(xrf0) =	vadd.scan.msk.s32 $0xffff, v47;
	v39 =	vsel vm13, $0x0, v14;
	v47 =	vadd.s32 v56, v33;
	v56 =	vld [tilespmem:$0x1FD70]  }
0x1e9: {  	v27 =	vadd.s32 $0xFFFFFFFF, v27;
	v42 =	vsel vm0, $0x1, v0;
	v46 =	vld [tilespmem:$0x1FD60];
	(xrf0) =	vadd.scan.msk.s32 $0xffff, v39;
	v17 =	vbroadcast v17, $0xF  }
0x1ea: {  	v6 =	vadd.s32 $0xFFFFFFFF, v6;
	v5 =	vadd.s32 v5, v61;
	v34 =	vbroadcast v34, $0xF;
	(xrf0) =	vadd.scan.msk.s32 $0xffff, v42;
	v42 =	vld [tilespmem:$0x1FD90]  }
0x1eb: {  	v16 =	vadd.s32 $0xFFFFFFFF, v16;
	v17 =	vadd.s32 v38, v17;
	v38 =	vadd.s32 $0xFFFFFFFF, v45;
	v45 =	vld [tilespmem:$0x1FDA0]  }
0x1ec: {  	v10 =	vadd.s32 v10, v34;
	v34 =	vadd.s32 $0xFFFFFFFF, v41;
	v51 =	vbroadcast v38, $0xF  }
0x1ed: {  	v7 =	vadd.s32 $0xFFFFFFFF, v7;
	v34 =	vbroadcast v34, $0xF;
	vm13 =	vnez.u8 v56;
	v56 =	vld [tilespmem:$0x1FDB0]  }
0x1ee: {  	vm2 =	veq.s32 v37, $0x6;
	vm15 =	vnez.u8 v46;
	v33 =	vadd.s32 v53, v51  }
0x1ef: {  	v8 =	vsel vm15, v17, v8;
	v17 =	vnsel vm13, $0x0, v47;
	v47 =	vadd.s32 v63, v34;
	v63 =	vld [tilespmem:$0x1FDC0]  }
0x1f0: {  	v46 =	vbroadcast v27, $0xF;
	vm15 =	vnez.u8 v42;
	v38, _, _ =	vpop (xrf0);
	vm13 =	vnez.u8 v45  }
0x1f1: {  	v8 =	vsel vm15, v10, v8;
	v51 =	vadd.s32 $0xFFFFFFFF, v29;
	v10 =	vsel vm13, v33, v17;
	v33, _, _ =	vpop (xrf0)  }
0x1f2: {  	v34 =	vbroadcast v51, $0xF;
	v29, _, _ =	vpop (xrf0);
	v53 =	vbroadcast v33, $0xF;
	vm15 =	vnez.u8 v56;
	v56 =	vld [tilespmem:$0x1FDE0]  }
0x1f3: {  	v17 =	vadd.s32 v60, v46;
	v27, _, _ =	vpop (xrf0);
	v10 =	vsel vm15, v47, v10;
	vm15 =	vcmask $0x1310;
	v47 =	vld [tilespmem:$0x1FDD0]  }
0x1f4: {  	v46 =	vbroadcast v27, $0xF;
	vm13 =	vnez.u8 v63;
	v45 =	vnsel vm15, $0x0, v53  }
0x1f5: {  	v10 =	vsel vm13, v17, v10;
	vm13 =	vcmask $0x1714;
	v14 =	vadd.s32 v45, v14;
	v45 =	vld [tilespmem:$0x1FDF0]  }
0x1f6: {  	v53 =	vsel vm2, $0x1, v0;
	v39 =	vnsel vm13, $0x0, v46;
	v17 =	vsel vm4, $0x0, v14  }
0x1f7: {  	vm15 =	vcmask $0x171C;
	v14 =	vadd.s32 v39, v14;
	(xrf0) =	vadd.scan.msk.s32 $0xffff, v17;
	v39 =	vadd.s32 $0xFFFFFFFF, v56;
	v56 =	vld [tilespmem:$0x1FE10]  }
0x1f8: {  	v20 =	vadd.s32 v20, v34;
	v60 =	vsel vm15, $0x0, v14;
	v34 =	vadd.s32 $0xFFFFFFFF, v47;
	(xrf0) =	vadd.scan.msk.s32 $0xffff, v53;
	v47 =	vld [tilespmem:$0x1FE00]  }
0x1f9: {  	v7 =	vbroadcast v7, $0xF;
	vm4 =	veq.s32 v37, $0x7;
	v51 =	vbroadcast v34, $0xF;
	(xrf0) =	vadd.scan.msk.s32 $0xffff, v60;
	v60 =	vld [tilespmem:$0x1FE20]  }
0x1fa: {  	v41 =	vld [tilespmem:$0x1FE40];
	v46 =	vsel vm4, $0x1, v0;
	v63 =	vbroadcast v39, $0xF;
	v39 =	vadd.s32 $0xFFFFFFFF, v45  }
0x1fb: {  	(xrf0) =	vadd.scan.msk.s32 $0xffff, v46;
	v46 =	vbroadcast v6, $0xF;
	v17 =	vadd.s32 v22, v51;
	v51 =	vbroadcast v39, $0xF;
	v39 =	vld [tilespmem:$0x1FE30]  }
0x1fc: {  	v7 =	vadd.s32 v12, v7;
	v19 =	vadd.s32 $0xFFFFFFFF, v19;
	v42 =	vld [tilespmem:$0x1FE50];
	v53 =	vadd.s32 v26, v63  }
0x1fd: {  	v26 =	vadd.s32 $0xFFFFFFFF, v56;
	v18 =	vadd.s32 v18, v46;
	vm13 =	vnez.u8 v47;
	v47 =	vld [tilespmem:$0x1FE60]  }
0x1fe: {  	v63 =	vadd.s32 v50, v51;
	v26 =	vbroadcast v26, $0xF;
	v37, _, _ =	vpop (xrf0);
	v51 =	vld [tilespmem:$0x1FE70];
	v34 =	vadd.s32 $0xFFFFFFFF, v60  }
0x1ff: {  	v10 =	vsel vm13, v20, v10;
	vm13 =	vnez.u8 v41;
	v22, _, _ =	vpop (xrf0);
	v34 =	vbroadcast v34, $0xF  }
0x200: {  	v45 =	vadd.s32 v59, v26;
	v26 =	vld [tilespmem:$0x70];
	v50 =	vbroadcast v22, $0xF;
	vm15 =	vnez.u8 v39  }
0x201: {  	v46 =	vld [tilespmem:$0x1FEA0];
	v20 =	vsel vm15, v17, v4;
	v17 =	vsel vm13, v53, v8;
	vm15 =	vnez.u8 v42  }
0x202: {  	v28 =	vadd.s32 v28, v34;
	v8, _, _ =	vpop (xrf0);
	v53 =	vld [tilespmem:$0x1FE80];
	v4 =	vsel vm15, v63, v10;
	v6 =	vadd.s32 $0xFFFFFFFF, v47  }
0x203: {  	vm13 =	vnez.u8 v51;
	v63 =	vld [tilespmem:$0x1FE90];
	v51 =	vadd.s32 $0xFFFFFFFF, v40;
	v8 =	vadd.s32 $0xFFFFFFFF, v8  }
0x204: {  	v4 =	vsel vm13, v45, v4;
	v56 =	vbroadcast v6, $0xF;
	vm13 =	vcmask $0x1B18  }
0x205: {  	v59 =	vnsel vm13, $0x0, v50;
	vm13 =	vcmask $0x1B20;
	vm1 =	veq.s32 v26, $0x1  }
0x206: {  	v47 =	vld [tilespmem:$0x1FEB0];
	v6, _, _ =	vpop (xrf0);
	v2 =	vadd.s32 v2, v56;
	v14 =	vadd.s32 v59, v14;
	v50 =	vsel vm1, $0x1, v0  }
0x207: {  	v56 =	vld [tilespmem:$0x1FED0];
	vm15 =	vnez.u8 v53;
	v60 =	vbroadcast v6, $0xF;
	v34 =	vsel vm13, $0x0, v14  }
0x208: {  	vm13 =	vnez.u8 v46;
	v53 =	vld [tilespmem:$0x1FEC0];
	v10 =	vnsel vm15, $0x0, v28;
	vm15 =	vnez.u8 v63  }
0x209: {  	v10 =	vsel vm15, v18, v10;
	vm15 =	vcmask $0x1F1C;
	v18 =	vbroadcast v51, $0xF  }
0x20a: {  	v59 =	vld [tilespmem:$0x1FEE0];
	v41 =	vnsel vm15, $0x0, v60;
	vm15 =	veq.s32 v26, $0x0;
	v2 =	vsel vm13, v2, v10  }
0x20b: {  	(xrf0) =	vadd.scan.msk.s32 $0xffff, v34;
	v10 =	vadd.s32 $0xFFFFFFFF, v47;
	v60 =	vld [tilespmem:$0x1FEF0];
	v14 =	vadd.s32 v41, v14;
	v42 =	vsel vm15, $0x1, v0  }
0x20c: {  	v10 =	vbroadcast v10, $0xF;
	v28 =	vadd.s32 $0xFFFFFFFF, v56;
	(xrf0) =	vadd.scan.msk.s32 $0xffff, v42;
	v45 =	vnsel vm3, $0x0, v14  }
0x20d: {  	v18 =	vadd.s32 v57, v18;
	v56 =	vadd.s32 $0xFFFFFFFF, v52;
	vm13 =	vnez.u8 v53;
	(xrf0) =	vadd.scan.msk.s32 $0xffff, v45  }
0x20e: {  	v28 =	vbroadcast v28, $0xF;
	v42 =	vld [tilespmem:$0x1FF00];
	v10 =	vadd.s32 v1, v10;
	v1 =	vadd.s32 $0xFFFFFFFF, v43;
	(xrf0) =	vadd.scan.msk.s32 $0xffff, v50  }
0x20f: {  	v15 =	vnsel vm13, $0x0, v15;
	vm13 =	vnez.u8 v59;
	v45 =	vadd.s32 $0xFFFFFFFF, v35  }
0x210: {  	v57 =	vbroadcast v1, $0xF;
	v2 =	vsel vm13, v10, v2;
	vm13 =	vnez.u8 v60  }
0x211: {  	v35 =	vbroadcast v56, $0xF;
	v50 =	vadd.s32 $0xFFFFFFFF, v48;
	v1, _, _ =	vpop (xrf0);
	v10 =	vsel vm13, v18, v15  }
0x212: {  	v40 =	vld [tilespmem:$0x1FF40];
	v9 =	vadd.s32 v9, v28;
	v51 =	vbroadcast v50, $0xF;
	v62 =	vadd.s32 v62, v57;
	v18, _, _ =	vpop (xrf0)  }
0x213: {  	v60 =	vld [tilespmem:$0x1FF10];
	v15 =	vbroadcast v45, $0xF;
	vm13 =	vnez.u8 v42;
	v28, _, _ =	vpop (xrf0);
	v63 =	vbroadcast v18, $0xF  }
0x214: {  	v43 =	vsel vm10, v62, v10;
	vm10 =	veq.s32 v26, $0x2;
	v2 =	vsel vm13, v9, v2;
	v10, _, _ =	vpop (xrf0)  }
0x215: {  	v61 =	vld [tilespmem:$0x1FF20];
	v53 =	vsel vm10, $0x1, v0;
	v46 =	vnsel vm3, $0x0, v63;
	v47 =	vbroadcast v10, $0xF  }
0x216: {  	v39 =	vld [tilespmem:$0x1FF30];
	v62 =	vadd.s32 v58, v15;
	vm3 =	vcmask $0x704;
	v14 =	vadd.s32 v46, v14  }
0x217: {  	v41 =	vld [tilespmem:$0x1FF50];
	v63 =	vadd.s32 v55, v35;
	v23 =	vsel vm12, $0x0, v14;
	v34 =	vnsel vm3, $0x0, v47  }
0x218: {  	v42 =	vld [tilespmem:$0x1FF60];
	vm3 =	vnez.u8 v60;
	v14 =	vadd.s32 v34, v14;
	v34 =	vadd.s32 $0xFFFFFFFF, v40  }
0x219: {  	v48 =	vld [tilespmem:$0x1FF80];
	(xrf0) =	vadd.scan.msk.s32 $0xffff, v23;
	v23 =	vadd.s32 v54, v51;
	v2 =	vsel vm3, v5, v2;
	v34 =	vbroadcast v34, $0xF  }
0x21a: {  	v45 =	vld [tilespmem:$0x1FF70];
	vm3 =	vnez.u8 v61;
	(xrf0) =	vadd.scan.msk.s32 $0xffff, v53;
	v57 =	vsel vm11, $0x0, v14;
	vm11 =	veq.s32 v26, $0x3  }
0x21b: {  	v5 =	vsel vm3, v23, v43;
	(xrf0) =	vadd.scan.msk.s32 $0xffff, v57;
	v59 =	vsel vm11, $0x1, v0;
	v46 =	vadd.s32 v49, v34;
	v49 =	vld [tilespmem:$0x1FF90]  }
0x21c: {  	v50 =	vld [tilespmem:$0x1FFA0];
	v23 =	vadd.s32 $0xFFFFFFFF, v39;
	vm3 =	vnez.u8 v41;
	v43 =	vbroadcast v16, $0xF;
	(xrf0) =	vadd.scan.msk.s32 $0xffff, v59  }
0x21d: {  	v23 =	vbroadcast v23, $0xF;
	v2 =	vsel vm3, v62, v2;
	vm3 =	vnez.u8 v42  }
0x21e: {  	v8 =	vbroadcast v8, $0xF;
	v56 =	vadd.s32 $0xFFFFFFFF, v31;
	v53 =	vld [tilespmem:$0x1FFB0];
	v5 =	vsel vm3, v63, v5  }
0x21f: {  	v9 =	vadd.s32 v36, v43;
	vm3 =	vnez.u8 v48;
	v16 =	vadd.s32 v45, v23;
	v15, _, _ =	vpop (xrf0)  }
0x220: {  	v1 =	vadd.s32 $0xFFFFFFFF, v1;
	v4 =	vsel vm3, v16, v4;
	v34, _, _ =	vpop (xrf0);
	vm3 =	vnez.u8 v49  }
0x221: {  	v35, _, _ =	vpop (xrf0);
	v47 =	vbroadcast v34, $0xF;
	v2 =	vsel vm3, v46, v2;
	vm3 =	vnez.u8 v50  }
0x222: {  	vm13 =	veq.s32 v26, $0x5;
	v5 =	vsel vm3, v9, v5;
	v9, _, _ =	vpop (xrf0);
	vm3 =	vcmask $0xB08  }
0x223: {  	v51 =	vnsel vm3, $0x0, v47;
	v52 =	vbroadcast v9, $0xF;
	vm3 =	vnez.u8 v53  }
0x224: {  	v5 =	vsel vm3, v7, v5;
	v12 =	vadd.s32 v51, v14;
	vm3 =	vcmask $0xB10  }
0x225: {  	vm12 =	veq.s32 v26, $0x4;
	v14 =	vsel vm3, $0x0, v12;
	vm3 =	vcmask $0xF0C  }
0x226: {  	v60 =	vadd.s32 $0xFFFFFFFF, v25;
	v55 =	vsel vm12, $0x1, v0;
	v16 =	vnsel vm3, $0x0, v52;
	(xrf0) =	vadd.scan.msk.s32 $0xffff, v14  }
0x227: {  	v54 =	vadd.s32 $0xFFFFFFFF, v32;
	vm3 =	vcmask $0xF14;
	v12 =	vadd.s32 v16, v12;
	(xrf0) =	vadd.scan.msk.s32 $0xffff, v55  }
0x228: {  	v25 =	vld [tilespmem:$0x1FFC0];
	v62 =	vadd.s32 $0xFFFFFFFF, v29;
	v59 =	vbroadcast v19, $0xF;
	v57 =	vsel vm3, $0x0, v12  }
0x229: {  	v58 =	vsel vm13, $0x1, v0;
	v29 =	vbroadcast v62, $0xF;
	v7 =	vbroadcast v54, $0xF;
	(xrf0) =	vadd.scan.msk.s32 $0xffff, v57  }
0x22a: {  	v61 =	vadd.s32 $0xFFFFFFFF, v38;
	v14 =	vbroadcast v60, $0xF;
	v16 =	vbroadcast v56, $0xF;
	(xrf0) =	vadd.scan.msk.s32 $0xffff, v58  }
0x22b: {  	v11 =	vadd.s32 v11, v59;
	v7 =	vadd.s32 v13, v7;
	v13 =	vbroadcast v61, $0xF  }
0x22c: {  	v7 =	vnsel vm9, $0x0, v7;
	v14 =	vadd.s32 v21, v14;
	v16 =	vadd.s32 v30, v16;
	v63, _, _ =	vpop (xrf0)  }
0x22d: {  	vm3 =	vnez.u8 v25;
	v13 =	vadd.s32 v24, v13;
	v7 =	vsel vm8, v16, v7;
	v30, _, _ =	vpop (xrf0)  }
0x22e: {  	v5 =	vsel vm3, v11, v5;
	v7 =	vsel vm7, v14, v7;
	v36 =	vbroadcast v30, $0xF  }
0x22f: {  	v11 =	vadd.s32 v33, v29;
	vm3 =	vcmask $0x1310;
	v7 =	vsel vm6, v13, v7;
	v32, _, _ =	vpop (xrf0)  }
0x230: {  	v1 =	vbroadcast v1, $0xF;
	v7 =	vsel vm14, v11, v7;
	v39, _, _ =	vpop (xrf0);
	v40 =	vnsel vm3, $0x0, v36  }
0x231: {  	vm3 =	vcmask $0x1318;
	v41 =	vbroadcast v39, $0xF;
	v11 =	vadd.s32 v40, v12  }
0x232: {  	v31 =	vadd.s32 $0xFFFFFFFF, v28;
	v12 =	vsel vm3, $0x0, v11;
	vm3 =	vcmask $0x1714  }
0x233: {  	v38 =	vbroadcast v31, $0xF;
	v43 =	vnsel vm3, $0x0, v41;
	vm3 =	veq.s32 v26, $0x6  }
0x234: {  	vm6 =	vcmask $0x171C;
	(xrf0) =	vadd.scan.msk.s32 $0xffff, v12;
	v11 =	vadd.s32 v43, v11;
	v46 =	vsel vm3, $0x1, v0  }
0x235: {  	v42 =	vadd.s32 $0xFFFFFFFF, v37;
	(xrf0) =	vadd.scan.msk.s32 $0xffff, v46;
	v47 =	vsel vm6, $0x0, v11;
	vm6 =	veq.s32 v26, $0x7  }
0x236: {  	v15 =	vadd.s32 $0xFFFFFFFF, v15;
	vm7 =	vcmask $0x1B20;
	(xrf0) =	vadd.scan.msk.s32 $0xffff, v47;
	v48 =	vsel vm6, $0x1, v0  }
0x237: {  	v15 =	vbroadcast v15, $0xF;
	v49 =	vadd.s32 $0xFFFFFFFF, v35;
	v11 =	vsel vm7, $0x0, v11;
	(xrf0) =	vadd.scan.msk.s32 $0xffff, v48  }
0x238: {  	v8 =	vadd.s32 v22, v8;
	v45 =	vbroadcast v42, $0xF;
	v50 =	vbroadcast v49, $0xF;
	(xrf0) =	vadd.scan.msk.s32 $0xffff, v11  }
0x239: {  	v10 =	vadd.s32 v10, v15;
	v13 =	vadd.s32 v18, v38;
	v51 =	vadd.s32 $0xFFFFFFFF, v63  }
0x23a: {  	v13 =	vnsel vm15, $0x0, v13;
	v52 =	vbroadcast v51, $0xF;
	v57 =	vadd.s32 $0xFFFFFFFF, v32;
	v53, _, _ =	vpop (xrf0)  }
0x23b: {  	[tilespmem:$0x280] =	vst v3;
	v1 =	vadd.s32 v6, v1;
	v10 =	vsel vm1, v10, v13;
	v3 =	vbroadcast v57, $0xF;
	v54, _, _ =	vpop (xrf0)  }
0x23c: {  	v9 =	vadd.s32 v9, v52;
	v12 =	vadd.s32 v27, v45;
	v11 =	vadd.s32 v34, v50;
	v56, _, _ =	vpop (xrf0)  }
0x23d: {  	v3 =	vadd.s32 v30, v3;
	v10 =	vsel vm10, v11, v10;
	v59 =	vadd.s32 $0xFFFFFFFF, v53;
	v58, _, _ =	vpop (xrf0)  }
0x23e: {  	[tilespmem:$0x290] =	vst v20;
	v55 =	vsel vm11, v9, v10;
	v10 =	vbroadcast v59, $0xF;
	v9 =	vadd.s32 $0xFFFFFFFF, v56;
	v60, _, _ =	vpop (xrf0)  }
0x23f: {  	[tilespmem:$0x2A0] =	vst v17;
	v7 =	vsel vm0, v12, v7;
	v9 =	vbroadcast v9, $0xF;
	v12 =	vadd.s32 $0xFFFFFFFF, v60  }
0x240: {  	[tilespmem:$0x2B0] =	vst v4;
	v3 =	vsel vm12, v3, v55;
	v61 =	vadd.s32 v39, v10;
	v62 =	vbroadcast v12, $0xF  }
0x241: {  	[tilespmem:$0x300] =	vst v2;
	v7 =	vsel vm2, v8, v7;
	v3 =	vsel vm13, v61, v3;
	v2 =	vadd.s32 v54, v9  }
0x242: {  	[tilespmem:$0x310] =	vst v5;
	v1 =	vsel vm4, v1, v7;
	v2 =	vsel vm3, v2, v3;
	v3 =	vadd.s32 v58, v62  }
0x243: {  	[tilespmem:$0x320] =	vst v1;
	v2 =	vsel vm6, v3, v2  }
0x244: {  	s18 =	simm.s32 $0x280;
	[tilespmem:$0x330] =	vst v2  }
0x245: {  	[hbm4b:s9+s2] =	stream.linear.scatter [tilespmem:s18], [sflag:$0x3], $0x40, $0x38;
	[tilespmem:$0x10400] =	vst v63  }
0x246: {  	_ =	swait.ge [sflag:s16], $0x40  }
0x247: {  	[sflag:s16] =	ssyncset.done $0x0  }
0x248: {  	s18 =	simm.s32 $0x300;
	[sflag:s16] =	ssyncadd.s32 $0xFFFFFFC0  }
0x249: {  	[hbm4b:s10+s2] =	stream.linear.scatter [tilespmem:s18], [sflag:$0x3], $0x40, $0x38;
	[tilespmem:$0x10400] =	vst v63  }
0x24a: {  	_ =	swait.ge [sflag:s16], $0x40  }
0x24b: {  	[sflag:s16] =	ssyncset.done $0x0  }
0x24c: {  	[sflag:s16] =	ssyncadd.s32 $0xFFFFFFC0  }
0x24d: {  	_ =	swait.ge [sflag:s19], $0x8000  }
0x24e: {  	[sflag:s19] =	ssyncset.done $0x0  }
0x24f: {  	[sflag:s19] =	ssyncadd.s32 $0xFFFF8000  }
0x250: {  	v1 =	vld [tilespmem:$0x280];
	_ =	sdelay $0x2  }
0x251: {  	v3 =	vld [tilespmem:$0x1FFE0];
	_ =	sdelay $0x1  }
0x252: {  	v2 =	vshll.u32 v1, $0x2  }
0x253: {  	v1 =	vand.u32 $0x7, v1;
	v2 =	vand.u32 $0xFFFFFFE0, v2  }
0x254: {  	v63 =	vld [tilespmem:$0x1FFF0];
	v1 =	vor.u32 v1, v2  }
0x255: {  	v2 =	vperm.xlane v1, v3;
	_ =	sdelay $0x1  }
0x256: {  	v2 =	vadd.s32 v44, v2;
	_ =	sdelay $0x1  }
0x257: {  	v1 =	vperm.xlane v1, v63;
	_ =	sdelay $0x1  }
0x258: {  	v1 =	vadd.s32 v44, v1  }
0x259: {  	[hbm4b:s5+s2] =	stream.indirect_vreg.scatter [tilespmem:s13], [sflag:$0x1], $0x80, v2, vm5, $0xb8;
	[tilespmem:$0x10400] =	vst v63  }
0x25a: {  	s18 =	simm.s32 $0xB80  }
0x25b: {  	[hbm4b:s11+s2] =	stream.indirect_vreg.scatter [tilespmem:s18], [sflag:$0x1], $0x80, v2, vm5, $0xb8;
	[tilespmem:$0x10400] =	vst v63  }
0x25c: {  	s18 =	simm.s32 $0x1380  }
0x25d: {  	[hbm4b:s5+s2] =	stream.indirect_vreg.scatter [tilespmem:s18], [sflag:$0x1], $0x80, v1, vm5, $0xb8;
	[tilespmem:$0x10400] =	vst v63  }
0x25e: {  	s18 =	simm.s32 $0x1B80  }
0x25f: {  	[hbm4b:s11+s2] =	stream.indirect_vreg.scatter [tilespmem:s18], [sflag:$0x1], $0x80, v1, vm5, $0xb8;
	[tilespmem:$0x10400] =	vst v63  }
0x260: {  	v1 =	vld [tilespmem:$0x290];
	_ =	sdelay $0x4  }
0x261: {  	v2 =	vshll.u32 v1, $0x2  }
0x262: {  	v1 =	vand.u32 $0x7, v1;
	v2 =	vand.u32 $0xFFFFFFE0, v2  }
0x263: {  	v1 =	vor.u32 v1, v2  }
0x264: {  	v2 =	vperm.xlane v1, v3;
	_ =	sdelay $0x1  }
0x265: {  	v2 =	vadd.s32 v44, v2;
	_ =	sdelay $0x1  }
0x266: {  	v1 =	vperm.xlane v1, v63;
	_ =	sdelay $0x1  }
0x267: {  	s18 =	simm.s32 $0x2380;
	v1 =	vadd.s32 v44, v1  }
0x268: {  	[hbm4b:s5+s2] =	stream.indirect_vreg.scatter [tilespmem:s18], [sflag:$0x1], $0x80, v2, vm5, $0xb8;
	[tilespmem:$0x10400] =	vst v63  }
0x269: {  	s18 =	simm.s32 $0x2B80  }
0x26a: {  	[hbm4b:s11+s2] =	stream.indirect_vreg.scatter [tilespmem:s18], [sflag:$0x1], $0x80, v2, vm5, $0xb8;
	[tilespmem:$0x10400] =	vst v63  }
0x26b: {  	s18 =	simm.s32 $0x3380  }
0x26c: {  	[hbm4b:s5+s2] =	stream.indirect_vreg.scatter [tilespmem:s18], [sflag:$0x1], $0x80, v1, vm5, $0xb8;
	[tilespmem:$0x10400] =	vst v63  }
0x26d: {  	s18 =	simm.s32 $0x3B80  }
0x26e: {  	[hbm4b:s11+s2] =	stream.indirect_vreg.scatter [tilespmem:s18], [sflag:$0x1], $0x80, v1, vm5, $0xb8;
	[tilespmem:$0x10400] =	vst v63  }
0x26f: {  	v1 =	vld [tilespmem:$0x2A0];
	_ =	sdelay $0x4  }
0x270: {  	v2 =	vshll.u32 v1, $0x2  }
0x271: {  	v1 =	vand.u32 $0x7, v1;
	v2 =	vand.u32 $0xFFFFFFE0, v2  }
0x272: {  	v1 =	vor.u32 v1, v2  }
0x273: {  	v2 =	vperm.xlane v1, v3;
	_ =	sdelay $0x1  }
0x274: {  	v2 =	vadd.s32 v44, v2;
	_ =	sdelay $0x1  }
0x275: {  	v1 =	vperm.xlane v1, v63;
	_ =	sdelay $0x1  }
0x276: {  	s18 =	simm.s32 $0x4380;
	v1 =	vadd.s32 v44, v1  }
0x277: {  	[hbm4b:s5+s2] =	stream.indirect_vreg.scatter [tilespmem:s18], [sflag:$0x1], $0x80, v2, vm5, $0xb8;
	[tilespmem:$0x10400] =	vst v63  }
0x278: {  	s18 =	simm.s32 $0x4B80  }
0x279: {  	[hbm4b:s11+s2] =	stream.indirect_vreg.scatter [tilespmem:s18], [sflag:$0x1], $0x80, v2, vm5, $0xb8;
	[tilespmem:$0x10400] =	vst v63  }
0x27a: {  	s18 =	simm.s32 $0x5380  }
0x27b: {  	[hbm4b:s5+s2] =	stream.indirect_vreg.scatter [tilespmem:s18], [sflag:$0x1], $0x80, v1, vm5, $0xb8;
	[tilespmem:$0x10400] =	vst v63  }
0x27c: {  	s18 =	simm.s32 $0x5B80  }
0x27d: {  	[hbm4b:s11+s2] =	stream.indirect_vreg.scatter [tilespmem:s18], [sflag:$0x1], $0x80, v1, vm5, $0xb8;
	[tilespmem:$0x10400] =	vst v63  }
0x27e: {  	v1 =	vld [tilespmem:$0x2B0];
	_ =	sdelay $0x4  }
0x27f: {  	v2 =	vshll.u32 v1, $0x2  }
0x280: {  	v1 =	vand.u32 $0x7, v1;
	v2 =	vand.u32 $0xFFFFFFE0, v2  }
0x281: {  	v1 =	vor.u32 v1, v2  }
0x282: {  	v2 =	vperm.xlane v1, v3;
	_ =	sdelay $0x1  }
0x283: {  	v2 =	vadd.s32 v44, v2;
	_ =	sdelay $0x1  }
0x284: {  	v1 =	vperm.xlane v1, v63;
	_ =	sdelay $0x1  }
0x285: {  	s18 =	simm.s32 $0x6380;
	v1 =	vadd.s32 v44, v1  }
0x286: {  	[hbm4b:s5+s2] =	stream.indirect_vreg.scatter [tilespmem:s18], [sflag:$0x1], $0x80, v2, vm5, $0xb8;
	[tilespmem:$0x10400] =	vst v63  }
0x287: {  	s18 =	simm.s32 $0x6B80  }
0x288: {  	[hbm4b:s11+s2] =	stream.indirect_vreg.scatter [tilespmem:s18], [sflag:$0x1], $0x80, v2, vm5, $0xb8;
	[tilespmem:$0x10400] =	vst v63  }
0x289: {  	s18 =	simm.s32 $0x7380  }
0x28a: {  	[hbm4b:s5+s2] =	stream.indirect_vreg.scatter [tilespmem:s18], [sflag:$0x1], $0x80, v1, vm5, $0xb8;
	[tilespmem:$0x10400] =	vst v63  }
0x28b: {  	s18 =	simm.s32 $0x7B80  }
0x28c: {  	[hbm4b:s11+s2] =	stream.indirect_vreg.scatter [tilespmem:s18], [sflag:$0x1], $0x80, v1, vm5, $0xb8;
	[tilespmem:$0x10400] =	vst v63  }
0x28d: {  	_ =	swait.ge [sflag:s17], $0x8000  }
0x28e: {  	[sflag:s17] =	ssyncset.done $0x0  }
0x28f: {  	[sflag:s17] =	ssyncadd.s32 $0xFFFF8000  }
0x290: {  	v1 =	vld [tilespmem:$0x300];
	_ =	sdelay $0x4  }
0x291: {  	v2 =	vshll.u32 v1, $0x2  }
0x292: {  	v1 =	vand.u32 $0x7, v1;
	v2 =	vand.u32 $0xFFFFFFE0, v2  }
0x293: {  	v1 =	vor.u32 v1, v2  }
0x294: {  	v2 =	vperm.xlane v1, v3;
	_ =	sdelay $0x1  }
0x295: {  	v2 =	vadd.s32 v44, v2;
	_ =	sdelay $0x1  }
0x296: {  	v1 =	vperm.xlane v1, v63;
	_ =	sdelay $0x1  }
0x297: {  	v1 =	vadd.s32 v44, v1  }
0x298: {  	[hbm4b:s5+s2] =	stream.indirect_vreg.scatter [tilespmem:s14], [sflag:$0x2], $0x80, v2, vm5, $0xb8;
	[tilespmem:$0x10400] =	vst v63  }
0x299: {  	s18 =	simm.s32 $0x8B80  }
0x29a: {  	[hbm4b:s11+s2] =	stream.indirect_vreg.scatter [tilespmem:s18], [sflag:$0x2], $0x80, v2, vm5, $0xb8;
	[tilespmem:$0x10400] =	vst v63  }
0x29b: {  	_ = 	snop  }
0x29c: {  	[hbm4b:s5+s2] =	stream.indirect_vreg.scatter [tilespmem:s20], [sflag:$0x2], $0x80, v1, vm5, $0xb8;
	[tilespmem:$0x10400] =	vst v63  }
0x29d: {  	_ = 	snop  }
0x29e: {  	[hbm4b:s11+s2] =	stream.indirect_vreg.scatter [tilespmem:s21], [sflag:$0x2], $0x80, v1, vm5, $0xb8;
	[tilespmem:$0x10400] =	vst v63  }
0x29f: {  	v1 =	vld [tilespmem:$0x310];
	_ =	sdelay $0x4  }
0x2a0: {  	v2 =	vshll.u32 v1, $0x2  }
0x2a1: {  	v1 =	vand.u32 $0x7, v1;
	v2 =	vand.u32 $0xFFFFFFE0, v2  }
0x2a2: {  	v1 =	vor.u32 v1, v2  }
0x2a3: {  	v2 =	vperm.xlane v1, v3;
	_ =	sdelay $0x1  }
0x2a4: {  	v2 =	vadd.s32 v44, v2;
	_ =	sdelay $0x1  }
0x2a5: {  	v1 =	vperm.xlane v1, v63;
	_ =	sdelay $0x1  }
0x2a6: {  	v1 =	vadd.s32 v44, v1  }
0x2a7: {  	[hbm4b:s5+s2] =	stream.indirect_vreg.scatter [tilespmem:s22], [sflag:$0x2], $0x80, v2, vm5, $0xb8;
	[tilespmem:$0x10400] =	vst v63  }
0x2a8: {  	_ = 	snop  }
0x2a9: {  	[hbm4b:s11+s2] =	stream.indirect_vreg.scatter [tilespmem:s23], [sflag:$0x2], $0x80, v2, vm5, $0xb8;
	[tilespmem:$0x10400] =	vst v63  }
0x2aa: {  	_ = 	snop  }
0x2ab: {  	[hbm4b:s5+s2] =	stream.indirect_vreg.scatter [tilespmem:s24], [sflag:$0x2], $0x80, v1, vm5, $0xb8;
	[tilespmem:$0x10400] =	vst v63  }
0x2ac: {  	_ = 	snop  }
0x2ad: {  	[hbm4b:s11+s2] =	stream.indirect_vreg.scatter [tilespmem:s25], [sflag:$0x2], $0x80, v1, vm5, $0xb8;
	[tilespmem:$0x10400] =	vst v63  }
0x2ae: {  	v1 =	vld [tilespmem:$0x320];
	_ =	sdelay $0x4  }
0x2af: {  	v2 =	vshll.u32 v1, $0x2  }
0x2b0: {  	v1 =	vand.u32 $0x7, v1;
	v2 =	vand.u32 $0xFFFFFFE0, v2  }
0x2b1: {  	v1 =	vor.u32 v1, v2  }
0x2b2: {  	v2 =	vperm.xlane v1, v3;
	_ =	sdelay $0x1  }
0x2b3: {  	v2 =	vadd.s32 v44, v2;
	_ =	sdelay $0x1  }
0x2b4: {  	v1 =	vperm.xlane v1, v63;
	_ =	sdelay $0x1  }
0x2b5: {  	v1 =	vadd.s32 v44, v1  }
0x2b6: {  	[hbm4b:s5+s2] =	stream.indirect_vreg.scatter [tilespmem:s26], [sflag:$0x2], $0x80, v2, vm5, $0xb8;
	[tilespmem:$0x10400] =	vst v63  }
0x2b7: {  	_ = 	snop  }
0x2b8: {  	[hbm4b:s11+s2] =	stream.indirect_vreg.scatter [tilespmem:s28], [sflag:$0x2], $0x80, v2, vm5, $0xb8;
	[tilespmem:$0x10400] =	vst v63  }
0x2b9: {  	_ = 	snop  }
0x2ba: {  	[hbm4b:s5+s2] =	stream.indirect_vreg.scatter [tilespmem:s29], [sflag:$0x2], $0x80, v1, vm5, $0xb8;
	[tilespmem:$0x10400] =	vst v63  }
0x2bb: {  	_ = 	snop  }
0x2bc: {  	[hbm4b:s11+s2] =	stream.indirect_vreg.scatter [tilespmem:s30], [sflag:$0x2], $0x80, v1, vm5, $0xb8;
	[tilespmem:$0x10400] =	vst v63  }
0x2bd: {  	v1 =	vld [tilespmem:$0x330];
	_ =	sdelay $0x4  }
0x2be: {  	v2 =	vshll.u32 v1, $0x2  }
0x2bf: {  	v1 =	vand.u32 $0x7, v1;
	v2 =	vand.u32 $0xFFFFFFE0, v2  }
0x2c0: {  	v1 =	vor.u32 v1, v2  }
0x2c1: {  	v2 =	vperm.xlane v1, v3;
	_ =	sdelay $0x1  }
0x2c2: {  	v2 =	vadd.s32 v44, v2;
	_ =	sdelay $0x1  }
0x2c3: {  	v1 =	vperm.xlane v1, v63;
	_ =	sdelay $0x1  }
0x2c4: {  	v1 =	vadd.s32 v44, v1  }
0x2c5: {  	[hbm4b:s5+s2] =	stream.indirect_vreg.scatter [tilespmem:s31], [sflag:$0x2], $0x80, v2, vm5, $0xb8;
	[tilespmem:$0x10400] =	vst v63  }
0x2c6: {  	_ = 	snop  }
0x2c7: {  	[hbm4b:s11+s2] =	stream.indirect_vreg.scatter [tilespmem:s0], [sflag:$0x2], $0x80, v2, vm5, $0xb8;
	[tilespmem:$0x10400] =	vst v63  }
0x2c8: {  	_ = 	snop  }
0x2c9: {  	[hbm4b:s5+s2] =	stream.indirect_vreg.scatter [tilespmem:s1], [sflag:$0x2], $0x80, v1, vm5, $0xb8;
	[tilespmem:$0x10400] =	vst v63  }
0x2ca: {  	_ = 	snop  }
0x2cb: {  	[hbm4b:s11+s2] =	stream.indirect_vreg.scatter [tilespmem:s4], [sflag:$0x2], $0x80, v1, vm5, $0xb8;
	[tilespmem:$0x10400] =	vst v63  }
0x2cc: {  	_ =	swait.ge [sflag:s19], $0x8000  }
0x2cd: {  	[sflag:s19] =	ssyncset.done $0x0  }
0x2ce: {  	[sflag:s19] =	ssyncadd.s32 $0xFFFF8000  }
0x2cf: {  	_ =	swait.ge [sflag:s17], $0x8000  }
0x2d0: {  	s18 =	sld [smem:$0x7F3];
	_ =	sdelay $0x2  }
0x2d1: {  	p4 =	seq.s32 s18, $0x1  }
.Ltmp2:
0x2d2: {  	_ = 	snop;
	(pc) =	sbr.rel @p4 .LBB2_3-.Ltmp2, $3  }
0x2d3: {  	_ =	sdelay $0x1  }
0x2d4: {  	[sflag:s17] =	ssyncset.done $0x0  }
0x2d5: {  	[sflag:s17] =	ssyncadd.s32 $0xFFFF8000  }
0x2d6: {  	v1 =	vld [tilespmem:$0x1FFD0]  }
0x2d7: {  	v9 =	vld [tilespmem:$0x1FAB0];
	_ =	sdelay $0x3  }
0x2d8: {  	vm1 =	vnez.u8 v1  }
0x2d9: {  	v1 =	vnsel vm1, $0x0, v9  }
0x2da: {  	vm10 =	vcmask $0x308;
	(xrf0) =	vadd.scan.msk.s32 $0xffff, v1  }
0x2db: {  	vm11 =	vcmask $0x70C;
	v1 =	vsel vm10, $0x0, v9  }
0x2dc: {  	(xrf0) =	vadd.scan.msk.s32 $0xffff, v1;
	v1 =	vsel vm11, $0x0, v9  }
0x2dd: {  	(xrf0) =	vadd.scan.msk.s32 $0xffff, v1  }
0x2de: {  	v2 =	vlaneseq.u32;
	vm12 =	vcmask $0xB10  }
0x2df: {  	vm13 =	vcmask $0xF14;
	vm2 =	vcmask $0x1318;
	v2 =	vmul.u32 $0x100, v2  }
0x2e0: {  	v3 =	vsel vm12, $0x0, v9;
	v5 =	vsel vm13, $0x0, v9;
	v7 =	vsel vm2, $0x0, v9;
	v1, _, _ =	vpop (xrf0)  }
0x2e1: {  	vm13 =	vcmask $0x1B20;
	vm10 =	vcmask $0x171C;
	(xrf0) =	vadd.scan.msk.s32 $0xffff, v3;
	v1 =	vbroadcast v1, $0xF  }
0x2e2: {  	v51 =	vsel vm13, $0x0, v9;
	v47 =	vsel vm10, $0x0, v9;
	v3 =	vor.u32 $0x1, v2;
	v4, _, _ =	vpop (xrf0)  }
0x2e3: {  	v2 =	vor.u32 $0x1001, v2;
	(xrf0) =	vadd.scan.msk.s32 $0xffff, v5;
	v4 =	vbroadcast v4, $0xF;
	v6, _, _ =	vpop (xrf0);
	vm14 =	vlt.s32 v1, v3  }
0x2e4: {  	(xrf0) =	vadd.scan.msk.s32 $0xffff, v7;
	vm15 =	vlt.s32 v1, v2;
	v43 =	vbroadcast v6, $0xF;
	v42 =	vsel vm14, $0x1, v0  }
0x2e5: {  	v1 =	vsel vm15, $0x1, v0;
	vm8 =	vlt.s32 v4, v3;
	vm9 =	vlt.s32 v4, v2  }
0x2e6: {  	v8 =	vsel vm8, $0x1, v0;
	v45 =	vsel vm9, $0x1, v0;
	vm11 =	vlt.s32 v43, v3  }
0x2e7: {  	vm12 =	vlt.s32 v43, v2;
	v5 =	vadd.s32 v8, v42;
	v46, _, _ =	vpop (xrf0);
	v1 =	vadd.s32 v45, v1  }
0x2e8: {  	(xrf0) =	vadd.scan.msk.s32 $0xffff, v47;
	v49 =	vsel vm11, $0x1, v0;
	v52 =	vsel vm12, $0x1, v0;
	v48 =	vbroadcast v46, $0xF  }
0x2e9: {  	v50, _, _ =	vpop (xrf0);
	(xrf0) =	vadd.scan.msk.s32 $0xffff, v51;
	v5 =	vadd.s32 v49, v5;
	v1 =	vadd.s32 v52, v1  }
0x2ea: {  	v4 =	vbroadcast v50, $0xF;
	v54, _, _ =	vpop (xrf0);
	vm14 =	vlt.s32 v48, v3;
	vm15 =	vlt.s32 v48, v2  }
0x2eb: {  	v6 =	vbroadcast v54, $0xF;
	v53 =	vsel vm14, $0x1, v0;
	v55 =	vsel vm15, $0x1, v0  }
0x2ec: {  	vm8 =	vlt.s32 v4, v3;
	vm9 =	vlt.s32 v4, v2;
	v5 =	vadd.s32 v53, v5  }
0x2ed: {  	v56 =	vsel vm8, $0x1, v0;
	v1 =	vadd.s32 v55, v1;
	v4 =	vsel vm9, $0x1, v0  }
0x2ee: {  	vm10 =	vlt.s32 v6, v3;
	vm11 =	vlt.s32 v6, v2;
	v57, _, _ =	vpop (xrf0);
	v5 =	vadd.s32 v56, v5  }
0x2ef: {  	v1 =	vadd.s32 v4, v1;
	v59 =	vsel vm10, $0x1, v0;
	v58 =	vbroadcast v57, $0xF;
	v60, _, _ =	vpop (xrf0)  }
0x2f0: {  	v61 =	vsel vm11, $0x1, v0;
	v4 =	vadd.s32 v59, v5;
	v6 =	vbroadcast v60, $0xF  }
0x2f1: {  	v1 =	vadd.s32 v61, v1;
	vm12 =	vlt.s32 v58, v3;
	vm13 =	vlt.s32 v58, v2  }
0x2f2: {  	v62 =	vsel vm12, $0x1, v0;
	v7 =	vsel vm13, $0x1, v0;
	vm14 =	vlt.s32 v6, v3  }
0x2f3: {  	vm15 =	vlt.s32 v6, v2;
	v3 =	vadd.s32 v62, v4;
	v63 =	vsel vm14, $0x1, v0  }
0x2f4: {  	v1 =	vadd.s32 v7, v1;
	v2 =	vadd.s32 v63, v3;
	v3 =	vsel vm15, $0x1, v0  }
0x2f5: {  	v1 =	vadd.s32 v3, v1;
	[tilespmem:$0x10380] =	vst v2  }
.Ltmp3:
0x2f6: {  	s15 =	rddreg [dreg:$0x3];
	s18 =	simm.s32 $0x10380;
	[tilespmem:$0x10390] =	vst v1;
	(pc) =	sbr.rel .LBB2_3-.Ltmp3, $4  }
0x2f7: {  	[hbm4b:s15+s2] =	stream.linear.scatter [tilespmem:s18], [sflag:$0x3], $0x80, $0x38;
	[tilespmem:$0x10400] =	vst v63  }
0x2f8: {  	_ =	swait.ge [sflag:s16], $0x80  }
0x2f9: {  	[sflag:s16] =	ssyncset.done $0x0  }
0x2fa: {  	s15 =	simm.s32 $0x80;
	[sflag:s16] =	ssyncadd.s32 $0xFFFFFF80  }
.LBB2_4:
0x2fb: {  	_ =	sfence.sel $0x180000  }
0x2fc: {  	[bflag:$0x0] =	sbarrier.arrive $0xFFFF  }
0x2fd: {  	_ =	strace $0x90000047  }
0x2fe: {  	s0 =	stileid.u32;
	[bflag:$0x2] =	sbarrier.arrive $0xFFFF  }
0x2ff: {  	p0 =	sne.s32 s0, $0x0;
	s0 =	rddreg [dreg:$0x2]  }
0x300: {  	s0 =	sadd.s32 @!p0 $0x100000, s0  }
0x301: {  	[sflag:s0] =	ssyncadd.tile.s32 @!p0 $0x1;
	_ =	shalt  }
.Lfunc_end2:
_tile_overlayer_lowered:
.L_overlay_start_2:
0x302: {  	(tag) =	ssettag $0x2  }
0x303: {  	s0 =	rddreg [dreg:$0x0];
	s2 =	stileid.u32  }
0x304: {  	s1 =	rddreg [dreg:$0x1];
	p0 =	sne.s32 s2, $0x0  }
0x305: {  	s3 =	rddreg [dreg:$0x2];
	[bflag:$0x3] =	sbarrier.arrive $0xFFFF;
	s2 =	simm.s32 @!p0 $0x1C03  }
0x306: {  	[timem:s3], [sflag:s2] =	dma.local @!p0 [hbm:s0], s1  }
0x307: {  	s0 =	simm.s32 @!p0 $0x3  }
0x308: {  	_ =	swait.ge @!p0 [sflag:s0], s1  }
0x309: {  	s1 =	ssub.s32 @!p0 $0x0, s1;
	[sflag:s0] =	ssyncset.done @!p0 $0x0  }
0x30a: {  	[sflag:s0] =	ssyncadd.s32 @!p0 s1  }
0x30b: {  	[bflag:$0x3] =	sbarrier.arrive $0xFFFF  }
0x30c: {  	_ =	shalt  }

</sc_bundles>
